<compile_context>
chip_gen: v7x
topology: tpu7x:2x2x1
jax: 0.10.2.dev20260603
libtpu: 0.0.44.dev20260713+nightly
codegen_flags: <defaults>
</compile_context>

<pallas_src>
import functools

import jax
import jax.numpy as jnp
from jax import lax
from jax.experimental import pallas as pl
from jax.experimental.pallas import tpu as pltpu
from jax.experimental.pallas import tpu_sc as plsc

NUM_CLASSES = 100000
FEAT = 64
BATCH = 16384
NUM_CORES = 2
NUM_SUBCORES = 16
LANES = 16
NW = NUM_CORES * NUM_SUBCORES
FPW = FEAT // NW
CHUNK = 2048
NCHUNKS = BATCH // CHUNK
GROUPS = CHUNK // LANES


def _sc_partials(xt, labels, cent):
    mesh = plsc.VectorSubcoreMesh(core_axis_name="c", subcore_axis_name="s")

    @functools.partial(
        pl.kernel,
        mesh=mesh,
        out_type=jax.ShapeDtypeStruct(
            (NUM_CORES, BATCH // 128, 128), jnp.float32
        ),
        compiler_params=pltpu.CompilerParams(
            needs_layout_passes=False, use_tc_tiling_on_sc=True
        ),
        scratch_types=[
            pltpu.VMEM((NUM_CLASSES,), jnp.float32),
            pltpu.VMEM((2, CHUNK), jnp.int32),
            pltpu.VMEM((2, CHUNK), jnp.float32),
            pltpu.VMEM((BATCH // 128, 128), jnp.float32),
            pltpu.VMEM_SHARED((BATCH // 128, 128), jnp.float32),
            pltpu.VMEM((BATCH // 128,), jnp.int32),
            pltpu.SemaphoreType.DMA,
            pltpu.SemaphoreType.DMA,
            pltpu.SemaphoreType.DMA,
        ],
    )
    def k(xt_hbm, lab_hbm, cen_hbm, out_hbm, tab_v, lab_v, x_v, acc_v,
          shared_v, rowidx_v, sem_t, sem0, sem1):
        sid = lax.axis_index("s")
        core = lax.axis_index("c")
        wid = sid * NUM_CORES + core
        sems = (sem0, sem1)

        lane_iota0 = lax.iota(jnp.int32, LANES)
        for gg in range(BATCH // 128 // LANES):
            rowidx_v[pl.ds(gg * LANES, LANES)] = gg * LANES + lane_iota0

        for p in range(FPW):
            f = wid + p * NW
            tab_cp = pltpu.async_copy(cen_hbm.at[f], tab_v, sem_t)
            pending = [
                pltpu.async_copy(
                    lab_hbm.at[pl.ds(0, CHUNK)], lab_v.at[0], sems[0]
                ),
                pltpu.async_copy(
                    xt_hbm.at[f, pl.ds(0, CHUNK)], x_v.at[0], sems[0]
                ),
            ]
            tab_cp.wait()
            for ch in range(NCHUNKS):
                buf = ch % 2
                nbuf = (ch + 1) % 2
                if ch + 1 < NCHUNKS:
                    nxt = [
                        pltpu.async_copy(
                            lab_hbm.at[pl.ds((ch + 1) * CHUNK, CHUNK)],
                            lab_v.at[nbuf], sems[nbuf],
                        ),
                        pltpu.async_copy(
                            xt_hbm.at[f, pl.ds((ch + 1) * CHUNK, CHUNK)],
                            x_v.at[nbuf], sems[nbuf],
                        ),
                    ]
                else:
                    nxt = []
                for cp in pending:
                    cp.wait()
                pending = nxt

                @plsc.parallel_loop(0, GROUPS, unroll=8)
                def group_body(g, ch=ch, p=p, buf=buf):
                    off = g * LANES
                    idx = lab_v[buf, pl.ds(off, LANES)]
                    cg = plsc.load_gather(tab_v, [idx])
                    xv = x_v[buf, pl.ds(off, LANES)]
                    d = xv - cg
                    d2 = d * d
                    aoff = ch * CHUNK + off
                    ar = lax.shift_right_logical(aoff, 7)
                    ac = lax.bitwise_and(aoff, 127)
                    if p == 0:
                        acc_v[ar, pl.ds(ac, LANES)] = d2
                    else:
                        plsc.addupdate(acc_v.at[ar, pl.ds(ac, LANES)], d2)
        @pl.when(sid == 0)
        def _():
            pltpu.sync_copy(acc_v, shared_v)

        plsc.subcore_barrier()

        @pl.when(sid != 0)
        def _():
            pltpu.sync_copy(acc_v, shared_v.at[rowidx_v], add=True)

        plsc.subcore_barrier()

        @pl.when(sid == 0)
        def _():
            pltpu.sync_copy(shared_v, out_hbm.at[core])

    return k(xt, labels, cent)


def _tc_reduce(partials):

    def body(p_ref, o_ref):
        dist = jnp.sum(p_ref[...], axis=0)
        dist = jnp.minimum(jnp.maximum(dist, 1e-12), 1e12)
        o_ref[0, 0] = jnp.sum(dist) * (1.0 / BATCH)

    return pl.pallas_call(
        body,
        out_shape=jax.ShapeDtypeStruct((1, 1), jnp.float32),
        out_specs=pl.BlockSpec(memory_space=pltpu.SMEM),
    )(partials)


def kernel(x, labels, centers):
    partials = _sc_partials(x.T, labels.astype(jnp.int32), centers.T)
    return _tc_reduce(partials)[0, 0]

# --- scband reference (transcript-rebuilt; emitter-appended) ---
"""Pipeline reference for scband-center-loss-81501299409083 (READ-ONLY COPY).

The authoritative reference and input builder live on the scoring server;
editing this copy changes nothing except your own understanding.
"""

import jax, jax.numpy as jnp
import numpy as np

NUM_CLASSES = 100000
FEAT_DIM = 64
BATCH = 16384


def setup_inputs(seed: int = 0) -> dict:
    key = jax.random.key(seed)
    k1, k2, k3 = jax.random.split(key, 3)
    x = jax.random.normal(k1, (BATCH, FEAT_DIM), dtype=jnp.float32)
    labels = jax.random.randint(k2, (BATCH,), 0, NUM_CLASSES, dtype=jnp.int64 if jax.config.jax_enable_x64 else jnp.int32)
    centers = jax.random.normal(k3, (NUM_CLASSES, FEAT_DIM), dtype=jnp.float32)
    return {"x": x, "labels": labels, "centers": centers}


def reference(x, labels, centers):
    # center = self.centers[labels]  -> gather rows from centers table
    center = jnp.take(centers, labels, axis=0)
    # dist = (x - center).pow(2).sum(dim=-1)
    dist = jnp.sum((x - center) ** 2, axis=-1)
    # loss = torch.clamp(dist, min=1e-12, max=1e12).mean(dim=-1)
    loss = jnp.mean(jnp.clip(dist, 1e-12, 1000000000000.0), axis=-1)
    return loss

if __name__ == "__main__":
    import jax
    _d = setup_inputs()
    print(jax.jit(kernel)(*tuple(_d.values())))

</pallas_src>

<mosaic_0001>
#map = affine_map<(d0, d1) -> (0, 0)>
#map1 = affine_map<(d0, d1) -> (0)>
#map2 = affine_map<(d0, d1) -> (0, 0, 0)>
module attributes {stable_mosaic.version = 14 : i64} {
  func.func @k(%arg0: i32, %arg1: i32, %arg2: memref<64x16384xf32, #tpu.memory_space<hbm>>, %arg3: memref<16384xi32, #tpu.memory_space<hbm>>, %arg4: memref<64x100000xf32, #tpu.memory_space<hbm>>, %arg5: memref<2x128x128xf32, #tpu.memory_space<hbm>>, %arg6: memref<100000xf32, #tpu.memory_space<vmem>>, %arg7: memref<2x2048xi32, #tpu.memory_space<vmem>>, %arg8: memref<2x2048xf32, #tpu.memory_space<vmem>>, %arg9: memref<128x128xf32, #tpu.memory_space<vmem>>, %arg10: memref<128x128xf32, #tpu.memory_space<vmem_shared>>, %arg11: memref<128xi32, #tpu.memory_space<vmem>>, %arg12: memref<!tpu.dma_semaphore, #tpu.memory_space<semaphore_mem>>, %arg13: memref<!tpu.dma_semaphore, #tpu.memory_space<semaphore_mem>>, %arg14: memref<!tpu.dma_semaphore, #tpu.memory_space<semaphore_mem>>) attributes {dimension_semantics = [#tpu.dimension_semantics<core_parallel>, #tpu.dimension_semantics<subcore_parallel>], iteration_bounds = array<i64: 2, 16>, scalar_prefetch = 0 : i64, scratch_operands = 9 : i64, tpu.core_type = #tpu.core_type<sc_vector_subcore>, window_params = [{transform_indices = #map}, {transform_indices = #map1}, {transform_indices = #map}, {transform_indices = #map2}]} {
    %mul3A = arith.constant 2 : i32
    %mul3A_0 = arith.muli %arg1, %mul3A : i32
    %add3A = arith.addi %mul3A_0, %arg0 : i32
    %iota3A = tpu.iota {dimensions = array<i32: 0>} : vector<16xi32>
    %add3A_1 = arith.constant 0 : i32
    %add3A_2 = vector.broadcast %add3A_1 : i32 to vector<16xi32>
    %add3A_3 = arith.addi %add3A_2, %iota3A : vector<16xi32>
    %swap3A = arith.constant 0 : index
    %swap3A_4 = tpu.vector_load %arg11[%swap3A] {strides = array<i32>} : memref<128xi32, #tpu.memory_space<vmem>>, vector<16xi32>,
    tpu.vector_store %arg11[%swap3A], %add3A_3 {strides = array<i32>} : memref<128xi32, #tpu.memory_space<vmem>>, vector<16xi32>,
    %add3A_5 = arith.constant 16 : i32
    %add3A_6 = vector.broadcast %add3A_5 : i32 to vector<16xi32>
    %add3A_7 = arith.addi %add3A_6, %iota3A : vector<16xi32>
    %swap3A_8 = arith.constant 16 : index
    %swap3A_9 = tpu.vector_load %arg11[%swap3A_8] {strides = array<i32>} : memref<128xi32, #tpu.memory_space<vmem>>, vector<16xi32>,
    tpu.vector_store %arg11[%swap3A_8], %add3A_7 {strides = array<i32>} : memref<128xi32, #tpu.memory_space<vmem>>, vector<16xi32>,
    %add3A_10 = arith.constant 32 : i32
    %add3A_11 = vector.broadcast %add3A_10 : i32 to vector<16xi32>
    %add3A_12 = arith.addi %add3A_11, %iota3A : vector<16xi32>
    %swap3A_13 = arith.constant 32 : index
    %swap3A_14 = tpu.vector_load %arg11[%swap3A_13] {strides = array<i32>} : memref<128xi32, #tpu.memory_space<vmem>>, vector<16xi32>,
    tpu.vector_store %arg11[%swap3A_13], %add3A_12 {strides = array<i32>} : memref<128xi32, #tpu.memory_space<vmem>>, vector<16xi32>,
    %add3A_15 = arith.constant 48 : i32
    %add3A_16 = vector.broadcast %add3A_15 : i32 to vector<16xi32>
    %add3A_17 = arith.addi %add3A_16, %iota3A : vector<16xi32>
    %swap3A_18 = arith.constant 48 : index
    %swap3A_19 = tpu.vector_load %arg11[%swap3A_18] {strides = array<i32>} : memref<128xi32, #tpu.memory_space<vmem>>, vector<16xi32>,
    tpu.vector_store %arg11[%swap3A_18], %add3A_17 {strides = array<i32>} : memref<128xi32, #tpu.memory_space<vmem>>, vector<16xi32>,
    %add3A_20 = arith.constant 64 : i32
    %add3A_21 = vector.broadcast %add3A_20 : i32 to vector<16xi32>
    %add3A_22 = arith.addi %add3A_21, %iota3A : vector<16xi32>
    %swap3A_23 = arith.constant 64 : index
    %swap3A_24 = tpu.vector_load %arg11[%swap3A_23] {strides = array<i32>} : memref<128xi32, #tpu.memory_space<vmem>>, vector<16xi32>,
    tpu.vector_store %arg11[%swap3A_23], %add3A_22 {strides = array<i32>} : memref<128xi32, #tpu.memory_space<vmem>>, vector<16xi32>,
    %add3A_25 = arith.constant 80 : i32
    %add3A_26 = vector.broadcast %add3A_25 : i32 to vector<16xi32>
    %add3A_27 = arith.addi %add3A_26, %iota3A : vector<16xi32>
    %swap3A_28 = arith.constant 80 : index
    %swap3A_29 = tpu.vector_load %arg11[%swap3A_28] {strides = array<i32>} : memref<128xi32, #tpu.memory_space<vmem>>, vector<16xi32>,
    tpu.vector_store %arg11[%swap3A_28], %add3A_27 {strides = array<i32>} : memref<128xi32, #tpu.memory_space<vmem>>, vector<16xi32>,
    %add3A_30 = arith.constant 96 : i32
    %add3A_31 = vector.broadcast %add3A_30 : i32 to vector<16xi32>
    %add3A_32 = arith.addi %add3A_31, %iota3A : vector<16xi32>
    %swap3A_33 = arith.constant 96 : index
    %swap3A_34 = tpu.vector_load %arg11[%swap3A_33] {strides = array<i32>} : memref<128xi32, #tpu.memory_space<vmem>>, vector<16xi32>,
    tpu.vector_store %arg11[%swap3A_33], %add3A_32 {strides = array<i32>} : memref<128xi32, #tpu.memory_space<vmem>>, vector<16xi32>,
    %add3A_35 = arith.constant 112 : i32
    %add3A_36 = vector.broadcast %add3A_35 : i32 to vector<16xi32>
    %add3A_37 = arith.addi %add3A_36, %iota3A : vector<16xi32>
    %swap3A_38 = arith.constant 112 : index
    %swap3A_39 = tpu.vector_load %arg11[%swap3A_38] {strides = array<i32>} : memref<128xi32, #tpu.memory_space<vmem>>, vector<16xi32>,
    tpu.vector_store %arg11[%swap3A_38], %add3A_37 {strides = array<i32>} : memref<128xi32, #tpu.memory_space<vmem>>, vector<16xi32>,
    %add3A_40 = arith.constant 0 : i32
    %add3A_41 = arith.addi %add3A, %add3A_40 : i32
    %dma_start3A = arith.constant 0 : i32
    %dma_start3A_42 = tpu.memref_slice %arg4[%add3A_41, %dma_start3A] : memref<64x100000xf32, #tpu.memory_space<hbm>> -> memref<1x100000xf32, #tpu.memory_space<hbm>>
    %dma_start3A_43 = tpu.memref_squeeze %dma_start3A_42 : memref<1x100000xf32, #tpu.memory_space<hbm>> -> memref<100000xf32, #tpu.memory_space<hbm>>
    %dma_start3A_44 = arith.constant 0 : i32
    %dma_start3A_45 = tpu.memref_slice %arg4[%add3A_41, %dma_start3A_44] : memref<64x100000xf32, #tpu.memory_space<hbm>> -> memref<1x100000xf32, #tpu.memory_space<hbm>>
    %dma_start3A_46 = tpu.memref_squeeze %dma_start3A_45 : memref<1x100000xf32, #tpu.memory_space<hbm>> -> memref<100000xf32, #tpu.memory_space<hbm>>
    tpu.enqueue_dma source(%dma_start3A_46 : memref<100000xf32, #tpu.memory_space<hbm>>) target(%arg6 : memref<100000xf32, #tpu.memory_space<vmem>>) target_semaphore(%arg12 : memref<!tpu.dma_semaphore, #tpu.memory_space<semaphore_mem>>)
    %dma_start3A_47 = arith.constant 0 : i32
    %dma_start3A_48 = arith.constant 0 : i32
    %dma_start3A_49 = tpu.memref_slice %arg7[%dma_start3A_47, %dma_start3A_48] : memref<2x2048xi32, #tpu.memory_space<vmem>> -> memref<1x2048xi32, #tpu.memory_space<vmem>>
    %dma_start3A_50 = tpu.memref_squeeze %dma_start3A_49 : memref<1x2048xi32, #tpu.memory_space<vmem>> -> memref<2048xi32, #tpu.memory_space<vmem>>
    %dma_start3A_51 = arith.constant 0 : i32
    %dma_start3A_52 = tpu.memref_slice %arg3[%dma_start3A_51] : memref<16384xi32, #tpu.memory_space<hbm>> -> memref<2048xi32, #tpu.memory_space<hbm>>
    %dma_start3A_53 = arith.constant 0 : i32
    %dma_start3A_54 = tpu.memref_slice %arg7[%dma_start3A_47, %dma_start3A_53] : memref<2x2048xi32, #tpu.memory_space<vmem>> -> memref<1x2048xi32, #tpu.memory_space<vmem>>
    %dma_start3A_55 = tpu.memref_squeeze %dma_start3A_54 : memref<1x2048xi32, #tpu.memory_space<vmem>> -> memref<2048xi32, #tpu.memory_space<vmem>>
    %dma_start3A_56 = arith.constant 0 : i32
    %dma_start3A_57 = tpu.memref_slice %arg3[%dma_start3A_56] : memref<16384xi32, #tpu.memory_space<hbm>> -> memref<2048xi32, #tpu.memory_space<hbm>>
    tpu.enqueue_dma source(%dma_start3A_57 : memref<2048xi32, #tpu.memory_space<hbm>>) target(%dma_start3A_55 : memref<2048xi32, #tpu.memory_space<vmem>>) target_semaphore(%arg13 : memref<!tpu.dma_semaphore, #tpu.memory_space<semaphore_mem>>)
    %dma_start3A_58 = arith.constant 0 : i32
    %dma_start3A_59 = arith.constant 0 : i32
    %dma_start3A_60 = tpu.memref_slice %arg8[%dma_start3A_58, %dma_start3A_59] : memref<2x2048xf32, #tpu.memory_space<vmem>> -> memref<1x2048xf32, #tpu.memory_space<vmem>>
    %dma_start3A_61 = tpu.memref_squeeze %dma_start3A_60 : memref<1x2048xf32, #tpu.memory_space<vmem>> -> memref<2048xf32, #tpu.memory_space<vmem>>
    %dma_start3A_62 = arith.constant 0 : i32
    %dma_start3A_63 = tpu.memref_slice %arg2[%add3A_41, %dma_start3A_62] : memref<64x16384xf32, #tpu.memory_space<hbm>> -> memref<1x2048xf32, #tpu.memory_space<hbm>>
    %dma_start3A_64 = tpu.memref_squeeze %dma_start3A_63 : memref<1x2048xf32, #tpu.memory_space<hbm>> -> memref<2048xf32, #tpu.memory_space<hbm>>
    %dma_start3A_65 = arith.constant 0 : i32
    %dma_start3A_66 = tpu.memref_slice %arg8[%dma_start3A_58, %dma_start3A_65] : memref<2x2048xf32, #tpu.memory_space<vmem>> -> memref<1x2048xf32, #tpu.memory_space<vmem>>
    %dma_start3A_67 = tpu.memref_squeeze %dma_start3A_66 : memref<1x2048xf32, #tpu.memory_space<vmem>> -> memref<2048xf32, #tpu.memory_space<vmem>>
    %dma_start3A_68 = arith.constant 0 : i32
    %dma_start3A_69 = tpu.memref_slice %arg2[%add3A_41, %dma_start3A_68] : memref<64x16384xf32, #tpu.memory_space<hbm>> -> memref<1x2048xf32, #tpu.memory_space<hbm>>
    %dma_start3A_70 = tpu.memref_squeeze %dma_start3A_69 : memref<1x2048xf32, #tpu.memory_space<hbm>> -> memref<2048xf32, #tpu.memory_space<hbm>>
    tpu.enqueue_dma source(%dma_start3A_70 : memref<2048xf32, #tpu.memory_space<hbm>>) target(%dma_start3A_67 : memref<2048xf32, #tpu.memory_space<vmem>>) target_semaphore(%arg13 : memref<!tpu.dma_semaphore, #tpu.memory_space<semaphore_mem>>)
    %dma_wait3A = arith.constant 0 : i32
    %dma_wait3A_71 = tpu.memref_slice %arg4[%add3A_41, %dma_wait3A] : memref<64x100000xf32, #tpu.memory_space<hbm>> -> memref<1x100000xf32, #tpu.memory_space<hbm>>
    %dma_wait3A_72 = tpu.memref_squeeze %dma_wait3A_71 : memref<1x100000xf32, #tpu.memory_space<hbm>> -> memref<100000xf32, #tpu.memory_space<hbm>>
    %dma_wait3A_73 = arith.constant 0 : i32
    %dma_wait3A_74 = tpu.memref_slice %arg4[%add3A_41, %dma_wait3A_73] : memref<64x100000xf32, #tpu.memory_space<hbm>> -> memref<1x100000xf32, #tpu.memory_space<hbm>>
    %dma_wait3A_75 = tpu.memref_squeeze %dma_wait3A_74 : memref<1x100000xf32, #tpu.memory_space<hbm>> -> memref<100000xf32, #tpu.memory_space<hbm>>
    tpu.wait_dma2 semaphore(%arg12 : memref<!tpu.dma_semaphore, #tpu.memory_space<semaphore_mem>>) src(%dma_wait3A_75 : memref<100000xf32, #tpu.memory_space<hbm>>) dst(%arg6 : memref<100000xf32, #tpu.memory_space<vmem>>)
    %dma_start3A_76 = arith.constant 1 : i32
    %dma_start3A_77 = arith.constant 0 : i32
    %dma_start3A_78 = tpu.memref_slice %arg7[%dma_start3A_76, %dma_start3A_77] : memref<2x2048xi32, #tpu.memory_space<vmem>> -> memref<1x2048xi32, #tpu.memory_space<vmem>>
    %dma_start3A_79 = tpu.memref_squeeze %dma_start3A_78 : memref<1x2048xi32, #tpu.memory_space<vmem>> -> memref<2048xi32, #tpu.memory_space<vmem>>
    %dma_start3A_80 = arith.constant 2048 : i32
    %dma_start3A_81 = tpu.memref_slice %arg3[%dma_start3A_80] : memref<16384xi32, #tpu.memory_space<hbm>> -> memref<2048xi32, #tpu.memory_space<hbm>>
    %dma_start3A_82 = arith.constant 0 : i32
    %dma_start3A_83 = tpu.memref_slice %arg7[%dma_start3A_76, %dma_start3A_82] : memref<2x2048xi32, #tpu.memory_space<vmem>> -> memref<1x2048xi32, #tpu.memory_space<vmem>>
    %dma_start3A_84 = tpu.memref_squeeze %dma_start3A_83 : memref<1x2048xi32, #tpu.memory_space<vmem>> -> memref<2048xi32, #tpu.memory_space<vmem>>
    %dma_start3A_85 = arith.constant 2048 : i32
    %dma_start3A_86 = tpu.memref_slice %arg3[%dma_start3A_85] : memref<16384xi32, #tpu.memory_space<hbm>> -> memref<2048xi32, #tpu.memory_space<hbm>>
    tpu.enqueue_dma source(%dma_start3A_86 : memref<2048xi32, #tpu.memory_space<hbm>>) target(%dma_start3A_84 : memref<2048xi32, #tpu.memory_space<vmem>>) target_semaphore(%arg14 : memref<!tpu.dma_semaphore, #tpu.memory_space<semaphore_mem>>)
    %dma_start3A_87 = arith.constant 1 : i32
    %dma_start3A_88 = arith.constant 0 : i32
    %dma_start3A_89 = tpu.memref_slice %arg8[%dma_start3A_87, %dma_start3A_88] : memref<2x2048xf32, #tpu.memory_space<vmem>> -> memref<1x2048xf32, #tpu.memory_space<vmem>>
    %dma_start3A_90 = tpu.memref_squeeze %dma_start3A_89 : memref<1x2048xf32, #tpu.memory_space<vmem>> -> memref<2048xf32, #tpu.memory_space<vmem>>
    %dma_start3A_91 = arith.constant 2048 : i32
    %dma_start3A_92 = tpu.memref_slice %arg2[%add3A_41, %dma_start3A_91] : memref<64x16384xf32, #tpu.memory_space<hbm>> -> memref<1x2048xf32, #tpu.memory_space<hbm>>
    %dma_start3A_93 = tpu.memref_squeeze %dma_start3A_92 : memref<1x2048xf32, #tpu.memory_space<hbm>> -> memref<2048xf32, #tpu.memory_space<hbm>>
    %dma_start3A_94 = arith.constant 0 : i32
    %dma_start3A_95 = tpu.memref_slice %arg8[%dma_start3A_87, %dma_start3A_94] : memref<2x2048xf32, #tpu.memory_space<vmem>> -> memref<1x2048xf32, #tpu.memory_space<vmem>>
    %dma_start3A_96 = tpu.memref_squeeze %dma_start3A_95 : memref<1x2048xf32, #tpu.memory_space<vmem>> -> memref<2048xf32, #tpu.memory_space<vmem>>
    %dma_start3A_97 = arith.constant 2048 : i32
    %dma_start3A_98 = tpu.memref_slice %arg2[%add3A_41, %dma_start3A_97] : memref<64x16384xf32, #tpu.memory_space<hbm>> -> memref<1x2048xf32, #tpu.memory_space<hbm>>
    %dma_start3A_99 = tpu.memref_squeeze %dma_start3A_98 : memref<1x2048xf32, #tpu.memory_space<hbm>> -> memref<2048xf32, #tpu.memory_space<hbm>>
    tpu.enqueue_dma source(%dma_start3A_99 : memref<2048xf32, #tpu.memory_space<hbm>>) target(%dma_start3A_96 : memref<2048xf32, #tpu.memory_space<vmem>>) target_semaphore(%arg14 : memref<!tpu.dma_semaphore, #tpu.memory_space<semaphore_mem>>)
    %dma_wait3A_100 = arith.constant 0 : i32
    %dma_wait3A_101 = arith.constant 0 : i32
    %dma_wait3A_102 = tpu.memref_slice %arg7[%dma_wait3A_100, %dma_wait3A_101] : memref<2x2048xi32, #tpu.memory_space<vmem>> -> memref<1x2048xi32, #tpu.memory_space<vmem>>
    %dma_wait3A_103 = tpu.memref_squeeze %dma_wait3A_102 : memref<1x2048xi32, #tpu.memory_space<vmem>> -> memref<2048xi32, #tpu.memory_space<vmem>>
    %dma_wait3A_104 = arith.constant 0 : i32
    %dma_wait3A_105 = tpu.memref_slice %arg3[%dma_wait3A_104] : memref<16384xi32, #tpu.memory_space<hbm>> -> memref<2048xi32, #tpu.memory_space<hbm>>
    %dma_wait3A_106 = arith.constant 0 : i32
    %dma_wait3A_107 = tpu.memref_slice %arg7[%dma_wait3A_100, %dma_wait3A_106] : memref<2x2048xi32, #tpu.memory_space<vmem>> -> memref<1x2048xi32, #tpu.memory_space<vmem>>
    %dma_wait3A_108 = tpu.memref_squeeze %dma_wait3A_107 : memref<1x2048xi32, #tpu.memory_space<vmem>> -> memref<2048xi32, #tpu.memory_space<vmem>>
    %dma_wait3A_109 = arith.constant 0 : i32
    %dma_wait3A_110 = tpu.memref_slice %arg3[%dma_wait3A_109] : memref<16384xi32, #tpu.memory_space<hbm>> -> memref<2048xi32, #tpu.memory_space<hbm>>
    tpu.wait_dma2 semaphore(%arg13 : memref<!tpu.dma_semaphore, #tpu.memory_space<semaphore_mem>>) src(%dma_wait3A_110 : memref<2048xi32, #tpu.memory_space<hbm>>) dst(%dma_wait3A_108 : memref<2048xi32, #tpu.memory_space<vmem>>)
    %dma_wait3A_111 = arith.constant 0 : i32
    %dma_wait3A_112 = arith.constant 0 : i32
    %dma_wait3A_113 = tpu.memref_slice %arg8[%dma_wait3A_111, %dma_wait3A_112] : memref<2x2048xf32, #tpu.memory_space<vmem>> -> memref<1x2048xf32, #tpu.memory_space<vmem>>
    %dma_wait3A_114 = tpu.memref_squeeze %dma_wait3A_113 : memref<1x2048xf32, #tpu.memory_space<vmem>> -> memref<2048xf32, #tpu.memory_space<vmem>>
    %dma_wait3A_115 = arith.constant 0 : i32
    %dma_wait3A_116 = tpu.memref_slice %arg2[%add3A_41, %dma_wait3A_115] : memref<64x16384xf32, #tpu.memory_space<hbm>> -> memref<1x2048xf32, #tpu.memory_space<hbm>>
    %dma_wait3A_117 = tpu.memref_squeeze %dma_wait3A_116 : memref<1x2048xf32, #tpu.memory_space<hbm>> -> memref<2048xf32, #tpu.memory_space<hbm>>
    %dma_wait3A_118 = arith.constant 0 : i32
    %dma_wait3A_119 = tpu.memref_slice %arg8[%dma_wait3A_111, %dma_wait3A_118] : memref<2x2048xf32, #tpu.memory_space<vmem>> -> memref<1x2048xf32, #tpu.memory_space<vmem>>
    %dma_wait3A_120 = tpu.memref_squeeze %dma_wait3A_119 : memref<1x2048xf32, #tpu.memory_space<vmem>> -> memref<2048xf32, #tpu.memory_space<vmem>>
    %dma_wait3A_121 = arith.constant 0 : i32
    %dma_wait3A_122 = tpu.memref_slice %arg2[%add3A_41, %dma_wait3A_121] : memref<64x16384xf32, #tpu.memory_space<hbm>> -> memref<1x2048xf32, #tpu.memory_space<hbm>>
    %dma_wait3A_123 = tpu.memref_squeeze %dma_wait3A_122 : memref<1x2048xf32, #tpu.memory_space<hbm>> -> memref<2048xf32, #tpu.memory_space<hbm>>
    tpu.wait_dma2 semaphore(%arg13 : memref<!tpu.dma_semaphore, #tpu.memory_space<semaphore_mem>>) src(%dma_wait3A_123 : memref<2048xf32, #tpu.memory_space<hbm>>) dst(%dma_wait3A_120 : memref<2048xf32, #tpu.memory_space<vmem>>)
    %parallel_loop3A = arith.constant 0 : i32
    %parallel_loop3A_124 = arith.constant 128 : i32
    %parallel_loop3A_125 = arith.constant 1 : i32
    scf.for %parallel_loop3A_893 = %parallel_loop3A to %parallel_loop3A_124 step %parallel_loop3A_125  : i32 {
      %parallel_loop3A_894 = arith.constant 16 : i32
      %parallel_loop3A_895 = arith.muli %parallel_loop3A_893, %parallel_loop3A_894 : i32
      %parallel_loop3A_896 = arith.constant 0 : i32
      %parallel_loop3A_897 = arith.index_cast %parallel_loop3A_896 : i32 to index
      %parallel_loop3A_898 = arith.index_cast %parallel_loop3A_895 : i32 to index
      %parallel_loop3A_899 = tpu.vector_load %arg7[%parallel_loop3A_897, %parallel_loop3A_898] {strides = array<i32>} : memref<2x2048xi32, #tpu.memory_space<vmem>>, vector<16xi32>,
      %parallel_loop3A_900 = tpu.vector_load_idx %arg6[%parallel_loop3A_899] : memref<100000xf32, #tpu.memory_space<vmem>>[vector<16xi32>], vector<16xf32>,
      %parallel_loop3A_901 = arith.constant 0 : i32
      %parallel_loop3A_902 = arith.index_cast %parallel_loop3A_901 : i32 to index
      %parallel_loop3A_903 = arith.index_cast %parallel_loop3A_895 : i32 to index
      %parallel_loop3A_904 = tpu.vector_load %arg8[%parallel_loop3A_902, %parallel_loop3A_903] {strides = array<i32>} : memref<2x2048xf32, #tpu.memory_space<vmem>>, vector<16xf32>,
      %parallel_loop3A_905 = arith.subf %parallel_loop3A_904, %parallel_loop3A_900 : vector<16xf32>
      %parallel_loop3A_906 = arith.mulf %parallel_loop3A_905, %parallel_loop3A_905 : vector<16xf32>
      %parallel_loop3A_907 = arith.constant 0 : i32
      %parallel_loop3A_908 = arith.addi %parallel_loop3A_907, %parallel_loop3A_895 : i32
      %parallel_loop3A_909 = arith.constant 7 : i32
      %parallel_loop3A_910 = arith.shrui %parallel_loop3A_908, %parallel_loop3A_909 : i32
      %parallel_loop3A_911 = arith.constant 127 : i32
      %parallel_loop3A_912 = arith.andi %parallel_loop3A_908, %parallel_loop3A_911 : i32
      %parallel_loop3A_913 = arith.index_cast %parallel_loop3A_910 : i32 to index
      %parallel_loop3A_914 = arith.index_cast %parallel_loop3A_912 : i32 to index
      %parallel_loop3A_915 = tpu.vector_load %arg9[%parallel_loop3A_913, %parallel_loop3A_914] {strides = array<i32>} : memref<128x128xf32, #tpu.memory_space<vmem>>, vector<16xf32>,
      tpu.vector_store %arg9[%parallel_loop3A_913, %parallel_loop3A_914], %parallel_loop3A_906 {strides = array<i32>} : memref<128x128xf32, #tpu.memory_space<vmem>>, vector<16xf32>,
    } {sc.loop_unroll_factor = 8 : i64, sc.parallel_access}
    %dma_start3A_126 = arith.constant 0 : i32
    %dma_start3A_127 = arith.constant 0 : i32
    %dma_start3A_128 = tpu.memref_slice %arg7[%dma_start3A_126, %dma_start3A_127] : memref<2x2048xi32, #tpu.memory_space<vmem>> -> memref<1x2048xi32, #tpu.memory_space<vmem>>
    %dma_start3A_129 = tpu.memref_squeeze %dma_start3A_128 : memref<1x2048xi32, #tpu.memory_space<vmem>> -> memref<2048xi32, #tpu.memory_space<vmem>>
    %dma_start3A_130 = arith.constant 4096 : i32
    %dma_start3A_131 = tpu.memref_slice %arg3[%dma_start3A_130] : memref<16384xi32, #tpu.memory_space<hbm>> -> memref<2048xi32, #tpu.memory_space<hbm>>
    %dma_start3A_132 = arith.constant 0 : i32
    %dma_start3A_133 = tpu.memref_slice %arg7[%dma_start3A_126, %dma_start3A_132] : memref<2x2048xi32, #tpu.memory_space<vmem>> -> memref<1x2048xi32, #tpu.memory_space<vmem>>
    %dma_start3A_134 = tpu.memref_squeeze %dma_start3A_133 : memref<1x2048xi32, #tpu.memory_space<vmem>> -> memref<2048xi32, #tpu.memory_space<vmem>>
    %dma_start3A_135 = arith.constant 4096 : i32
    %dma_start3A_136 = tpu.memref_slice %arg3[%dma_start3A_135] : memref<16384xi32, #tpu.memory_space<hbm>> -> memref<2048xi32, #tpu.memory_space<hbm>>
    tpu.enqueue_dma source(%dma_start3A_136 : memref<2048xi32, #tpu.memory_space<hbm>>) target(%dma_start3A_134 : memref<2048xi32, #tpu.memory_space<vmem>>) target_semaphore(%arg13 : memref<!tpu.dma_semaphore, #tpu.memory_space<semaphore_mem>>)
    %dma_start3A_137 = arith.constant 0 : i32
    %dma_start3A_138 = arith.constant 0 : i32
    %dma_start3A_139 = tpu.memref_slice %arg8[%dma_start3A_137, %dma_start3A_138] : memref<2x2048xf32, #tpu.memory_space<vmem>> -> memref<1x2048xf32, #tpu.memory_space<vmem>>
    %dma_start3A_140 = tpu.memref_squeeze %dma_start3A_139 : memref<1x2048xf32, #tpu.memory_space<vmem>> -> memref<2048xf32, #tpu.memory_space<vmem>>
    %dma_start3A_141 = arith.constant 4096 : i32
    %dma_start3A_142 = tpu.memref_slice %arg2[%add3A_41, %dma_start3A_141] : memref<64x16384xf32, #tpu.memory_space<hbm>> -> memref<1x2048xf32, #tpu.memory_space<hbm>>
    %dma_start3A_143 = tpu.memref_squeeze %dma_start3A_142 : memref<1x2048xf32, #tpu.memory_space<hbm>> -> memref<2048xf32, #tpu.memory_space<hbm>>
    %dma_start3A_144 = arith.constant 0 : i32
    %dma_start3A_145 = tpu.memref_slice %arg8[%dma_start3A_137, %dma_start3A_144] : memref<2x2048xf32, #tpu.memory_space<vmem>> -> memref<1x2048xf32, #tpu.memory_space<vmem>>
    %dma_start3A_146 = tpu.memref_squeeze %dma_start3A_145 : memref<1x2048xf32, #tpu.memory_space<vmem>> -> memref<2048xf32, #tpu.memory_space<vmem>>
    %dma_start3A_147 = arith.constant 4096 : i32
    %dma_start3A_148 = tpu.memref_slice %arg2[%add3A_41, %dma_start3A_147] : memref<64x16384xf32, #tpu.memory_space<hbm>> -> memref<1x2048xf32, #tpu.memory_space<hbm>>
    %dma_start3A_149 = tpu.memref_squeeze %dma_start3A_148 : memref<1x2048xf32, #tpu.memory_space<hbm>> -> memref<2048xf32, #tpu.memory_space<hbm>>
    tpu.enqueue_dma source(%dma_start3A_149 : memref<2048xf32, #tpu.memory_space<hbm>>) target(%dma_start3A_146 : memref<2048xf32, #tpu.memory_space<vmem>>) target_semaphore(%arg13 : memref<!tpu.dma_semaphore, #tpu.memory_space<semaphore_mem>>)
    %dma_wait3A_150 = arith.constant 1 : i32
    %dma_wait3A_151 = arith.constant 0 : i32
    %dma_wait3A_152 = tpu.memref_slice %arg7[%dma_wait3A_150, %dma_wait3A_151] : memref<2x2048xi32, #tpu.memory_space<vmem>> -> memref<1x2048xi32, #tpu.memory_space<vmem>>
    %dma_wait3A_153 = tpu.memref_squeeze %dma_wait3A_152 : memref<1x2048xi32, #tpu.memory_space<vmem>> -> memref<2048xi32, #tpu.memory_space<vmem>>
    %dma_wait3A_154 = arith.constant 2048 : i32
    %dma_wait3A_155 = tpu.memref_slice %arg3[%dma_wait3A_154] : memref<16384xi32, #tpu.memory_space<hbm>> -> memref<2048xi32, #tpu.memory_space<hbm>>
    %dma_wait3A_156 = arith.constant 0 : i32
    %dma_wait3A_157 = tpu.memref_slice %arg7[%dma_wait3A_150, %dma_wait3A_156] : memref<2x2048xi32, #tpu.memory_space<vmem>> -> memref<1x2048xi32, #tpu.memory_space<vmem>>
    %dma_wait3A_158 = tpu.memref_squeeze %dma_wait3A_157 : memref<1x2048xi32, #tpu.memory_space<vmem>> -> memref<2048xi32, #tpu.memory_space<vmem>>
    %dma_wait3A_159 = arith.constant 2048 : i32
    %dma_wait3A_160 = tpu.memref_slice %arg3[%dma_wait3A_159] : memref<16384xi32, #tpu.memory_space<hbm>> -> memref<2048xi32, #tpu.memory_space<hbm>>
    tpu.wait_dma2 semaphore(%arg14 : memref<!tpu.dma_semaphore, #tpu.memory_space<semaphore_mem>>) src(%dma_wait3A_160 : memref<2048xi32, #tpu.memory_space<hbm>>) dst(%dma_wait3A_158 : memref<2048xi32, #tpu.memory_space<vmem>>)
    %dma_wait3A_161 = arith.constant 1 : i32
    %dma_wait3A_162 = arith.constant 0 : i32
    %dma_wait3A_163 = tpu.memref_slice %arg8[%dma_wait3A_161, %dma_wait3A_162] : memref<2x2048xf32, #tpu.memory_space<vmem>> -> memref<1x2048xf32, #tpu.memory_space<vmem>>
    %dma_wait3A_164 = tpu.memref_squeeze %dma_wait3A_163 : memref<1x2048xf32, #tpu.memory_space<vmem>> -> memref<2048xf32, #tpu.memory_space<vmem>>
    %dma_wait3A_165 = arith.constant 2048 : i32
    %dma_wait3A_166 = tpu.memref_slice %arg2[%add3A_41, %dma_wait3A_165] : memref<64x16384xf32, #tpu.memory_space<hbm>> -> memref<1x2048xf32, #tpu.memory_space<hbm>>
    %dma_wait3A_167 = tpu.memref_squeeze %dma_wait3A_166 : memref<1x2048xf32, #tpu.memory_space<hbm>> -> memref<2048xf32, #tpu.memory_space<hbm>>
    %dma_wait3A_168 = arith.constant 0 : i32
    %dma_wait3A_169 = tpu.memref_slice %arg8[%dma_wait3A_161, %dma_wait3A_168] : memref<2x2048xf32, #tpu.memory_space<vmem>> -> memref<1x2048xf32, #tpu.memory_space<vmem>>
    %dma_wait3A_170 = tpu.memref_squeeze %dma_wait3A_169 : memref<1x2048xf32, #tpu.memory_space<vmem>> -> memref<2048xf32, #tpu.memory_space<vmem>>
    %dma_wait3A_171 = arith.constant 2048 : i32
    %dma_wait3A_172 = tpu.memref_slice %arg2[%add3A_41, %dma_wait3A_171] : memref<64x16384xf32, #tpu.memory_space<hbm>> -> memref<1x2048xf32, #tpu.memory_space<hbm>>
    %dma_wait3A_173 = tpu.memref_squeeze %dma_wait3A_172 : memref<1x2048xf32, #tpu.memory_space<hbm>> -> memref<2048xf32, #tpu.memory_space<hbm>>
    tpu.wait_dma2 semaphore(%arg14 : memref<!tpu.dma_semaphore, #tpu.memory_space<semaphore_mem>>) src(%dma_wait3A_173 : memref<2048xf32, #tpu.memory_space<hbm>>) dst(%dma_wait3A_170 : memref<2048xf32, #tpu.memory_space<vmem>>)
    %parallel_loop3A_174 = arith.constant 0 : i32
    %parallel_loop3A_175 = arith.constant 128 : i32
    %parallel_loop3A_176 = arith.constant 1 : i32
    scf.for %parallel_loop3A_893 = %parallel_loop3A_174 to %parallel_loop3A_175 step %parallel_loop3A_176  : i32 {
      %parallel_loop3A_894 = arith.constant 16 : i32
      %parallel_loop3A_895 = arith.muli %parallel_loop3A_893, %parallel_loop3A_894 : i32
      %parallel_loop3A_896 = arith.constant 1 : i32
      %parallel_loop3A_897 = arith.index_cast %parallel_loop3A_896 : i32 to index
      %parallel_loop3A_898 = arith.index_cast %parallel_loop3A_895 : i32 to index
      %parallel_loop3A_899 = tpu.vector_load %arg7[%parallel_loop3A_897, %parallel_loop3A_898] {strides = array<i32>} : memref<2x2048xi32, #tpu.memory_space<vmem>>, vector<16xi32>,
      %parallel_loop3A_900 = tpu.vector_load_idx %arg6[%parallel_loop3A_899] : memref<100000xf32, #tpu.memory_space<vmem>>[vector<16xi32>], vector<16xf32>,
      %parallel_loop3A_901 = arith.constant 1 : i32
      %parallel_loop3A_902 = arith.index_cast %parallel_loop3A_901 : i32 to index
      %parallel_loop3A_903 = arith.index_cast %parallel_loop3A_895 : i32 to index
      %parallel_loop3A_904 = tpu.vector_load %arg8[%parallel_loop3A_902, %parallel_loop3A_903] {strides = array<i32>} : memref<2x2048xf32, #tpu.memory_space<vmem>>, vector<16xf32>,
      %parallel_loop3A_905 = arith.subf %parallel_loop3A_904, %parallel_loop3A_900 : vector<16xf32>
      %parallel_loop3A_906 = arith.mulf %parallel_loop3A_905, %parallel_loop3A_905 : vector<16xf32>
      %parallel_loop3A_907 = arith.constant 2048 : i32
      %parallel_loop3A_908 = arith.addi %parallel_loop3A_907, %parallel_loop3A_895 : i32
      %parallel_loop3A_909 = arith.constant 7 : i32
      %parallel_loop3A_910 = arith.shrui %parallel_loop3A_908, %parallel_loop3A_909 : i32
      %parallel_loop3A_911 = arith.constant 127 : i32
      %parallel_loop3A_912 = arith.andi %parallel_loop3A_908, %parallel_loop3A_911 : i32
      %parallel_loop3A_913 = arith.index_cast %parallel_loop3A_910 : i32 to index
      %parallel_loop3A_914 = arith.index_cast %parallel_loop3A_912 : i32 to index
      %parallel_loop3A_915 = tpu.vector_load %arg9[%parallel_loop3A_913, %parallel_loop3A_914] {strides = array<i32>} : memref<128x128xf32, #tpu.memory_space<vmem>>, vector<16xf32>,
      tpu.vector_store %arg9[%parallel_loop3A_913, %parallel_loop3A_914], %parallel_loop3A_906 {strides = array<i32>} : memref<128x128xf32, #tpu.memory_space<vmem>>, vector<16xf32>,
    } {sc.loop_unroll_factor = 8 : i64, sc.parallel_access}
    %dma_start3A_177 = arith.constant 1 : i32
    %dma_start3A_178 = arith.constant 0 : i32
    %dma_start3A_179 = tpu.memref_slice %arg7[%dma_start3A_177, %dma_start3A_178] : memref<2x2048xi32, #tpu.memory_space<vmem>> -> memref<1x2048xi32, #tpu.memory_space<vmem>>
    %dma_start3A_180 = tpu.memref_squeeze %dma_start3A_179 : memref<1x2048xi32, #tpu.memory_space<vmem>> -> memref<2048xi32, #tpu.memory_space<vmem>>
    %dma_start3A_181 = arith.constant 6144 : i32
    %dma_start3A_182 = tpu.memref_slice %arg3[%dma_start3A_181] : memref<16384xi32, #tpu.memory_space<hbm>> -> memref<2048xi32, #tpu.memory_space<hbm>>
    %dma_start3A_183 = arith.constant 0 : i32
    %dma_start3A_184 = tpu.memref_slice %arg7[%dma_start3A_177, %dma_start3A_183] : memref<2x2048xi32, #tpu.memory_space<vmem>> -> memref<1x2048xi32, #tpu.memory_space<vmem>>
    %dma_start3A_185 = tpu.memref_squeeze %dma_start3A_184 : memref<1x2048xi32, #tpu.memory_space<vmem>> -> memref<2048xi32, #tpu.memory_space<vmem>>
    %dma_start3A_186 = arith.constant 6144 : i32
    %dma_start3A_187 = tpu.memref_slice %arg3[%dma_start3A_186] : memref<16384xi32, #tpu.memory_space<hbm>> -> memref<2048xi32, #tpu.memory_space<hbm>>
    tpu.enqueue_dma source(%dma_start3A_187 : memref<2048xi32, #tpu.memory_space<hbm>>) target(%dma_start3A_185 : memref<2048xi32, #tpu.memory_space<vmem>>) target_semaphore(%arg14 : memref<!tpu.dma_semaphore, #tpu.memory_space<semaphore_mem>>)
    %dma_start3A_188 = arith.constant 1 : i32
    %dma_start3A_189 = arith.constant 0 : i32
    %dma_start3A_190 = tpu.memref_slice %arg8[%dma_start3A_188, %dma_start3A_189] : memref<2x2048xf32, #tpu.memory_space<vmem>> -> memref<1x2048xf32, #tpu.memory_space<vmem>>
    %dma_start3A_191 = tpu.memref_squeeze %dma_start3A_190 : memref<1x2048xf32, #tpu.memory_space<vmem>> -> memref<2048xf32, #tpu.memory_space<vmem>>
    %dma_start3A_192 = arith.constant 6144 : i32
    %dma_start3A_193 = tpu.memref_slice %arg2[%add3A_41, %dma_start3A_192] : memref<64x16384xf32, #tpu.memory_space<hbm>> -> memref<1x2048xf32, #tpu.memory_space<hbm>>
    %dma_start3A_194 = tpu.memref_squeeze %dma_start3A_193 : memref<1x2048xf32, #tpu.memory_space<hbm>> -> memref<2048xf32, #tpu.memory_space<hbm>>
    %dma_start3A_195 = arith.constant 0 : i32
    %dma_start3A_196 = tpu.memref_slice %arg8[%dma_start3A_188, %dma_start3A_195] : memref<2x2048xf32, #tpu.memory_space<vmem>> -> memref<1x2048xf32, #tpu.memory_space<vmem>>
    %dma_start3A_197 = tpu.memref_squeeze %dma_start3A_196 : memref<1x2048xf32, #tpu.memory_space<vmem>> -> memref<2048xf32, #tpu.memory_space<vmem>>
    %dma_start3A_198 = arith.constant 6144 : i32
    %dma_start3A_199 = tpu.memref_slice %arg2[%add3A_41, %dma_start3A_198] : memref<64x16384xf32, #tpu.memory_space<hbm>> -> memref<1x2048xf32, #tpu.memory_space<hbm>>
    %dma_start3A_200 = tpu.memref_squeeze %dma_start3A_199 : memref<1x2048xf32, #tpu.memory_space<hbm>> -> memref<2048xf32, #tpu.memory_space<hbm>>
    tpu.enqueue_dma source(%dma_start3A_200 : memref<2048xf32, #tpu.memory_space<hbm>>) target(%dma_start3A_197 : memref<2048xf32, #tpu.memory_space<vmem>>) target_semaphore(%arg14 : memref<!tpu.dma_semaphore, #tpu.memory_space<semaphore_mem>>)
    %dma_wait3A_201 = arith.constant 0 : i32
    %dma_wait3A_202 = arith.constant 0 : i32
    %dma_wait3A_203 = tpu.memref_slice %arg7[%dma_wait3A_201, %dma_wait3A_202] : memref<2x2048xi32, #tpu.memory_space<vmem>> -> memref<1x2048xi32, #tpu.memory_space<vmem>>
    %dma_wait3A_204 = tpu.memref_squeeze %dma_wait3A_203 : memref<1x2048xi32, #tpu.memory_space<vmem>> -> memref<2048xi32, #tpu.memory_space<vmem>>
    %dma_wait3A_205 = arith.constant 4096 : i32
    %dma_wait3A_206 = tpu.memref_slice %arg3[%dma_wait3A_205] : memref<16384xi32, #tpu.memory_space<hbm>> -> memref<2048xi32, #tpu.memory_space<hbm>>
    %dma_wait3A_207 = arith.constant 0 : i32
    %dma_wait3A_208 = tpu.memref_slice %arg7[%dma_wait3A_201, %dma_wait3A_207] : memref<2x2048xi32, #tpu.memory_space<vmem>> -> memref<1x2048xi32, #tpu.memory_space<vmem>>
    %dma_wait3A_209 = tpu.memref_squeeze %dma_wait3A_208 : memref<1x2048xi32, #tpu.memory_space<vmem>> -> memref<2048xi32, #tpu.memory_space<vmem>>
    %dma_wait3A_210 = arith.constant 4096 : i32
    %dma_wait3A_211 = tpu.memref_slice %arg3[%dma_wait3A_210] : memref<16384xi32, #tpu.memory_space<hbm>> -> memref<2048xi32, #tpu.memory_space<hbm>>
    tpu.wait_dma2 semaphore(%arg13 : memref<!tpu.dma_semaphore, #tpu.memory_space<semaphore_mem>>) src(%dma_wait3A_211 : memref<2048xi32, #tpu.memory_space<hbm>>) dst(%dma_wait3A_209 : memref<2048xi32, #tpu.memory_space<vmem>>)
    %dma_wait3A_212 = arith.constant 0 : i32
    %dma_wait3A_213 = arith.constant 0 : i32
    %dma_wait3A_214 = tpu.memref_slice %arg8[%dma_wait3A_212, %dma_wait3A_213] : memref<2x2048xf32, #tpu.memory_space<vmem>> -> memref<1x2048xf32, #tpu.memory_space<vmem>>
    %dma_wait3A_215 = tpu.memref_squeeze %dma_wait3A_214 : memref<1x2048xf32, #tpu.memory_space<vmem>> -> memref<2048xf32, #tpu.memory_space<vmem>>
    %dma_wait3A_216 = arith.constant 4096 : i32
    %dma_wait3A_217 = tpu.memref_slice %arg2[%add3A_41, %dma_wait3A_216] : memref<64x16384xf32, #tpu.memory_space<hbm>> -> memref<1x2048xf32, #tpu.memory_space<hbm>>
    %dma_wait3A_218 = tpu.memref_squeeze %dma_wait3A_217 : memref<1x2048xf32, #tpu.memory_space<hbm>> -> memref<2048xf32, #tpu.memory_space<hbm>>
    %dma_wait3A_219 = arith.constant 0 : i32
    %dma_wait3A_220 = tpu.memref_slice %arg8[%dma_wait3A_212, %dma_wait3A_219] : memref<2x2048xf32, #tpu.memory_space<vmem>> -> memref<1x2048xf32, #tpu.memory_space<vmem>>
    %dma_wait3A_221 = tpu.memref_squeeze %dma_wait3A_220 : memref<1x2048xf32, #tpu.memory_space<vmem>> -> memref<2048xf32, #tpu.memory_space<vmem>>
    %dma_wait3A_222 = arith.constant 4096 : i32
    %dma_wait3A_223 = tpu.memref_slice %arg2[%add3A_41, %dma_wait3A_222] : memref<64x16384xf32, #tpu.memory_space<hbm>> -> memref<1x2048xf32, #tpu.memory_space<hbm>>
    %dma_wait3A_224 = tpu.memref_squeeze %dma_wait3A_223 : memref<1x2048xf32, #tpu.memory_space<hbm>> -> memref<2048xf32, #tpu.memory_space<hbm>>
    tpu.wait_dma2 semaphore(%arg13 : memref<!tpu.dma_semaphore, #tpu.memory_space<semaphore_mem>>) src(%dma_wait3A_224 : memref<2048xf32, #tpu.memory_space<hbm>>) dst(%dma_wait3A_221 : memref<2048xf32, #tpu.memory_space<vmem>>)
    %parallel_loop3A_225 = arith.constant 0 : i32
    %parallel_loop3A_226 = arith.constant 128 : i32
    %parallel_loop3A_227 = arith.constant 1 : i32
    scf.for %parallel_loop3A_893 = %parallel_loop3A_225 to %parallel_loop3A_226 step %parallel_loop3A_227  : i32 {
      %parallel_loop3A_894 = arith.constant 16 : i32
      %parallel_loop3A_895 = arith.muli %parallel_loop3A_893, %parallel_loop3A_894 : i32
      %parallel_loop3A_896 = arith.constant 0 : i32
      %parallel_loop3A_897 = arith.index_cast %parallel_loop3A_896 : i32 to index
      %parallel_loop3A_898 = arith.index_cast %parallel_loop3A_895 : i32 to index
      %parallel_loop3A_899 = tpu.vector_load %arg7[%parallel_loop3A_897, %parallel_loop3A_898] {strides = array<i32>} : memref<2x2048xi32, #tpu.memory_space<vmem>>, vector<16xi32>,
      %parallel_loop3A_900 = tpu.vector_load_idx %arg6[%parallel_loop3A_899] : memref<100000xf32, #tpu.memory_space<vmem>>[vector<16xi32>], vector<16xf32>,
      %parallel_loop3A_901 = arith.constant 0 : i32
      %parallel_loop3A_902 = arith.index_cast %parallel_loop3A_901 : i32 to index
      %parallel_loop3A_903 = arith.index_cast %parallel_loop3A_895 : i32 to index
      %parallel_loop3A_904 = tpu.vector_load %arg8[%parallel_loop3A_902, %parallel_loop3A_903] {strides = array<i32>} : memref<2x2048xf32, #tpu.memory_space<vmem>>, vector<16xf32>,
      %parallel_loop3A_905 = arith.subf %parallel_loop3A_904, %parallel_loop3A_900 : vector<16xf32>
      %parallel_loop3A_906 = arith.mulf %parallel_loop3A_905, %parallel_loop3A_905 : vector<16xf32>
      %parallel_loop3A_907 = arith.constant 4096 : i32
      %parallel_loop3A_908 = arith.addi %parallel_loop3A_907, %parallel_loop3A_895 : i32
      %parallel_loop3A_909 = arith.constant 7 : i32
      %parallel_loop3A_910 = arith.shrui %parallel_loop3A_908, %parallel_loop3A_909 : i32
      %parallel_loop3A_911 = arith.constant 127 : i32
      %parallel_loop3A_912 = arith.andi %parallel_loop3A_908, %parallel_loop3A_911 : i32
      %parallel_loop3A_913 = arith.index_cast %parallel_loop3A_910 : i32 to index
      %parallel_loop3A_914 = arith.index_cast %parallel_loop3A_912 : i32 to index
      %parallel_loop3A_915 = tpu.vector_load %arg9[%parallel_loop3A_913, %parallel_loop3A_914] {strides = array<i32>} : memref<128x128xf32, #tpu.memory_space<vmem>>, vector<16xf32>,
      tpu.vector_store %arg9[%parallel_loop3A_913, %parallel_loop3A_914], %parallel_loop3A_906 {strides = array<i32>} : memref<128x128xf32, #tpu.memory_space<vmem>>, vector<16xf32>,
    } {sc.loop_unroll_factor = 8 : i64, sc.parallel_access}
    %dma_start3A_228 = arith.constant 0 : i32
    %dma_start3A_229 = arith.constant 0 : i32
    %dma_start3A_230 = tpu.memref_slice %arg7[%dma_start3A_228, %dma_start3A_229] : memref<2x2048xi32, #tpu.memory_space<vmem>> -> memref<1x2048xi32, #tpu.memory_space<vmem>>
    %dma_start3A_231 = tpu.memref_squeeze %dma_start3A_230 : memref<1x2048xi32, #tpu.memory_space<vmem>> -> memref<2048xi32, #tpu.memory_space<vmem>>
    %dma_start3A_232 = arith.constant 8192 : i32
    %dma_start3A_233 = tpu.memref_slice %arg3[%dma_start3A_232] : memref<16384xi32, #tpu.memory_space<hbm>> -> memref<2048xi32, #tpu.memory_space<hbm>>
    %dma_start3A_234 = arith.constant 0 : i32
    %dma_start3A_235 = tpu.memref_slice %arg7[%dma_start3A_228, %dma_start3A_234] : memref<2x2048xi32, #tpu.memory_space<vmem>> -> memref<1x2048xi32, #tpu.memory_space<vmem>>
    %dma_start3A_236 = tpu.memref_squeeze %dma_start3A_235 : memref<1x2048xi32, #tpu.memory_space<vmem>> -> memref<2048xi32, #tpu.memory_space<vmem>>
    %dma_start3A_237 = arith.constant 8192 : i32
    %dma_start3A_238 = tpu.memref_slice %arg3[%dma_start3A_237] : memref<16384xi32, #tpu.memory_space<hbm>> -> memref<2048xi32, #tpu.memory_space<hbm>>
    tpu.enqueue_dma source(%dma_start3A_238 : memref<2048xi32, #tpu.memory_space<hbm>>) target(%dma_start3A_236 : memref<2048xi32, #tpu.memory_space<vmem>>) target_semaphore(%arg13 : memref<!tpu.dma_semaphore, #tpu.memory_space<semaphore_mem>>)
    %dma_start3A_239 = arith.constant 0 : i32
    %dma_start3A_240 = arith.constant 0 : i32
    %dma_start3A_241 = tpu.memref_slice %arg8[%dma_start3A_239, %dma_start3A_240] : memref<2x2048xf32, #tpu.memory_space<vmem>> -> memref<1x2048xf32, #tpu.memory_space<vmem>>
    %dma_start3A_242 = tpu.memref_squeeze %dma_start3A_241 : memref<1x2048xf32, #tpu.memory_space<vmem>> -> memref<2048xf32, #tpu.memory_space<vmem>>
    %dma_start3A_243 = arith.constant 8192 : i32
    %dma_start3A_244 = tpu.memref_slice %arg2[%add3A_41, %dma_start3A_243] : memref<64x16384xf32, #tpu.memory_space<hbm>> -> memref<1x2048xf32, #tpu.memory_space<hbm>>
    %dma_start3A_245 = tpu.memref_squeeze %dma_start3A_244 : memref<1x2048xf32, #tpu.memory_space<hbm>> -> memref<2048xf32, #tpu.memory_space<hbm>>
    %dma_start3A_246 = arith.constant 0 : i32
    %dma_start3A_247 = tpu.memref_slice %arg8[%dma_start3A_239, %dma_start3A_246] : memref<2x2048xf32, #tpu.memory_space<vmem>> -> memref<1x2048xf32, #tpu.memory_space<vmem>>
    %dma_start3A_248 = tpu.memref_squeeze %dma_start3A_247 : memref<1x2048xf32, #tpu.memory_space<vmem>> -> memref<2048xf32, #tpu.memory_space<vmem>>
    %dma_start3A_249 = arith.constant 8192 : i32
    %dma_start3A_250 = tpu.memref_slice %arg2[%add3A_41, %dma_start3A_249] : memref<64x16384xf32, #tpu.memory_space<hbm>> -> memref<1x2048xf32, #tpu.memory_space<hbm>>
    %dma_start3A_251 = tpu.memref_squeeze %dma_start3A_250 : memref<1x2048xf32, #tpu.memory_space<hbm>> -> memref<2048xf32, #tpu.memory_space<hbm>>
    tpu.enqueue_dma source(%dma_start3A_251 : memref<2048xf32, #tpu.memory_space<hbm>>) target(%dma_start3A_248 : memref<2048xf32, #tpu.memory_space<vmem>>) target_semaphore(%arg13 : memref<!tpu.dma_semaphore, #tpu.memory_space<semaphore_mem>>)
    %dma_wait3A_252 = arith.constant 1 : i32
    %dma_wait3A_253 = arith.constant 0 : i32
    %dma_wait3A_254 = tpu.memref_slice %arg7[%dma_wait3A_252, %dma_wait3A_253] : memref<2x2048xi32, #tpu.memory_space<vmem>> -> memref<1x2048xi32, #tpu.memory_space<vmem>>
    %dma_wait3A_255 = tpu.memref_squeeze %dma_wait3A_254 : memref<1x2048xi32, #tpu.memory_space<vmem>> -> memref<2048xi32, #tpu.memory_space<vmem>>
    %dma_wait3A_256 = arith.constant 6144 : i32
    %dma_wait3A_257 = tpu.memref_slice %arg3[%dma_wait3A_256] : memref<16384xi32, #tpu.memory_space<hbm>> -> memref<2048xi32, #tpu.memory_space<hbm>>
    %dma_wait3A_258 = arith.constant 0 : i32
    %dma_wait3A_259 = tpu.memref_slice %arg7[%dma_wait3A_252, %dma_wait3A_258] : memref<2x2048xi32, #tpu.memory_space<vmem>> -> memref<1x2048xi32, #tpu.memory_space<vmem>>
    %dma_wait3A_260 = tpu.memref_squeeze %dma_wait3A_259 : memref<1x2048xi32, #tpu.memory_space<vmem>> -> memref<2048xi32, #tpu.memory_space<vmem>>
    %dma_wait3A_261 = arith.constant 6144 : i32
    %dma_wait3A_262 = tpu.memref_slice %arg3[%dma_wait3A_261] : memref<16384xi32, #tpu.memory_space<hbm>> -> memref<2048xi32, #tpu.memory_space<hbm>>
    tpu.wait_dma2 semaphore(%arg14 : memref<!tpu.dma_semaphore, #tpu.memory_space<semaphore_mem>>) src(%dma_wait3A_262 : memref<2048xi32, #tpu.memory_space<hbm>>) dst(%dma_wait3A_260 : memref<2048xi32, #tpu.memory_space<vmem>>)
    %dma_wait3A_263 = arith.constant 1 : i32
    %dma_wait3A_264 = arith.constant 0 : i32
    %dma_wait3A_265 = tpu.memref_slice %arg8[%dma_wait3A_263, %dma_wait3A_264] : memref<2x2048xf32, #tpu.memory_space<vmem>> -> memref<1x2048xf32, #tpu.memory_space<vmem>>
    %dma_wait3A_266 = tpu.memref_squeeze %dma_wait3A_265 : memref<1x2048xf32, #tpu.memory_space<vmem>> -> memref<2048xf32, #tpu.memory_space<vmem>>
    %dma_wait3A_267 = arith.constant 6144 : i32
    %dma_wait3A_268 = tpu.memref_slice %arg2[%add3A_41, %dma_wait3A_267] : memref<64x16384xf32, #tpu.memory_space<hbm>> -> memref<1x2048xf32, #tpu.memory_space<hbm>>
    %dma_wait3A_269 = tpu.memref_squeeze %dma_wait3A_268 : memref<1x2048xf32, #tpu.memory_space<hbm>> -> memref<2048xf32, #tpu.memory_space<hbm>>
    %dma_wait3A_270 = arith.constant 0 : i32
    %dma_wait3A_271 = tpu.memref_slice %arg8[%dma_wait3A_263, %dma_wait3A_270] : memref<2x2048xf32, #tpu.memory_space<vmem>> -> memref<1x2048xf32, #tpu.memory_space<vmem>>
    %dma_wait3A_272 = tpu.memref_squeeze %dma_wait3A_271 : memref<1x2048xf32, #tpu.memory_space<vmem>> -> memref<2048xf32, #tpu.memory_space<vmem>>
    %dma_wait3A_273 = arith.constant 6144 : i32
    %dma_wait3A_274 = tpu.memref_slice %arg2[%add3A_41, %dma_wait3A_273] : memref<64x16384xf32, #tpu.memory_space<hbm>> -> memref<1x2048xf32, #tpu.memory_space<hbm>>
    %dma_wait3A_275 = tpu.memref_squeeze %dma_wait3A_274 : memref<1x2048xf32, #tpu.memory_space<hbm>> -> memref<2048xf32, #tpu.memory_space<hbm>>
    tpu.wait_dma2 semaphore(%arg14 : memref<!tpu.dma_semaphore, #tpu.memory_space<semaphore_mem>>) src(%dma_wait3A_275 : memref<2048xf32, #tpu.memory_space<hbm>>) dst(%dma_wait3A_272 : memref<2048xf32, #tpu.memory_space<vmem>>)
    %parallel_loop3A_276 = arith.constant 0 : i32
    %parallel_loop3A_277 = arith.constant 128 : i32
    %parallel_loop3A_278 = arith.constant 1 : i32
    scf.for %parallel_loop3A_893 = %parallel_loop3A_276 to %parallel_loop3A_277 step %parallel_loop3A_278  : i32 {
      %parallel_loop3A_894 = arith.constant 16 : i32
      %parallel_loop3A_895 = arith.muli %parallel_loop3A_893, %parallel_loop3A_894 : i32
      %parallel_loop3A_896 = arith.constant 1 : i32
      %parallel_loop3A_897 = arith.index_cast %parallel_loop3A_896 : i32 to index
      %parallel_loop3A_898 = arith.index_cast %parallel_loop3A_895 : i32 to index
      %parallel_loop3A_899 = tpu.vector_load %arg7[%parallel_loop3A_897, %parallel_loop3A_898] {strides = array<i32>} : memref<2x2048xi32, #tpu.memory_space<vmem>>, vector<16xi32>,
      %parallel_loop3A_900 = tpu.vector_load_idx %arg6[%parallel_loop3A_899] : memref<100000xf32, #tpu.memory_space<vmem>>[vector<16xi32>], vector<16xf32>,
      %parallel_loop3A_901 = arith.constant 1 : i32
      %parallel_loop3A_902 = arith.index_cast %parallel_loop3A_901 : i32 to index
      %parallel_loop3A_903 = arith.index_cast %parallel_loop3A_895 : i32 to index
      %parallel_loop3A_904 = tpu.vector_load %arg8[%parallel_loop3A_902, %parallel_loop3A_903] {strides = array<i32>} : memref<2x2048xf32, #tpu.memory_space<vmem>>, vector<16xf32>,
      %parallel_loop3A_905 = arith.subf %parallel_loop3A_904, %parallel_loop3A_900 : vector<16xf32>
      %parallel_loop3A_906 = arith.mulf %parallel_loop3A_905, %parallel_loop3A_905 : vector<16xf32>
      %parallel_loop3A_907 = arith.constant 6144 : i32
      %parallel_loop3A_908 = arith.addi %parallel_loop3A_907, %parallel_loop3A_895 : i32
      %parallel_loop3A_909 = arith.constant 7 : i32
      %parallel_loop3A_910 = arith.shrui %parallel_loop3A_908, %parallel_loop3A_909 : i32
      %parallel_loop3A_911 = arith.constant 127 : i32
      %parallel_loop3A_912 = arith.andi %parallel_loop3A_908, %parallel_loop3A_911 : i32
      %parallel_loop3A_913 = arith.index_cast %parallel_loop3A_910 : i32 to index
      %parallel_loop3A_914 = arith.index_cast %parallel_loop3A_912 : i32 to index
      %parallel_loop3A_915 = tpu.vector_load %arg9[%parallel_loop3A_913, %parallel_loop3A_914] {strides = array<i32>} : memref<128x128xf32, #tpu.memory_space<vmem>>, vector<16xf32>,
      tpu.vector_store %arg9[%parallel_loop3A_913, %parallel_loop3A_914], %parallel_loop3A_906 {strides = array<i32>} : memref<128x128xf32, #tpu.memory_space<vmem>>, vector<16xf32>,
    } {sc.loop_unroll_factor = 8 : i64, sc.parallel_access}
    %dma_start3A_279 = arith.constant 1 : i32
    %dma_start3A_280 = arith.constant 0 : i32
    %dma_start3A_281 = tpu.memref_slice %arg7[%dma_start3A_279, %dma_start3A_280] : memref<2x2048xi32, #tpu.memory_space<vmem>> -> memref<1x2048xi32, #tpu.memory_space<vmem>>
    %dma_start3A_282 = tpu.memref_squeeze %dma_start3A_281 : memref<1x2048xi32, #tpu.memory_space<vmem>> -> memref<2048xi32, #tpu.memory_space<vmem>>
    %dma_start3A_283 = arith.constant 10240 : i32
    %dma_start3A_284 = tpu.memref_slice %arg3[%dma_start3A_283] : memref<16384xi32, #tpu.memory_space<hbm>> -> memref<2048xi32, #tpu.memory_space<hbm>>
    %dma_start3A_285 = arith.constant 0 : i32
    %dma_start3A_286 = tpu.memref_slice %arg7[%dma_start3A_279, %dma_start3A_285] : memref<2x2048xi32, #tpu.memory_space<vmem>> -> memref<1x2048xi32, #tpu.memory_space<vmem>>
    %dma_start3A_287 = tpu.memref_squeeze %dma_start3A_286 : memref<1x2048xi32, #tpu.memory_space<vmem>> -> memref<2048xi32, #tpu.memory_space<vmem>>
    %dma_start3A_288 = arith.constant 10240 : i32
    %dma_start3A_289 = tpu.memref_slice %arg3[%dma_start3A_288] : memref<16384xi32, #tpu.memory_space<hbm>> -> memref<2048xi32, #tpu.memory_space<hbm>>
    tpu.enqueue_dma source(%dma_start3A_289 : memref<2048xi32, #tpu.memory_space<hbm>>) target(%dma_start3A_287 : memref<2048xi32, #tpu.memory_space<vmem>>) target_semaphore(%arg14 : memref<!tpu.dma_semaphore, #tpu.memory_space<semaphore_mem>>)
    %dma_start3A_290 = arith.constant 1 : i32
    %dma_start3A_291 = arith.constant 0 : i32
    %dma_start3A_292 = tpu.memref_slice %arg8[%dma_start3A_290, %dma_start3A_291] : memref<2x2048xf32, #tpu.memory_space<vmem>> -> memref<1x2048xf32, #tpu.memory_space<vmem>>
    %dma_start3A_293 = tpu.memref_squeeze %dma_start3A_292 : memref<1x2048xf32, #tpu.memory_space<vmem>> -> memref<2048xf32, #tpu.memory_space<vmem>>
    %dma_start3A_294 = arith.constant 10240 : i32
    %dma_start3A_295 = tpu.memref_slice %arg2[%add3A_41, %dma_start3A_294] : memref<64x16384xf32, #tpu.memory_space<hbm>> -> memref<1x2048xf32, #tpu.memory_space<hbm>>
    %dma_start3A_296 = tpu.memref_squeeze %dma_start3A_295 : memref<1x2048xf32, #tpu.memory_space<hbm>> -> memref<2048xf32, #tpu.memory_space<hbm>>
    %dma_start3A_297 = arith.constant 0 : i32
    %dma_start3A_298 = tpu.memref_slice %arg8[%dma_start3A_290, %dma_start3A_297] : memref<2x2048xf32, #tpu.memory_space<vmem>> -> memref<1x2048xf32, #tpu.memory_space<vmem>>
    %dma_start3A_299 = tpu.memref_squeeze %dma_start3A_298 : memref<1x2048xf32, #tpu.memory_space<vmem>> -> memref<2048xf32, #tpu.memory_space<vmem>>
    %dma_start3A_300 = arith.constant 10240 : i32
    %dma_start3A_301 = tpu.memref_slice %arg2[%add3A_41, %dma_start3A_300] : memref<64x16384xf32, #tpu.memory_space<hbm>> -> memref<1x2048xf32, #tpu.memory_space<hbm>>
    %dma_start3A_302 = tpu.memref_squeeze %dma_start3A_301 : memref<1x2048xf32, #tpu.memory_space<hbm>> -> memref<2048xf32, #tpu.memory_space<hbm>>
    tpu.enqueue_dma source(%dma_start3A_302 : memref<2048xf32, #tpu.memory_space<hbm>>) target(%dma_start3A_299 : memref<2048xf32, #tpu.memory_space<vmem>>) target_semaphore(%arg14 : memref<!tpu.dma_semaphore, #tpu.memory_space<semaphore_mem>>)
    %dma_wait3A_303 = arith.constant 0 : i32
    %dma_wait3A_304 = arith.constant 0 : i32
    %dma_wait3A_305 = tpu.memref_slice %arg7[%dma_wait3A_303, %dma_wait3A_304] : memref<2x2048xi32, #tpu.memory_space<vmem>> -> memref<1x2048xi32, #tpu.memory_space<vmem>>
    %dma_wait3A_306 = tpu.memref_squeeze %dma_wait3A_305 : memref<1x2048xi32, #tpu.memory_space<vmem>> -> memref<2048xi32, #tpu.memory_space<vmem>>
    %dma_wait3A_307 = arith.constant 8192 : i32
    %dma_wait3A_308 = tpu.memref_slice %arg3[%dma_wait3A_307] : memref<16384xi32, #tpu.memory_space<hbm>> -> memref<2048xi32, #tpu.memory_space<hbm>>
    %dma_wait3A_309 = arith.constant 0 : i32
    %dma_wait3A_310 = tpu.memref_slice %arg7[%dma_wait3A_303, %dma_wait3A_309] : memref<2x2048xi32, #tpu.memory_space<vmem>> -> memref<1x2048xi32, #tpu.memory_space<vmem>>
    %dma_wait3A_311 = tpu.memref_squeeze %dma_wait3A_310 : memref<1x2048xi32, #tpu.memory_space<vmem>> -> memref<2048xi32, #tpu.memory_space<vmem>>
    %dma_wait3A_312 = arith.constant 8192 : i32
    %dma_wait3A_313 = tpu.memref_slice %arg3[%dma_wait3A_312] : memref<16384xi32, #tpu.memory_space<hbm>> -> memref<2048xi32, #tpu.memory_space<hbm>>
    tpu.wait_dma2 semaphore(%arg13 : memref<!tpu.dma_semaphore, #tpu.memory_space<semaphore_mem>>) src(%dma_wait3A_313 : memref<2048xi32, #tpu.memory_space<hbm>>) dst(%dma_wait3A_311 : memref<2048xi32, #tpu.memory_space<vmem>>)
    %dma_wait3A_314 = arith.constant 0 : i32
    %dma_wait3A_315 = arith.constant 0 : i32
    %dma_wait3A_316 = tpu.memref_slice %arg8[%dma_wait3A_314, %dma_wait3A_315] : memref<2x2048xf32, #tpu.memory_space<vmem>> -> memref<1x2048xf32, #tpu.memory_space<vmem>>
    %dma_wait3A_317 = tpu.memref_squeeze %dma_wait3A_316 : memref<1x2048xf32, #tpu.memory_space<vmem>> -> memref<2048xf32, #tpu.memory_space<vmem>>
    %dma_wait3A_318 = arith.constant 8192 : i32
    %dma_wait3A_319 = tpu.memref_slice %arg2[%add3A_41, %dma_wait3A_318] : memref<64x16384xf32, #tpu.memory_space<hbm>> -> memref<1x2048xf32, #tpu.memory_space<hbm>>
    %dma_wait3A_320 = tpu.memref_squeeze %dma_wait3A_319 : memref<1x2048xf32, #tpu.memory_space<hbm>> -> memref<2048xf32, #tpu.memory_space<hbm>>
    %dma_wait3A_321 = arith.constant 0 : i32
    %dma_wait3A_322 = tpu.memref_slice %arg8[%dma_wait3A_314, %dma_wait3A_321] : memref<2x2048xf32, #tpu.memory_space<vmem>> -> memref<1x2048xf32, #tpu.memory_space<vmem>>
    %dma_wait3A_323 = tpu.memref_squeeze %dma_wait3A_322 : memref<1x2048xf32, #tpu.memory_space<vmem>> -> memref<2048xf32, #tpu.memory_space<vmem>>
    %dma_wait3A_324 = arith.constant 8192 : i32
    %dma_wait3A_325 = tpu.memref_slice %arg2[%add3A_41, %dma_wait3A_324] : memref<64x16384xf32, #tpu.memory_space<hbm>> -> memref<1x2048xf32, #tpu.memory_space<hbm>>
    %dma_wait3A_326 = tpu.memref_squeeze %dma_wait3A_325 : memref<1x2048xf32, #tpu.memory_space<hbm>> -> memref<2048xf32, #tpu.memory_space<hbm>>
    tpu.wait_dma2 semaphore(%arg13 : memref<!tpu.dma_semaphore, #tpu.memory_space<semaphore_mem>>) src(%dma_wait3A_326 : memref<2048xf32, #tpu.memory_space<hbm>>) dst(%dma_wait3A_323 : memref<2048xf32, #tpu.memory_space<vmem>>)
    %parallel_loop3A_327 = arith.constant 0 : i32
    %parallel_loop3A_328 = arith.constant 128 : i32
    %parallel_loop3A_329 = arith.constant 1 : i32
    scf.for %parallel_loop3A_893 = %parallel_loop3A_327 to %parallel_loop3A_328 step %parallel_loop3A_329  : i32 {
      %parallel_loop3A_894 = arith.constant 16 : i32
      %parallel_loop3A_895 = arith.muli %parallel_loop3A_893, %parallel_loop3A_894 : i32
      %parallel_loop3A_896 = arith.constant 0 : i32
      %parallel_loop3A_897 = arith.index_cast %parallel_loop3A_896 : i32 to index
      %parallel_loop3A_898 = arith.index_cast %parallel_loop3A_895 : i32 to index
      %parallel_loop3A_899 = tpu.vector_load %arg7[%parallel_loop3A_897, %parallel_loop3A_898] {strides = array<i32>} : memref<2x2048xi32, #tpu.memory_space<vmem>>, vector<16xi32>,
      %parallel_loop3A_900 = tpu.vector_load_idx %arg6[%parallel_loop3A_899] : memref<100000xf32, #tpu.memory_space<vmem>>[vector<16xi32>], vector<16xf32>,
      %parallel_loop3A_901 = arith.constant 0 : i32
      %parallel_loop3A_902 = arith.index_cast %parallel_loop3A_901 : i32 to index
      %parallel_loop3A_903 = arith.index_cast %parallel_loop3A_895 : i32 to index
      %parallel_loop3A_904 = tpu.vector_load %arg8[%parallel_loop3A_902, %parallel_loop3A_903] {strides = array<i32>} : memref<2x2048xf32, #tpu.memory_space<vmem>>, vector<16xf32>,
      %parallel_loop3A_905 = arith.subf %parallel_loop3A_904, %parallel_loop3A_900 : vector<16xf32>
      %parallel_loop3A_906 = arith.mulf %parallel_loop3A_905, %parallel_loop3A_905 : vector<16xf32>
      %parallel_loop3A_907 = arith.constant 8192 : i32
      %parallel_loop3A_908 = arith.addi %parallel_loop3A_907, %parallel_loop3A_895 : i32
      %parallel_loop3A_909 = arith.constant 7 : i32
      %parallel_loop3A_910 = arith.shrui %parallel_loop3A_908, %parallel_loop3A_909 : i32
      %parallel_loop3A_911 = arith.constant 127 : i32
      %parallel_loop3A_912 = arith.andi %parallel_loop3A_908, %parallel_loop3A_911 : i32
      %parallel_loop3A_913 = arith.index_cast %parallel_loop3A_910 : i32 to index
      %parallel_loop3A_914 = arith.index_cast %parallel_loop3A_912 : i32 to index
      %parallel_loop3A_915 = tpu.vector_load %arg9[%parallel_loop3A_913, %parallel_loop3A_914] {strides = array<i32>} : memref<128x128xf32, #tpu.memory_space<vmem>>, vector<16xf32>,
      tpu.vector_store %arg9[%parallel_loop3A_913, %parallel_loop3A_914], %parallel_loop3A_906 {strides = array<i32>} : memref<128x128xf32, #tpu.memory_space<vmem>>, vector<16xf32>,
    } {sc.loop_unroll_factor = 8 : i64, sc.parallel_access}
    %dma_start3A_330 = arith.constant 0 : i32
    %dma_start3A_331 = arith.constant 0 : i32
    %dma_start3A_332 = tpu.memref_slice %arg7[%dma_start3A_330, %dma_start3A_331] : memref<2x2048xi32, #tpu.memory_space<vmem>> -> memref<1x2048xi32, #tpu.memory_space<vmem>>
    %dma_start3A_333 = tpu.memref_squeeze %dma_start3A_332 : memref<1x2048xi32, #tpu.memory_space<vmem>> -> memref<2048xi32, #tpu.memory_space<vmem>>
    %dma_start3A_334 = arith.constant 12288 : i32
    %dma_start3A_335 = tpu.memref_slice %arg3[%dma_start3A_334] : memref<16384xi32, #tpu.memory_space<hbm>> -> memref<2048xi32, #tpu.memory_space<hbm>>
    %dma_start3A_336 = arith.constant 0 : i32
    %dma_start3A_337 = tpu.memref_slice %arg7[%dma_start3A_330, %dma_start3A_336] : memref<2x2048xi32, #tpu.memory_space<vmem>> -> memref<1x2048xi32, #tpu.memory_space<vmem>>
    %dma_start3A_338 = tpu.memref_squeeze %dma_start3A_337 : memref<1x2048xi32, #tpu.memory_space<vmem>> -> memref<2048xi32, #tpu.memory_space<vmem>>
    %dma_start3A_339 = arith.constant 12288 : i32
    %dma_start3A_340 = tpu.memref_slice %arg3[%dma_start3A_339] : memref<16384xi32, #tpu.memory_space<hbm>> -> memref<2048xi32, #tpu.memory_space<hbm>>
    tpu.enqueue_dma source(%dma_start3A_340 : memref<2048xi32, #tpu.memory_space<hbm>>) target(%dma_start3A_338 : memref<2048xi32, #tpu.memory_space<vmem>>) target_semaphore(%arg13 : memref<!tpu.dma_semaphore, #tpu.memory_space<semaphore_mem>>)
    %dma_start3A_341 = arith.constant 0 : i32
    %dma_start3A_342 = arith.constant 0 : i32
    %dma_start3A_343 = tpu.memref_slice %arg8[%dma_start3A_341, %dma_start3A_342] : memref<2x2048xf32, #tpu.memory_space<vmem>> -> memref<1x2048xf32, #tpu.memory_space<vmem>>
    %dma_start3A_344 = tpu.memref_squeeze %dma_start3A_343 : memref<1x2048xf32, #tpu.memory_space<vmem>> -> memref<2048xf32, #tpu.memory_space<vmem>>
    %dma_start3A_345 = arith.constant 12288 : i32
    %dma_start3A_346 = tpu.memref_slice %arg2[%add3A_41, %dma_start3A_345] : memref<64x16384xf32, #tpu.memory_space<hbm>> -> memref<1x2048xf32, #tpu.memory_space<hbm>>
    %dma_start3A_347 = tpu.memref_squeeze %dma_start3A_346 : memref<1x2048xf32, #tpu.memory_space<hbm>> -> memref<2048xf32, #tpu.memory_space<hbm>>
    %dma_start3A_348 = arith.constant 0 : i32
    %dma_start3A_349 = tpu.memref_slice %arg8[%dma_start3A_341, %dma_start3A_348] : memref<2x2048xf32, #tpu.memory_space<vmem>> -> memref<1x2048xf32, #tpu.memory_space<vmem>>
    %dma_start3A_350 = tpu.memref_squeeze %dma_start3A_349 : memref<1x2048xf32, #tpu.memory_space<vmem>> -> memref<2048xf32, #tpu.memory_space<vmem>>
    %dma_start3A_351 = arith.constant 12288 : i32
    %dma_start3A_352 = tpu.memref_slice %arg2[%add3A_41, %dma_start3A_351] : memref<64x16384xf32, #tpu.memory_space<hbm>> -> memref<1x2048xf32, #tpu.memory_space<hbm>>
    %dma_start3A_353 = tpu.memref_squeeze %dma_start3A_352 : memref<1x2048xf32, #tpu.memory_space<hbm>> -> memref<2048xf32, #tpu.memory_space<hbm>>
    tpu.enqueue_dma source(%dma_start3A_353 : memref<2048xf32, #tpu.memory_space<hbm>>) target(%dma_start3A_350 : memref<2048xf32, #tpu.memory_space<vmem>>) target_semaphore(%arg13 : memref<!tpu.dma_semaphore, #tpu.memory_space<semaphore_mem>>)
    %dma_wait3A_354 = arith.constant 1 : i32
    %dma_wait3A_355 = arith.constant 0 : i32
    %dma_wait3A_356 = tpu.memref_slice %arg7[%dma_wait3A_354, %dma_wait3A_355] : memref<2x2048xi32, #tpu.memory_space<vmem>> -> memref<1x2048xi32, #tpu.memory_space<vmem>>
    %dma_wait3A_357 = tpu.memref_squeeze %dma_wait3A_356 : memref<1x2048xi32, #tpu.memory_space<vmem>> -> memref<2048xi32, #tpu.memory_space<vmem>>
    %dma_wait3A_358 = arith.constant 10240 : i32
    %dma_wait3A_359 = tpu.memref_slice %arg3[%dma_wait3A_358] : memref<16384xi32, #tpu.memory_space<hbm>> -> memref<2048xi32, #tpu.memory_space<hbm>>
    %dma_wait3A_360 = arith.constant 0 : i32
    %dma_wait3A_361 = tpu.memref_slice %arg7[%dma_wait3A_354, %dma_wait3A_360] : memref<2x2048xi32, #tpu.memory_space<vmem>> -> memref<1x2048xi32, #tpu.memory_space<vmem>>
    %dma_wait3A_362 = tpu.memref_squeeze %dma_wait3A_361 : memref<1x2048xi32, #tpu.memory_space<vmem>> -> memref<2048xi32, #tpu.memory_space<vmem>>
    %dma_wait3A_363 = arith.constant 10240 : i32
    %dma_wait3A_364 = tpu.memref_slice %arg3[%dma_wait3A_363] : memref<16384xi32, #tpu.memory_space<hbm>> -> memref<2048xi32, #tpu.memory_space<hbm>>
    tpu.wait_dma2 semaphore(%arg14 : memref<!tpu.dma_semaphore, #tpu.memory_space<semaphore_mem>>) src(%dma_wait3A_364 : memref<2048xi32, #tpu.memory_space<hbm>>) dst(%dma_wait3A_362 : memref<2048xi32, #tpu.memory_space<vmem>>)
    %dma_wait3A_365 = arith.constant 1 : i32
    %dma_wait3A_366 = arith.constant 0 : i32
    %dma_wait3A_367 = tpu.memref_slice %arg8[%dma_wait3A_365, %dma_wait3A_366] : memref<2x2048xf32, #tpu.memory_space<vmem>> -> memref<1x2048xf32, #tpu.memory_space<vmem>>
    %dma_wait3A_368 = tpu.memref_squeeze %dma_wait3A_367 : memref<1x2048xf32, #tpu.memory_space<vmem>> -> memref<2048xf32, #tpu.memory_space<vmem>>
    %dma_wait3A_369 = arith.constant 10240 : i32
    %dma_wait3A_370 = tpu.memref_slice %arg2[%add3A_41, %dma_wait3A_369] : memref<64x16384xf32, #tpu.memory_space<hbm>> -> memref<1x2048xf32, #tpu.memory_space<hbm>>
    %dma_wait3A_371 = tpu.memref_squeeze %dma_wait3A_370 : memref<1x2048xf32, #tpu.memory_space<hbm>> -> memref<2048xf32, #tpu.memory_space<hbm>>
    %dma_wait3A_372 = arith.constant 0 : i32
    %dma_wait3A_373 = tpu.memref_slice %arg8[%dma_wait3A_365, %dma_wait3A_372] : memref<2x2048xf32, #tpu.memory_space<vmem>> -> memref<1x2048xf32, #tpu.memory_space<vmem>>
    %dma_wait3A_374 = tpu.memref_squeeze %dma_wait3A_373 : memref<1x2048xf32, #tpu.memory_space<vmem>> -> memref<2048xf32, #tpu.memory_space<vmem>>
    %dma_wait3A_375 = arith.constant 10240 : i32
    %dma_wait3A_376 = tpu.memref_slice %arg2[%add3A_41, %dma_wait3A_375] : memref<64x16384xf32, #tpu.memory_space<hbm>> -> memref<1x2048xf32, #tpu.memory_space<hbm>>
    %dma_wait3A_377 = tpu.memref_squeeze %dma_wait3A_376 : memref<1x2048xf32, #tpu.memory_space<hbm>> -> memref<2048xf32, #tpu.memory_space<hbm>>
    tpu.wait_dma2 semaphore(%arg14 : memref<!tpu.dma_semaphore, #tpu.memory_space<semaphore_mem>>) src(%dma_wait3A_377 : memref<2048xf32, #tpu.memory_space<hbm>>) dst(%dma_wait3A_374 : memref<2048xf32, #tpu.memory_space<vmem>>)
    %parallel_loop3A_378 = arith.constant 0 : i32
    %parallel_loop3A_379 = arith.constant 128 : i32
    %parallel_loop3A_380 = arith.constant 1 : i32
    scf.for %parallel_loop3A_893 = %parallel_loop3A_378 to %parallel_loop3A_379 step %parallel_loop3A_380  : i32 {
      %parallel_loop3A_894 = arith.constant 16 : i32
      %parallel_loop3A_895 = arith.muli %parallel_loop3A_893, %parallel_loop3A_894 : i32
      %parallel_loop3A_896 = arith.constant 1 : i32
      %parallel_loop3A_897 = arith.index_cast %parallel_loop3A_896 : i32 to index
      %parallel_loop3A_898 = arith.index_cast %parallel_loop3A_895 : i32 to index
      %parallel_loop3A_899 = tpu.vector_load %arg7[%parallel_loop3A_897, %parallel_loop3A_898] {strides = array<i32>} : memref<2x2048xi32, #tpu.memory_space<vmem>>, vector<16xi32>,
      %parallel_loop3A_900 = tpu.vector_load_idx %arg6[%parallel_loop3A_899] : memref<100000xf32, #tpu.memory_space<vmem>>[vector<16xi32>], vector<16xf32>,
      %parallel_loop3A_901 = arith.constant 1 : i32
      %parallel_loop3A_902 = arith.index_cast %parallel_loop3A_901 : i32 to index
      %parallel_loop3A_903 = arith.index_cast %parallel_loop3A_895 : i32 to index
      %parallel_loop3A_904 = tpu.vector_load %arg8[%parallel_loop3A_902, %parallel_loop3A_903] {strides = array<i32>} : memref<2x2048xf32, #tpu.memory_space<vmem>>, vector<16xf32>,
      %parallel_loop3A_905 = arith.subf %parallel_loop3A_904, %parallel_loop3A_900 : vector<16xf32>
      %parallel_loop3A_906 = arith.mulf %parallel_loop3A_905, %parallel_loop3A_905 : vector<16xf32>
      %parallel_loop3A_907 = arith.constant 10240 : i32
      %parallel_loop3A_908 = arith.addi %parallel_loop3A_907, %parallel_loop3A_895 : i32
      %parallel_loop3A_909 = arith.constant 7 : i32
      %parallel_loop3A_910 = arith.shrui %parallel_loop3A_908, %parallel_loop3A_909 : i32
      %parallel_loop3A_911 = arith.constant 127 : i32
      %parallel_loop3A_912 = arith.andi %parallel_loop3A_908, %parallel_loop3A_911 : i32
      %parallel_loop3A_913 = arith.index_cast %parallel_loop3A_910 : i32 to index
      %parallel_loop3A_914 = arith.index_cast %parallel_loop3A_912 : i32 to index
      %parallel_loop3A_915 = tpu.vector_load %arg9[%parallel_loop3A_913, %parallel_loop3A_914] {strides = array<i32>} : memref<128x128xf32, #tpu.memory_space<vmem>>, vector<16xf32>,
      tpu.vector_store %arg9[%parallel_loop3A_913, %parallel_loop3A_914], %parallel_loop3A_906 {strides = array<i32>} : memref<128x128xf32, #tpu.memory_space<vmem>>, vector<16xf32>,
    } {sc.loop_unroll_factor = 8 : i64, sc.parallel_access}
    %dma_start3A_381 = arith.constant 1 : i32
    %dma_start3A_382 = arith.constant 0 : i32
    %dma_start3A_383 = tpu.memref_slice %arg7[%dma_start3A_381, %dma_start3A_382] : memref<2x2048xi32, #tpu.memory_space<vmem>> -> memref<1x2048xi32, #tpu.memory_space<vmem>>
    %dma_start3A_384 = tpu.memref_squeeze %dma_start3A_383 : memref<1x2048xi32, #tpu.memory_space<vmem>> -> memref<2048xi32, #tpu.memory_space<vmem>>
    %dma_start3A_385 = arith.constant 14336 : i32
    %dma_start3A_386 = tpu.memref_slice %arg3[%dma_start3A_385] : memref<16384xi32, #tpu.memory_space<hbm>> -> memref<2048xi32, #tpu.memory_space<hbm>>
    %dma_start3A_387 = arith.constant 0 : i32
    %dma_start3A_388 = tpu.memref_slice %arg7[%dma_start3A_381, %dma_start3A_387] : memref<2x2048xi32, #tpu.memory_space<vmem>> -> memref<1x2048xi32, #tpu.memory_space<vmem>>
    %dma_start3A_389 = tpu.memref_squeeze %dma_start3A_388 : memref<1x2048xi32, #tpu.memory_space<vmem>> -> memref<2048xi32, #tpu.memory_space<vmem>>
    %dma_start3A_390 = arith.constant 14336 : i32
    %dma_start3A_391 = tpu.memref_slice %arg3[%dma_start3A_390] : memref<16384xi32, #tpu.memory_space<hbm>> -> memref<2048xi32, #tpu.memory_space<hbm>>
    tpu.enqueue_dma source(%dma_start3A_391 : memref<2048xi32, #tpu.memory_space<hbm>>) target(%dma_start3A_389 : memref<2048xi32, #tpu.memory_space<vmem>>) target_semaphore(%arg14 : memref<!tpu.dma_semaphore, #tpu.memory_space<semaphore_mem>>)
    %dma_start3A_392 = arith.constant 1 : i32
    %dma_start3A_393 = arith.constant 0 : i32
    %dma_start3A_394 = tpu.memref_slice %arg8[%dma_start3A_392, %dma_start3A_393] : memref<2x2048xf32, #tpu.memory_space<vmem>> -> memref<1x2048xf32, #tpu.memory_space<vmem>>
    %dma_start3A_395 = tpu.memref_squeeze %dma_start3A_394 : memref<1x2048xf32, #tpu.memory_space<vmem>> -> memref<2048xf32, #tpu.memory_space<vmem>>
    %dma_start3A_396 = arith.constant 14336 : i32
    %dma_start3A_397 = tpu.memref_slice %arg2[%add3A_41, %dma_start3A_396] : memref<64x16384xf32, #tpu.memory_space<hbm>> -> memref<1x2048xf32, #tpu.memory_space<hbm>>
    %dma_start3A_398 = tpu.memref_squeeze %dma_start3A_397 : memref<1x2048xf32, #tpu.memory_space<hbm>> -> memref<2048xf32, #tpu.memory_space<hbm>>
    %dma_start3A_399 = arith.constant 0 : i32
    %dma_start3A_400 = tpu.memref_slice %arg8[%dma_start3A_392, %dma_start3A_399] : memref<2x2048xf32, #tpu.memory_space<vmem>> -> memref<1x2048xf32, #tpu.memory_space<vmem>>
    %dma_start3A_401 = tpu.memref_squeeze %dma_start3A_400 : memref<1x2048xf32, #tpu.memory_space<vmem>> -> memref<2048xf32, #tpu.memory_space<vmem>>
    %dma_start3A_402 = arith.constant 14336 : i32
    %dma_start3A_403 = tpu.memref_slice %arg2[%add3A_41, %dma_start3A_402] : memref<64x16384xf32, #tpu.memory_space<hbm>> -> memref<1x2048xf32, #tpu.memory_space<hbm>>
    %dma_start3A_404 = tpu.memref_squeeze %dma_start3A_403 : memref<1x2048xf32, #tpu.memory_space<hbm>> -> memref<2048xf32, #tpu.memory_space<hbm>>
    tpu.enqueue_dma source(%dma_start3A_404 : memref<2048xf32, #tpu.memory_space<hbm>>) target(%dma_start3A_401 : memref<2048xf32, #tpu.memory_space<vmem>>) target_semaphore(%arg14 : memref<!tpu.dma_semaphore, #tpu.memory_space<semaphore_mem>>)
    %dma_wait3A_405 = arith.constant 0 : i32
    %dma_wait3A_406 = arith.constant 0 : i32
    %dma_wait3A_407 = tpu.memref_slice %arg7[%dma_wait3A_405, %dma_wait3A_406] : memref<2x2048xi32, #tpu.memory_space<vmem>> -> memref<1x2048xi32, #tpu.memory_space<vmem>>
    %dma_wait3A_408 = tpu.memref_squeeze %dma_wait3A_407 : memref<1x2048xi32, #tpu.memory_space<vmem>> -> memref<2048xi32, #tpu.memory_space<vmem>>
    %dma_wait3A_409 = arith.constant 12288 : i32
    %dma_wait3A_410 = tpu.memref_slice %arg3[%dma_wait3A_409] : memref<16384xi32, #tpu.memory_space<hbm>> -> memref<2048xi32, #tpu.memory_space<hbm>>
    %dma_wait3A_411 = arith.constant 0 : i32
    %dma_wait3A_412 = tpu.memref_slice %arg7[%dma_wait3A_405, %dma_wait3A_411] : memref<2x2048xi32, #tpu.memory_space<vmem>> -> memref<1x2048xi32, #tpu.memory_space<vmem>>
    %dma_wait3A_413 = tpu.memref_squeeze %dma_wait3A_412 : memref<1x2048xi32, #tpu.memory_space<vmem>> -> memref<2048xi32, #tpu.memory_space<vmem>>
    %dma_wait3A_414 = arith.constant 12288 : i32
    %dma_wait3A_415 = tpu.memref_slice %arg3[%dma_wait3A_414] : memref<16384xi32, #tpu.memory_space<hbm>> -> memref<2048xi32, #tpu.memory_space<hbm>>
    tpu.wait_dma2 semaphore(%arg13 : memref<!tpu.dma_semaphore, #tpu.memory_space<semaphore_mem>>) src(%dma_wait3A_415 : memref<2048xi32, #tpu.memory_space<hbm>>) dst(%dma_wait3A_413 : memref<2048xi32, #tpu.memory_space<vmem>>)
    %dma_wait3A_416 = arith.constant 0 : i32
    %dma_wait3A_417 = arith.constant 0 : i32
    %dma_wait3A_418 = tpu.memref_slice %arg8[%dma_wait3A_416, %dma_wait3A_417] : memref<2x2048xf32, #tpu.memory_space<vmem>> -> memref<1x2048xf32, #tpu.memory_space<vmem>>
    %dma_wait3A_419 = tpu.memref_squeeze %dma_wait3A_418 : memref<1x2048xf32, #tpu.memory_space<vmem>> -> memref<2048xf32, #tpu.memory_space<vmem>>
    %dma_wait3A_420 = arith.constant 12288 : i32
    %dma_wait3A_421 = tpu.memref_slice %arg2[%add3A_41, %dma_wait3A_420] : memref<64x16384xf32, #tpu.memory_space<hbm>> -> memref<1x2048xf32, #tpu.memory_space<hbm>>
    %dma_wait3A_422 = tpu.memref_squeeze %dma_wait3A_421 : memref<1x2048xf32, #tpu.memory_space<hbm>> -> memref<2048xf32, #tpu.memory_space<hbm>>
    %dma_wait3A_423 = arith.constant 0 : i32
    %dma_wait3A_424 = tpu.memref_slice %arg8[%dma_wait3A_416, %dma_wait3A_423] : memref<2x2048xf32, #tpu.memory_space<vmem>> -> memref<1x2048xf32, #tpu.memory_space<vmem>>
    %dma_wait3A_425 = tpu.memref_squeeze %dma_wait3A_424 : memref<1x2048xf32, #tpu.memory_space<vmem>> -> memref<2048xf32, #tpu.memory_space<vmem>>
    %dma_wait3A_426 = arith.constant 12288 : i32
    %dma_wait3A_427 = tpu.memref_slice %arg2[%add3A_41, %dma_wait3A_426] : memref<64x16384xf32, #tpu.memory_space<hbm>> -> memref<1x2048xf32, #tpu.memory_space<hbm>>
    %dma_wait3A_428 = tpu.memref_squeeze %dma_wait3A_427 : memref<1x2048xf32, #tpu.memory_space<hbm>> -> memref<2048xf32, #tpu.memory_space<hbm>>
    tpu.wait_dma2 semaphore(%arg13 : memref<!tpu.dma_semaphore, #tpu.memory_space<semaphore_mem>>) src(%dma_wait3A_428 : memref<2048xf32, #tpu.memory_space<hbm>>) dst(%dma_wait3A_425 : memref<2048xf32, #tpu.memory_space<vmem>>)
    %parallel_loop3A_429 = arith.constant 0 : i32
    %parallel_loop3A_430 = arith.constant 128 : i32
    %parallel_loop3A_431 = arith.constant 1 : i32
    scf.for %parallel_loop3A_893 = %parallel_loop3A_429 to %parallel_loop3A_430 step %parallel_loop3A_431  : i32 {
      %parallel_loop3A_894 = arith.constant 16 : i32
      %parallel_loop3A_895 = arith.muli %parallel_loop3A_893, %parallel_loop3A_894 : i32
      %parallel_loop3A_896 = arith.constant 0 : i32
      %parallel_loop3A_897 = arith.index_cast %parallel_loop3A_896 : i32 to index
      %parallel_loop3A_898 = arith.index_cast %parallel_loop3A_895 : i32 to index
      %parallel_loop3A_899 = tpu.vector_load %arg7[%parallel_loop3A_897, %parallel_loop3A_898] {strides = array<i32>} : memref<2x2048xi32, #tpu.memory_space<vmem>>, vector<16xi32>,
      %parallel_loop3A_900 = tpu.vector_load_idx %arg6[%parallel_loop3A_899] : memref<100000xf32, #tpu.memory_space<vmem>>[vector<16xi32>], vector<16xf32>,
      %parallel_loop3A_901 = arith.constant 0 : i32
      %parallel_loop3A_902 = arith.index_cast %parallel_loop3A_901 : i32 to index
      %parallel_loop3A_903 = arith.index_cast %parallel_loop3A_895 : i32 to index
      %parallel_loop3A_904 = tpu.vector_load %arg8[%parallel_loop3A_902, %parallel_loop3A_903] {strides = array<i32>} : memref<2x2048xf32, #tpu.memory_space<vmem>>, vector<16xf32>,
      %parallel_loop3A_905 = arith.subf %parallel_loop3A_904, %parallel_loop3A_900 : vector<16xf32>
      %parallel_loop3A_906 = arith.mulf %parallel_loop3A_905, %parallel_loop3A_905 : vector<16xf32>
      %parallel_loop3A_907 = arith.constant 12288 : i32
      %parallel_loop3A_908 = arith.addi %parallel_loop3A_907, %parallel_loop3A_895 : i32
      %parallel_loop3A_909 = arith.constant 7 : i32
      %parallel_loop3A_910 = arith.shrui %parallel_loop3A_908, %parallel_loop3A_909 : i32
      %parallel_loop3A_911 = arith.constant 127 : i32
      %parallel_loop3A_912 = arith.andi %parallel_loop3A_908, %parallel_loop3A_911 : i32
      %parallel_loop3A_913 = arith.index_cast %parallel_loop3A_910 : i32 to index
      %parallel_loop3A_914 = arith.index_cast %parallel_loop3A_912 : i32 to index
      %parallel_loop3A_915 = tpu.vector_load %arg9[%parallel_loop3A_913, %parallel_loop3A_914] {strides = array<i32>} : memref<128x128xf32, #tpu.memory_space<vmem>>, vector<16xf32>,
      tpu.vector_store %arg9[%parallel_loop3A_913, %parallel_loop3A_914], %parallel_loop3A_906 {strides = array<i32>} : memref<128x128xf32, #tpu.memory_space<vmem>>, vector<16xf32>,
    } {sc.loop_unroll_factor = 8 : i64, sc.parallel_access}
    %dma_wait3A_432 = arith.constant 1 : i32
    %dma_wait3A_433 = arith.constant 0 : i32
    %dma_wait3A_434 = tpu.memref_slice %arg7[%dma_wait3A_432, %dma_wait3A_433] : memref<2x2048xi32, #tpu.memory_space<vmem>> -> memref<1x2048xi32, #tpu.memory_space<vmem>>
    %dma_wait3A_435 = tpu.memref_squeeze %dma_wait3A_434 : memref<1x2048xi32, #tpu.memory_space<vmem>> -> memref<2048xi32, #tpu.memory_space<vmem>>
    %dma_wait3A_436 = arith.constant 14336 : i32
    %dma_wait3A_437 = tpu.memref_slice %arg3[%dma_wait3A_436] : memref<16384xi32, #tpu.memory_space<hbm>> -> memref<2048xi32, #tpu.memory_space<hbm>>
    %dma_wait3A_438 = arith.constant 0 : i32
    %dma_wait3A_439 = tpu.memref_slice %arg7[%dma_wait3A_432, %dma_wait3A_438] : memref<2x2048xi32, #tpu.memory_space<vmem>> -> memref<1x2048xi32, #tpu.memory_space<vmem>>
    %dma_wait3A_440 = tpu.memref_squeeze %dma_wait3A_439 : memref<1x2048xi32, #tpu.memory_space<vmem>> -> memref<2048xi32, #tpu.memory_space<vmem>>
    %dma_wait3A_441 = arith.constant 14336 : i32
    %dma_wait3A_442 = tpu.memref_slice %arg3[%dma_wait3A_441] : memref<16384xi32, #tpu.memory_space<hbm>> -> memref<2048xi32, #tpu.memory_space<hbm>>
    tpu.wait_dma2 semaphore(%arg14 : memref<!tpu.dma_semaphore, #tpu.memory_space<semaphore_mem>>) src(%dma_wait3A_442 : memref<2048xi32, #tpu.memory_space<hbm>>) dst(%dma_wait3A_440 : memref<2048xi32, #tpu.memory_space<vmem>>)
    %dma_wait3A_443 = arith.constant 1 : i32
    %dma_wait3A_444 = arith.constant 0 : i32
    %dma_wait3A_445 = tpu.memref_slice %arg8[%dma_wait3A_443, %dma_wait3A_444] : memref<2x2048xf32, #tpu.memory_space<vmem>> -> memref<1x2048xf32, #tpu.memory_space<vmem>>
    %dma_wait3A_446 = tpu.memref_squeeze %dma_wait3A_445 : memref<1x2048xf32, #tpu.memory_space<vmem>> -> memref<2048xf32, #tpu.memory_space<vmem>>
    %dma_wait3A_447 = arith.constant 14336 : i32
    %dma_wait3A_448 = tpu.memref_slice %arg2[%add3A_41, %dma_wait3A_447] : memref<64x16384xf32, #tpu.memory_space<hbm>> -> memref<1x2048xf32, #tpu.memory_space<hbm>>
    %dma_wait3A_449 = tpu.memref_squeeze %dma_wait3A_448 : memref<1x2048xf32, #tpu.memory_space<hbm>> -> memref<2048xf32, #tpu.memory_space<hbm>>
    %dma_wait3A_450 = arith.constant 0 : i32
    %dma_wait3A_451 = tpu.memref_slice %arg8[%dma_wait3A_443, %dma_wait3A_450] : memref<2x2048xf32, #tpu.memory_space<vmem>> -> memref<1x2048xf32, #tpu.memory_space<vmem>>
    %dma_wait3A_452 = tpu.memref_squeeze %dma_wait3A_451 : memref<1x2048xf32, #tpu.memory_space<vmem>> -> memref<2048xf32, #tpu.memory_space<vmem>>
    %dma_wait3A_453 = arith.constant 14336 : i32
    %dma_wait3A_454 = tpu.memref_slice %arg2[%add3A_41, %dma_wait3A_453] : memref<64x16384xf32, #tpu.memory_space<hbm>> -> memref<1x2048xf32, #tpu.memory_space<hbm>>
    %dma_wait3A_455 = tpu.memref_squeeze %dma_wait3A_454 : memref<1x2048xf32, #tpu.memory_space<hbm>> -> memref<2048xf32, #tpu.memory_space<hbm>>
    tpu.wait_dma2 semaphore(%arg14 : memref<!tpu.dma_semaphore, #tpu.memory_space<semaphore_mem>>) src(%dma_wait3A_455 : memref<2048xf32, #tpu.memory_space<hbm>>) dst(%dma_wait3A_452 : memref<2048xf32, #tpu.memory_space<vmem>>)
    %parallel_loop3A_456 = arith.constant 0 : i32
    %parallel_loop3A_457 = arith.constant 128 : i32
    %parallel_loop3A_458 = arith.constant 1 : i32
    scf.for %parallel_loop3A_893 = %parallel_loop3A_456 to %parallel_loop3A_457 step %parallel_loop3A_458  : i32 {
      %parallel_loop3A_894 = arith.constant 16 : i32
      %parallel_loop3A_895 = arith.muli %parallel_loop3A_893, %parallel_loop3A_894 : i32
      %parallel_loop3A_896 = arith.constant 1 : i32
      %parallel_loop3A_897 = arith.index_cast %parallel_loop3A_896 : i32 to index
      %parallel_loop3A_898 = arith.index_cast %parallel_loop3A_895 : i32 to index
      %parallel_loop3A_899 = tpu.vector_load %arg7[%parallel_loop3A_897, %parallel_loop3A_898] {strides = array<i32>} : memref<2x2048xi32, #tpu.memory_space<vmem>>, vector<16xi32>,
      %parallel_loop3A_900 = tpu.vector_load_idx %arg6[%parallel_loop3A_899] : memref<100000xf32, #tpu.memory_space<vmem>>[vector<16xi32>], vector<16xf32>,
      %parallel_loop3A_901 = arith.constant 1 : i32
      %parallel_loop3A_902 = arith.index_cast %parallel_loop3A_901 : i32 to index
      %parallel_loop3A_903 = arith.index_cast %parallel_loop3A_895 : i32 to index
      %parallel_loop3A_904 = tpu.vector_load %arg8[%parallel_loop3A_902, %parallel_loop3A_903] {strides = array<i32>} : memref<2x2048xf32, #tpu.memory_space<vmem>>, vector<16xf32>,
      %parallel_loop3A_905 = arith.subf %parallel_loop3A_904, %parallel_loop3A_900 : vector<16xf32>
      %parallel_loop3A_906 = arith.mulf %parallel_loop3A_905, %parallel_loop3A_905 : vector<16xf32>
      %parallel_loop3A_907 = arith.constant 14336 : i32
      %parallel_loop3A_908 = arith.addi %parallel_loop3A_907, %parallel_loop3A_895 : i32
      %parallel_loop3A_909 = arith.constant 7 : i32
      %parallel_loop3A_910 = arith.shrui %parallel_loop3A_908, %parallel_loop3A_909 : i32
      %parallel_loop3A_911 = arith.constant 127 : i32
      %parallel_loop3A_912 = arith.andi %parallel_loop3A_908, %parallel_loop3A_911 : i32
      %parallel_loop3A_913 = arith.index_cast %parallel_loop3A_910 : i32 to index
      %parallel_loop3A_914 = arith.index_cast %parallel_loop3A_912 : i32 to index
      %parallel_loop3A_915 = tpu.vector_load %arg9[%parallel_loop3A_913, %parallel_loop3A_914] {strides = array<i32>} : memref<128x128xf32, #tpu.memory_space<vmem>>, vector<16xf32>,
      tpu.vector_store %arg9[%parallel_loop3A_913, %parallel_loop3A_914], %parallel_loop3A_906 {strides = array<i32>} : memref<128x128xf32, #tpu.memory_space<vmem>>, vector<16xf32>,
    } {sc.loop_unroll_factor = 8 : i64, sc.parallel_access}
    %add3A_459 = arith.constant 32 : i32
    %add3A_460 = arith.addi %add3A, %add3A_459 : i32
    %dma_start3A_461 = arith.constant 0 : i32
    %dma_start3A_462 = tpu.memref_slice %arg4[%add3A_460, %dma_start3A_461] : memref<64x100000xf32, #tpu.memory_space<hbm>> -> memref<1x100000xf32, #tpu.memory_space<hbm>>
    %dma_start3A_463 = tpu.memref_squeeze %dma_start3A_462 : memref<1x100000xf32, #tpu.memory_space<hbm>> -> memref<100000xf32, #tpu.memory_space<hbm>>
    %dma_start3A_464 = arith.constant 0 : i32
    %dma_start3A_465 = tpu.memref_slice %arg4[%add3A_460, %dma_start3A_464] : memref<64x100000xf32, #tpu.memory_space<hbm>> -> memref<1x100000xf32, #tpu.memory_space<hbm>>
    %dma_start3A_466 = tpu.memref_squeeze %dma_start3A_465 : memref<1x100000xf32, #tpu.memory_space<hbm>> -> memref<100000xf32, #tpu.memory_space<hbm>>
    tpu.enqueue_dma source(%dma_start3A_466 : memref<100000xf32, #tpu.memory_space<hbm>>) target(%arg6 : memref<100000xf32, #tpu.memory_space<vmem>>) target_semaphore(%arg12 : memref<!tpu.dma_semaphore, #tpu.memory_space<semaphore_mem>>)
    %dma_start3A_467 = arith.constant 0 : i32
    %dma_start3A_468 = arith.constant 0 : i32
    %dma_start3A_469 = tpu.memref_slice %arg7[%dma_start3A_467, %dma_start3A_468] : memref<2x2048xi32, #tpu.memory_space<vmem>> -> memref<1x2048xi32, #tpu.memory_space<vmem>>
    %dma_start3A_470 = tpu.memref_squeeze %dma_start3A_469 : memref<1x2048xi32, #tpu.memory_space<vmem>> -> memref<2048xi32, #tpu.memory_space<vmem>>
    %dma_start3A_471 = arith.constant 0 : i32
    %dma_start3A_472 = tpu.memref_slice %arg3[%dma_start3A_471] : memref<16384xi32, #tpu.memory_space<hbm>> -> memref<2048xi32, #tpu.memory_space<hbm>>
    %dma_start3A_473 = arith.constant 0 : i32
    %dma_start3A_474 = tpu.memref_slice %arg7[%dma_start3A_467, %dma_start3A_473] : memref<2x2048xi32, #tpu.memory_space<vmem>> -> memref<1x2048xi32, #tpu.memory_space<vmem>>
    %dma_start3A_475 = tpu.memref_squeeze %dma_start3A_474 : memref<1x2048xi32, #tpu.memory_space<vmem>> -> memref<2048xi32, #tpu.memory_space<vmem>>
    %dma_start3A_476 = arith.constant 0 : i32
    %dma_start3A_477 = tpu.memref_slice %arg3[%dma_start3A_476] : memref<16384xi32, #tpu.memory_space<hbm>> -> memref<2048xi32, #tpu.memory_space<hbm>>
    tpu.enqueue_dma source(%dma_start3A_477 : memref<2048xi32, #tpu.memory_space<hbm>>) target(%dma_start3A_475 : memref<2048xi32, #tpu.memory_space<vmem>>) target_semaphore(%arg13 : memref<!tpu.dma_semaphore, #tpu.memory_space<semaphore_mem>>)
    %dma_start3A_478 = arith.constant 0 : i32
    %dma_start3A_479 = arith.constant 0 : i32
    %dma_start3A_480 = tpu.memref_slice %arg8[%dma_start3A_478, %dma_start3A_479] : memref<2x2048xf32, #tpu.memory_space<vmem>> -> memref<1x2048xf32, #tpu.memory_space<vmem>>
    %dma_start3A_481 = tpu.memref_squeeze %dma_start3A_480 : memref<1x2048xf32, #tpu.memory_space<vmem>> -> memref<2048xf32, #tpu.memory_space<vmem>>
    %dma_start3A_482 = arith.constant 0 : i32
    %dma_start3A_483 = tpu.memref_slice %arg2[%add3A_460, %dma_start3A_482] : memref<64x16384xf32, #tpu.memory_space<hbm>> -> memref<1x2048xf32, #tpu.memory_space<hbm>>
    %dma_start3A_484 = tpu.memref_squeeze %dma_start3A_483 : memref<1x2048xf32, #tpu.memory_space<hbm>> -> memref<2048xf32, #tpu.memory_space<hbm>>
    %dma_start3A_485 = arith.constant 0 : i32
    %dma_start3A_486 = tpu.memref_slice %arg8[%dma_start3A_478, %dma_start3A_485] : memref<2x2048xf32, #tpu.memory_space<vmem>> -> memref<1x2048xf32, #tpu.memory_space<vmem>>
    %dma_start3A_487 = tpu.memref_squeeze %dma_start3A_486 : memref<1x2048xf32, #tpu.memory_space<vmem>> -> memref<2048xf32, #tpu.memory_space<vmem>>
    %dma_start3A_488 = arith.constant 0 : i32
    %dma_start3A_489 = tpu.memref_slice %arg2[%add3A_460, %dma_start3A_488] : memref<64x16384xf32, #tpu.memory_space<hbm>> -> memref<1x2048xf32, #tpu.memory_space<hbm>>
    %dma_start3A_490 = tpu.memref_squeeze %dma_start3A_489 : memref<1x2048xf32, #tpu.memory_space<hbm>> -> memref<2048xf32, #tpu.memory_space<hbm>>
    tpu.enqueue_dma source(%dma_start3A_490 : memref<2048xf32, #tpu.memory_space<hbm>>) target(%dma_start3A_487 : memref<2048xf32, #tpu.memory_space<vmem>>) target_semaphore(%arg13 : memref<!tpu.dma_semaphore, #tpu.memory_space<semaphore_mem>>)
    %dma_wait3A_491 = arith.constant 0 : i32
    %dma_wait3A_492 = tpu.memref_slice %arg4[%add3A_460, %dma_wait3A_491] : memref<64x100000xf32, #tpu.memory_space<hbm>> -> memref<1x100000xf32, #tpu.memory_space<hbm>>
    %dma_wait3A_493 = tpu.memref_squeeze %dma_wait3A_492 : memref<1x100000xf32, #tpu.memory_space<hbm>> -> memref<100000xf32, #tpu.memory_space<hbm>>
    %dma_wait3A_494 = arith.constant 0 : i32
    %dma_wait3A_495 = tpu.memref_slice %arg4[%add3A_460, %dma_wait3A_494] : memref<64x100000xf32, #tpu.memory_space<hbm>> -> memref<1x100000xf32, #tpu.memory_space<hbm>>
    %dma_wait3A_496 = tpu.memref_squeeze %dma_wait3A_495 : memref<1x100000xf32, #tpu.memory_space<hbm>> -> memref<100000xf32, #tpu.memory_space<hbm>>
    tpu.wait_dma2 semaphore(%arg12 : memref<!tpu.dma_semaphore, #tpu.memory_space<semaphore_mem>>) src(%dma_wait3A_496 : memref<100000xf32, #tpu.memory_space<hbm>>) dst(%arg6 : memref<100000xf32, #tpu.memory_space<vmem>>)
    %dma_start3A_497 = arith.constant 1 : i32
    %dma_start3A_498 = arith.constant 0 : i32
    %dma_start3A_499 = tpu.memref_slice %arg7[%dma_start3A_497, %dma_start3A_498] : memref<2x2048xi32, #tpu.memory_space<vmem>> -> memref<1x2048xi32, #tpu.memory_space<vmem>>
    %dma_start3A_500 = tpu.memref_squeeze %dma_start3A_499 : memref<1x2048xi32, #tpu.memory_space<vmem>> -> memref<2048xi32, #tpu.memory_space<vmem>>
    %dma_start3A_501 = arith.constant 2048 : i32
    %dma_start3A_502 = tpu.memref_slice %arg3[%dma_start3A_501] : memref<16384xi32, #tpu.memory_space<hbm>> -> memref<2048xi32, #tpu.memory_space<hbm>>
    %dma_start3A_503 = arith.constant 0 : i32
    %dma_start3A_504 = tpu.memref_slice %arg7[%dma_start3A_497, %dma_start3A_503] : memref<2x2048xi32, #tpu.memory_space<vmem>> -> memref<1x2048xi32, #tpu.memory_space<vmem>>
    %dma_start3A_505 = tpu.memref_squeeze %dma_start3A_504 : memref<1x2048xi32, #tpu.memory_space<vmem>> -> memref<2048xi32, #tpu.memory_space<vmem>>
    %dma_start3A_506 = arith.constant 2048 : i32
    %dma_start3A_507 = tpu.memref_slice %arg3[%dma_start3A_506] : memref<16384xi32, #tpu.memory_space<hbm>> -> memref<2048xi32, #tpu.memory_space<hbm>>
    tpu.enqueue_dma source(%dma_start3A_507 : memref<2048xi32, #tpu.memory_space<hbm>>) target(%dma_start3A_505 : memref<2048xi32, #tpu.memory_space<vmem>>) target_semaphore(%arg14 : memref<!tpu.dma_semaphore, #tpu.memory_space<semaphore_mem>>)
    %dma_start3A_508 = arith.constant 1 : i32
    %dma_start3A_509 = arith.constant 0 : i32
    %dma_start3A_510 = tpu.memref_slice %arg8[%dma_start3A_508, %dma_start3A_509] : memref<2x2048xf32, #tpu.memory_space<vmem>> -> memref<1x2048xf32, #tpu.memory_space<vmem>>
    %dma_start3A_511 = tpu.memref_squeeze %dma_start3A_510 : memref<1x2048xf32, #tpu.memory_space<vmem>> -> memref<2048xf32, #tpu.memory_space<vmem>>
    %dma_start3A_512 = arith.constant 2048 : i32
    %dma_start3A_513 = tpu.memref_slice %arg2[%add3A_460, %dma_start3A_512] : memref<64x16384xf32, #tpu.memory_space<hbm>> -> memref<1x2048xf32, #tpu.memory_space<hbm>>
    %dma_start3A_514 = tpu.memref_squeeze %dma_start3A_513 : memref<1x2048xf32, #tpu.memory_space<hbm>> -> memref<2048xf32, #tpu.memory_space<hbm>>
    %dma_start3A_515 = arith.constant 0 : i32
    %dma_start3A_516 = tpu.memref_slice %arg8[%dma_start3A_508, %dma_start3A_515] : memref<2x2048xf32, #tpu.memory_space<vmem>> -> memref<1x2048xf32, #tpu.memory_space<vmem>>
    %dma_start3A_517 = tpu.memref_squeeze %dma_start3A_516 : memref<1x2048xf32, #tpu.memory_space<vmem>> -> memref<2048xf32, #tpu.memory_space<vmem>>
    %dma_start3A_518 = arith.constant 2048 : i32
    %dma_start3A_519 = tpu.memref_slice %arg2[%add3A_460, %dma_start3A_518] : memref<64x16384xf32, #tpu.memory_space<hbm>> -> memref<1x2048xf32, #tpu.memory_space<hbm>>
    %dma_start3A_520 = tpu.memref_squeeze %dma_start3A_519 : memref<1x2048xf32, #tpu.memory_space<hbm>> -> memref<2048xf32, #tpu.memory_space<hbm>>
    tpu.enqueue_dma source(%dma_start3A_520 : memref<2048xf32, #tpu.memory_space<hbm>>) target(%dma_start3A_517 : memref<2048xf32, #tpu.memory_space<vmem>>) target_semaphore(%arg14 : memref<!tpu.dma_semaphore, #tpu.memory_space<semaphore_mem>>)
    %dma_wait3A_521 = arith.constant 0 : i32
    %dma_wait3A_522 = arith.constant 0 : i32
    %dma_wait3A_523 = tpu.memref_slice %arg7[%dma_wait3A_521, %dma_wait3A_522] : memref<2x2048xi32, #tpu.memory_space<vmem>> -> memref<1x2048xi32, #tpu.memory_space<vmem>>
    %dma_wait3A_524 = tpu.memref_squeeze %dma_wait3A_523 : memref<1x2048xi32, #tpu.memory_space<vmem>> -> memref<2048xi32, #tpu.memory_space<vmem>>
    %dma_wait3A_525 = arith.constant 0 : i32
    %dma_wait3A_526 = tpu.memref_slice %arg3[%dma_wait3A_525] : memref<16384xi32, #tpu.memory_space<hbm>> -> memref<2048xi32, #tpu.memory_space<hbm>>
    %dma_wait3A_527 = arith.constant 0 : i32
    %dma_wait3A_528 = tpu.memref_slice %arg7[%dma_wait3A_521, %dma_wait3A_527] : memref<2x2048xi32, #tpu.memory_space<vmem>> -> memref<1x2048xi32, #tpu.memory_space<vmem>>
    %dma_wait3A_529 = tpu.memref_squeeze %dma_wait3A_528 : memref<1x2048xi32, #tpu.memory_space<vmem>> -> memref<2048xi32, #tpu.memory_space<vmem>>
    %dma_wait3A_530 = arith.constant 0 : i32
    %dma_wait3A_531 = tpu.memref_slice %arg3[%dma_wait3A_530] : memref<16384xi32, #tpu.memory_space<hbm>> -> memref<2048xi32, #tpu.memory_space<hbm>>
    tpu.wait_dma2 semaphore(%arg13 : memref<!tpu.dma_semaphore, #tpu.memory_space<semaphore_mem>>) src(%dma_wait3A_531 : memref<2048xi32, #tpu.memory_space<hbm>>) dst(%dma_wait3A_529 : memref<2048xi32, #tpu.memory_space<vmem>>)
    %dma_wait3A_532 = arith.constant 0 : i32
    %dma_wait3A_533 = arith.constant 0 : i32
    %dma_wait3A_534 = tpu.memref_slice %arg8[%dma_wait3A_532, %dma_wait3A_533] : memref<2x2048xf32, #tpu.memory_space<vmem>> -> memref<1x2048xf32, #tpu.memory_space<vmem>>
    %dma_wait3A_535 = tpu.memref_squeeze %dma_wait3A_534 : memref<1x2048xf32, #tpu.memory_space<vmem>> -> memref<2048xf32, #tpu.memory_space<vmem>>
    %dma_wait3A_536 = arith.constant 0 : i32
    %dma_wait3A_537 = tpu.memref_slice %arg2[%add3A_460, %dma_wait3A_536] : memref<64x16384xf32, #tpu.memory_space<hbm>> -> memref<1x2048xf32, #tpu.memory_space<hbm>>
    %dma_wait3A_538 = tpu.memref_squeeze %dma_wait3A_537 : memref<1x2048xf32, #tpu.memory_space<hbm>> -> memref<2048xf32, #tpu.memory_space<hbm>>
    %dma_wait3A_539 = arith.constant 0 : i32
    %dma_wait3A_540 = tpu.memref_slice %arg8[%dma_wait3A_532, %dma_wait3A_539] : memref<2x2048xf32, #tpu.memory_space<vmem>> -> memref<1x2048xf32, #tpu.memory_space<vmem>>
    %dma_wait3A_541 = tpu.memref_squeeze %dma_wait3A_540 : memref<1x2048xf32, #tpu.memory_space<vmem>> -> memref<2048xf32, #tpu.memory_space<vmem>>
    %dma_wait3A_542 = arith.constant 0 : i32
    %dma_wait3A_543 = tpu.memref_slice %arg2[%add3A_460, %dma_wait3A_542] : memref<64x16384xf32, #tpu.memory_space<hbm>> -> memref<1x2048xf32, #tpu.memory_space<hbm>>
    %dma_wait3A_544 = tpu.memref_squeeze %dma_wait3A_543 : memref<1x2048xf32, #tpu.memory_space<hbm>> -> memref<2048xf32, #tpu.memory_space<hbm>>
    tpu.wait_dma2 semaphore(%arg13 : memref<!tpu.dma_semaphore, #tpu.memory_space<semaphore_mem>>) src(%dma_wait3A_544 : memref<2048xf32, #tpu.memory_space<hbm>>) dst(%dma_wait3A_541 : memref<2048xf32, #tpu.memory_space<vmem>>)
    %parallel_loop3A_545 = arith.constant 0 : i32
    %parallel_loop3A_546 = arith.constant 128 : i32
    %parallel_loop3A_547 = arith.constant 1 : i32
    scf.for %parallel_loop3A_893 = %parallel_loop3A_545 to %parallel_loop3A_546 step %parallel_loop3A_547  : i32 {
      %parallel_loop3A_894 = arith.constant 16 : i32
      %parallel_loop3A_895 = arith.muli %parallel_loop3A_893, %parallel_loop3A_894 : i32
      %parallel_loop3A_896 = arith.constant 0 : i32
      %parallel_loop3A_897 = arith.index_cast %parallel_loop3A_896 : i32 to index
      %parallel_loop3A_898 = arith.index_cast %parallel_loop3A_895 : i32 to index
      %parallel_loop3A_899 = tpu.vector_load %arg7[%parallel_loop3A_897, %parallel_loop3A_898] {strides = array<i32>} : memref<2x2048xi32, #tpu.memory_space<vmem>>, vector<16xi32>,
      %parallel_loop3A_900 = tpu.vector_load_idx %arg6[%parallel_loop3A_899] : memref<100000xf32, #tpu.memory_space<vmem>>[vector<16xi32>], vector<16xf32>,
      %parallel_loop3A_901 = arith.constant 0 : i32
      %parallel_loop3A_902 = arith.index_cast %parallel_loop3A_901 : i32 to index
      %parallel_loop3A_903 = arith.index_cast %parallel_loop3A_895 : i32 to index
      %parallel_loop3A_904 = tpu.vector_load %arg8[%parallel_loop3A_902, %parallel_loop3A_903] {strides = array<i32>} : memref<2x2048xf32, #tpu.memory_space<vmem>>, vector<16xf32>,
      %parallel_loop3A_905 = arith.subf %parallel_loop3A_904, %parallel_loop3A_900 : vector<16xf32>
      %parallel_loop3A_906 = arith.mulf %parallel_loop3A_905, %parallel_loop3A_905 : vector<16xf32>
      %parallel_loop3A_907 = arith.constant 0 : i32
      %parallel_loop3A_908 = arith.addi %parallel_loop3A_907, %parallel_loop3A_895 : i32
      %parallel_loop3A_909 = arith.constant 7 : i32
      %parallel_loop3A_910 = arith.shrui %parallel_loop3A_908, %parallel_loop3A_909 : i32
      %parallel_loop3A_911 = arith.constant 127 : i32
      %parallel_loop3A_912 = arith.andi %parallel_loop3A_908, %parallel_loop3A_911 : i32
      %parallel_loop3A_913 = arith.index_cast %parallel_loop3A_910 : i32 to index
      %parallel_loop3A_914 = arith.index_cast %parallel_loop3A_912 : i32 to index
      %parallel_loop3A_915 = tpu.vector_load %arg9[%parallel_loop3A_913, %parallel_loop3A_914] {strides = array<i32>} : memref<128x128xf32, #tpu.memory_space<vmem>>, vector<16xf32>,
      tpu.vector_store %arg9[%parallel_loop3A_913, %parallel_loop3A_914], %parallel_loop3A_906 {add = true, strides = array<i32>} : memref<128x128xf32, #tpu.memory_space<vmem>>, vector<16xf32>,
    } {sc.loop_unroll_factor = 8 : i64, sc.parallel_access}
    %dma_start3A_548 = arith.constant 0 : i32
    %dma_start3A_549 = arith.constant 0 : i32
    %dma_start3A_550 = tpu.memref_slice %arg7[%dma_start3A_548, %dma_start3A_549] : memref<2x2048xi32, #tpu.memory_space<vmem>> -> memref<1x2048xi32, #tpu.memory_space<vmem>>
    %dma_start3A_551 = tpu.memref_squeeze %dma_start3A_550 : memref<1x2048xi32, #tpu.memory_space<vmem>> -> memref<2048xi32, #tpu.memory_space<vmem>>
    %dma_start3A_552 = arith.constant 4096 : i32
    %dma_start3A_553 = tpu.memref_slice %arg3[%dma_start3A_552] : memref<16384xi32, #tpu.memory_space<hbm>> -> memref<2048xi32, #tpu.memory_space<hbm>>
    %dma_start3A_554 = arith.constant 0 : i32
    %dma_start3A_555 = tpu.memref_slice %arg7[%dma_start3A_548, %dma_start3A_554] : memref<2x2048xi32, #tpu.memory_space<vmem>> -> memref<1x2048xi32, #tpu.memory_space<vmem>>
    %dma_start3A_556 = tpu.memref_squeeze %dma_start3A_555 : memref<1x2048xi32, #tpu.memory_space<vmem>> -> memref<2048xi32, #tpu.memory_space<vmem>>
    %dma_start3A_557 = arith.constant 4096 : i32
    %dma_start3A_558 = tpu.memref_slice %arg3[%dma_start3A_557] : memref<16384xi32, #tpu.memory_space<hbm>> -> memref<2048xi32, #tpu.memory_space<hbm>>
    tpu.enqueue_dma source(%dma_start3A_558 : memref<2048xi32, #tpu.memory_space<hbm>>) target(%dma_start3A_556 : memref<2048xi32, #tpu.memory_space<vmem>>) target_semaphore(%arg13 : memref<!tpu.dma_semaphore, #tpu.memory_space<semaphore_mem>>)
    %dma_start3A_559 = arith.constant 0 : i32
    %dma_start3A_560 = arith.constant 0 : i32
    %dma_start3A_561 = tpu.memref_slice %arg8[%dma_start3A_559, %dma_start3A_560] : memref<2x2048xf32, #tpu.memory_space<vmem>> -> memref<1x2048xf32, #tpu.memory_space<vmem>>
    %dma_start3A_562 = tpu.memref_squeeze %dma_start3A_561 : memref<1x2048xf32, #tpu.memory_space<vmem>> -> memref<2048xf32, #tpu.memory_space<vmem>>
    %dma_start3A_563 = arith.constant 4096 : i32
    %dma_start3A_564 = tpu.memref_slice %arg2[%add3A_460, %dma_start3A_563] : memref<64x16384xf32, #tpu.memory_space<hbm>> -> memref<1x2048xf32, #tpu.memory_space<hbm>>
    %dma_start3A_565 = tpu.memref_squeeze %dma_start3A_564 : memref<1x2048xf32, #tpu.memory_space<hbm>> -> memref<2048xf32, #tpu.memory_space<hbm>>
    %dma_start3A_566 = arith.constant 0 : i32
    %dma_start3A_567 = tpu.memref_slice %arg8[%dma_start3A_559, %dma_start3A_566] : memref<2x2048xf32, #tpu.memory_space<vmem>> -> memref<1x2048xf32, #tpu.memory_space<vmem>>
    %dma_start3A_568 = tpu.memref_squeeze %dma_start3A_567 : memref<1x2048xf32, #tpu.memory_space<vmem>> -> memref<2048xf32, #tpu.memory_space<vmem>>
    %dma_start3A_569 = arith.constant 4096 : i32
    %dma_start3A_570 = tpu.memref_slice %arg2[%add3A_460, %dma_start3A_569] : memref<64x16384xf32, #tpu.memory_space<hbm>> -> memref<1x2048xf32, #tpu.memory_space<hbm>>
    %dma_start3A_571 = tpu.memref_squeeze %dma_start3A_570 : memref<1x2048xf32, #tpu.memory_space<hbm>> -> memref<2048xf32, #tpu.memory_space<hbm>>
    tpu.enqueue_dma source(%dma_start3A_571 : memref<2048xf32, #tpu.memory_space<hbm>>) target(%dma_start3A_568 : memref<2048xf32, #tpu.memory_space<vmem>>) target_semaphore(%arg13 : memref<!tpu.dma_semaphore, #tpu.memory_space<semaphore_mem>>)
    %dma_wait3A_572 = arith.constant 1 : i32
    %dma_wait3A_573 = arith.constant 0 : i32
    %dma_wait3A_574 = tpu.memref_slice %arg7[%dma_wait3A_572, %dma_wait3A_573] : memref<2x2048xi32, #tpu.memory_space<vmem>> -> memref<1x2048xi32, #tpu.memory_space<vmem>>
    %dma_wait3A_575 = tpu.memref_squeeze %dma_wait3A_574 : memref<1x2048xi32, #tpu.memory_space<vmem>> -> memref<2048xi32, #tpu.memory_space<vmem>>
    %dma_wait3A_576 = arith.constant 2048 : i32
    %dma_wait3A_577 = tpu.memref_slice %arg3[%dma_wait3A_576] : memref<16384xi32, #tpu.memory_space<hbm>> -> memref<2048xi32, #tpu.memory_space<hbm>>
    %dma_wait3A_578 = arith.constant 0 : i32
    %dma_wait3A_579 = tpu.memref_slice %arg7[%dma_wait3A_572, %dma_wait3A_578] : memref<2x2048xi32, #tpu.memory_space<vmem>> -> memref<1x2048xi32, #tpu.memory_space<vmem>>
    %dma_wait3A_580 = tpu.memref_squeeze %dma_wait3A_579 : memref<1x2048xi32, #tpu.memory_space<vmem>> -> memref<2048xi32, #tpu.memory_space<vmem>>
    %dma_wait3A_581 = arith.constant 2048 : i32
    %dma_wait3A_582 = tpu.memref_slice %arg3[%dma_wait3A_581] : memref<16384xi32, #tpu.memory_space<hbm>> -> memref<2048xi32, #tpu.memory_space<hbm>>
    tpu.wait_dma2 semaphore(%arg14 : memref<!tpu.dma_semaphore, #tpu.memory_space<semaphore_mem>>) src(%dma_wait3A_582 : memref<2048xi32, #tpu.memory_space<hbm>>) dst(%dma_wait3A_580 : memref<2048xi32, #tpu.memory_space<vmem>>)
    %dma_wait3A_583 = arith.constant 1 : i32
    %dma_wait3A_584 = arith.constant 0 : i32
    %dma_wait3A_585 = tpu.memref_slice %arg8[%dma_wait3A_583, %dma_wait3A_584] : memref<2x2048xf32, #tpu.memory_space<vmem>> -> memref<1x2048xf32, #tpu.memory_space<vmem>>
    %dma_wait3A_586 = tpu.memref_squeeze %dma_wait3A_585 : memref<1x2048xf32, #tpu.memory_space<vmem>> -> memref<2048xf32, #tpu.memory_space<vmem>>
    %dma_wait3A_587 = arith.constant 2048 : i32
    %dma_wait3A_588 = tpu.memref_slice %arg2[%add3A_460, %dma_wait3A_587] : memref<64x16384xf32, #tpu.memory_space<hbm>> -> memref<1x2048xf32, #tpu.memory_space<hbm>>
    %dma_wait3A_589 = tpu.memref_squeeze %dma_wait3A_588 : memref<1x2048xf32, #tpu.memory_space<hbm>> -> memref<2048xf32, #tpu.memory_space<hbm>>
    %dma_wait3A_590 = arith.constant 0 : i32
    %dma_wait3A_591 = tpu.memref_slice %arg8[%dma_wait3A_583, %dma_wait3A_590] : memref<2x2048xf32, #tpu.memory_space<vmem>> -> memref<1x2048xf32, #tpu.memory_space<vmem>>
    %dma_wait3A_592 = tpu.memref_squeeze %dma_wait3A_591 : memref<1x2048xf32, #tpu.memory_space<vmem>> -> memref<2048xf32, #tpu.memory_space<vmem>>
    %dma_wait3A_593 = arith.constant 2048 : i32
    %dma_wait3A_594 = tpu.memref_slice %arg2[%add3A_460, %dma_wait3A_593] : memref<64x16384xf32, #tpu.memory_space<hbm>> -> memref<1x2048xf32, #tpu.memory_space<hbm>>
    %dma_wait3A_595 = tpu.memref_squeeze %dma_wait3A_594 : memref<1x2048xf32, #tpu.memory_space<hbm>> -> memref<2048xf32, #tpu.memory_space<hbm>>
    tpu.wait_dma2 semaphore(%arg14 : memref<!tpu.dma_semaphore, #tpu.memory_space<semaphore_mem>>) src(%dma_wait3A_595 : memref<2048xf32, #tpu.memory_space<hbm>>) dst(%dma_wait3A_592 : memref<2048xf32, #tpu.memory_space<vmem>>)
    %parallel_loop3A_596 = arith.constant 0 : i32
    %parallel_loop3A_597 = arith.constant 128 : i32
    %parallel_loop3A_598 = arith.constant 1 : i32
    scf.for %parallel_loop3A_893 = %parallel_loop3A_596 to %parallel_loop3A_597 step %parallel_loop3A_598  : i32 {
      %parallel_loop3A_894 = arith.constant 16 : i32
      %parallel_loop3A_895 = arith.muli %parallel_loop3A_893, %parallel_loop3A_894 : i32
      %parallel_loop3A_896 = arith.constant 1 : i32
      %parallel_loop3A_897 = arith.index_cast %parallel_loop3A_896 : i32 to index
      %parallel_loop3A_898 = arith.index_cast %parallel_loop3A_895 : i32 to index
      %parallel_loop3A_899 = tpu.vector_load %arg7[%parallel_loop3A_897, %parallel_loop3A_898] {strides = array<i32>} : memref<2x2048xi32, #tpu.memory_space<vmem>>, vector<16xi32>,
      %parallel_loop3A_900 = tpu.vector_load_idx %arg6[%parallel_loop3A_899] : memref<100000xf32, #tpu.memory_space<vmem>>[vector<16xi32>], vector<16xf32>,
      %parallel_loop3A_901 = arith.constant 1 : i32
      %parallel_loop3A_902 = arith.index_cast %parallel_loop3A_901 : i32 to index
      %parallel_loop3A_903 = arith.index_cast %parallel_loop3A_895 : i32 to index
      %parallel_loop3A_904 = tpu.vector_load %arg8[%parallel_loop3A_902, %parallel_loop3A_903] {strides = array<i32>} : memref<2x2048xf32, #tpu.memory_space<vmem>>, vector<16xf32>,
      %parallel_loop3A_905 = arith.subf %parallel_loop3A_904, %parallel_loop3A_900 : vector<16xf32>
      %parallel_loop3A_906 = arith.mulf %parallel_loop3A_905, %parallel_loop3A_905 : vector<16xf32>
      %parallel_loop3A_907 = arith.constant 2048 : i32
      %parallel_loop3A_908 = arith.addi %parallel_loop3A_907, %parallel_loop3A_895 : i32
      %parallel_loop3A_909 = arith.constant 7 : i32
      %parallel_loop3A_910 = arith.shrui %parallel_loop3A_908, %parallel_loop3A_909 : i32
      %parallel_loop3A_911 = arith.constant 127 : i32
      %parallel_loop3A_912 = arith.andi %parallel_loop3A_908, %parallel_loop3A_911 : i32
      %parallel_loop3A_913 = arith.index_cast %parallel_loop3A_910 : i32 to index
      %parallel_loop3A_914 = arith.index_cast %parallel_loop3A_912 : i32 to index
      %parallel_loop3A_915 = tpu.vector_load %arg9[%parallel_loop3A_913, %parallel_loop3A_914] {strides = array<i32>} : memref<128x128xf32, #tpu.memory_space<vmem>>, vector<16xf32>,
      tpu.vector_store %arg9[%parallel_loop3A_913, %parallel_loop3A_914], %parallel_loop3A_906 {add = true, strides = array<i32>} : memref<128x128xf32, #tpu.memory_space<vmem>>, vector<16xf32>,
    } {sc.loop_unroll_factor = 8 : i64, sc.parallel_access}
    %dma_start3A_599 = arith.constant 1 : i32
    %dma_start3A_600 = arith.constant 0 : i32
    %dma_start3A_601 = tpu.memref_slice %arg7[%dma_start3A_599, %dma_start3A_600] : memref<2x2048xi32, #tpu.memory_space<vmem>> -> memref<1x2048xi32, #tpu.memory_space<vmem>>
    %dma_start3A_602 = tpu.memref_squeeze %dma_start3A_601 : memref<1x2048xi32, #tpu.memory_space<vmem>> -> memref<2048xi32, #tpu.memory_space<vmem>>
    %dma_start3A_603 = arith.constant 6144 : i32
    %dma_start3A_604 = tpu.memref_slice %arg3[%dma_start3A_603] : memref<16384xi32, #tpu.memory_space<hbm>> -> memref<2048xi32, #tpu.memory_space<hbm>>
    %dma_start3A_605 = arith.constant 0 : i32
    %dma_start3A_606 = tpu.memref_slice %arg7[%dma_start3A_599, %dma_start3A_605] : memref<2x2048xi32, #tpu.memory_space<vmem>> -> memref<1x2048xi32, #tpu.memory_space<vmem>>
    %dma_start3A_607 = tpu.memref_squeeze %dma_start3A_606 : memref<1x2048xi32, #tpu.memory_space<vmem>> -> memref<2048xi32, #tpu.memory_space<vmem>>
    %dma_start3A_608 = arith.constant 6144 : i32
    %dma_start3A_609 = tpu.memref_slice %arg3[%dma_start3A_608] : memref<16384xi32, #tpu.memory_space<hbm>> -> memref<2048xi32, #tpu.memory_space<hbm>>
    tpu.enqueue_dma source(%dma_start3A_609 : memref<2048xi32, #tpu.memory_space<hbm>>) target(%dma_start3A_607 : memref<2048xi32, #tpu.memory_space<vmem>>) target_semaphore(%arg14 : memref<!tpu.dma_semaphore, #tpu.memory_space<semaphore_mem>>)
    %dma_start3A_610 = arith.constant 1 : i32
    %dma_start3A_611 = arith.constant 0 : i32
    %dma_start3A_612 = tpu.memref_slice %arg8[%dma_start3A_610, %dma_start3A_611] : memref<2x2048xf32, #tpu.memory_space<vmem>> -> memref<1x2048xf32, #tpu.memory_space<vmem>>
    %dma_start3A_613 = tpu.memref_squeeze %dma_start3A_612 : memref<1x2048xf32, #tpu.memory_space<vmem>> -> memref<2048xf32, #tpu.memory_space<vmem>>
    %dma_start3A_614 = arith.constant 6144 : i32
    %dma_start3A_615 = tpu.memref_slice %arg2[%add3A_460, %dma_start3A_614] : memref<64x16384xf32, #tpu.memory_space<hbm>> -> memref<1x2048xf32, #tpu.memory_space<hbm>>
    %dma_start3A_616 = tpu.memref_squeeze %dma_start3A_615 : memref<1x2048xf32, #tpu.memory_space<hbm>> -> memref<2048xf32, #tpu.memory_space<hbm>>
    %dma_start3A_617 = arith.constant 0 : i32
    %dma_start3A_618 = tpu.memref_slice %arg8[%dma_start3A_610, %dma_start3A_617] : memref<2x2048xf32, #tpu.memory_space<vmem>> -> memref<1x2048xf32, #tpu.memory_space<vmem>>
    %dma_start3A_619 = tpu.memref_squeeze %dma_start3A_618 : memref<1x2048xf32, #tpu.memory_space<vmem>> -> memref<2048xf32, #tpu.memory_space<vmem>>
    %dma_start3A_620 = arith.constant 6144 : i32
    %dma_start3A_621 = tpu.memref_slice %arg2[%add3A_460, %dma_start3A_620] : memref<64x16384xf32, #tpu.memory_space<hbm>> -> memref<1x2048xf32, #tpu.memory_space<hbm>>
    %dma_start3A_622 = tpu.memref_squeeze %dma_start3A_621 : memref<1x2048xf32, #tpu.memory_space<hbm>> -> memref<2048xf32, #tpu.memory_space<hbm>>
    tpu.enqueue_dma source(%dma_start3A_622 : memref<2048xf32, #tpu.memory_space<hbm>>) target(%dma_start3A_619 : memref<2048xf32, #tpu.memory_space<vmem>>) target_semaphore(%arg14 : memref<!tpu.dma_semaphore, #tpu.memory_space<semaphore_mem>>)
    %dma_wait3A_623 = arith.constant 0 : i32
    %dma_wait3A_624 = arith.constant 0 : i32
    %dma_wait3A_625 = tpu.memref_slice %arg7[%dma_wait3A_623, %dma_wait3A_624] : memref<2x2048xi32, #tpu.memory_space<vmem>> -> memref<1x2048xi32, #tpu.memory_space<vmem>>
    %dma_wait3A_626 = tpu.memref_squeeze %dma_wait3A_625 : memref<1x2048xi32, #tpu.memory_space<vmem>> -> memref<2048xi32, #tpu.memory_space<vmem>>
    %dma_wait3A_627 = arith.constant 4096 : i32
    %dma_wait3A_628 = tpu.memref_slice %arg3[%dma_wait3A_627] : memref<16384xi32, #tpu.memory_space<hbm>> -> memref<2048xi32, #tpu.memory_space<hbm>>
    %dma_wait3A_629 = arith.constant 0 : i32
    %dma_wait3A_630 = tpu.memref_slice %arg7[%dma_wait3A_623, %dma_wait3A_629] : memref<2x2048xi32, #tpu.memory_space<vmem>> -> memref<1x2048xi32, #tpu.memory_space<vmem>>
    %dma_wait3A_631 = tpu.memref_squeeze %dma_wait3A_630 : memref<1x2048xi32, #tpu.memory_space<vmem>> -> memref<2048xi32, #tpu.memory_space<vmem>>
    %dma_wait3A_632 = arith.constant 4096 : i32
    %dma_wait3A_633 = tpu.memref_slice %arg3[%dma_wait3A_632] : memref<16384xi32, #tpu.memory_space<hbm>> -> memref<2048xi32, #tpu.memory_space<hbm>>
    tpu.wait_dma2 semaphore(%arg13 : memref<!tpu.dma_semaphore, #tpu.memory_space<semaphore_mem>>) src(%dma_wait3A_633 : memref<2048xi32, #tpu.memory_space<hbm>>) dst(%dma_wait3A_631 : memref<2048xi32, #tpu.memory_space<vmem>>)
    %dma_wait3A_634 = arith.constant 0 : i32
    %dma_wait3A_635 = arith.constant 0 : i32
    %dma_wait3A_636 = tpu.memref_slice %arg8[%dma_wait3A_634, %dma_wait3A_635] : memref<2x2048xf32, #tpu.memory_space<vmem>> -> memref<1x2048xf32, #tpu.memory_space<vmem>>
    %dma_wait3A_637 = tpu.memref_squeeze %dma_wait3A_636 : memref<1x2048xf32, #tpu.memory_space<vmem>> -> memref<2048xf32, #tpu.memory_space<vmem>>
    %dma_wait3A_638 = arith.constant 4096 : i32
    %dma_wait3A_639 = tpu.memref_slice %arg2[%add3A_460, %dma_wait3A_638] : memref<64x16384xf32, #tpu.memory_space<hbm>> -> memref<1x2048xf32, #tpu.memory_space<hbm>>
    %dma_wait3A_640 = tpu.memref_squeeze %dma_wait3A_639 : memref<1x2048xf32, #tpu.memory_space<hbm>> -> memref<2048xf32, #tpu.memory_space<hbm>>
    %dma_wait3A_641 = arith.constant 0 : i32
    %dma_wait3A_642 = tpu.memref_slice %arg8[%dma_wait3A_634, %dma_wait3A_641] : memref<2x2048xf32, #tpu.memory_space<vmem>> -> memref<1x2048xf32, #tpu.memory_space<vmem>>
    %dma_wait3A_643 = tpu.memref_squeeze %dma_wait3A_642 : memref<1x2048xf32, #tpu.memory_space<vmem>> -> memref<2048xf32, #tpu.memory_space<vmem>>
    %dma_wait3A_644 = arith.constant 4096 : i32
    %dma_wait3A_645 = tpu.memref_slice %arg2[%add3A_460, %dma_wait3A_644] : memref<64x16384xf32, #tpu.memory_space<hbm>> -> memref<1x2048xf32, #tpu.memory_space<hbm>>
    %dma_wait3A_646 = tpu.memref_squeeze %dma_wait3A_645 : memref<1x2048xf32, #tpu.memory_space<hbm>> -> memref<2048xf32, #tpu.memory_space<hbm>>
    tpu.wait_dma2 semaphore(%arg13 : memref<!tpu.dma_semaphore, #tpu.memory_space<semaphore_mem>>) src(%dma_wait3A_646 : memref<2048xf32, #tpu.memory_space<hbm>>) dst(%dma_wait3A_643 : memref<2048xf32, #tpu.memory_space<vmem>>)
    %parallel_loop3A_647 = arith.constant 0 : i32
    %parallel_loop3A_648 = arith.constant 128 : i32
    %parallel_loop3A_649 = arith.constant 1 : i32
    scf.for %parallel_loop3A_893 = %parallel_loop3A_647 to %parallel_loop3A_648 step %parallel_loop3A_649  : i32 {
      %parallel_loop3A_894 = arith.constant 16 : i32
      %parallel_loop3A_895 = arith.muli %parallel_loop3A_893, %parallel_loop3A_894 : i32
      %parallel_loop3A_896 = arith.constant 0 : i32
      %parallel_loop3A_897 = arith.index_cast %parallel_loop3A_896 : i32 to index
      %parallel_loop3A_898 = arith.index_cast %parallel_loop3A_895 : i32 to index
      %parallel_loop3A_899 = tpu.vector_load %arg7[%parallel_loop3A_897, %parallel_loop3A_898] {strides = array<i32>} : memref<2x2048xi32, #tpu.memory_space<vmem>>, vector<16xi32>,
      %parallel_loop3A_900 = tpu.vector_load_idx %arg6[%parallel_loop3A_899] : memref<100000xf32, #tpu.memory_space<vmem>>[vector<16xi32>], vector<16xf32>,
      %parallel_loop3A_901 = arith.constant 0 : i32
      %parallel_loop3A_902 = arith.index_cast %parallel_loop3A_901 : i32 to index
      %parallel_loop3A_903 = arith.index_cast %parallel_loop3A_895 : i32 to index
      %parallel_loop3A_904 = tpu.vector_load %arg8[%parallel_loop3A_902, %parallel_loop3A_903] {strides = array<i32>} : memref<2x2048xf32, #tpu.memory_space<vmem>>, vector<16xf32>,
      %parallel_loop3A_905 = arith.subf %parallel_loop3A_904, %parallel_loop3A_900 : vector<16xf32>
      %parallel_loop3A_906 = arith.mulf %parallel_loop3A_905, %parallel_loop3A_905 : vector<16xf32>
      %parallel_loop3A_907 = arith.constant 4096 : i32
      %parallel_loop3A_908 = arith.addi %parallel_loop3A_907, %parallel_loop3A_895 : i32
      %parallel_loop3A_909 = arith.constant 7 : i32
      %parallel_loop3A_910 = arith.shrui %parallel_loop3A_908, %parallel_loop3A_909 : i32
      %parallel_loop3A_911 = arith.constant 127 : i32
      %parallel_loop3A_912 = arith.andi %parallel_loop3A_908, %parallel_loop3A_911 : i32
      %parallel_loop3A_913 = arith.index_cast %parallel_loop3A_910 : i32 to index
      %parallel_loop3A_914 = arith.index_cast %parallel_loop3A_912 : i32 to index
      %parallel_loop3A_915 = tpu.vector_load %arg9[%parallel_loop3A_913, %parallel_loop3A_914] {strides = array<i32>} : memref<128x128xf32, #tpu.memory_space<vmem>>, vector<16xf32>,
      tpu.vector_store %arg9[%parallel_loop3A_913, %parallel_loop3A_914], %parallel_loop3A_906 {add = true, strides = array<i32>} : memref<128x128xf32, #tpu.memory_space<vmem>>, vector<16xf32>,
    } {sc.loop_unroll_factor = 8 : i64, sc.parallel_access}
    %dma_start3A_650 = arith.constant 0 : i32
    %dma_start3A_651 = arith.constant 0 : i32
    %dma_start3A_652 = tpu.memref_slice %arg7[%dma_start3A_650, %dma_start3A_651] : memref<2x2048xi32, #tpu.memory_space<vmem>> -> memref<1x2048xi32, #tpu.memory_space<vmem>>
    %dma_start3A_653 = tpu.memref_squeeze %dma_start3A_652 : memref<1x2048xi32, #tpu.memory_space<vmem>> -> memref<2048xi32, #tpu.memory_space<vmem>>
    %dma_start3A_654 = arith.constant 8192 : i32
    %dma_start3A_655 = tpu.memref_slice %arg3[%dma_start3A_654] : memref<16384xi32, #tpu.memory_space<hbm>> -> memref<2048xi32, #tpu.memory_space<hbm>>
    %dma_start3A_656 = arith.constant 0 : i32
    %dma_start3A_657 = tpu.memref_slice %arg7[%dma_start3A_650, %dma_start3A_656] : memref<2x2048xi32, #tpu.memory_space<vmem>> -> memref<1x2048xi32, #tpu.memory_space<vmem>>
    %dma_start3A_658 = tpu.memref_squeeze %dma_start3A_657 : memref<1x2048xi32, #tpu.memory_space<vmem>> -> memref<2048xi32, #tpu.memory_space<vmem>>
    %dma_start3A_659 = arith.constant 8192 : i32
    %dma_start3A_660 = tpu.memref_slice %arg3[%dma_start3A_659] : memref<16384xi32, #tpu.memory_space<hbm>> -> memref<2048xi32, #tpu.memory_space<hbm>>
    tpu.enqueue_dma source(%dma_start3A_660 : memref<2048xi32, #tpu.memory_space<hbm>>) target(%dma_start3A_658 : memref<2048xi32, #tpu.memory_space<vmem>>) target_semaphore(%arg13 : memref<!tpu.dma_semaphore, #tpu.memory_space<semaphore_mem>>)
    %dma_start3A_661 = arith.constant 0 : i32
    %dma_start3A_662 = arith.constant 0 : i32
    %dma_start3A_663 = tpu.memref_slice %arg8[%dma_start3A_661, %dma_start3A_662] : memref<2x2048xf32, #tpu.memory_space<vmem>> -> memref<1x2048xf32, #tpu.memory_space<vmem>>
    %dma_start3A_664 = tpu.memref_squeeze %dma_start3A_663 : memref<1x2048xf32, #tpu.memory_space<vmem>> -> memref<2048xf32, #tpu.memory_space<vmem>>
    %dma_start3A_665 = arith.constant 8192 : i32
    %dma_start3A_666 = tpu.memref_slice %arg2[%add3A_460, %dma_start3A_665] : memref<64x16384xf32, #tpu.memory_space<hbm>> -> memref<1x2048xf32, #tpu.memory_space<hbm>>
    %dma_start3A_667 = tpu.memref_squeeze %dma_start3A_666 : memref<1x2048xf32, #tpu.memory_space<hbm>> -> memref<2048xf32, #tpu.memory_space<hbm>>
    %dma_start3A_668 = arith.constant 0 : i32
    %dma_start3A_669 = tpu.memref_slice %arg8[%dma_start3A_661, %dma_start3A_668] : memref<2x2048xf32, #tpu.memory_space<vmem>> -> memref<1x2048xf32, #tpu.memory_space<vmem>>
    %dma_start3A_670 = tpu.memref_squeeze %dma_start3A_669 : memref<1x2048xf32, #tpu.memory_space<vmem>> -> memref<2048xf32, #tpu.memory_space<vmem>>
    %dma_start3A_671 = arith.constant 8192 : i32
    %dma_start3A_672 = tpu.memref_slice %arg2[%add3A_460, %dma_start3A_671] : memref<64x16384xf32, #tpu.memory_space<hbm>> -> memref<1x2048xf32, #tpu.memory_space<hbm>>
    %dma_start3A_673 = tpu.memref_squeeze %dma_start3A_672 : memref<1x2048xf32, #tpu.memory_space<hbm>> -> memref<2048xf32, #tpu.memory_space<hbm>>
    tpu.enqueue_dma source(%dma_start3A_673 : memref<2048xf32, #tpu.memory_space<hbm>>) target(%dma_start3A_670 : memref<2048xf32, #tpu.memory_space<vmem>>) target_semaphore(%arg13 : memref<!tpu.dma_semaphore, #tpu.memory_space<semaphore_mem>>)
    %dma_wait3A_674 = arith.constant 1 : i32
    %dma_wait3A_675 = arith.constant 0 : i32
    %dma_wait3A_676 = tpu.memref_slice %arg7[%dma_wait3A_674, %dma_wait3A_675] : memref<2x2048xi32, #tpu.memory_space<vmem>> -> memref<1x2048xi32, #tpu.memory_space<vmem>>
    %dma_wait3A_677 = tpu.memref_squeeze %dma_wait3A_676 : memref<1x2048xi32, #tpu.memory_space<vmem>> -> memref<2048xi32, #tpu.memory_space<vmem>>
    %dma_wait3A_678 = arith.constant 6144 : i32
    %dma_wait3A_679 = tpu.memref_slice %arg3[%dma_wait3A_678] : memref<16384xi32, #tpu.memory_space<hbm>> -> memref<2048xi32, #tpu.memory_space<hbm>>
    %dma_wait3A_680 = arith.constant 0 : i32
    %dma_wait3A_681 = tpu.memref_slice %arg7[%dma_wait3A_674, %dma_wait3A_680] : memref<2x2048xi32, #tpu.memory_space<vmem>> -> memref<1x2048xi32, #tpu.memory_space<vmem>>
    %dma_wait3A_682 = tpu.memref_squeeze %dma_wait3A_681 : memref<1x2048xi32, #tpu.memory_space<vmem>> -> memref<2048xi32, #tpu.memory_space<vmem>>
    %dma_wait3A_683 = arith.constant 6144 : i32
    %dma_wait3A_684 = tpu.memref_slice %arg3[%dma_wait3A_683] : memref<16384xi32, #tpu.memory_space<hbm>> -> memref<2048xi32, #tpu.memory_space<hbm>>
    tpu.wait_dma2 semaphore(%arg14 : memref<!tpu.dma_semaphore, #tpu.memory_space<semaphore_mem>>) src(%dma_wait3A_684 : memref<2048xi32, #tpu.memory_space<hbm>>) dst(%dma_wait3A_682 : memref<2048xi32, #tpu.memory_space<vmem>>)
    %dma_wait3A_685 = arith.constant 1 : i32
    %dma_wait3A_686 = arith.constant 0 : i32
    %dma_wait3A_687 = tpu.memref_slice %arg8[%dma_wait3A_685, %dma_wait3A_686] : memref<2x2048xf32, #tpu.memory_space<vmem>> -> memref<1x2048xf32, #tpu.memory_space<vmem>>
    %dma_wait3A_688 = tpu.memref_squeeze %dma_wait3A_687 : memref<1x2048xf32, #tpu.memory_space<vmem>> -> memref<2048xf32, #tpu.memory_space<vmem>>
    %dma_wait3A_689 = arith.constant 6144 : i32
    %dma_wait3A_690 = tpu.memref_slice %arg2[%add3A_460, %dma_wait3A_689] : memref<64x16384xf32, #tpu.memory_space<hbm>> -> memref<1x2048xf32, #tpu.memory_space<hbm>>
    %dma_wait3A_691 = tpu.memref_squeeze %dma_wait3A_690 : memref<1x2048xf32, #tpu.memory_space<hbm>> -> memref<2048xf32, #tpu.memory_space<hbm>>
    %dma_wait3A_692 = arith.constant 0 : i32
    %dma_wait3A_693 = tpu.memref_slice %arg8[%dma_wait3A_685, %dma_wait3A_692] : memref<2x2048xf32, #tpu.memory_space<vmem>> -> memref<1x2048xf32, #tpu.memory_space<vmem>>
    %dma_wait3A_694 = tpu.memref_squeeze %dma_wait3A_693 : memref<1x2048xf32, #tpu.memory_space<vmem>> -> memref<2048xf32, #tpu.memory_space<vmem>>
    %dma_wait3A_695 = arith.constant 6144 : i32
    %dma_wait3A_696 = tpu.memref_slice %arg2[%add3A_460, %dma_wait3A_695] : memref<64x16384xf32, #tpu.memory_space<hbm>> -> memref<1x2048xf32, #tpu.memory_space<hbm>>
    %dma_wait3A_697 = tpu.memref_squeeze %dma_wait3A_696 : memref<1x2048xf32, #tpu.memory_space<hbm>> -> memref<2048xf32, #tpu.memory_space<hbm>>
    tpu.wait_dma2 semaphore(%arg14 : memref<!tpu.dma_semaphore, #tpu.memory_space<semaphore_mem>>) src(%dma_wait3A_697 : memref<2048xf32, #tpu.memory_space<hbm>>) dst(%dma_wait3A_694 : memref<2048xf32, #tpu.memory_space<vmem>>)
    %parallel_loop3A_698 = arith.constant 0 : i32
    %parallel_loop3A_699 = arith.constant 128 : i32
    %parallel_loop3A_700 = arith.constant 1 : i32
    scf.for %parallel_loop3A_893 = %parallel_loop3A_698 to %parallel_loop3A_699 step %parallel_loop3A_700  : i32 {
      %parallel_loop3A_894 = arith.constant 16 : i32
      %parallel_loop3A_895 = arith.muli %parallel_loop3A_893, %parallel_loop3A_894 : i32
      %parallel_loop3A_896 = arith.constant 1 : i32
      %parallel_loop3A_897 = arith.index_cast %parallel_loop3A_896 : i32 to index
      %parallel_loop3A_898 = arith.index_cast %parallel_loop3A_895 : i32 to index
      %parallel_loop3A_899 = tpu.vector_load %arg7[%parallel_loop3A_897, %parallel_loop3A_898] {strides = array<i32>} : memref<2x2048xi32, #tpu.memory_space<vmem>>, vector<16xi32>,
      %parallel_loop3A_900 = tpu.vector_load_idx %arg6[%parallel_loop3A_899] : memref<100000xf32, #tpu.memory_space<vmem>>[vector<16xi32>], vector<16xf32>,
      %parallel_loop3A_901 = arith.constant 1 : i32
      %parallel_loop3A_902 = arith.index_cast %parallel_loop3A_901 : i32 to index
      %parallel_loop3A_903 = arith.index_cast %parallel_loop3A_895 : i32 to index
      %parallel_loop3A_904 = tpu.vector_load %arg8[%parallel_loop3A_902, %parallel_loop3A_903] {strides = array<i32>} : memref<2x2048xf32, #tpu.memory_space<vmem>>, vector<16xf32>,
      %parallel_loop3A_905 = arith.subf %parallel_loop3A_904, %parallel_loop3A_900 : vector<16xf32>
      %parallel_loop3A_906 = arith.mulf %parallel_loop3A_905, %parallel_loop3A_905 : vector<16xf32>
      %parallel_loop3A_907 = arith.constant 6144 : i32
      %parallel_loop3A_908 = arith.addi %parallel_loop3A_907, %parallel_loop3A_895 : i32
      %parallel_loop3A_909 = arith.constant 7 : i32
      %parallel_loop3A_910 = arith.shrui %parallel_loop3A_908, %parallel_loop3A_909 : i32
      %parallel_loop3A_911 = arith.constant 127 : i32
      %parallel_loop3A_912 = arith.andi %parallel_loop3A_908, %parallel_loop3A_911 : i32
      %parallel_loop3A_913 = arith.index_cast %parallel_loop3A_910 : i32 to index
      %parallel_loop3A_914 = arith.index_cast %parallel_loop3A_912 : i32 to index
      %parallel_loop3A_915 = tpu.vector_load %arg9[%parallel_loop3A_913, %parallel_loop3A_914] {strides = array<i32>} : memref<128x128xf32, #tpu.memory_space<vmem>>, vector<16xf32>,
      tpu.vector_store %arg9[%parallel_loop3A_913, %parallel_loop3A_914], %parallel_loop3A_906 {add = true, strides = array<i32>} : memref<128x128xf32, #tpu.memory_space<vmem>>, vector<16xf32>,
    } {sc.loop_unroll_factor = 8 : i64, sc.parallel_access}
    %dma_start3A_701 = arith.constant 1 : i32
    %dma_start3A_702 = arith.constant 0 : i32
    %dma_start3A_703 = tpu.memref_slice %arg7[%dma_start3A_701, %dma_start3A_702] : memref<2x2048xi32, #tpu.memory_space<vmem>> -> memref<1x2048xi32, #tpu.memory_space<vmem>>
    %dma_start3A_704 = tpu.memref_squeeze %dma_start3A_703 : memref<1x2048xi32, #tpu.memory_space<vmem>> -> memref<2048xi32, #tpu.memory_space<vmem>>
    %dma_start3A_705 = arith.constant 10240 : i32
    %dma_start3A_706 = tpu.memref_slice %arg3[%dma_start3A_705] : memref<16384xi32, #tpu.memory_space<hbm>> -> memref<2048xi32, #tpu.memory_space<hbm>>
    %dma_start3A_707 = arith.constant 0 : i32
    %dma_start3A_708 = tpu.memref_slice %arg7[%dma_start3A_701, %dma_start3A_707] : memref<2x2048xi32, #tpu.memory_space<vmem>> -> memref<1x2048xi32, #tpu.memory_space<vmem>>
    %dma_start3A_709 = tpu.memref_squeeze %dma_start3A_708 : memref<1x2048xi32, #tpu.memory_space<vmem>> -> memref<2048xi32, #tpu.memory_space<vmem>>
    %dma_start3A_710 = arith.constant 10240 : i32
    %dma_start3A_711 = tpu.memref_slice %arg3[%dma_start3A_710] : memref<16384xi32, #tpu.memory_space<hbm>> -> memref<2048xi32, #tpu.memory_space<hbm>>
    tpu.enqueue_dma source(%dma_start3A_711 : memref<2048xi32, #tpu.memory_space<hbm>>) target(%dma_start3A_709 : memref<2048xi32, #tpu.memory_space<vmem>>) target_semaphore(%arg14 : memref<!tpu.dma_semaphore, #tpu.memory_space<semaphore_mem>>)
    %dma_start3A_712 = arith.constant 1 : i32
    %dma_start3A_713 = arith.constant 0 : i32
    %dma_start3A_714 = tpu.memref_slice %arg8[%dma_start3A_712, %dma_start3A_713] : memref<2x2048xf32, #tpu.memory_space<vmem>> -> memref<1x2048xf32, #tpu.memory_space<vmem>>
    %dma_start3A_715 = tpu.memref_squeeze %dma_start3A_714 : memref<1x2048xf32, #tpu.memory_space<vmem>> -> memref<2048xf32, #tpu.memory_space<vmem>>
    %dma_start3A_716 = arith.constant 10240 : i32
    %dma_start3A_717 = tpu.memref_slice %arg2[%add3A_460, %dma_start3A_716] : memref<64x16384xf32, #tpu.memory_space<hbm>> -> memref<1x2048xf32, #tpu.memory_space<hbm>>
    %dma_start3A_718 = tpu.memref_squeeze %dma_start3A_717 : memref<1x2048xf32, #tpu.memory_space<hbm>> -> memref<2048xf32, #tpu.memory_space<hbm>>
    %dma_start3A_719 = arith.constant 0 : i32
    %dma_start3A_720 = tpu.memref_slice %arg8[%dma_start3A_712, %dma_start3A_719] : memref<2x2048xf32, #tpu.memory_space<vmem>> -> memref<1x2048xf32, #tpu.memory_space<vmem>>
    %dma_start3A_721 = tpu.memref_squeeze %dma_start3A_720 : memref<1x2048xf32, #tpu.memory_space<vmem>> -> memref<2048xf32, #tpu.memory_space<vmem>>
    %dma_start3A_722 = arith.constant 10240 : i32
    %dma_start3A_723 = tpu.memref_slice %arg2[%add3A_460, %dma_start3A_722] : memref<64x16384xf32, #tpu.memory_space<hbm>> -> memref<1x2048xf32, #tpu.memory_space<hbm>>
    %dma_start3A_724 = tpu.memref_squeeze %dma_start3A_723 : memref<1x2048xf32, #tpu.memory_space<hbm>> -> memref<2048xf32, #tpu.memory_space<hbm>>
    tpu.enqueue_dma source(%dma_start3A_724 : memref<2048xf32, #tpu.memory_space<hbm>>) target(%dma_start3A_721 : memref<2048xf32, #tpu.memory_space<vmem>>) target_semaphore(%arg14 : memref<!tpu.dma_semaphore, #tpu.memory_space<semaphore_mem>>)
    %dma_wait3A_725 = arith.constant 0 : i32
    %dma_wait3A_726 = arith.constant 0 : i32
    %dma_wait3A_727 = tpu.memref_slice %arg7[%dma_wait3A_725, %dma_wait3A_726] : memref<2x2048xi32, #tpu.memory_space<vmem>> -> memref<1x2048xi32, #tpu.memory_space<vmem>>
    %dma_wait3A_728 = tpu.memref_squeeze %dma_wait3A_727 : memref<1x2048xi32, #tpu.memory_space<vmem>> -> memref<2048xi32, #tpu.memory_space<vmem>>
    %dma_wait3A_729 = arith.constant 8192 : i32
    %dma_wait3A_730 = tpu.memref_slice %arg3[%dma_wait3A_729] : memref<16384xi32, #tpu.memory_space<hbm>> -> memref<2048xi32, #tpu.memory_space<hbm>>
    %dma_wait3A_731 = arith.constant 0 : i32
    %dma_wait3A_732 = tpu.memref_slice %arg7[%dma_wait3A_725, %dma_wait3A_731] : memref<2x2048xi32, #tpu.memory_space<vmem>> -> memref<1x2048xi32, #tpu.memory_space<vmem>>
    %dma_wait3A_733 = tpu.memref_squeeze %dma_wait3A_732 : memref<1x2048xi32, #tpu.memory_space<vmem>> -> memref<2048xi32, #tpu.memory_space<vmem>>
    %dma_wait3A_734 = arith.constant 8192 : i32
    %dma_wait3A_735 = tpu.memref_slice %arg3[%dma_wait3A_734] : memref<16384xi32, #tpu.memory_space<hbm>> -> memref<2048xi32, #tpu.memory_space<hbm>>
    tpu.wait_dma2 semaphore(%arg13 : memref<!tpu.dma_semaphore, #tpu.memory_space<semaphore_mem>>) src(%dma_wait3A_735 : memref<2048xi32, #tpu.memory_space<hbm>>) dst(%dma_wait3A_733 : memref<2048xi32, #tpu.memory_space<vmem>>)
    %dma_wait3A_736 = arith.constant 0 : i32
    %dma_wait3A_737 = arith.constant 0 : i32
    %dma_wait3A_738 = tpu.memref_slice %arg8[%dma_wait3A_736, %dma_wait3A_737] : memref<2x2048xf32, #tpu.memory_space<vmem>> -> memref<1x2048xf32, #tpu.memory_space<vmem>>
    %dma_wait3A_739 = tpu.memref_squeeze %dma_wait3A_738 : memref<1x2048xf32, #tpu.memory_space<vmem>> -> memref<2048xf32, #tpu.memory_space<vmem>>
    %dma_wait3A_740 = arith.constant 8192 : i32
    %dma_wait3A_741 = tpu.memref_slice %arg2[%add3A_460, %dma_wait3A_740] : memref<64x16384xf32, #tpu.memory_space<hbm>> -> memref<1x2048xf32, #tpu.memory_space<hbm>>
    %dma_wait3A_742 = tpu.memref_squeeze %dma_wait3A_741 : memref<1x2048xf32, #tpu.memory_space<hbm>> -> memref<2048xf32, #tpu.memory_space<hbm>>
    %dma_wait3A_743 = arith.constant 0 : i32
    %dma_wait3A_744 = tpu.memref_slice %arg8[%dma_wait3A_736, %dma_wait3A_743] : memref<2x2048xf32, #tpu.memory_space<vmem>> -> memref<1x2048xf32, #tpu.memory_space<vmem>>
    %dma_wait3A_745 = tpu.memref_squeeze %dma_wait3A_744 : memref<1x2048xf32, #tpu.memory_space<vmem>> -> memref<2048xf32, #tpu.memory_space<vmem>>
    %dma_wait3A_746 = arith.constant 8192 : i32
    %dma_wait3A_747 = tpu.memref_slice %arg2[%add3A_460, %dma_wait3A_746] : memref<64x16384xf32, #tpu.memory_space<hbm>> -> memref<1x2048xf32, #tpu.memory_space<hbm>>
    %dma_wait3A_748 = tpu.memref_squeeze %dma_wait3A_747 : memref<1x2048xf32, #tpu.memory_space<hbm>> -> memref<2048xf32, #tpu.memory_space<hbm>>
    tpu.wait_dma2 semaphore(%arg13 : memref<!tpu.dma_semaphore, #tpu.memory_space<semaphore_mem>>) src(%dma_wait3A_748 : memref<2048xf32, #tpu.memory_space<hbm>>) dst(%dma_wait3A_745 : memref<2048xf32, #tpu.memory_space<vmem>>)
    %parallel_loop3A_749 = arith.constant 0 : i32
    %parallel_loop3A_750 = arith.constant 128 : i32
    %parallel_loop3A_751 = arith.constant 1 : i32
    scf.for %parallel_loop3A_893 = %parallel_loop3A_749 to %parallel_loop3A_750 step %parallel_loop3A_751  : i32 {
      %parallel_loop3A_894 = arith.constant 16 : i32
      %parallel_loop3A_895 = arith.muli %parallel_loop3A_893, %parallel_loop3A_894 : i32
      %parallel_loop3A_896 = arith.constant 0 : i32
      %parallel_loop3A_897 = arith.index_cast %parallel_loop3A_896 : i32 to index
      %parallel_loop3A_898 = arith.index_cast %parallel_loop3A_895 : i32 to index
      %parallel_loop3A_899 = tpu.vector_load %arg7[%parallel_loop3A_897, %parallel_loop3A_898] {strides = array<i32>} : memref<2x2048xi32, #tpu.memory_space<vmem>>, vector<16xi32>,
      %parallel_loop3A_900 = tpu.vector_load_idx %arg6[%parallel_loop3A_899] : memref<100000xf32, #tpu.memory_space<vmem>>[vector<16xi32>], vector<16xf32>,
      %parallel_loop3A_901 = arith.constant 0 : i32
      %parallel_loop3A_902 = arith.index_cast %parallel_loop3A_901 : i32 to index
      %parallel_loop3A_903 = arith.index_cast %parallel_loop3A_895 : i32 to index
      %parallel_loop3A_904 = tpu.vector_load %arg8[%parallel_loop3A_902, %parallel_loop3A_903] {strides = array<i32>} : memref<2x2048xf32, #tpu.memory_space<vmem>>, vector<16xf32>,
      %parallel_loop3A_905 = arith.subf %parallel_loop3A_904, %parallel_loop3A_900 : vector<16xf32>
      %parallel_loop3A_906 = arith.mulf %parallel_loop3A_905, %parallel_loop3A_905 : vector<16xf32>
      %parallel_loop3A_907 = arith.constant 8192 : i32
      %parallel_loop3A_908 = arith.addi %parallel_loop3A_907, %parallel_loop3A_895 : i32
      %parallel_loop3A_909 = arith.constant 7 : i32
      %parallel_loop3A_910 = arith.shrui %parallel_loop3A_908, %parallel_loop3A_909 : i32
      %parallel_loop3A_911 = arith.constant 127 : i32
      %parallel_loop3A_912 = arith.andi %parallel_loop3A_908, %parallel_loop3A_911 : i32
      %parallel_loop3A_913 = arith.index_cast %parallel_loop3A_910 : i32 to index
      %parallel_loop3A_914 = arith.index_cast %parallel_loop3A_912 : i32 to index
      %parallel_loop3A_915 = tpu.vector_load %arg9[%parallel_loop3A_913, %parallel_loop3A_914] {strides = array<i32>} : memref<128x128xf32, #tpu.memory_space<vmem>>, vector<16xf32>,
      tpu.vector_store %arg9[%parallel_loop3A_913, %parallel_loop3A_914], %parallel_loop3A_906 {add = true, strides = array<i32>} : memref<128x128xf32, #tpu.memory_space<vmem>>, vector<16xf32>,
    } {sc.loop_unroll_factor = 8 : i64, sc.parallel_access}
    %dma_start3A_752 = arith.constant 0 : i32
    %dma_start3A_753 = arith.constant 0 : i32
    %dma_start3A_754 = tpu.memref_slice %arg7[%dma_start3A_752, %dma_start3A_753] : memref<2x2048xi32, #tpu.memory_space<vmem>> -> memref<1x2048xi32, #tpu.memory_space<vmem>>
    %dma_start3A_755 = tpu.memref_squeeze %dma_start3A_754 : memref<1x2048xi32, #tpu.memory_space<vmem>> -> memref<2048xi32, #tpu.memory_space<vmem>>
    %dma_start3A_756 = arith.constant 12288 : i32
    %dma_start3A_757 = tpu.memref_slice %arg3[%dma_start3A_756] : memref<16384xi32, #tpu.memory_space<hbm>> -> memref<2048xi32, #tpu.memory_space<hbm>>
    %dma_start3A_758 = arith.constant 0 : i32
    %dma_start3A_759 = tpu.memref_slice %arg7[%dma_start3A_752, %dma_start3A_758] : memref<2x2048xi32, #tpu.memory_space<vmem>> -> memref<1x2048xi32, #tpu.memory_space<vmem>>
    %dma_start3A_760 = tpu.memref_squeeze %dma_start3A_759 : memref<1x2048xi32, #tpu.memory_space<vmem>> -> memref<2048xi32, #tpu.memory_space<vmem>>
    %dma_start3A_761 = arith.constant 12288 : i32
    %dma_start3A_762 = tpu.memref_slice %arg3[%dma_start3A_761] : memref<16384xi32, #tpu.memory_space<hbm>> -> memref<2048xi32, #tpu.memory_space<hbm>>
    tpu.enqueue_dma source(%dma_start3A_762 : memref<2048xi32, #tpu.memory_space<hbm>>) target(%dma_start3A_760 : memref<2048xi32, #tpu.memory_space<vmem>>) target_semaphore(%arg13 : memref<!tpu.dma_semaphore, #tpu.memory_space<semaphore_mem>>)
    %dma_start3A_763 = arith.constant 0 : i32
    %dma_start3A_764 = arith.constant 0 : i32
    %dma_start3A_765 = tpu.memref_slice %arg8[%dma_start3A_763, %dma_start3A_764] : memref<2x2048xf32, #tpu.memory_space<vmem>> -> memref<1x2048xf32, #tpu.memory_space<vmem>>
    %dma_start3A_766 = tpu.memref_squeeze %dma_start3A_765 : memref<1x2048xf32, #tpu.memory_space<vmem>> -> memref<2048xf32, #tpu.memory_space<vmem>>
    %dma_start3A_767 = arith.constant 12288 : i32
    %dma_start3A_768 = tpu.memref_slice %arg2[%add3A_460, %dma_start3A_767] : memref<64x16384xf32, #tpu.memory_space<hbm>> -> memref<1x2048xf32, #tpu.memory_space<hbm>>
    %dma_start3A_769 = tpu.memref_squeeze %dma_start3A_768 : memref<1x2048xf32, #tpu.memory_space<hbm>> -> memref<2048xf32, #tpu.memory_space<hbm>>
    %dma_start3A_770 = arith.constant 0 : i32
    %dma_start3A_771 = tpu.memref_slice %arg8[%dma_start3A_763, %dma_start3A_770] : memref<2x2048xf32, #tpu.memory_space<vmem>> -> memref<1x2048xf32, #tpu.memory_space<vmem>>
    %dma_start3A_772 = tpu.memref_squeeze %dma_start3A_771 : memref<1x2048xf32, #tpu.memory_space<vmem>> -> memref<2048xf32, #tpu.memory_space<vmem>>
    %dma_start3A_773 = arith.constant 12288 : i32
    %dma_start3A_774 = tpu.memref_slice %arg2[%add3A_460, %dma_start3A_773] : memref<64x16384xf32, #tpu.memory_space<hbm>> -> memref<1x2048xf32, #tpu.memory_space<hbm>>
    %dma_start3A_775 = tpu.memref_squeeze %dma_start3A_774 : memref<1x2048xf32, #tpu.memory_space<hbm>> -> memref<2048xf32, #tpu.memory_space<hbm>>
    tpu.enqueue_dma source(%dma_start3A_775 : memref<2048xf32, #tpu.memory_space<hbm>>) target(%dma_start3A_772 : memref<2048xf32, #tpu.memory_space<vmem>>) target_semaphore(%arg13 : memref<!tpu.dma_semaphore, #tpu.memory_space<semaphore_mem>>)
    %dma_wait3A_776 = arith.constant 1 : i32
    %dma_wait3A_777 = arith.constant 0 : i32
    %dma_wait3A_778 = tpu.memref_slice %arg7[%dma_wait3A_776, %dma_wait3A_777] : memref<2x2048xi32, #tpu.memory_space<vmem>> -> memref<1x2048xi32, #tpu.memory_space<vmem>>
    %dma_wait3A_779 = tpu.memref_squeeze %dma_wait3A_778 : memref<1x2048xi32, #tpu.memory_space<vmem>> -> memref<2048xi32, #tpu.memory_space<vmem>>
    %dma_wait3A_780 = arith.constant 10240 : i32
    %dma_wait3A_781 = tpu.memref_slice %arg3[%dma_wait3A_780] : memref<16384xi32, #tpu.memory_space<hbm>> -> memref<2048xi32, #tpu.memory_space<hbm>>
    %dma_wait3A_782 = arith.constant 0 : i32
    %dma_wait3A_783 = tpu.memref_slice %arg7[%dma_wait3A_776, %dma_wait3A_782] : memref<2x2048xi32, #tpu.memory_space<vmem>> -> memref<1x2048xi32, #tpu.memory_space<vmem>>
    %dma_wait3A_784 = tpu.memref_squeeze %dma_wait3A_783 : memref<1x2048xi32, #tpu.memory_space<vmem>> -> memref<2048xi32, #tpu.memory_space<vmem>>
    %dma_wait3A_785 = arith.constant 10240 : i32
    %dma_wait3A_786 = tpu.memref_slice %arg3[%dma_wait3A_785] : memref<16384xi32, #tpu.memory_space<hbm>> -> memref<2048xi32, #tpu.memory_space<hbm>>
    tpu.wait_dma2 semaphore(%arg14 : memref<!tpu.dma_semaphore, #tpu.memory_space<semaphore_mem>>) src(%dma_wait3A_786 : memref<2048xi32, #tpu.memory_space<hbm>>) dst(%dma_wait3A_784 : memref<2048xi32, #tpu.memory_space<vmem>>)
    %dma_wait3A_787 = arith.constant 1 : i32
    %dma_wait3A_788 = arith.constant 0 : i32
    %dma_wait3A_789 = tpu.memref_slice %arg8[%dma_wait3A_787, %dma_wait3A_788] : memref<2x2048xf32, #tpu.memory_space<vmem>> -> memref<1x2048xf32, #tpu.memory_space<vmem>>
    %dma_wait3A_790 = tpu.memref_squeeze %dma_wait3A_789 : memref<1x2048xf32, #tpu.memory_space<vmem>> -> memref<2048xf32, #tpu.memory_space<vmem>>
    %dma_wait3A_791 = arith.constant 10240 : i32
    %dma_wait3A_792 = tpu.memref_slice %arg2[%add3A_460, %dma_wait3A_791] : memref<64x16384xf32, #tpu.memory_space<hbm>> -> memref<1x2048xf32, #tpu.memory_space<hbm>>
    %dma_wait3A_793 = tpu.memref_squeeze %dma_wait3A_792 : memref<1x2048xf32, #tpu.memory_space<hbm>> -> memref<2048xf32, #tpu.memory_space<hbm>>
    %dma_wait3A_794 = arith.constant 0 : i32
    %dma_wait3A_795 = tpu.memref_slice %arg8[%dma_wait3A_787, %dma_wait3A_794] : memref<2x2048xf32, #tpu.memory_space<vmem>> -> memref<1x2048xf32, #tpu.memory_space<vmem>>
    %dma_wait3A_796 = tpu.memref_squeeze %dma_wait3A_795 : memref<1x2048xf32, #tpu.memory_space<vmem>> -> memref<2048xf32, #tpu.memory_space<vmem>>
    %dma_wait3A_797 = arith.constant 10240 : i32
    %dma_wait3A_798 = tpu.memref_slice %arg2[%add3A_460, %dma_wait3A_797] : memref<64x16384xf32, #tpu.memory_space<hbm>> -> memref<1x2048xf32, #tpu.memory_space<hbm>>
    %dma_wait3A_799 = tpu.memref_squeeze %dma_wait3A_798 : memref<1x2048xf32, #tpu.memory_space<hbm>> -> memref<2048xf32, #tpu.memory_space<hbm>>
    tpu.wait_dma2 semaphore(%arg14 : memref<!tpu.dma_semaphore, #tpu.memory_space<semaphore_mem>>) src(%dma_wait3A_799 : memref<2048xf32, #tpu.memory_space<hbm>>) dst(%dma_wait3A_796 : memref<2048xf32, #tpu.memory_space<vmem>>)
    %parallel_loop3A_800 = arith.constant 0 : i32
    %parallel_loop3A_801 = arith.constant 128 : i32
    %parallel_loop3A_802 = arith.constant 1 : i32
    scf.for %parallel_loop3A_893 = %parallel_loop3A_800 to %parallel_loop3A_801 step %parallel_loop3A_802  : i32 {
      %parallel_loop3A_894 = arith.constant 16 : i32
      %parallel_loop3A_895 = arith.muli %parallel_loop3A_893, %parallel_loop3A_894 : i32
      %parallel_loop3A_896 = arith.constant 1 : i32
      %parallel_loop3A_897 = arith.index_cast %parallel_loop3A_896 : i32 to index
      %parallel_loop3A_898 = arith.index_cast %parallel_loop3A_895 : i32 to index
      %parallel_loop3A_899 = tpu.vector_load %arg7[%parallel_loop3A_897, %parallel_loop3A_898] {strides = array<i32>} : memref<2x2048xi32, #tpu.memory_space<vmem>>, vector<16xi32>,
      %parallel_loop3A_900 = tpu.vector_load_idx %arg6[%parallel_loop3A_899] : memref<100000xf32, #tpu.memory_space<vmem>>[vector<16xi32>], vector<16xf32>,
      %parallel_loop3A_901 = arith.constant 1 : i32
      %parallel_loop3A_902 = arith.index_cast %parallel_loop3A_901 : i32 to index
      %parallel_loop3A_903 = arith.index_cast %parallel_loop3A_895 : i32 to index
      %parallel_loop3A_904 = tpu.vector_load %arg8[%parallel_loop3A_902, %parallel_loop3A_903] {strides = array<i32>} : memref<2x2048xf32, #tpu.memory_space<vmem>>, vector<16xf32>,
      %parallel_loop3A_905 = arith.subf %parallel_loop3A_904, %parallel_loop3A_900 : vector<16xf32>
      %parallel_loop3A_906 = arith.mulf %parallel_loop3A_905, %parallel_loop3A_905 : vector<16xf32>
      %parallel_loop3A_907 = arith.constant 10240 : i32
      %parallel_loop3A_908 = arith.addi %parallel_loop3A_907, %parallel_loop3A_895 : i32
      %parallel_loop3A_909 = arith.constant 7 : i32
      %parallel_loop3A_910 = arith.shrui %parallel_loop3A_908, %parallel_loop3A_909 : i32
      %parallel_loop3A_911 = arith.constant 127 : i32
      %parallel_loop3A_912 = arith.andi %parallel_loop3A_908, %parallel_loop3A_911 : i32
      %parallel_loop3A_913 = arith.index_cast %parallel_loop3A_910 : i32 to index
      %parallel_loop3A_914 = arith.index_cast %parallel_loop3A_912 : i32 to index
      %parallel_loop3A_915 = tpu.vector_load %arg9[%parallel_loop3A_913, %parallel_loop3A_914] {strides = array<i32>} : memref<128x128xf32, #tpu.memory_space<vmem>>, vector<16xf32>,
      tpu.vector_store %arg9[%parallel_loop3A_913, %parallel_loop3A_914], %parallel_loop3A_906 {add = true, strides = array<i32>} : memref<128x128xf32, #tpu.memory_space<vmem>>, vector<16xf32>,
    } {sc.loop_unroll_factor = 8 : i64, sc.parallel_access}
    %dma_start3A_803 = arith.constant 1 : i32
    %dma_start3A_804 = arith.constant 0 : i32
    %dma_start3A_805 = tpu.memref_slice %arg7[%dma_start3A_803, %dma_start3A_804] : memref<2x2048xi32, #tpu.memory_space<vmem>> -> memref<1x2048xi32, #tpu.memory_space<vmem>>
    %dma_start3A_806 = tpu.memref_squeeze %dma_start3A_805 : memref<1x2048xi32, #tpu.memory_space<vmem>> -> memref<2048xi32, #tpu.memory_space<vmem>>
    %dma_start3A_807 = arith.constant 14336 : i32
    %dma_start3A_808 = tpu.memref_slice %arg3[%dma_start3A_807] : memref<16384xi32, #tpu.memory_space<hbm>> -> memref<2048xi32, #tpu.memory_space<hbm>>
    %dma_start3A_809 = arith.constant 0 : i32
    %dma_start3A_810 = tpu.memref_slice %arg7[%dma_start3A_803, %dma_start3A_809] : memref<2x2048xi32, #tpu.memory_space<vmem>> -> memref<1x2048xi32, #tpu.memory_space<vmem>>
    %dma_start3A_811 = tpu.memref_squeeze %dma_start3A_810 : memref<1x2048xi32, #tpu.memory_space<vmem>> -> memref<2048xi32, #tpu.memory_space<vmem>>
    %dma_start3A_812 = arith.constant 14336 : i32
    %dma_start3A_813 = tpu.memref_slice %arg3[%dma_start3A_812] : memref<16384xi32, #tpu.memory_space<hbm>> -> memref<2048xi32, #tpu.memory_space<hbm>>
    tpu.enqueue_dma source(%dma_start3A_813 : memref<2048xi32, #tpu.memory_space<hbm>>) target(%dma_start3A_811 : memref<2048xi32, #tpu.memory_space<vmem>>) target_semaphore(%arg14 : memref<!tpu.dma_semaphore, #tpu.memory_space<semaphore_mem>>)
    %dma_start3A_814 = arith.constant 1 : i32
    %dma_start3A_815 = arith.constant 0 : i32
    %dma_start3A_816 = tpu.memref_slice %arg8[%dma_start3A_814, %dma_start3A_815] : memref<2x2048xf32, #tpu.memory_space<vmem>> -> memref<1x2048xf32, #tpu.memory_space<vmem>>
    %dma_start3A_817 = tpu.memref_squeeze %dma_start3A_816 : memref<1x2048xf32, #tpu.memory_space<vmem>> -> memref<2048xf32, #tpu.memory_space<vmem>>
    %dma_start3A_818 = arith.constant 14336 : i32
    %dma_start3A_819 = tpu.memref_slice %arg2[%add3A_460, %dma_start3A_818] : memref<64x16384xf32, #tpu.memory_space<hbm>> -> memref<1x2048xf32, #tpu.memory_space<hbm>>
    %dma_start3A_820 = tpu.memref_squeeze %dma_start3A_819 : memref<1x2048xf32, #tpu.memory_space<hbm>> -> memref<2048xf32, #tpu.memory_space<hbm>>
    %dma_start3A_821 = arith.constant 0 : i32
    %dma_start3A_822 = tpu.memref_slice %arg8[%dma_start3A_814, %dma_start3A_821] : memref<2x2048xf32, #tpu.memory_space<vmem>> -> memref<1x2048xf32, #tpu.memory_space<vmem>>
    %dma_start3A_823 = tpu.memref_squeeze %dma_start3A_822 : memref<1x2048xf32, #tpu.memory_space<vmem>> -> memref<2048xf32, #tpu.memory_space<vmem>>
    %dma_start3A_824 = arith.constant 14336 : i32
    %dma_start3A_825 = tpu.memref_slice %arg2[%add3A_460, %dma_start3A_824] : memref<64x16384xf32, #tpu.memory_space<hbm>> -> memref<1x2048xf32, #tpu.memory_space<hbm>>
    %dma_start3A_826 = tpu.memref_squeeze %dma_start3A_825 : memref<1x2048xf32, #tpu.memory_space<hbm>> -> memref<2048xf32, #tpu.memory_space<hbm>>
    tpu.enqueue_dma source(%dma_start3A_826 : memref<2048xf32, #tpu.memory_space<hbm>>) target(%dma_start3A_823 : memref<2048xf32, #tpu.memory_space<vmem>>) target_semaphore(%arg14 : memref<!tpu.dma_semaphore, #tpu.memory_space<semaphore_mem>>)
    %dma_wait3A_827 = arith.constant 0 : i32
    %dma_wait3A_828 = arith.constant 0 : i32
    %dma_wait3A_829 = tpu.memref_slice %arg7[%dma_wait3A_827, %dma_wait3A_828] : memref<2x2048xi32, #tpu.memory_space<vmem>> -> memref<1x2048xi32, #tpu.memory_space<vmem>>
    %dma_wait3A_830 = tpu.memref_squeeze %dma_wait3A_829 : memref<1x2048xi32, #tpu.memory_space<vmem>> -> memref<2048xi32, #tpu.memory_space<vmem>>
    %dma_wait3A_831 = arith.constant 12288 : i32
    %dma_wait3A_832 = tpu.memref_slice %arg3[%dma_wait3A_831] : memref<16384xi32, #tpu.memory_space<hbm>> -> memref<2048xi32, #tpu.memory_space<hbm>>
    %dma_wait3A_833 = arith.constant 0 : i32
    %dma_wait3A_834 = tpu.memref_slice %arg7[%dma_wait3A_827, %dma_wait3A_833] : memref<2x2048xi32, #tpu.memory_space<vmem>> -> memref<1x2048xi32, #tpu.memory_space<vmem>>
    %dma_wait3A_835 = tpu.memref_squeeze %dma_wait3A_834 : memref<1x2048xi32, #tpu.memory_space<vmem>> -> memref<2048xi32, #tpu.memory_space<vmem>>
    %dma_wait3A_836 = arith.constant 12288 : i32
    %dma_wait3A_837 = tpu.memref_slice %arg3[%dma_wait3A_836] : memref<16384xi32, #tpu.memory_space<hbm>> -> memref<2048xi32, #tpu.memory_space<hbm>>
    tpu.wait_dma2 semaphore(%arg13 : memref<!tpu.dma_semaphore, #tpu.memory_space<semaphore_mem>>) src(%dma_wait3A_837 : memref<2048xi32, #tpu.memory_space<hbm>>) dst(%dma_wait3A_835 : memref<2048xi32, #tpu.memory_space<vmem>>)
    %dma_wait3A_838 = arith.constant 0 : i32
    %dma_wait3A_839 = arith.constant 0 : i32
    %dma_wait3A_840 = tpu.memref_slice %arg8[%dma_wait3A_838, %dma_wait3A_839] : memref<2x2048xf32, #tpu.memory_space<vmem>> -> memref<1x2048xf32, #tpu.memory_space<vmem>>
    %dma_wait3A_841 = tpu.memref_squeeze %dma_wait3A_840 : memref<1x2048xf32, #tpu.memory_space<vmem>> -> memref<2048xf32, #tpu.memory_space<vmem>>
    %dma_wait3A_842 = arith.constant 12288 : i32
    %dma_wait3A_843 = tpu.memref_slice %arg2[%add3A_460, %dma_wait3A_842] : memref<64x16384xf32, #tpu.memory_space<hbm>> -> memref<1x2048xf32, #tpu.memory_space<hbm>>
    %dma_wait3A_844 = tpu.memref_squeeze %dma_wait3A_843 : memref<1x2048xf32, #tpu.memory_space<hbm>> -> memref<2048xf32, #tpu.memory_space<hbm>>
    %dma_wait3A_845 = arith.constant 0 : i32
    %dma_wait3A_846 = tpu.memref_slice %arg8[%dma_wait3A_838, %dma_wait3A_845] : memref<2x2048xf32, #tpu.memory_space<vmem>> -> memref<1x2048xf32, #tpu.memory_space<vmem>>
    %dma_wait3A_847 = tpu.memref_squeeze %dma_wait3A_846 : memref<1x2048xf32, #tpu.memory_space<vmem>> -> memref<2048xf32, #tpu.memory_space<vmem>>
    %dma_wait3A_848 = arith.constant 12288 : i32
    %dma_wait3A_849 = tpu.memref_slice %arg2[%add3A_460, %dma_wait3A_848] : memref<64x16384xf32, #tpu.memory_space<hbm>> -> memref<1x2048xf32, #tpu.memory_space<hbm>>
    %dma_wait3A_850 = tpu.memref_squeeze %dma_wait3A_849 : memref<1x2048xf32, #tpu.memory_space<hbm>> -> memref<2048xf32, #tpu.memory_space<hbm>>
    tpu.wait_dma2 semaphore(%arg13 : memref<!tpu.dma_semaphore, #tpu.memory_space<semaphore_mem>>) src(%dma_wait3A_850 : memref<2048xf32, #tpu.memory_space<hbm>>) dst(%dma_wait3A_847 : memref<2048xf32, #tpu.memory_space<vmem>>)
    %parallel_loop3A_851 = arith.constant 0 : i32
    %parallel_loop3A_852 = arith.constant 128 : i32
    %parallel_loop3A_853 = arith.constant 1 : i32
    scf.for %parallel_loop3A_893 = %parallel_loop3A_851 to %parallel_loop3A_852 step %parallel_loop3A_853  : i32 {
      %parallel_loop3A_894 = arith.constant 16 : i32
      %parallel_loop3A_895 = arith.muli %parallel_loop3A_893, %parallel_loop3A_894 : i32
      %parallel_loop3A_896 = arith.constant 0 : i32
      %parallel_loop3A_897 = arith.index_cast %parallel_loop3A_896 : i32 to index
      %parallel_loop3A_898 = arith.index_cast %parallel_loop3A_895 : i32 to index
      %parallel_loop3A_899 = tpu.vector_load %arg7[%parallel_loop3A_897, %parallel_loop3A_898] {strides = array<i32>} : memref<2x2048xi32, #tpu.memory_space<vmem>>, vector<16xi32>,
      %parallel_loop3A_900 = tpu.vector_load_idx %arg6[%parallel_loop3A_899] : memref<100000xf32, #tpu.memory_space<vmem>>[vector<16xi32>], vector<16xf32>,
      %parallel_loop3A_901 = arith.constant 0 : i32
      %parallel_loop3A_902 = arith.index_cast %parallel_loop3A_901 : i32 to index
      %parallel_loop3A_903 = arith.index_cast %parallel_loop3A_895 : i32 to index
      %parallel_loop3A_904 = tpu.vector_load %arg8[%parallel_loop3A_902, %parallel_loop3A_903] {strides = array<i32>} : memref<2x2048xf32, #tpu.memory_space<vmem>>, vector<16xf32>,
      %parallel_loop3A_905 = arith.subf %parallel_loop3A_904, %parallel_loop3A_900 : vector<16xf32>
      %parallel_loop3A_906 = arith.mulf %parallel_loop3A_905, %parallel_loop3A_905 : vector<16xf32>
      %parallel_loop3A_907 = arith.constant 12288 : i32
      %parallel_loop3A_908 = arith.addi %parallel_loop3A_907, %parallel_loop3A_895 : i32
      %parallel_loop3A_909 = arith.constant 7 : i32
      %parallel_loop3A_910 = arith.shrui %parallel_loop3A_908, %parallel_loop3A_909 : i32
      %parallel_loop3A_911 = arith.constant 127 : i32
      %parallel_loop3A_912 = arith.andi %parallel_loop3A_908, %parallel_loop3A_911 : i32
      %parallel_loop3A_913 = arith.index_cast %parallel_loop3A_910 : i32 to index
      %parallel_loop3A_914 = arith.index_cast %parallel_loop3A_912 : i32 to index
      %parallel_loop3A_915 = tpu.vector_load %arg9[%parallel_loop3A_913, %parallel_loop3A_914] {strides = array<i32>} : memref<128x128xf32, #tpu.memory_space<vmem>>, vector<16xf32>,
      tpu.vector_store %arg9[%parallel_loop3A_913, %parallel_loop3A_914], %parallel_loop3A_906 {add = true, strides = array<i32>} : memref<128x128xf32, #tpu.memory_space<vmem>>, vector<16xf32>,
    } {sc.loop_unroll_factor = 8 : i64, sc.parallel_access}
    %dma_wait3A_854 = arith.constant 1 : i32
    %dma_wait3A_855 = arith.constant 0 : i32
    %dma_wait3A_856 = tpu.memref_slice %arg7[%dma_wait3A_854, %dma_wait3A_855] : memref<2x2048xi32, #tpu.memory_space<vmem>> -> memref<1x2048xi32, #tpu.memory_space<vmem>>
    %dma_wait3A_857 = tpu.memref_squeeze %dma_wait3A_856 : memref<1x2048xi32, #tpu.memory_space<vmem>> -> memref<2048xi32, #tpu.memory_space<vmem>>
    %dma_wait3A_858 = arith.constant 14336 : i32
    %dma_wait3A_859 = tpu.memref_slice %arg3[%dma_wait3A_858] : memref<16384xi32, #tpu.memory_space<hbm>> -> memref<2048xi32, #tpu.memory_space<hbm>>
    %dma_wait3A_860 = arith.constant 0 : i32
    %dma_wait3A_861 = tpu.memref_slice %arg7[%dma_wait3A_854, %dma_wait3A_860] : memref<2x2048xi32, #tpu.memory_space<vmem>> -> memref<1x2048xi32, #tpu.memory_space<vmem>>
    %dma_wait3A_862 = tpu.memref_squeeze %dma_wait3A_861 : memref<1x2048xi32, #tpu.memory_space<vmem>> -> memref<2048xi32, #tpu.memory_space<vmem>>
    %dma_wait3A_863 = arith.constant 14336 : i32
    %dma_wait3A_864 = tpu.memref_slice %arg3[%dma_wait3A_863] : memref<16384xi32, #tpu.memory_space<hbm>> -> memref<2048xi32, #tpu.memory_space<hbm>>
    tpu.wait_dma2 semaphore(%arg14 : memref<!tpu.dma_semaphore, #tpu.memory_space<semaphore_mem>>) src(%dma_wait3A_864 : memref<2048xi32, #tpu.memory_space<hbm>>) dst(%dma_wait3A_862 : memref<2048xi32, #tpu.memory_space<vmem>>)
    %dma_wait3A_865 = arith.constant 1 : i32
    %dma_wait3A_866 = arith.constant 0 : i32
    %dma_wait3A_867 = tpu.memref_slice %arg8[%dma_wait3A_865, %dma_wait3A_866] : memref<2x2048xf32, #tpu.memory_space<vmem>> -> memref<1x2048xf32, #tpu.memory_space<vmem>>
    %dma_wait3A_868 = tpu.memref_squeeze %dma_wait3A_867 : memref<1x2048xf32, #tpu.memory_space<vmem>> -> memref<2048xf32, #tpu.memory_space<vmem>>
    %dma_wait3A_869 = arith.constant 14336 : i32
    %dma_wait3A_870 = tpu.memref_slice %arg2[%add3A_460, %dma_wait3A_869] : memref<64x16384xf32, #tpu.memory_space<hbm>> -> memref<1x2048xf32, #tpu.memory_space<hbm>>
    %dma_wait3A_871 = tpu.memref_squeeze %dma_wait3A_870 : memref<1x2048xf32, #tpu.memory_space<hbm>> -> memref<2048xf32, #tpu.memory_space<hbm>>
    %dma_wait3A_872 = arith.constant 0 : i32
    %dma_wait3A_873 = tpu.memref_slice %arg8[%dma_wait3A_865, %dma_wait3A_872] : memref<2x2048xf32, #tpu.memory_space<vmem>> -> memref<1x2048xf32, #tpu.memory_space<vmem>>
    %dma_wait3A_874 = tpu.memref_squeeze %dma_wait3A_873 : memref<1x2048xf32, #tpu.memory_space<vmem>> -> memref<2048xf32, #tpu.memory_space<vmem>>
    %dma_wait3A_875 = arith.constant 14336 : i32
    %dma_wait3A_876 = tpu.memref_slice %arg2[%add3A_460, %dma_wait3A_875] : memref<64x16384xf32, #tpu.memory_space<hbm>> -> memref<1x2048xf32, #tpu.memory_space<hbm>>
    %dma_wait3A_877 = tpu.memref_squeeze %dma_wait3A_876 : memref<1x2048xf32, #tpu.memory_space<hbm>> -> memref<2048xf32, #tpu.memory_space<hbm>>
    tpu.wait_dma2 semaphore(%arg14 : memref<!tpu.dma_semaphore, #tpu.memory_space<semaphore_mem>>) src(%dma_wait3A_877 : memref<2048xf32, #tpu.memory_space<hbm>>) dst(%dma_wait3A_874 : memref<2048xf32, #tpu.memory_space<vmem>>)
    %parallel_loop3A_878 = arith.constant 0 : i32
    %parallel_loop3A_879 = arith.constant 128 : i32
    %parallel_loop3A_880 = arith.constant 1 : i32
    scf.for %parallel_loop3A_893 = %parallel_loop3A_878 to %parallel_loop3A_879 step %parallel_loop3A_880  : i32 {
      %parallel_loop3A_894 = arith.constant 16 : i32
      %parallel_loop3A_895 = arith.muli %parallel_loop3A_893, %parallel_loop3A_894 : i32
      %parallel_loop3A_896 = arith.constant 1 : i32
      %parallel_loop3A_897 = arith.index_cast %parallel_loop3A_896 : i32 to index
      %parallel_loop3A_898 = arith.index_cast %parallel_loop3A_895 : i32 to index
      %parallel_loop3A_899 = tpu.vector_load %arg7[%parallel_loop3A_897, %parallel_loop3A_898] {strides = array<i32>} : memref<2x2048xi32, #tpu.memory_space<vmem>>, vector<16xi32>,
      %parallel_loop3A_900 = tpu.vector_load_idx %arg6[%parallel_loop3A_899] : memref<100000xf32, #tpu.memory_space<vmem>>[vector<16xi32>], vector<16xf32>,
      %parallel_loop3A_901 = arith.constant 1 : i32
      %parallel_loop3A_902 = arith.index_cast %parallel_loop3A_901 : i32 to index
      %parallel_loop3A_903 = arith.index_cast %parallel_loop3A_895 : i32 to index
      %parallel_loop3A_904 = tpu.vector_load %arg8[%parallel_loop3A_902, %parallel_loop3A_903] {strides = array<i32>} : memref<2x2048xf32, #tpu.memory_space<vmem>>, vector<16xf32>,
      %parallel_loop3A_905 = arith.subf %parallel_loop3A_904, %parallel_loop3A_900 : vector<16xf32>
      %parallel_loop3A_906 = arith.mulf %parallel_loop3A_905, %parallel_loop3A_905 : vector<16xf32>
      %parallel_loop3A_907 = arith.constant 14336 : i32
      %parallel_loop3A_908 = arith.addi %parallel_loop3A_907, %parallel_loop3A_895 : i32
      %parallel_loop3A_909 = arith.constant 7 : i32
      %parallel_loop3A_910 = arith.shrui %parallel_loop3A_908, %parallel_loop3A_909 : i32
      %parallel_loop3A_911 = arith.constant 127 : i32
      %parallel_loop3A_912 = arith.andi %parallel_loop3A_908, %parallel_loop3A_911 : i32
      %parallel_loop3A_913 = arith.index_cast %parallel_loop3A_910 : i32 to index
      %parallel_loop3A_914 = arith.index_cast %parallel_loop3A_912 : i32 to index
      %parallel_loop3A_915 = tpu.vector_load %arg9[%parallel_loop3A_913, %parallel_loop3A_914] {strides = array<i32>} : memref<128x128xf32, #tpu.memory_space<vmem>>, vector<16xf32>,
      tpu.vector_store %arg9[%parallel_loop3A_913, %parallel_loop3A_914], %parallel_loop3A_906 {add = true, strides = array<i32>} : memref<128x128xf32, #tpu.memory_space<vmem>>, vector<16xf32>,
    } {sc.loop_unroll_factor = 8 : i64, sc.parallel_access}
    %eq3A = arith.constant 0 : i32
    %eq3A_881 = arith.cmpi eq, %arg1, %eq3A : i32
    %convert_element_type3A = arith.extui %eq3A_881 : i1 to i32
    %cond3A = arith.constant 0 : i32
    %cond3A_882 = arith.cmpi ne, %convert_element_type3A, %cond3A : i32
    scf.if %cond3A_882 {
      "tpu.region"() ({
        %run_scoped3A = tpu.sem_alloc : memref<!tpu.dma_semaphore, #tpu.memory_space<semaphore_mem>>
        tpu.enqueue_dma source(%arg9 : memref<128x128xf32, #tpu.memory_space<vmem>>) target(%arg10 : memref<128x128xf32, #tpu.memory_space<vmem_shared>>) target_semaphore(%run_scoped3A : memref<!tpu.dma_semaphore, #tpu.memory_space<semaphore_mem>>)
        tpu.wait_dma2 semaphore(%run_scoped3A : memref<!tpu.dma_semaphore, #tpu.memory_space<semaphore_mem>>) src(%arg9 : memref<128x128xf32, #tpu.memory_space<vmem>>) dst(%arg10 : memref<128x128xf32, #tpu.memory_space<vmem_shared>>)
        tpu.yield
      }) : () -> ()
    } else {
    }
    %barrier3A = arith.constant 0 : index
    tpu.barrier barrier_id(%barrier3A)
    %ne3A = arith.constant 0 : i32
    %ne3A_883 = arith.cmpi ne, %arg1, %ne3A : i32
    %convert_element_type3A_884 = arith.extui %ne3A_883 : i1 to i32
    %cond3A_885 = arith.constant 0 : i32
    %cond3A_886 = arith.cmpi ne, %convert_element_type3A_884, %cond3A_885 : i32
    scf.if %cond3A_886 {
      "tpu.region"() ({
        %run_scoped3A = tpu.sem_alloc : memref<!tpu.dma_semaphore, #tpu.memory_space<semaphore_mem>>
        %dma_start3A_893 = arith.constant 0 : i32
        %dma_start3A_894 = arith.constant 0 : i32
        %dma_start3A_895 = tpu.memref_slice %arg10[%dma_start3A_893, %dma_start3A_894] : memref<128x128xf32, #tpu.memory_space<vmem_shared>> -> memref<128x128xf32, #tpu.memory_space<vmem_shared>>
        tpu.enqueue_indirect_dma source(%arg9 : memref<128x128xf32, #tpu.memory_space<vmem>>) target(%dma_start3A_895 : memref<128x128xf32, #tpu.memory_space<vmem_shared>>) offsets(%arg11 : memref<128xi32, #tpu.memory_space<vmem>>) semaphore(%run_scoped3A : memref<!tpu.dma_semaphore, #tpu.memory_space<semaphore_mem>>) {add = true}
        %dma_wait3A_896 = arith.constant 0 : i32
        %dma_wait3A_897 = arith.constant 0 : i32
        %dma_wait3A_898 = tpu.memref_slice %arg10[%dma_wait3A_896, %dma_wait3A_897] : memref<128x128xf32, #tpu.memory_space<vmem_shared>> -> memref<128x128xf32, #tpu.memory_space<vmem_shared>>
        tpu.wait_indirect_dma semaphore(%run_scoped3A : memref<!tpu.dma_semaphore, #tpu.memory_space<semaphore_mem>>) src(%arg9 : memref<128x128xf32, #tpu.memory_space<vmem>>) dst(%dma_wait3A_898 : memref<128x128xf32, #tpu.memory_space<vmem_shared>>)
        tpu.yield
      }) : () -> ()
    } else {
    }
    %barrier3A_887 = arith.constant 0 : index
    tpu.barrier barrier_id(%barrier3A_887)
    %eq3A_888 = arith.constant 0 : i32
    %eq3A_889 = arith.cmpi eq, %arg1, %eq3A_888 : i32
    %convert_element_type3A_890 = arith.extui %eq3A_889 : i1 to i32
    %cond3A_891 = arith.constant 0 : i32
    %cond3A_892 = arith.cmpi ne, %convert_element_type3A_890, %cond3A_891 : i32
    scf.if %cond3A_892 {
      "tpu.region"() ({
        %run_scoped3A = tpu.sem_alloc : memref<!tpu.dma_semaphore, #tpu.memory_space<semaphore_mem>>
        %dma_start3A_893 = arith.constant 0 : i32
        %dma_start3A_894 = arith.constant 0 : i32
        %dma_start3A_895 = tpu.memref_slice %arg5[%arg0, %dma_start3A_893, %dma_start3A_894] : memref<2x128x128xf32, #tpu.memory_space<hbm>> -> memref<1x128x128xf32, #tpu.memory_space<hbm>>
        %dma_start3A_896 = tpu.memref_squeeze %dma_start3A_895 : memref<1x128x128xf32, #tpu.memory_space<hbm>> -> memref<128x128xf32, #tpu.memory_space<hbm>>
        tpu.enqueue_dma source(%arg10 : memref<128x128xf32, #tpu.memory_space<vmem_shared>>) target(%dma_start3A_896 : memref<128x128xf32, #tpu.memory_space<hbm>>) target_semaphore(%run_scoped3A : memref<!tpu.dma_semaphore, #tpu.memory_space<semaphore_mem>>)
        %dma_wait3A_897 = arith.constant 0 : i32
        %dma_wait3A_898 = arith.constant 0 : i32
        %dma_wait3A_899 = tpu.memref_slice %arg5[%arg0, %dma_wait3A_897, %dma_wait3A_898] : memref<2x128x128xf32, #tpu.memory_space<hbm>> -> memref<1x128x128xf32, #tpu.memory_space<hbm>>
        %dma_wait3A_900 = tpu.memref_squeeze %dma_wait3A_899 : memref<1x128x128xf32, #tpu.memory_space<hbm>> -> memref<128x128xf32, #tpu.memory_space<hbm>>
        tpu.wait_dma2 semaphore(%run_scoped3A : memref<!tpu.dma_semaphore, #tpu.memory_space<semaphore_mem>>) src(%arg10 : memref<128x128xf32, #tpu.memory_space<vmem_shared>>) dst(%dma_wait3A_900 : memref<128x128xf32, #tpu.memory_space<hbm>>)
        tpu.yield
      }) : () -> ()
    } else {
    }
    return
  }
}

module attributes {stable_mosaic.version = 14 : i64} {
  func.func @body(%arg0: memref<2x128x128xf32, #tpu.memory_space<vmem>>, %arg1: memref<1x1xf32, #tpu.memory_space<smem>>) attributes {dimension_semantics = [], scalar_prefetch = 0 : i64, scratch_operands = 0 : i64, tpu.core_type = #tpu.core_type<tc>} {
    %get3A = arith.constant 0 : index
    %get3A_0 = arith.constant 0 : index
    %get3A_1 = arith.constant 0 : index
    %get3A_2 = vector.load %arg0[%get3A, %get3A_0, %get3A_1] : memref<2x128x128xf32, #tpu.memory_space<vmem>>, vector<2x128x128xf32>
    %reduce_sum3A = arith.constant dense<0.000000e+00> : vector<128x128xf32>
    %reduce_sum3A_3 = vector.multi_reduction <add>, %get3A_2, %reduce_sum3A [0] : vector<2x128x128xf32> to vector<128x128xf32>
    %max3A = arith.constant 9.99999996E-13 : f32
    %max3A_4 = vector.broadcast %max3A : f32 to vector<128x128xf32>
    %max3A_5 = arith.maximumf %reduce_sum3A_3, %max3A_4 : vector<128x128xf32>
    %min3A = arith.constant 9.99999995E+11 : f32
    %min3A_6 = vector.broadcast %min3A : f32 to vector<128x128xf32>
    %min3A_7 = arith.minimumf %max3A_5, %min3A_6 : vector<128x128xf32>
    %reduce_sum3A_8 = vector.shape_cast %min3A_7 : vector<128x128xf32> to vector<1x128x128xf32>
    %reduce_sum3A_9 = arith.constant dense<0.000000e+00> : vector<1xf32>
    %reduce_sum3A_10 = vector.multi_reduction <add>, %reduce_sum3A_8, %reduce_sum3A_9 [1, 2] : vector<1x128x128xf32> to vector<1xf32>
    %reduce_sum3A_11 = vector.shape_cast %reduce_sum3A_10 : vector<1xf32> to vector<1x1x1xf32>
    %reduce_sum3A_12 = vector.extract %reduce_sum3A_11[0, 0, 0] : f32 from vector<1x1x1xf32>
    %mul3A = arith.constant 6.10351563E-5 : f32
    %mul3A_13 = arith.mulf %reduce_sum3A_12, %mul3A : f32
    %swap3A = arith.constant 0 : index
    %swap3A_14 = arith.constant 0 : index
    %swap3A_15 = memref.load %arg1[%swap3A, %swap3A_14] : memref<1x1xf32, #tpu.memory_space<smem>>
    memref.store %mul3A_13, %arg1[%swap3A, %swap3A_14] : memref<1x1xf32, #tpu.memory_space<smem>>
    return
  }
}

</mosaic_0001>

<sc_bundles>
// kernel: kernel.4.cloned.1.call-start
scs
__scs_entry_jumppad:
0x0: {  	(pc) =	sbr.rel $0x88, $3  }
0x1: {  	(tag) =	ssettag $0x0;
	lr =	simm.s32 $0x1  }
0x2: {  	[smem:$0x3F9E] =	sst lr;
	_ =	strace $0xD0000000  }
0x3: {  	_ = 	snop  }
0x4: {  	_ = 	snop  }
0x5: {  	_ = 	snop  }
0x6: {  	_ = 	snop  }
0x7: {  	_ = 	snop  }
__scs_overlays_trampoline_lowered:
0x8: {  	[smem:$0x3FAD] =	sst s0  }
0x9: {  	[smem:$0x3FAE] =	sst s1  }
0xa: {  	[smem:$0x3FAF] =	sst s2  }
0xb: {  	[smem:$0x3FB0] =	sst s3  }
0xc: {  	[smem:$0x3FB1] =	sst s4  }
0xd: {  	[smem:$0x3FB2] =	sst s5  }
0xe: {  	[smem:$0x3FB3] =	sst s6  }
0xf: {  	[smem:$0x3FB4] =	sst s7  }
0x10: {  	[smem:$0x3FB5] =	sst s8  }
0x11: {  	[smem:$0x3FB6] =	sst s9;
	s0 =	simm.s32 @!p0 $0x0  }
0x12: {  	s1 =	sld [smem:$0x3F9C];
	s0 =	simm.s32 @p0 $0x1  }
0x13: {  	[smem:$0x3FB7] =	sst s0;
	s0 =	simm.s32 @!p1 $0x0  }
0x14: {  	s2 =	sld [smem:$0x3F9B];
	s0 =	simm.s32 @p1 $0x1  }
0x15: {  	[smem:$0x3FB8] =	sst s0;
	s0 =	simm.s32 @!p2 $0x0  }
0x16: {  	s3 =	sld [smem:$0x3FDB];
	s0 =	simm.s32 @p2 $0x1  }
0x17: {  	s4 =	simm.s32 $0x1BF5;
	[smem:$0x3FBA] =	sst s0  }
0x18: {  	s0 =	sld [smem:$0x3F9D];
	_ =	swait.ge [sflag:s4], $0x0  }
0x19: {  	s7 =	sld [smem:$0x3F9E]  }
0x1a: {  	s8 =	sadd.s32 $0xFFFFE003, lr  }
0x1b: {  	s9 =	sadd.s32 $0xFFFFFEF7, lr;
	s5 =	simm.s32 $0xFFFFFFFF;
	p2 =	slt.u32 s8, $0xFFFFF086  }
0x1c: {  	p1 =	slt.u32 s9, $0xF7A;
	s5 =	simm.s32 @!p2 $0x0  }
0x1d: {  	s5 =	simm.s32 @p1 $0x1;
	p0 =	seq.s32 s7, s2  }
0x1e: {  	s7 =	smul.u32 @!p0 $0xF7A, s2;
	p2 =	seq.s32 @!p0 s5, $0x0  }
0x1f: {  	s9 =	smul.u32 $0xF7A, s1;
	s8 =	simm.s32 @!p0 $0x1BF5;
	p2 =	por !p2, p0  }
0x20: {  	[sflag:s8] =	ssyncset.s32 @!p0 $0xFFFFF086;
	s6 =	sadd.s32 @!p0 s3, s7;
	s7 =	simm.s32 @!p0 $0x108  }
0x21: {  	s3 =	sadd.s32 s3, s9;
	s6 =	sadd.s32 @!p0 $0x88, s6;
	s7 =	simm.s32 @p2 $0x1082  }
0x22: {  	[simem:s7], [sflag:s8] =	dma.local @!p0 [hbm:s6], $0xF7A  }
0x23: {  	s9 =	sor.u32 $0xD0000000, s2;
	s6 =	simm.s32 $0x108;
	_ =	swait.ge @!p0 [sflag:s8], $0x0  }
0x24: {  	s3 =	sadd.s32 $0x88, s3;
	s6 =	simm.s32 @!p1 $0x1082;
	[sflag:s4] =	ssyncset.s32 $0xFFFFF086  }
0x25: {  	[simem:s6], [sflag:s4] =	dma.local [hbm:s3], $0xF7A  }
0x26: {  	[smem:$0x3F9E] =	sst s1;
	(tag) =	ssettag s2;
	_ =	strace s9  }
0x27: {  	s1 =	sld [smem:$0x3FAE]  }
0x28: {  	s2 =	sld [smem:$0x3FAF]  }
0x29: {  	s4 =	sld [smem:$0x3FB1]  }
0x2a: {  	p0 =	seq.s32 s5, $0x0;
	s5 =	sld [smem:$0x3FB2]  }
0x2b: {  	s6 =	sld [smem:$0x3FB3]  }
0x2c: {  	s7 =	sld [smem:$0x3FB4]  }
0x2d: {  	s3 =	simm.s32 $0x108;
	s8 =	sld [smem:$0x3FB5]  }
0x2e: {  	s3 =	simm.s32 @!p0 $0x1082;
	s9 =	sld [smem:$0x3FB6]  }
0x2f: {  	lr =	sadd.s32 s0, s3;
	s0 =	sld [smem:$0x3FAD]  }
0x30: {  	s3 =	sld [smem:$0x3FB0]  }
0x31: {  	[smem:$0x3FB9] =	sst s10  }
0x32: {  	s10 =	sld [smem:$0x3FB7];
	_ =	sdelay $0x3  }
0x33: {  	p0 =	seq.s32 s10, $0x1;
	s10 =	sld [smem:$0x3FB9];
	_ =	sdelay $0x3  }
0x34: {  	[smem:$0x3FB9] =	sst s10  }
0x35: {  	s10 =	sld [smem:$0x3FB8];
	_ =	sdelay $0x3  }
0x36: {  	p1 =	seq.s32 s10, $0x1;
	s10 =	sld [smem:$0x3FB9];
	_ =	sdelay $0x3  }
0x37: {  	[smem:$0x3FB9] =	sst s10  }
0x38: {  	s10 =	sld [smem:$0x3FBA]  }
0x39: {  	_ = 	snop;
	(pc) =	sbr.ind lr, $3  }
0x3a: {  	_ = 	snop  }
0x3b: {  	_ = 	snop  }
0x3c: {  	p2 =	seq.s32 s10, $0x1;
	s10 =	sld [smem:$0x3FB9]  }
0x3d: {  	_ =	shalt  }
0x3e: {  	_ =	shalt  }
0x3f: {  	_ =	shalt  }
0x40: {  	_ =	shalt  }
0x41: {  	_ =	shalt  }
0x42: {  	_ =	shalt  }
0x43: {  	_ =	shalt  }
0x44: {  	_ =	shalt  }
0x45: {  	_ =	shalt  }
0x46: {  	_ =	shalt  }
0x47: {  	_ =	shalt  }
0x48: {  	_ =	shalt  }
0x49: {  	_ =	shalt  }
0x4a: {  	_ =	shalt  }
0x4b: {  	_ =	shalt  }
0x4c: {  	_ =	shalt  }
0x4d: {  	_ =	shalt  }
0x4e: {  	_ =	shalt  }
0x4f: {  	_ =	shalt  }
0x50: {  	_ =	shalt  }
0x51: {  	_ =	shalt  }
0x52: {  	_ =	shalt  }
0x53: {  	_ =	shalt  }
0x54: {  	_ =	shalt  }
0x55: {  	_ =	shalt  }
0x56: {  	_ =	shalt  }
0x57: {  	_ =	shalt  }
0x58: {  	_ =	shalt  }
0x59: {  	_ =	shalt  }
0x5a: {  	_ =	shalt  }
0x5b: {  	_ =	shalt  }
0x5c: {  	_ =	shalt  }
0x5d: {  	_ =	shalt  }
0x5e: {  	_ =	shalt  }
0x5f: {  	_ =	shalt  }
0x60: {  	_ =	shalt  }
0x61: {  	_ =	shalt  }
0x62: {  	_ =	shalt  }
0x63: {  	_ =	shalt  }
0x64: {  	_ =	shalt  }
0x65: {  	_ =	shalt  }
0x66: {  	_ =	shalt  }
0x67: {  	_ =	shalt  }
0x68: {  	_ =	shalt  }
0x69: {  	_ =	shalt  }
0x6a: {  	_ =	shalt  }
0x6b: {  	_ =	shalt  }
0x6c: {  	_ =	shalt  }
0x6d: {  	_ =	shalt  }
0x6e: {  	_ =	shalt  }
0x6f: {  	_ =	shalt  }
0x70: {  	_ =	shalt  }
0x71: {  	_ =	shalt  }
0x72: {  	_ =	shalt  }
0x73: {  	_ =	shalt  }
0x74: {  	_ =	shalt  }
0x75: {  	_ =	shalt  }
0x76: {  	_ =	shalt  }
0x77: {  	_ =	shalt  }
0x78: {  	_ =	shalt  }
0x79: {  	_ =	shalt  }
0x7a: {  	_ =	shalt  }
0x7b: {  	_ =	shalt  }
0x7c: {  	_ =	shalt  }
0x7d: {  	_ =	shalt  }
0x7e: {  	_ =	shalt  }
0x7f: {  	_ =	shalt  }
0x80: {  	_ =	shalt  }
0x81: {  	_ =	shalt  }
0x82: {  	_ =	shalt  }
0x83: {  	_ =	shalt  }
0x84: {  	_ =	shalt  }
0x85: {  	_ =	shalt  }
0x86: {  	_ =	shalt  }
0x87: {  	_ =	shalt  }
.Lfunc_end0:
.L_simem_size_0:
called_computation_lowered:
.L_overlay_start_0:
0x88: {  	s2 =	sld [smem:$0x3FD9]  }
0x89: {  	s3 =	sld [smem:$0x3FFE];
	_ =	sdelay $0x1  }
0x8a: {  	s1 =	srdreg.scid  }
0x8b: {  	s0 =	sand.u32 $0x1, s1  }
0x8c: {  	s17 =	sshll.u32 s0, $0xA;
	s2 =	sadd.s32 s3, s2  }
0x8d: {  	s2 =	sadd.s32 s2, s17  }
0x8e: {  	[smem:$0x3FC5] =	sst s2  }
0x8f: {  	_ = 	snop  }
0x90: {  	s2 =	sld [smem:$0x3FC9]  }
0x91: {  	s18 =	sld [smem:$0x3FC8]  }
0x92: {  	s4 =	sld [smem:$0x3FC7];
	(tm) =	ssettm $0x1  }
0x93: {  	s5 =	sld [smem:$0x3FFB];
	_ =	sdelay $0x3  }
0x94: {  	_ =	strace s5  }
0x95: {  	s5 =	sld [smem:$0x3FFC];
	_ =	sdelay $0x3  }
0x96: {  	_ =	strace s5  }
0x97: {  	s5 =	sld [smem:$0x3FFD];
	_ =	sdelay $0x3  }
0x98: {  	_ =	strace s5  }
0x99: {  	_ =	strace $0x8FFFFFFF  }
0x9a: {  	s19 =	sld [smem:$0x3FDB];
	_ =	sdelay $0x1  }
0x9b: {  	s6 =	simm.s32 $_scs_section_size  }
0x9c: {  	s7 =	simm.s32 $_size__tile_overlayer_lowered;
	s8 =	simm.s32 $_tile_overlayer_lowered  }
0x9d: {  	s22 =	simm.s32 $0x1BFF;
	s21 =	sshll.u32 s8, $0x1;
	s5 =	sadd.s32 s6, s19  }
0x9e: {  	s9 =	simm.s32 $0x0;
	s20 =	sshll.u32 s7, $0x1;
	s7 =	sadd.s32 s21, s5  }
0x9f: {  	[timem:s9], [sflag:s22] =	dma.local [hbm:s7], s20  }
0xa0: {  	_ =	swait.ge [sflag:s22], s20  }
0xa1: {  	s6 =	ssub.s32 $0x0, s20;
	[sflag:s22] =	ssyncset.done $0x0  }
0xa2: {  	[sflag:s22] =	ssyncadd.s32 s6;
	_ =	sdelay $0x1  }
0xa3: {  	s23 =	simm.s32 $0x1B8B  }
0xa4: {  	_ =	swait.ge [sflag:s23], $0x1  }
0xa5: {  	[sflag:s23] =	ssyncset.done $0x0  }
0xa6: {  	s25 =	simm.s32 $0x1B8E;
	s24 =	sld [smem:$0x3FFE];
	[sflag:s23] =	ssyncadd.s32 $0xFFFFFFFF  }
0xa7: {  	s26 =	simm.s32 $execute0_lowered;
	[smem:$0x3FD2] =	sst s25  }
0xa8: {  	s7 =	sshll.u32 s26, $0x1;
	_ =	strace $0x80000046;
	[dreg:$0x1] =	wrdreg $0xFFFFFFFF  }
0xa9: {  	s28 =	simm.s32 $_size_execute0_lowered;
	s5 =	sadd.s32 s5, s7;
	[dreg:$0x0] =	wrdreg $0x0  }
0xaa: {  	s7 =	sshll.u32 s28, $0x1;
	[dreg:$0x2] =	wrdreg s5  }
0xab: {  	[dreg:$0x3] =	wrdreg s7  }
0xac: {  	[dreg:$0x4] =	wrdreg $0xC0  }
0xad: {  	_ =	task [dreg:s9], $0x5FFFF  }
0xae: {  	[dreg:$0x1] =	wrdreg $0xFFFFFFFF  }
0xaf: {  	[dreg:$0x0] =	wrdreg $0x60  }
0xb0: {  	[dreg:$0x2] =	wrdreg s2  }
0xb1: {  	[dreg:$0x3] =	wrdreg s18  }
0xb2: {  	[dreg:$0x4] =	wrdreg s4  }
0xb3: {  	[dreg:$0x5] =	wrdreg s24  }
0xb4: {  	[dreg:$0x6] =	wrdreg $0x1E7000  }
0xb5: {  	[dreg:$0x7] =	wrdreg $0x9  }
0xb6: {  	_ =	task.clear_ibuf [dreg:s9], $0x8FFFF;
	_ =	strace $0x90000046  }
0xb7: {  	s29 =	simm.s32 $0x9;
	_ =	strace $0x80000048  }
0xb8: {  	_ =	swait.ge [sflag:s29], $0x1  }
0xb9: {  	[sflag:s29] =	ssyncadd.s32 $0xFFFFFFFF  }
0xba: {  	_ =	strace $0x90000048  }
0xbb: {  	_ =	sfence  }
0xbc: {  	s30 =	sld [smem:$0x0];
	_ =	sdelay $0x2  }
0xbd: {  	s31 =	sshll.u32 s1, $0xD;
	s1 =	sshrl.u32 s1, $0x2  }
0xbe: {  	s3 =	sand.u32 $0x4000, s31;
	s1 =	sadd.s32 s1, s30  }
0xbf: {  	s0 =	sor.u32 s3, s0;
	s1 =	sshll.u32 s1, $0x11  }
0xc0: {  	s0 =	sor.u32 s1, s0  }
0xc1: {  	s0 =	sadd.s32 $0x8F2B, s0  }
0xc2: {  	[sflag:s0] =	ssyncadd.remote.s32 $0x1  }
0xc3: {  	_ =	sfence.sel $0xFFFF  }
0xc4: {  	[dreg:$0x0] =	wrdreg $0xFFFFFFFF;
	(pc) =	sbr.abs _section_cstart, $3  }
0xc5: {  	[dreg:$0x1] =	wrdreg $0xFFFFFFFF  }
0xc6: {  	_ =	task.clear_ibuf [dreg:s9], $0x2FFFF;
	_ =	strace $0x9FFFFFFF  }
0xc7: {  	(tm) =	ssettm $0x7FFFFFFF  }
tec
execute0_lowered:
.L_overlay_start_1:
0x0: {  	(tag) =	ssettag $0x1  }
0x1: {  	s0 =	rddreg [dreg:$0x0]  }
0x2: {  	s24 =	rddreg [dreg:$0x1]  }
0x3: {  	s1 =	rddreg [dreg:$0x2]  }
0x4: {  	s2 =	rddreg [dreg:$0x3];
	s3 =	simm.s32 $0x0;
	s4 =	srdreg.scid  }
0x5: {  	s26 =	stileid.u32;
	[smem:$0x7FF] =	sst s3;
	s4 =	sand.u32 $0x1, s4  }
0x6: {  	s6 =	sshrl.u32 s26, $0x2;
	s7 =	sshll.u32 s26, $0x8;
	s16 =	sadd.s32 $0x800, s0  }
0x7: {  	s17 =	sadd.s32 $0x1000, s0;
	s18 =	sadd.s32 $0x1800, s0;
	s19 =	sadd.s32 $0x2000, s0  }
0x8: {  	s22 =	sadd.s32 $0x3800, s0;
	p0 =	seq.s32 s26, $0x0;
	s26 =	sadd.s32 $0x200, s24  }
0x9: {  	s28 =	sadd.s32 $0x300, s24;
	s29 =	sadd.s32 $0x400, s24;
	s30 =	sadd.s32 $0x500, s24  }
0xa: {  	s5 =	sshll.u32 s4, $0xB;
	s8 =	sshll.u32 s4, $0x7;
	s7 =	sand.u32 $0x300, s7  }
0xb: {  	s9 =	smul.u32 $0xC3800, s6;
	_ =	strace $0x80000047;
	s4 =	ssub.s32 $0x2, s4  }
0xc: {  	s20 =	sshll.u32 s6, $0x11;
	s6 =	sor.u32 $0x4, s6;
	s2 =	sadd.s32 s5, s2  }
0xd: {  	s15 =	sor.u32 s8, s7;
	s21 =	sshrl.u32 s4, $0x1;
	s13 =	smul.u32 $0xC3800, s6  }
0xe: {  	s6 =	sshll.u32 s6, $0x11;
	s7 =	sor.u32 s9, s15;
	s8 =	sor.u32 s20, s15  }
0xf: {  	s4 =	ssub.s32 s4, s21;
	s20 =	sadd.s32 $0x2800, s0;
	s5 =	sor.u32 s15, s6  }
0x10: {  	s21 =	sadd.s32 $0x3000, s0;
	s23 =	sshrl.u32 s5, $0x3;
	s5 =	sadd.s32 $0x600, s2  }
0x11: {  	s7 =	sshrl.u32 s7, $0x3;
	s6 =	smax.u32 s4, $0x1;
	[dreg:$0x9] =	wrdreg s5  }
0x12: {  	s12 =	sshrl.u32 s8, $0x3;
	s2 =	sadd.s32 $0x20, s24;
	[dreg:$0xa] =	wrdreg s6  }
0x13: {  	s13 =	sor.u32 s15, s13;
	s4 =	sadd.s32 $0x30, s24;
	[dreg:$0xc] =	wrdreg s2  }
0x14: {  	s7 =	sadd.s32 s1, s7;
	s25 =	sadd.s32 s0, s12;
	[dreg:$0xd] =	wrdreg s4  }
0x15: {  	s8 =	sadd.s32 s12, s17;
	s5 =	sadd.s32 $0x40, s24;
	[dreg:$0x6] =	wrdreg s7  }
0x16: {  	s9 =	sadd.s32 s12, s18;
	s6 =	sadd.s32 $0x50, s24;
	[dreg:$0xe] =	wrdreg s5  }
0x17: {  	s10 =	sadd.s32 s12, s19;
	s2 =	sadd.s32 $0x70, s24;
	[dreg:$0xf] =	wrdreg s6  }
0x18: {  	s11 =	sadd.s32 s12, s20;
	s4 =	sadd.s32 $0x80, s24;
	[dreg:$0x11] =	wrdreg s2  }
0x19: {  	s13 =	sshrl.u32 s13, $0x3;
	s14 =	sadd.s32 s12, s22;
	[dreg:$0x12] =	wrdreg s4  }
0x1a: {  	s7 =	sadd.s32 s12, s16;
	s1 =	sadd.s32 s1, s13;
	[dreg:$0x7] =	wrdreg s25  }
0x1b: {  	s13 =	sadd.s32 s12, s21;
	s12 =	sadd.s32 $0x10, s24;
	[dreg:$0x8] =	wrdreg s1  }
0x1c: {  	s31 =	sadd.s32 $0x600, s24;
	s5 =	sadd.s32 $0x90, s24;
	[dreg:$0xb] =	wrdreg s12  }
0x1d: {  	s15 =	sadd.s32 s0, s23;
	s6 =	sadd.s32 $0xA0, s24;
	[dreg:$0x13] =	wrdreg s5  }
0x1e: {  	s17 =	sadd.s32 s23, s17;
	s2 =	sadd.s32 $0xC0, s24;
	[dreg:$0x14] =	wrdreg s6  }
0x1f: {  	s18 =	sadd.s32 s23, s18;
	s4 =	sadd.s32 $0xD0, s24;
	[dreg:$0x16] =	wrdreg s2  }
0x20: {  	s19 =	sadd.s32 s23, s19;
	s12 =	sadd.s32 $0x60, s24;
	[dreg:$0x17] =	wrdreg s4  }
0x21: {  	s20 =	sadd.s32 s23, s20;
	s5 =	sadd.s32 $0xE0, s24;
	[dreg:$0x10] =	wrdreg s12  }
0x22: {  	s22 =	sadd.s32 s23, s22;
	s6 =	sadd.s32 $0xF0, s24;
	[dreg:$0x18] =	wrdreg s5  }
0x23: {  	s0 =	sadd.s32 $0x700, s24;
	s2 =	sadd.s32 $0x180, s25;
	[dreg:$0x19] =	wrdreg s6  }
0x24: {  	s16 =	sadd.s32 s23, s16;
	s4 =	sadd.s32 $0x200, s25;
	[dreg:$0x1c] =	wrdreg s2  }
0x25: {  	s21 =	sadd.s32 s23, s21;
	s12 =	sadd.s32 $0xB0, s24;
	[dreg:$0x1d] =	wrdreg s4  }
0x26: {  	s23 =	sadd.s32 $0x100, s24;
	s24 =	sadd.s32 $0x100, s25;
	[dreg:$0x15] =	wrdreg s12  }
0x27: {  	s5 =	sadd.s32 $0x280, s25;
	[dreg:$0x1b] =	wrdreg s24  }
0x28: {  	s6 =	sadd.s32 $0x300, s25;
	[dreg:$0x1e] =	wrdreg s5  }
0x29: {  	s2 =	sadd.s32 $0x480, s25;
	[dreg:$0x1f] =	wrdreg s6  }
0x2a: {  	s4 =	sadd.s32 $0x500, s25;
	[smem:$0x7F7] =	sst s2  }
0x2b: {  	s12 =	sadd.s32 $0x80, s25;
	[smem:$0x7F8] =	sst s4  }
0x2c: {  	s24 =	sadd.s32 $0x400, s25;
	[dreg:$0x1a] =	wrdreg s12  }
0x2d: {  	s5 =	sadd.s32 $0x580, s25;
	[smem:$0x7F6] =	sst s24  }
0x2e: {  	s6 =	sadd.s32 $0x600, s25;
	[smem:$0x7F9] =	sst s5  }
0x2f: {  	s12 =	sadd.s32 $0x380, s25;
	[smem:$0x7FA] =	sst s6  }
0x30: {  	v0 =	vlaneseq.u32;
	s24 =	sadd.s32 $0x700, s25;
	[smem:$0x7F5] =	sst s12  }
0x31: {  	v1 =	vor.u32 $0x10, v0;
	s12 =	sadd.s32 $0x680, s25;
	[smem:$0x7FC] =	sst s24  }
0x32: {  	v2 =	vor.u32 $0x20, v0;
	v3 =	vor.u32 $0x30, v0;
	v4 =	vor.u32 $0x40, v0;
	s2 =	simm.s32 $0x2;
	s25 =	sadd.s32 $0x780, s25;
	[smem:$0x7FB] =	sst s12  }
0x33: {  	v5 =	vor.u32 $0x50, v0;
	v6 =	vor.u32 $0x60, v0;
	v7 =	vor.u32 $0x70, v0;
	s4 =	simm.s32 $0x3;
	s5 =	simm.s32 $0x0;
	[smem:$0x7FD] =	sst s25  }
.LBB2_1:
0x34: {  	[tilespmem:$0x1EB00] =	vst v0  }
0x35: {  	[tilespmem:$0x1EB10] =	vst v1  }
0x36: {  	[tilespmem:$0x1EB20] =	vst v2  }
0x37: {  	[tilespmem:$0x1EB30] =	vst v3  }
0x38: {  	[tilespmem:$0x1EB40] =	vst v4  }
0x39: {  	[tilespmem:$0x1EB50] =	vst v5  }
0x3a: {  	[tilespmem:$0x1EB60] =	vst v6;
	s1 =	rddreg [dreg:$0x6]  }
0x3b: {  	[tilespmem:$0x1EB70] =	vst v7;
	s6 =	simm.s32 $0x80;
	s12 =	simm.s32 $0x400;
	s24 =	rddreg [dreg:$0x1]  }
0x3c: {  	[tilespmem:s3], [sflag:$0x1] =	stream.strided.gather [hbm4b:s1+s6], $0x18700, s12, s6, $0x38;
	[tilespmem:$0x1EB80] =	vst v63  }
0x3d: {  	s25 =	simm.s32 $0x18700;
	s6 =	rddreg [dreg:$0xb]  }
0x3e: {  	[tilespmem:s25], [sflag:$0x2] =	stream.linear.gather [hbm4b:s24+s3], $0x80, $0x38;
	[tilespmem:$0x1EB80] =	vst v63  }
0x3f: {  	s12 =	simm.s32 $0x18800;
	s24 =	rddreg [dreg:$0xc]  }
0x40: {  	[tilespmem:s12], [sflag:$0x2] =	stream.linear.gather [hbm4b:s6+s3], $0x80, $0x38;
	[tilespmem:$0x1EB80] =	vst v63  }
0x41: {  	s25 =	simm.s32 $0x18900;
	s6 =	rddreg [dreg:$0xd]  }
0x42: {  	[tilespmem:s25], [sflag:$0x2] =	stream.linear.gather [hbm4b:s24+s3], $0x80, $0x38;
	[tilespmem:$0x1EB80] =	vst v63  }
0x43: {  	s12 =	simm.s32 $0x18A00;
	s24 =	rddreg [dreg:$0xe]  }
0x44: {  	[tilespmem:s12], [sflag:$0x2] =	stream.linear.gather [hbm4b:s6+s3], $0x80, $0x38;
	[tilespmem:$0x1EB80] =	vst v63  }
0x45: {  	s25 =	simm.s32 $0x18B00;
	s6 =	rddreg [dreg:$0xf]  }
0x46: {  	[tilespmem:s25], [sflag:$0x2] =	stream.linear.gather [hbm4b:s24+s3], $0x80, $0x38;
	[tilespmem:$0x1EB80] =	vst v63  }
0x47: {  	s12 =	simm.s32 $0x18C00;
	s24 =	rddreg [dreg:$0x10]  }
0x48: {  	[tilespmem:s12], [sflag:$0x2] =	stream.linear.gather [hbm4b:s6+s3], $0x80, $0x38;
	[tilespmem:$0x1EB80] =	vst v63  }
0x49: {  	s25 =	simm.s32 $0x18D00;
	s6 =	rddreg [dreg:$0x11]  }
0x4a: {  	[tilespmem:s25], [sflag:$0x2] =	stream.linear.gather [hbm4b:s24+s3], $0x80, $0x38;
	[tilespmem:$0x1EB80] =	vst v63  }
0x4b: {  	s12 =	simm.s32 $0x18E00;
	s24 =	rddreg [dreg:$0x12]  }
0x4c: {  	[tilespmem:s12], [sflag:$0x2] =	stream.linear.gather [hbm4b:s6+s3], $0x80, $0x38;
	[tilespmem:$0x1EB80] =	vst v63  }
0x4d: {  	s25 =	simm.s32 $0x18F00;
	s6 =	rddreg [dreg:$0x13]  }
0x4e: {  	[tilespmem:s25], [sflag:$0x2] =	stream.linear.gather [hbm4b:s24+s3], $0x80, $0x38;
	[tilespmem:$0x1EB80] =	vst v63  }
0x4f: {  	s12 =	simm.s32 $0x19000;
	s24 =	rddreg [dreg:$0x14]  }
0x50: {  	[tilespmem:s12], [sflag:$0x2] =	stream.linear.gather [hbm4b:s6+s3], $0x80, $0x38;
	[tilespmem:$0x1EB80] =	vst v63  }
0x51: {  	s25 =	simm.s32 $0x19100;
	s6 =	rddreg [dreg:$0x15]  }
0x52: {  	[tilespmem:s25], [sflag:$0x2] =	stream.linear.gather [hbm4b:s24+s3], $0x80, $0x38;
	[tilespmem:$0x1EB80] =	vst v63  }
0x53: {  	s12 =	simm.s32 $0x19200;
	s24 =	rddreg [dreg:$0x16]  }
0x54: {  	[tilespmem:s12], [sflag:$0x2] =	stream.linear.gather [hbm4b:s6+s3], $0x80, $0x38;
	[tilespmem:$0x1EB80] =	vst v63  }
0x55: {  	s25 =	simm.s32 $0x19300;
	s6 =	rddreg [dreg:$0x17]  }
0x56: {  	[tilespmem:s25], [sflag:$0x2] =	stream.linear.gather [hbm4b:s24+s3], $0x80, $0x38;
	[tilespmem:$0x1EB80] =	vst v63  }
0x57: {  	s12 =	simm.s32 $0x19400;
	s24 =	rddreg [dreg:$0x18]  }
0x58: {  	[tilespmem:s12], [sflag:$0x2] =	stream.linear.gather [hbm4b:s6+s3], $0x80, $0x38;
	[tilespmem:$0x1EB80] =	vst v63  }
0x59: {  	s25 =	simm.s32 $0x19500;
	s6 =	rddreg [dreg:$0x19]  }
0x5a: {  	[tilespmem:s25], [sflag:$0x2] =	stream.linear.gather [hbm4b:s24+s3], $0x80, $0x38;
	[tilespmem:$0x1EB80] =	vst v63  }
0x5b: {  	s12 =	simm.s32 $0x19600;
	s24 =	rddreg [dreg:$0x7]  }
0x5c: {  	[tilespmem:s12], [sflag:$0x2] =	stream.linear.gather [hbm4b:s6+s3], $0x80, $0x38;
	[tilespmem:$0x1EB80] =	vst v63  }
0x5d: {  	s25 =	simm.s32 $0x19700;
	s6 =	rddreg [dreg:$0x1a]  }
0x5e: {  	[tilespmem:s25], [sflag:$0x2] =	stream.linear.gather [hbm4b:s24+s3], $0x80, $0x38;
	[tilespmem:$0x1EB80] =	vst v63  }
0x5f: {  	s12 =	simm.s32 $0x19800;
	s24 =	rddreg [dreg:$0x1b]  }
0x60: {  	[tilespmem:s12], [sflag:$0x2] =	stream.linear.gather [hbm4b:s6+s3], $0x80, $0x38;
	[tilespmem:$0x1EB80] =	vst v63  }
0x61: {  	s25 =	simm.s32 $0x19900;
	s6 =	rddreg [dreg:$0x1c]  }
0x62: {  	[tilespmem:s25], [sflag:$0x2] =	stream.linear.gather [hbm4b:s24+s3], $0x80, $0x38;
	[tilespmem:$0x1EB80] =	vst v63  }
0x63: {  	s12 =	simm.s32 $0x19A00;
	s24 =	rddreg [dreg:$0x1d]  }
0x64: {  	[tilespmem:s12], [sflag:$0x2] =	stream.linear.gather [hbm4b:s6+s3], $0x80, $0x38;
	[tilespmem:$0x1EB80] =	vst v63  }
0x65: {  	s25 =	simm.s32 $0x19B00;
	s6 =	rddreg [dreg:$0x1e]  }
0x66: {  	[tilespmem:s25], [sflag:$0x2] =	stream.linear.gather [hbm4b:s24+s3], $0x80, $0x38;
	[tilespmem:$0x1EB80] =	vst v63  }
0x67: {  	s12 =	simm.s32 $0x19C00;
	s24 =	rddreg [dreg:$0x1f]  }
0x68: {  	[tilespmem:s12], [sflag:$0x2] =	stream.linear.gather [hbm4b:s6+s3], $0x80, $0x38;
	[tilespmem:$0x1EB80] =	vst v63  }
0x69: {  	s25 =	simm.s32 $0x19D00;
	s6 =	sld [smem:$0x7F5]  }
0x6a: {  	[tilespmem:s25], [sflag:$0x2] =	stream.linear.gather [hbm4b:s24+s3], $0x80, $0x38;
	[tilespmem:$0x1EB80] =	vst v63  }
0x6b: {  	s12 =	simm.s32 $0x19E00;
	s24 =	sld [smem:$0x7F6]  }
0x6c: {  	[tilespmem:s12], [sflag:$0x2] =	stream.linear.gather [hbm4b:s6+s3], $0x80, $0x38;
	[tilespmem:$0x1EB80] =	vst v63  }
0x6d: {  	s25 =	simm.s32 $0x19F00;
	s6 =	sld [smem:$0x7F7]  }
0x6e: {  	[tilespmem:s25], [sflag:$0x2] =	stream.linear.gather [hbm4b:s24+s3], $0x80, $0x38;
	[tilespmem:$0x1EB80] =	vst v63  }
0x6f: {  	s12 =	simm.s32 $0x1A000;
	s24 =	sld [smem:$0x7F8]  }
0x70: {  	[tilespmem:s12], [sflag:$0x2] =	stream.linear.gather [hbm4b:s6+s3], $0x80, $0x38;
	[tilespmem:$0x1EB80] =	vst v63  }
0x71: {  	s25 =	simm.s32 $0x1A100;
	s6 =	sld [smem:$0x7F9]  }
0x72: {  	[tilespmem:s25], [sflag:$0x2] =	stream.linear.gather [hbm4b:s24+s3], $0x80, $0x38;
	[tilespmem:$0x1EB80] =	vst v63  }
0x73: {  	s12 =	simm.s32 $0x1A200;
	s24 =	sld [smem:$0x7FA]  }
0x74: {  	[tilespmem:s12], [sflag:$0x2] =	stream.linear.gather [hbm4b:s6+s3], $0x80, $0x38;
	[tilespmem:$0x1EB80] =	vst v63  }
0x75: {  	s25 =	simm.s32 $0x1A300;
	s6 =	sld [smem:$0x7FB]  }
0x76: {  	[tilespmem:s25], [sflag:$0x2] =	stream.linear.gather [hbm4b:s24+s3], $0x80, $0x38;
	[tilespmem:$0x1EB80] =	vst v63  }
0x77: {  	s12 =	simm.s32 $0x1A400;
	s24 =	sld [smem:$0x7FC]  }
0x78: {  	[tilespmem:s12], [sflag:$0x2] =	stream.linear.gather [hbm4b:s6+s3], $0x80, $0x38;
	[tilespmem:$0x1EB80] =	vst v63  }
0x79: {  	s25 =	simm.s32 $0x1A500;
	s6 =	sld [smem:$0x7FD]  }
0x7a: {  	[tilespmem:s25], [sflag:$0x2] =	stream.linear.gather [hbm4b:s24+s3], $0x80, $0x38;
	[tilespmem:$0x1EB80] =	vst v63  }
0x7b: {  	s12 =	simm.s32 $0x1A600;
	s24 =	simm.s32 $0x1  }
0x7c: {  	[tilespmem:s12], [sflag:$0x2] =	stream.linear.gather [hbm4b:s6+s3], $0x80, $0x38;
	[tilespmem:$0x1EB80] =	vst v63  }
0x7d: {  	_ =	swait.ge [sflag:s24], $0x18700  }
0x7e: {  	[sflag:s24] =	ssyncset.done $0x0  }
0x7f: {  	s25 =	simm.s32 $0x18780;
	[sflag:s24] =	ssyncadd.s32 $0xFFFE7900  }
0x80: {  	[tilespmem:s25], [sflag:$0x3] =	stream.linear.gather [hbm4b:s23+s3], $0x80, $0x38;
	[tilespmem:$0x1EB80] =	vst v63  }
0x81: {  	s1 =	sadd.s32 $0x10, s23;
	s12 =	simm.s32 $0x18880  }
0x82: {  	[tilespmem:s12], [sflag:$0x3] =	stream.linear.gather [hbm4b:s1+s3], $0x80, $0x38;
	[tilespmem:$0x1EB80] =	vst v63  }
0x83: {  	s24 =	sadd.s32 $0x20, s23;
	s25 =	simm.s32 $0x18980  }
0x84: {  	[tilespmem:s25], [sflag:$0x3] =	stream.linear.gather [hbm4b:s24+s3], $0x80, $0x38;
	[tilespmem:$0x1EB80] =	vst v63  }
0x85: {  	[smem:$0x7E6] =	sst s1;
	s1 =	sadd.s32 $0x30, s23;
	s12 =	simm.s32 $0x18A80  }
0x86: {  	[tilespmem:s12], [sflag:$0x3] =	stream.linear.gather [hbm4b:s1+s3], $0x80, $0x38;
	[tilespmem:$0x1EB80] =	vst v63  }
0x87: {  	[smem:$0x7E7] =	sst s24;
	s24 =	sadd.s32 $0x40, s23;
	s25 =	simm.s32 $0x18B80  }
0x88: {  	[tilespmem:s25], [sflag:$0x3] =	stream.linear.gather [hbm4b:s24+s3], $0x80, $0x38;
	[tilespmem:$0x1EB80] =	vst v63  }
0x89: {  	[smem:$0x7E8] =	sst s1;
	s1 =	sadd.s32 $0x50, s23;
	s12 =	simm.s32 $0x18C80  }
0x8a: {  	[tilespmem:s12], [sflag:$0x3] =	stream.linear.gather [hbm4b:s1+s3], $0x80, $0x38;
	[tilespmem:$0x1EB80] =	vst v63  }
0x8b: {  	[smem:$0x7E9] =	sst s24;
	s24 =	sadd.s32 $0x60, s23;
	s25 =	simm.s32 $0x18D80  }
0x8c: {  	[tilespmem:s25], [sflag:$0x3] =	stream.linear.gather [hbm4b:s24+s3], $0x80, $0x38;
	[tilespmem:$0x1EB80] =	vst v63  }
0x8d: {  	[smem:$0x7EA] =	sst s1;
	s1 =	sadd.s32 $0x70, s23;
	s12 =	simm.s32 $0x18E80  }
0x8e: {  	[tilespmem:s12], [sflag:$0x3] =	stream.linear.gather [hbm4b:s1+s3], $0x80, $0x38;
	[tilespmem:$0x1EB80] =	vst v63  }
0x8f: {  	[smem:$0x7EB] =	sst s24;
	s24 =	sadd.s32 $0x80, s23;
	s25 =	simm.s32 $0x18F80  }
0x90: {  	[tilespmem:s25], [sflag:$0x3] =	stream.linear.gather [hbm4b:s24+s3], $0x80, $0x38;
	[tilespmem:$0x1EB80] =	vst v63  }
0x91: {  	[smem:$0x7EC] =	sst s1;
	s1 =	sadd.s32 $0x90, s23;
	s12 =	simm.s32 $0x19080  }
0x92: {  	[tilespmem:s12], [sflag:$0x3] =	stream.linear.gather [hbm4b:s1+s3], $0x80, $0x38;
	[tilespmem:$0x1EB80] =	vst v63  }
0x93: {  	[smem:$0x7ED] =	sst s24;
	s24 =	sadd.s32 $0xA0, s23;
	s25 =	simm.s32 $0x19180  }
0x94: {  	[tilespmem:s25], [sflag:$0x3] =	stream.linear.gather [hbm4b:s24+s3], $0x80, $0x38;
	[tilespmem:$0x1EB80] =	vst v63  }
0x95: {  	[smem:$0x7EE] =	sst s1;
	s1 =	sadd.s32 $0xB0, s23;
	s12 =	simm.s32 $0x19280  }
0x96: {  	[tilespmem:s12], [sflag:$0x3] =	stream.linear.gather [hbm4b:s1+s3], $0x80, $0x38;
	[tilespmem:$0x1EB80] =	vst v63  }
0x97: {  	[smem:$0x7EF] =	sst s24;
	s24 =	sadd.s32 $0xC0, s23;
	s25 =	simm.s32 $0x19380  }
0x98: {  	[tilespmem:s25], [sflag:$0x3] =	stream.linear.gather [hbm4b:s24+s3], $0x80, $0x38;
	[tilespmem:$0x1EB80] =	vst v63  }
0x99: {  	[smem:$0x7F0] =	sst s1;
	s1 =	sadd.s32 $0xD0, s23;
	s12 =	simm.s32 $0x19480  }
0x9a: {  	[tilespmem:s12], [sflag:$0x3] =	stream.linear.gather [hbm4b:s1+s3], $0x80, $0x38;
	[tilespmem:$0x1EB80] =	vst v63  }
0x9b: {  	[smem:$0x7F1] =	sst s24;
	s24 =	sadd.s32 $0xE0, s23;
	s25 =	simm.s32 $0x19580  }
0x9c: {  	[tilespmem:s25], [sflag:$0x3] =	stream.linear.gather [hbm4b:s24+s3], $0x80, $0x38;
	[tilespmem:$0x1EB80] =	vst v63  }
0x9d: {  	[smem:$0x7F3] =	sst s24;
	s12 =	sadd.s32 $0xF0, s23;
	s24 =	simm.s32 $0x19680  }
0x9e: {  	[tilespmem:s24], [sflag:$0x3] =	stream.linear.gather [hbm4b:s12+s3], $0x80, $0x38;
	[tilespmem:$0x1EB80] =	vst v63  }
0x9f: {  	s25 =	simm.s32 $0x19780  }
0xa0: {  	[tilespmem:s25], [sflag:$0x3] =	stream.linear.gather [hbm4b:s7+s3], $0x80, $0x38;
	[tilespmem:$0x1EB80] =	vst v63  }
0xa1: {  	s6 =	sadd.s32 $0x80, s7;
	[smem:$0x7F4] =	sst s12;
	s12 =	simm.s32 $0x19880  }
0xa2: {  	[tilespmem:s12], [sflag:$0x3] =	stream.linear.gather [hbm4b:s6+s3], $0x80, $0x38;
	[tilespmem:$0x1EB80] =	vst v63  }
0xa3: {  	s24 =	sadd.s32 $0x100, s7;
	s25 =	simm.s32 $0x19980  }
0xa4: {  	[tilespmem:s25], [sflag:$0x3] =	stream.linear.gather [hbm4b:s24+s3], $0x80, $0x38;
	[tilespmem:$0x1EB80] =	vst v63  }
0xa5: {  	s6 =	sadd.s32 $0x180, s7;
	s12 =	simm.s32 $0x19A80  }
0xa6: {  	[tilespmem:s12], [sflag:$0x3] =	stream.linear.gather [hbm4b:s6+s3], $0x80, $0x38;
	[tilespmem:$0x1EB80] =	vst v63  }
0xa7: {  	s24 =	sadd.s32 $0x200, s7;
	s25 =	simm.s32 $0x19B80  }
0xa8: {  	[tilespmem:s25], [sflag:$0x3] =	stream.linear.gather [hbm4b:s24+s3], $0x80, $0x38;
	[tilespmem:$0x1EB80] =	vst v63  }
0xa9: {  	s6 =	sadd.s32 $0x280, s7;
	s12 =	simm.s32 $0x19C80  }
0xaa: {  	[tilespmem:s12], [sflag:$0x3] =	stream.linear.gather [hbm4b:s6+s3], $0x80, $0x38;
	[tilespmem:$0x1EB80] =	vst v63  }
0xab: {  	s24 =	sadd.s32 $0x300, s7;
	s25 =	simm.s32 $0x19D80  }
0xac: {  	[tilespmem:s25], [sflag:$0x3] =	stream.linear.gather [hbm4b:s24+s3], $0x80, $0x38;
	[tilespmem:$0x1EB80] =	vst v63  }
0xad: {  	s6 =	sadd.s32 $0x380, s7;
	s12 =	simm.s32 $0x19E80  }
0xae: {  	[tilespmem:s12], [sflag:$0x3] =	stream.linear.gather [hbm4b:s6+s3], $0x80, $0x38;
	[tilespmem:$0x1EB80] =	vst v63  }
0xaf: {  	s24 =	sadd.s32 $0x400, s7;
	s25 =	simm.s32 $0x19F80  }
0xb0: {  	[tilespmem:s25], [sflag:$0x3] =	stream.linear.gather [hbm4b:s24+s3], $0x80, $0x38;
	[tilespmem:$0x1EB80] =	vst v63  }
0xb1: {  	s6 =	sadd.s32 $0x480, s7;
	s12 =	simm.s32 $0x1A080  }
0xb2: {  	[tilespmem:s12], [sflag:$0x3] =	stream.linear.gather [hbm4b:s6+s3], $0x80, $0x38;
	[tilespmem:$0x1EB80] =	vst v63  }
0xb3: {  	s24 =	sadd.s32 $0x500, s7;
	s25 =	simm.s32 $0x1A180  }
0xb4: {  	[tilespmem:s25], [sflag:$0x3] =	stream.linear.gather [hbm4b:s24+s3], $0x80, $0x38;
	[tilespmem:$0x1EB80] =	vst v63  }
0xb5: {  	s6 =	sadd.s32 $0x580, s7;
	s12 =	simm.s32 $0x1A280  }
0xb6: {  	[tilespmem:s12], [sflag:$0x3] =	stream.linear.gather [hbm4b:s6+s3], $0x80, $0x38;
	[tilespmem:$0x1EB80] =	vst v63  }
0xb7: {  	s24 =	sadd.s32 $0x600, s7;
	s25 =	simm.s32 $0x1A380  }
0xb8: {  	[tilespmem:s25], [sflag:$0x3] =	stream.linear.gather [hbm4b:s24+s3], $0x80, $0x38;
	[tilespmem:$0x1EB80] =	vst v63  }
0xb9: {  	s6 =	sadd.s32 $0x680, s7;
	s12 =	simm.s32 $0x1A480  }
0xba: {  	[tilespmem:s12], [sflag:$0x3] =	stream.linear.gather [hbm4b:s6+s3], $0x80, $0x38;
	[tilespmem:$0x1EB80] =	vst v63  }
0xbb: {  	s24 =	sadd.s32 $0x700, s7;
	s25 =	simm.s32 $0x1A580  }
0xbc: {  	[tilespmem:s25], [sflag:$0x3] =	stream.linear.gather [hbm4b:s24+s3], $0x80, $0x38;
	[tilespmem:$0x1EB80] =	vst v63  }
0xbd: {  	[smem:$0x7F2] =	sst s1;
	s12 =	sadd.s32 $0x780, s7;
	s24 =	simm.s32 $0x1A680  }
0xbe: {  	[tilespmem:s24], [sflag:$0x3] =	stream.linear.gather [hbm4b:s12+s3], $0x80, $0x38;
	[tilespmem:$0x1EB80] =	vst v63  }
0xbf: {  	_ =	swait.ge [sflag:s2], $0x800  }
0xc0: {  	[sflag:s2] =	ssyncset.done $0x0  }
0xc1: {  	[sflag:s2] =	ssyncadd.s32 $0xFFFFF800  }
0xc2: {  	_ =	swait.ge [sflag:s2], $0x800  }
0xc3: {  	[sflag:s2] =	ssyncset.done $0x0  }
0xc4: {  	s25 =	simm.s32 $0x18740;
	[sflag:s2] =	ssyncadd.s32 $0xFFFFF800  }
0xc5: {  	v8 =	vld [tilespmem:s25+$0x30]  }
0xc6: {  	v9 =	vld [tilespmem:s25+$0xFFFFFFD0]  }
0xc7: {  	v10 =	vld [tilespmem:s25+$0xFFFFFFE0]  }
0xc8: {  	v11 =	vld [tilespmem:s25+$0xFFFFFFF0]  }
0xc9: {  	v13 =	vld [tilespmem:s25+$0x0]  }
0xca: {  	v14 =	vld [tilespmem:s25+$0x10]  }
0xcb: {  	v15 =	vld [tilespmem:s25+$0x20]  }
0xcc: {  	s6 =	simm.s32 $0x19740;
	v16 =	vld [tilespmem:s25+$0xFFFFFFC0]  }
0xcd: {  	v18 =	vld [tilespmem:s6+$0x30]  }
0xce: {  	v19 =	vld [tilespmem:s6+$0xFFFFFFC0]  }
0xcf: {  	v21 =	vld [tilespmem:s6+$0xFFFFFFD0]  }
0xd0: {  	v17 =	vld.idx.msk [tilespmem:v8+s3+$0x0], $0xffff  }
0xd1: {  	v20 =	vld.idx.msk [tilespmem:v9+s3+$0x0], $0xffff  }
0xd2: {  	v12 =	vld.idx.msk [tilespmem:v10+s3+$0x0], $0xffff  }
0xd3: {  	v11 =	vld.idx.msk [tilespmem:v11+s3+$0x0], $0xffff  }
0xd4: {  	v10 =	vld.idx.msk [tilespmem:v13+s3+$0x0], $0xffff  }
0xd5: {  	v9 =	vld.idx.msk [tilespmem:v14+s3+$0x0], $0xffff  }
0xd6: {  	v14 =	vld.idx.msk [tilespmem:v16+s3+$0x0], $0xffff  }
0xd7: {  	v8 =	vld.idx.msk [tilespmem:v15+s3+$0x0], $0xffff  }
0xd8: {  	v13 =	vsub.f32 v18, v17;
	v17 =	vld [tilespmem:s6+$0xFFFFFFE0]  }
0xd9: {  	v16 =	vld [tilespmem:s6+$0xFFFFFFF0]  }
0xda: {  	v15 =	vld [tilespmem:s6+$0x0];
	v18 =	vmul.f32 v13, v13  }
0xdb: {  	s1 =	simm.s32 $0x1A740;
	v19 =	vsub.f32 v19, v14;
	v13 =	vld [tilespmem:s6+$0x10]  }
0xdc: {  	s12 =	simm.s32 $0x0;
	s24 =	simm.s32 $0x18840;
	v14 =	vld [tilespmem:s6+$0x20];
	[tilespmem:s1+$0x30] =	vst v18;
	v18 =	vsub.f32 v21, v20  }
.LBB2_2:
0xdd: {  	v20 =	vld [tilespmem:s24+$0x30];
	s12 =	sadd.s32 $0x8, s12;
	v19 =	vmul.f32 v19, v19;
	v12 =	vsub.f32 v17, v12  }
0xde: {  	v17 =	vld [tilespmem:s24+$0xFFFFFFD0];
	p1 =	slt.u32 s12, $0x78;
	v18 =	vmul.f32 v18, v18;
	v11 =	vsub.f32 v16, v11  }
0xdf: {  	v16 =	vld [tilespmem:s24+$0xFFFFFFE0];
	[tilespmem:s1+$0xFFFFFFC0] =	vst v19;
	v12 =	vmul.f32 v12, v12;
	v10 =	vsub.f32 v15, v10  }
0xe0: {  	v15 =	vld [tilespmem:s24+$0xFFFFFFF0];
	[tilespmem:s1+$0xFFFFFFD0] =	vst v18;
	v11 =	vmul.f32 v11, v11;
	v9 =	vsub.f32 v13, v9  }
0xe1: {  	v13 =	vld [tilespmem:s24+$0x0];
	[tilespmem:s1+$0xFFFFFFE0] =	vst v12;
	v10 =	vmul.f32 v10, v10;
	v8 =	vsub.f32 v14, v8  }
0xe2: {  	v14 =	vld [tilespmem:s24+$0x10];
	[tilespmem:s1+$0xFFFFFFF0] =	vst v11;
	v9 =	vmul.f32 v9, v9  }
0xe3: {  	v18 =	vld [tilespmem:s24+$0x20];
	[tilespmem:s1+$0x0] =	vst v10;
	v8 =	vmul.f32 v8, v8  }
0xe4: {  	v19 =	vld [tilespmem:s24+$0xFFFFFFC0];
	[tilespmem:s1+$0x10] =	vst v9  }
0xe5: {  	s6 =	sadd.s32 $0x100, s6;
	v20 =	vld.idx.msk [tilespmem:v20+s3+$0x0], $0xffff;
	[tilespmem:s1+$0x20] =	vst v8  }
0xe6: {  	v8 =	vld [tilespmem:s6+$0x30]  }
0xe7: {  	v21 =	vld.idx.msk [tilespmem:v17+s3+$0x0], $0xffff  }
0xe8: {  	v12 =	vld.idx.msk [tilespmem:v16+s3+$0x0], $0xffff  }
0xe9: {  	v11 =	vld.idx.msk [tilespmem:v15+s3+$0x0], $0xffff  }
0xea: {  	v10 =	vld.idx.msk [tilespmem:v13+s3+$0x0], $0xffff  }
0xeb: {  	v9 =	vld.idx.msk [tilespmem:v14+s3+$0x0], $0xffff;
	v13 =	vsub.f32 v8, v20  }
0xec: {  	v14 =	vld.idx.msk [tilespmem:v19+s3+$0x0], $0xffff  }
0xed: {  	v8 =	vld.idx.msk [tilespmem:v18+s3+$0x0], $0xffff;
	v13 =	vmul.f32 v13, v13  }
0xee: {  	s1 =	sadd.s32 $0x80, s1;
	v18 =	vld [tilespmem:s6+$0xFFFFFFC0]  }
0xef: {  	v20 =	vld [tilespmem:s6+$0xFFFFFFD0];
	[tilespmem:s1+$0x30] =	vst v13  }
.Ltmp0:
0xf0: {  	v17 =	vld [tilespmem:s6+$0xFFFFFFE0];
	(pc) =	sbr.rel @p1 .LBB2_2-.Ltmp0, $4  }
0xf1: {  	v16 =	vld [tilespmem:s6+$0xFFFFFFF0]  }
0xf2: {  	v15 =	vld [tilespmem:s6+$0x0]  }
0xf3: {  	v19 =	vsub.f32 v18, v14;
	v13 =	vld [tilespmem:s6+$0x10]  }
0xf4: {  	s24 =	sadd.s32 $0x100, s24;
	v18 =	vsub.f32 v20, v21;
	v14 =	vld [tilespmem:s6+$0x20]  }
0xf5: {  	v19 =	vmul.f32 v19, v19;
	v12 =	vsub.f32 v17, v12  }
0xf6: {  	v17 =	vmul.f32 v18, v18;
	v11 =	vsub.f32 v16, v11  }
0xf7: {  	[tilespmem:s1+$0xFFFFFFC0] =	vst v19;
	v12 =	vmul.f32 v12, v12;
	v10 =	vsub.f32 v15, v10  }
0xf8: {  	[tilespmem:s1+$0xFFFFFFD0] =	vst v17;
	v11 =	vmul.f32 v11, v11;
	v9 =	vsub.f32 v13, v9  }
0xf9: {  	[tilespmem:s1+$0xFFFFFFE0] =	vst v12;
	v10 =	vmul.f32 v10, v10;
	v8 =	vsub.f32 v14, v8  }
0xfa: {  	[tilespmem:s1+$0xFFFFFFF0] =	vst v11;
	v9 =	vmul.f32 v9, v9  }
0xfb: {  	[tilespmem:s1+$0x0] =	vst v10;
	v8 =	vmul.f32 v8, v8  }
0xfc: {  	[tilespmem:s1+$0x10] =	vst v9  }
0xfd: {  	s6 =	simm.s32 $0x18700;
	[tilespmem:s1+$0x20] =	vst v8  }
0xfe: {  	[tilespmem:s6], [sflag:$0x2] =	stream.linear.gather [hbm4b:s26+s3], $0x80, $0x38;
	[tilespmem:$0x1EB80] =	vst v63  }
0xff: {  	s12 =	simm.s32 $0x18800;
	s6 =	sadd.s32 $0x10, s26  }
0x100: {  	[tilespmem:s12], [sflag:$0x2] =	stream.linear.gather [hbm4b:s6+s3], $0x80, $0x38;
	[tilespmem:$0x1EB80] =	vst v63  }
0x101: {  	s24 =	sadd.s32 $0x20, s26;
	s25 =	simm.s32 $0x18900  }
0x102: {  	[tilespmem:s25], [sflag:$0x2] =	stream.linear.gather [hbm4b:s24+s3], $0x80, $0x38;
	[tilespmem:$0x1EB80] =	vst v63  }
0x103: {  	s1 =	sadd.s32 $0x30, s26;
	s12 =	simm.s32 $0x18A00  }
0x104: {  	[tilespmem:s12], [sflag:$0x2] =	stream.linear.gather [hbm4b:s1+s3], $0x80, $0x38;
	[tilespmem:$0x1EB80] =	vst v63  }
0x105: {  	[smem:$0x7D8] =	sst s24;
	s24 =	sadd.s32 $0x40, s26;
	s25 =	simm.s32 $0x18B00  }
0x106: {  	[tilespmem:s25], [sflag:$0x2] =	stream.linear.gather [hbm4b:s24+s3], $0x80, $0x38;
	[tilespmem:$0x1EB80] =	vst v63  }
0x107: {  	[smem:$0x7D9] =	sst s1;
	s1 =	sadd.s32 $0x50, s26;
	s12 =	simm.s32 $0x18C00  }
0x108: {  	[tilespmem:s12], [sflag:$0x2] =	stream.linear.gather [hbm4b:s1+s3], $0x80, $0x38;
	[tilespmem:$0x1EB80] =	vst v63  }
0x109: {  	[smem:$0x7DA] =	sst s24;
	s24 =	sadd.s32 $0x60, s26;
	s25 =	simm.s32 $0x18D00  }
0x10a: {  	[tilespmem:s25], [sflag:$0x2] =	stream.linear.gather [hbm4b:s24+s3], $0x80, $0x38;
	[tilespmem:$0x1EB80] =	vst v63  }
0x10b: {  	[smem:$0x7DB] =	sst s1;
	s1 =	sadd.s32 $0x70, s26;
	s12 =	simm.s32 $0x18E00  }
0x10c: {  	[tilespmem:s12], [sflag:$0x2] =	stream.linear.gather [hbm4b:s1+s3], $0x80, $0x38;
	[tilespmem:$0x1EB80] =	vst v63  }
0x10d: {  	[smem:$0x7DC] =	sst s24;
	s24 =	sadd.s32 $0x80, s26;
	s25 =	simm.s32 $0x18F00  }
0x10e: {  	[tilespmem:s25], [sflag:$0x2] =	stream.linear.gather [hbm4b:s24+s3], $0x80, $0x38;
	[tilespmem:$0x1EB80] =	vst v63  }
0x10f: {  	[smem:$0x7DD] =	sst s1;
	s1 =	sadd.s32 $0x90, s26;
	s12 =	simm.s32 $0x19000  }
0x110: {  	[tilespmem:s12], [sflag:$0x2] =	stream.linear.gather [hbm4b:s1+s3], $0x80, $0x38;
	[tilespmem:$0x1EB80] =	vst v63  }
0x111: {  	[smem:$0x7DE] =	sst s24;
	s24 =	sadd.s32 $0xA0, s26;
	s25 =	simm.s32 $0x19100  }
0x112: {  	[tilespmem:s25], [sflag:$0x2] =	stream.linear.gather [hbm4b:s24+s3], $0x80, $0x38;
	[tilespmem:$0x1EB80] =	vst v63  }
0x113: {  	[smem:$0x7DF] =	sst s1;
	s1 =	sadd.s32 $0xB0, s26;
	s12 =	simm.s32 $0x19200  }
0x114: {  	[tilespmem:s12], [sflag:$0x2] =	stream.linear.gather [hbm4b:s1+s3], $0x80, $0x38;
	[tilespmem:$0x1EB80] =	vst v63  }
0x115: {  	[smem:$0x7E0] =	sst s24;
	s24 =	sadd.s32 $0xC0, s26;
	s25 =	simm.s32 $0x19300  }
0x116: {  	[tilespmem:s25], [sflag:$0x2] =	stream.linear.gather [hbm4b:s24+s3], $0x80, $0x38;
	[tilespmem:$0x1EB80] =	vst v63  }
0x117: {  	[smem:$0x7E1] =	sst s1;
	s1 =	sadd.s32 $0xD0, s26;
	s12 =	simm.s32 $0x19400  }
0x118: {  	[tilespmem:s12], [sflag:$0x2] =	stream.linear.gather [hbm4b:s1+s3], $0x80, $0x38;
	[tilespmem:$0x1EB80] =	vst v63  }
0x119: {  	[smem:$0x7E2] =	sst s24;
	s24 =	sadd.s32 $0xE0, s26;
	s25 =	simm.s32 $0x19500  }
0x11a: {  	[tilespmem:s25], [sflag:$0x2] =	stream.linear.gather [hbm4b:s24+s3], $0x80, $0x38;
	[tilespmem:$0x1EB80] =	vst v63  }
0x11b: {  	[smem:$0x7E4] =	sst s24;
	s12 =	sadd.s32 $0xF0, s26;
	s24 =	simm.s32 $0x19600  }
0x11c: {  	[tilespmem:s24], [sflag:$0x2] =	stream.linear.gather [hbm4b:s12+s3], $0x80, $0x38;
	[tilespmem:$0x1EB80] =	vst v63  }
0x11d: {  	[smem:$0x7D7] =	sst s6;
	s25 =	simm.s32 $0x19700  }
0x11e: {  	[tilespmem:s25], [sflag:$0x2] =	stream.linear.gather [hbm4b:s8+s3], $0x80, $0x38;
	[tilespmem:$0x1EB80] =	vst v63  }
0x11f: {  	s6 =	sadd.s32 $0x80, s8;
	[smem:$0x7E5] =	sst s12;
	s12 =	simm.s32 $0x19800  }
0x120: {  	[tilespmem:s12], [sflag:$0x2] =	stream.linear.gather [hbm4b:s6+s3], $0x80, $0x38;
	[tilespmem:$0x1EB80] =	vst v63  }
0x121: {  	s24 =	sadd.s32 $0x100, s8;
	s25 =	simm.s32 $0x19900  }
0x122: {  	[tilespmem:s25], [sflag:$0x2] =	stream.linear.gather [hbm4b:s24+s3], $0x80, $0x38;
	[tilespmem:$0x1EB80] =	vst v63  }
0x123: {  	s6 =	sadd.s32 $0x180, s8;
	s12 =	simm.s32 $0x19A00  }
0x124: {  	[tilespmem:s12], [sflag:$0x2] =	stream.linear.gather [hbm4b:s6+s3], $0x80, $0x38;
	[tilespmem:$0x1EB80] =	vst v63  }
0x125: {  	s24 =	sadd.s32 $0x200, s8;
	s25 =	simm.s32 $0x19B00  }
0x126: {  	[tilespmem:s25], [sflag:$0x2] =	stream.linear.gather [hbm4b:s24+s3], $0x80, $0x38;
	[tilespmem:$0x1EB80] =	vst v63  }
0x127: {  	s6 =	sadd.s32 $0x280, s8;
	s12 =	simm.s32 $0x19C00  }
0x128: {  	[tilespmem:s12], [sflag:$0x2] =	stream.linear.gather [hbm4b:s6+s3], $0x80, $0x38;
	[tilespmem:$0x1EB80] =	vst v63  }
0x129: {  	s24 =	sadd.s32 $0x300, s8;
	s25 =	simm.s32 $0x19D00  }
0x12a: {  	[tilespmem:s25], [sflag:$0x2] =	stream.linear.gather [hbm4b:s24+s3], $0x80, $0x38;
	[tilespmem:$0x1EB80] =	vst v63  }
0x12b: {  	s6 =	sadd.s32 $0x380, s8;
	s12 =	simm.s32 $0x19E00  }
0x12c: {  	[tilespmem:s12], [sflag:$0x2] =	stream.linear.gather [hbm4b:s6+s3], $0x80, $0x38;
	[tilespmem:$0x1EB80] =	vst v63  }
0x12d: {  	s24 =	sadd.s32 $0x400, s8;
	s25 =	simm.s32 $0x19F00  }
0x12e: {  	[tilespmem:s25], [sflag:$0x2] =	stream.linear.gather [hbm4b:s24+s3], $0x80, $0x38;
	[tilespmem:$0x1EB80] =	vst v63  }
0x12f: {  	s6 =	sadd.s32 $0x480, s8;
	s12 =	simm.s32 $0x1A000  }
0x130: {  	[tilespmem:s12], [sflag:$0x2] =	stream.linear.gather [hbm4b:s6+s3], $0x80, $0x38;
	[tilespmem:$0x1EB80] =	vst v63  }
0x131: {  	s24 =	sadd.s32 $0x500, s8;
	s25 =	simm.s32 $0x1A100  }
0x132: {  	[tilespmem:s25], [sflag:$0x2] =	stream.linear.gather [hbm4b:s24+s3], $0x80, $0x38;
	[tilespmem:$0x1EB80] =	vst v63  }
0x133: {  	s6 =	sadd.s32 $0x580, s8;
	s12 =	simm.s32 $0x1A200  }
0x134: {  	[tilespmem:s12], [sflag:$0x2] =	stream.linear.gather [hbm4b:s6+s3], $0x80, $0x38;
	[tilespmem:$0x1EB80] =	vst v63  }
0x135: {  	s24 =	sadd.s32 $0x600, s8;
	s25 =	simm.s32 $0x1A300  }
0x136: {  	[tilespmem:s25], [sflag:$0x2] =	stream.linear.gather [hbm4b:s24+s3], $0x80, $0x38;
	[tilespmem:$0x1EB80] =	vst v63  }
0x137: {  	s6 =	sadd.s32 $0x680, s8;
	s12 =	simm.s32 $0x1A400  }
0x138: {  	[tilespmem:s12], [sflag:$0x2] =	stream.linear.gather [hbm4b:s6+s3], $0x80, $0x38;
	[tilespmem:$0x1EB80] =	vst v63  }
0x139: {  	s24 =	sadd.s32 $0x700, s8;
	s25 =	simm.s32 $0x1A500  }
0x13a: {  	[tilespmem:s25], [sflag:$0x2] =	stream.linear.gather [hbm4b:s24+s3], $0x80, $0x38;
	[tilespmem:$0x1EB80] =	vst v63  }
0x13b: {  	[smem:$0x7E3] =	sst s1;
	s12 =	sadd.s32 $0x780, s8;
	s24 =	simm.s32 $0x1A600  }
0x13c: {  	[tilespmem:s24], [sflag:$0x2] =	stream.linear.gather [hbm4b:s12+s3], $0x80, $0x38;
	[tilespmem:$0x1EB80] =	vst v63  }
0x13d: {  	_ =	swait.ge [sflag:s4], $0x800  }
0x13e: {  	[sflag:s4] =	ssyncset.done $0x0  }
0x13f: {  	[sflag:s4] =	ssyncadd.s32 $0xFFFFF800  }
0x140: {  	_ =	swait.ge [sflag:s4], $0x800  }
0x141: {  	[sflag:s4] =	ssyncset.done $0x0  }
0x142: {  	s25 =	simm.s32 $0x187F0;
	[sflag:s4] =	ssyncadd.s32 $0xFFFFF800  }
0x143: {  	v8 =	vld [tilespmem:s25+$0x0]  }
0x144: {  	v9 =	vld [tilespmem:s25+$0xFFFFFFA0]  }
0x145: {  	v10 =	vld [tilespmem:s25+$0xFFFFFFB0]  }
0x146: {  	v11 =	vld [tilespmem:s25+$0xFFFFFFC0]  }
0x147: {  	v13 =	vld [tilespmem:s25+$0xFFFFFFD0]  }
0x148: {  	v14 =	vld [tilespmem:s25+$0xFFFFFFE0]  }
0x149: {  	v15 =	vld [tilespmem:s25+$0xFFFFFFF0]  }
0x14a: {  	s6 =	simm.s32 $0x197F0;
	v16 =	vld [tilespmem:s25+$0xFFFFFF90]  }
0x14b: {  	v18 =	vld [tilespmem:s6+$0x0]  }
0x14c: {  	v19 =	vld [tilespmem:s6+$0xFFFFFF90]  }
0x14d: {  	v21 =	vld [tilespmem:s6+$0xFFFFFFA0]  }
0x14e: {  	v17 =	vld.idx.msk [tilespmem:v8+s3+$0x0], $0xffff  }
0x14f: {  	v20 =	vld.idx.msk [tilespmem:v9+s3+$0x0], $0xffff  }
0x150: {  	v12 =	vld.idx.msk [tilespmem:v10+s3+$0x0], $0xffff  }
0x151: {  	v11 =	vld.idx.msk [tilespmem:v11+s3+$0x0], $0xffff  }
0x152: {  	v10 =	vld.idx.msk [tilespmem:v13+s3+$0x0], $0xffff  }
0x153: {  	v9 =	vld.idx.msk [tilespmem:v14+s3+$0x0], $0xffff  }
0x154: {  	v14 =	vld.idx.msk [tilespmem:v16+s3+$0x0], $0xffff  }
0x155: {  	v8 =	vld.idx.msk [tilespmem:v15+s3+$0x0], $0xffff  }
0x156: {  	v13 =	vsub.f32 v18, v17;
	v17 =	vld [tilespmem:s6+$0xFFFFFFB0]  }
0x157: {  	v16 =	vld [tilespmem:s6+$0xFFFFFFC0]  }
0x158: {  	v15 =	vld [tilespmem:s6+$0xFFFFFFD0];
	v18 =	vmul.f32 v13, v13  }
0x159: {  	s1 =	simm.s32 $0x1AF70;
	v19 =	vsub.f32 v19, v14;
	v13 =	vld [tilespmem:s6+$0xFFFFFFE0]  }
0x15a: {  	s12 =	simm.s32 $0x0;
	s24 =	simm.s32 $0x188F0;
	v14 =	vld [tilespmem:s6+$0xFFFFFFF0];
	[tilespmem:s1+$0x0] =	vst v18;
	v18 =	vsub.f32 v21, v20  }
.LBB2_4:
0x15b: {  	v20 =	vld [tilespmem:s24+$0x0];
	s12 =	sadd.s32 $0x8, s12;
	v19 =	vmul.f32 v19, v19;
	v12 =	vsub.f32 v17, v12  }
0x15c: {  	v17 =	vld [tilespmem:s24+$0xFFFFFFA0];
	p1 =	slt.u32 s12, $0x78;
	v18 =	vmul.f32 v18, v18;
	v11 =	vsub.f32 v16, v11  }
0x15d: {  	v16 =	vld [tilespmem:s24+$0xFFFFFFB0];
	[tilespmem:s1+$0xFFFFFF90] =	vst v19;
	v12 =	vmul.f32 v12, v12;
	v10 =	vsub.f32 v15, v10  }
0x15e: {  	v15 =	vld [tilespmem:s24+$0xFFFFFFC0];
	[tilespmem:s1+$0xFFFFFFA0] =	vst v18;
	v11 =	vmul.f32 v11, v11;
	v9 =	vsub.f32 v13, v9  }
0x15f: {  	v13 =	vld [tilespmem:s24+$0xFFFFFFD0];
	[tilespmem:s1+$0xFFFFFFB0] =	vst v12;
	v10 =	vmul.f32 v10, v10;
	v8 =	vsub.f32 v14, v8  }
0x160: {  	v14 =	vld [tilespmem:s24+$0xFFFFFFE0];
	[tilespmem:s1+$0xFFFFFFC0] =	vst v11;
	v9 =	vmul.f32 v9, v9  }
0x161: {  	v18 =	vld [tilespmem:s24+$0xFFFFFFF0];
	[tilespmem:s1+$0xFFFFFFD0] =	vst v10;
	v8 =	vmul.f32 v8, v8  }
0x162: {  	v19 =	vld [tilespmem:s24+$0xFFFFFF90];
	[tilespmem:s1+$0xFFFFFFE0] =	vst v9  }
0x163: {  	s6 =	sadd.s32 $0x100, s6;
	v20 =	vld.idx.msk [tilespmem:v20+s3+$0x0], $0xffff;
	[tilespmem:s1+$0xFFFFFFF0] =	vst v8  }
0x164: {  	v8 =	vld [tilespmem:s6+$0x0]  }
0x165: {  	v21 =	vld.idx.msk [tilespmem:v17+s3+$0x0], $0xffff  }
0x166: {  	v12 =	vld.idx.msk [tilespmem:v16+s3+$0x0], $0xffff  }
0x167: {  	v11 =	vld.idx.msk [tilespmem:v15+s3+$0x0], $0xffff  }
0x168: {  	v10 =	vld.idx.msk [tilespmem:v13+s3+$0x0], $0xffff  }
0x169: {  	v9 =	vld.idx.msk [tilespmem:v14+s3+$0x0], $0xffff;
	v13 =	vsub.f32 v8, v20  }
0x16a: {  	v14 =	vld.idx.msk [tilespmem:v19+s3+$0x0], $0xffff  }
0x16b: {  	v8 =	vld.idx.msk [tilespmem:v18+s3+$0x0], $0xffff;
	v13 =	vmul.f32 v13, v13  }
0x16c: {  	s1 =	sadd.s32 $0x80, s1;
	v18 =	vld [tilespmem:s6+$0xFFFFFF90]  }
0x16d: {  	v20 =	vld [tilespmem:s6+$0xFFFFFFA0];
	[tilespmem:s1+$0x0] =	vst v13  }
.Ltmp1:
0x16e: {  	v17 =	vld [tilespmem:s6+$0xFFFFFFB0];
	(pc) =	sbr.rel @p1 .LBB2_4-.Ltmp1, $4  }
0x16f: {  	v16 =	vld [tilespmem:s6+$0xFFFFFFC0]  }
0x170: {  	v15 =	vld [tilespmem:s6+$0xFFFFFFD0]  }
0x171: {  	v19 =	vsub.f32 v18, v14;
	v13 =	vld [tilespmem:s6+$0xFFFFFFE0]  }
0x172: {  	s24 =	sadd.s32 $0x100, s24;
	v18 =	vsub.f32 v20, v21;
	v14 =	vld [tilespmem:s6+$0xFFFFFFF0]  }
0x173: {  	v19 =	vmul.f32 v19, v19;
	v12 =	vsub.f32 v17, v12  }
0x174: {  	v17 =	vmul.f32 v18, v18;
	v11 =	vsub.f32 v16, v11  }
0x175: {  	[tilespmem:s1+$0xFFFFFF90] =	vst v19;
	v12 =	vmul.f32 v12, v12;
	v10 =	vsub.f32 v15, v10  }
0x176: {  	[tilespmem:s1+$0xFFFFFFA0] =	vst v17;
	v11 =	vmul.f32 v11, v11;
	v9 =	vsub.f32 v13, v9  }
0x177: {  	[tilespmem:s1+$0xFFFFFFB0] =	vst v12;
	v10 =	vmul.f32 v10, v10;
	v8 =	vsub.f32 v14, v8  }
0x178: {  	[tilespmem:s1+$0xFFFFFFC0] =	vst v11;
	v9 =	vmul.f32 v9, v9  }
0x179: {  	[tilespmem:s1+$0xFFFFFFD0] =	vst v10;
	v8 =	vmul.f32 v8, v8  }
0x17a: {  	[tilespmem:s1+$0xFFFFFFE0] =	vst v9  }
0x17b: {  	s6 =	simm.s32 $0x18780;
	[tilespmem:s1+$0xFFFFFFF0] =	vst v8  }
0x17c: {  	[tilespmem:s6], [sflag:$0x3] =	stream.linear.gather [hbm4b:s28+s3], $0x80, $0x38;
	[tilespmem:$0x1EB80] =	vst v63  }
0x17d: {  	s12 =	simm.s32 $0x18880;
	s6 =	sadd.s32 $0x10, s28  }
0x17e: {  	[tilespmem:s12], [sflag:$0x3] =	stream.linear.gather [hbm4b:s6+s3], $0x80, $0x38;
	[tilespmem:$0x1EB80] =	vst v63  }
0x17f: {  	s24 =	sadd.s32 $0x20, s28;
	s25 =	simm.s32 $0x18980  }
0x180: {  	[tilespmem:s25], [sflag:$0x3] =	stream.linear.gather [hbm4b:s24+s3], $0x80, $0x38;
	[tilespmem:$0x1EB80] =	vst v63  }
0x181: {  	s1 =	sadd.s32 $0x30, s28;
	s12 =	simm.s32 $0x18A80  }
0x182: {  	[tilespmem:s12], [sflag:$0x3] =	stream.linear.gather [hbm4b:s1+s3], $0x80, $0x38;
	[tilespmem:$0x1EB80] =	vst v63  }
0x183: {  	[smem:$0x7C9] =	sst s24;
	s24 =	sadd.s32 $0x40, s28;
	s25 =	simm.s32 $0x18B80  }
0x184: {  	[tilespmem:s25], [sflag:$0x3] =	stream.linear.gather [hbm4b:s24+s3], $0x80, $0x38;
	[tilespmem:$0x1EB80] =	vst v63  }
0x185: {  	[smem:$0x7CA] =	sst s1;
	s1 =	sadd.s32 $0x50, s28;
	s12 =	simm.s32 $0x18C80  }
0x186: {  	[tilespmem:s12], [sflag:$0x3] =	stream.linear.gather [hbm4b:s1+s3], $0x80, $0x38;
	[tilespmem:$0x1EB80] =	vst v63  }
0x187: {  	[smem:$0x7CB] =	sst s24;
	s24 =	sadd.s32 $0x60, s28;
	s25 =	simm.s32 $0x18D80  }
0x188: {  	[tilespmem:s25], [sflag:$0x3] =	stream.linear.gather [hbm4b:s24+s3], $0x80, $0x38;
	[tilespmem:$0x1EB80] =	vst v63  }
0x189: {  	[smem:$0x7CC] =	sst s1;
	s1 =	sadd.s32 $0x70, s28;
	s12 =	simm.s32 $0x18E80  }
0x18a: {  	[tilespmem:s12], [sflag:$0x3] =	stream.linear.gather [hbm4b:s1+s3], $0x80, $0x38;
	[tilespmem:$0x1EB80] =	vst v63  }
0x18b: {  	[smem:$0x7CD] =	sst s24;
	s24 =	sadd.s32 $0x80, s28;
	s25 =	simm.s32 $0x18F80  }
0x18c: {  	[tilespmem:s25], [sflag:$0x3] =	stream.linear.gather [hbm4b:s24+s3], $0x80, $0x38;
	[tilespmem:$0x1EB80] =	vst v63  }
0x18d: {  	[smem:$0x7CE] =	sst s1;
	s1 =	sadd.s32 $0x90, s28;
	s12 =	simm.s32 $0x19080  }
0x18e: {  	[tilespmem:s12], [sflag:$0x3] =	stream.linear.gather [hbm4b:s1+s3], $0x80, $0x38;
	[tilespmem:$0x1EB80] =	vst v63  }
0x18f: {  	[smem:$0x7CF] =	sst s24;
	s24 =	sadd.s32 $0xA0, s28;
	s25 =	simm.s32 $0x19180  }
0x190: {  	[tilespmem:s25], [sflag:$0x3] =	stream.linear.gather [hbm4b:s24+s3], $0x80, $0x38;
	[tilespmem:$0x1EB80] =	vst v63  }
0x191: {  	[smem:$0x7D0] =	sst s1;
	s1 =	sadd.s32 $0xB0, s28;
	s12 =	simm.s32 $0x19280  }
0x192: {  	[tilespmem:s12], [sflag:$0x3] =	stream.linear.gather [hbm4b:s1+s3], $0x80, $0x38;
	[tilespmem:$0x1EB80] =	vst v63  }
0x193: {  	[smem:$0x7D1] =	sst s24;
	s24 =	sadd.s32 $0xC0, s28;
	s25 =	simm.s32 $0x19380  }
0x194: {  	[tilespmem:s25], [sflag:$0x3] =	stream.linear.gather [hbm4b:s24+s3], $0x80, $0x38;
	[tilespmem:$0x1EB80] =	vst v63  }
0x195: {  	[smem:$0x7D2] =	sst s1;
	s1 =	sadd.s32 $0xD0, s28;
	s12 =	simm.s32 $0x19480  }
0x196: {  	[tilespmem:s12], [sflag:$0x3] =	stream.linear.gather [hbm4b:s1+s3], $0x80, $0x38;
	[tilespmem:$0x1EB80] =	vst v63  }
0x197: {  	[smem:$0x7D3] =	sst s24;
	s24 =	sadd.s32 $0xE0, s28;
	s25 =	simm.s32 $0x19580  }
0x198: {  	[tilespmem:s25], [sflag:$0x3] =	stream.linear.gather [hbm4b:s24+s3], $0x80, $0x38;
	[tilespmem:$0x1EB80] =	vst v63  }
0x199: {  	[smem:$0x7D5] =	sst s24;
	s12 =	sadd.s32 $0xF0, s28;
	s24 =	simm.s32 $0x19680  }
0x19a: {  	[tilespmem:s24], [sflag:$0x3] =	stream.linear.gather [hbm4b:s12+s3], $0x80, $0x38;
	[tilespmem:$0x1EB80] =	vst v63  }
0x19b: {  	[smem:$0x7C8] =	sst s6;
	s25 =	simm.s32 $0x19780  }
0x19c: {  	[tilespmem:s25], [sflag:$0x3] =	stream.linear.gather [hbm4b:s9+s3], $0x80, $0x38;
	[tilespmem:$0x1EB80] =	vst v63  }
0x19d: {  	s6 =	sadd.s32 $0x80, s9;
	[smem:$0x7D6] =	sst s12;
	s12 =	simm.s32 $0x19880  }
0x19e: {  	[tilespmem:s12], [sflag:$0x3] =	stream.linear.gather [hbm4b:s6+s3], $0x80, $0x38;
	[tilespmem:$0x1EB80] =	vst v63  }
0x19f: {  	s24 =	sadd.s32 $0x100, s9;
	s25 =	simm.s32 $0x19980  }
0x1a0: {  	[tilespmem:s25], [sflag:$0x3] =	stream.linear.gather [hbm4b:s24+s3], $0x80, $0x38;
	[tilespmem:$0x1EB80] =	vst v63  }
0x1a1: {  	s6 =	sadd.s32 $0x180, s9;
	s12 =	simm.s32 $0x19A80  }
0x1a2: {  	[tilespmem:s12], [sflag:$0x3] =	stream.linear.gather [hbm4b:s6+s3], $0x80, $0x38;
	[tilespmem:$0x1EB80] =	vst v63  }
0x1a3: {  	s24 =	sadd.s32 $0x200, s9;
	s25 =	simm.s32 $0x19B80  }
0x1a4: {  	[tilespmem:s25], [sflag:$0x3] =	stream.linear.gather [hbm4b:s24+s3], $0x80, $0x38;
	[tilespmem:$0x1EB80] =	vst v63  }
0x1a5: {  	s6 =	sadd.s32 $0x280, s9;
	s12 =	simm.s32 $0x19C80  }
0x1a6: {  	[tilespmem:s12], [sflag:$0x3] =	stream.linear.gather [hbm4b:s6+s3], $0x80, $0x38;
	[tilespmem:$0x1EB80] =	vst v63  }
0x1a7: {  	s24 =	sadd.s32 $0x300, s9;
	s25 =	simm.s32 $0x19D80  }
0x1a8: {  	[tilespmem:s25], [sflag:$0x3] =	stream.linear.gather [hbm4b:s24+s3], $0x80, $0x38;
	[tilespmem:$0x1EB80] =	vst v63  }
0x1a9: {  	s6 =	sadd.s32 $0x380, s9;
	s12 =	simm.s32 $0x19E80  }
0x1aa: {  	[tilespmem:s12], [sflag:$0x3] =	stream.linear.gather [hbm4b:s6+s3], $0x80, $0x38;
	[tilespmem:$0x1EB80] =	vst v63  }
0x1ab: {  	s24 =	sadd.s32 $0x400, s9;
	s25 =	simm.s32 $0x19F80  }
0x1ac: {  	[tilespmem:s25], [sflag:$0x3] =	stream.linear.gather [hbm4b:s24+s3], $0x80, $0x38;
	[tilespmem:$0x1EB80] =	vst v63  }
0x1ad: {  	s6 =	sadd.s32 $0x480, s9;
	s12 =	simm.s32 $0x1A080  }
0x1ae: {  	[tilespmem:s12], [sflag:$0x3] =	stream.linear.gather [hbm4b:s6+s3], $0x80, $0x38;
	[tilespmem:$0x1EB80] =	vst v63  }
0x1af: {  	s24 =	sadd.s32 $0x500, s9;
	s25 =	simm.s32 $0x1A180  }
0x1b0: {  	[tilespmem:s25], [sflag:$0x3] =	stream.linear.gather [hbm4b:s24+s3], $0x80, $0x38;
	[tilespmem:$0x1EB80] =	vst v63  }
0x1b1: {  	s6 =	sadd.s32 $0x580, s9;
	s12 =	simm.s32 $0x1A280  }
0x1b2: {  	[tilespmem:s12], [sflag:$0x3] =	stream.linear.gather [hbm4b:s6+s3], $0x80, $0x38;
	[tilespmem:$0x1EB80] =	vst v63  }
0x1b3: {  	s24 =	sadd.s32 $0x600, s9;
	s25 =	simm.s32 $0x1A380  }
0x1b4: {  	[tilespmem:s25], [sflag:$0x3] =	stream.linear.gather [hbm4b:s24+s3], $0x80, $0x38;
	[tilespmem:$0x1EB80] =	vst v63  }
0x1b5: {  	s6 =	sadd.s32 $0x680, s9;
	s12 =	simm.s32 $0x1A480  }
0x1b6: {  	[tilespmem:s12], [sflag:$0x3] =	stream.linear.gather [hbm4b:s6+s3], $0x80, $0x38;
	[tilespmem:$0x1EB80] =	vst v63  }
0x1b7: {  	s24 =	sadd.s32 $0x700, s9;
	s25 =	simm.s32 $0x1A580  }
0x1b8: {  	[tilespmem:s25], [sflag:$0x3] =	stream.linear.gather [hbm4b:s24+s3], $0x80, $0x38;
	[tilespmem:$0x1EB80] =	vst v63  }
0x1b9: {  	[smem:$0x7D4] =	sst s1;
	s12 =	sadd.s32 $0x780, s9;
	s24 =	simm.s32 $0x1A680  }
0x1ba: {  	[tilespmem:s24], [sflag:$0x3] =	stream.linear.gather [hbm4b:s12+s3], $0x80, $0x38;
	[tilespmem:$0x1EB80] =	vst v63  }
0x1bb: {  	_ =	swait.ge [sflag:s2], $0x800  }
0x1bc: {  	[sflag:s2] =	ssyncset.done $0x0  }
0x1bd: {  	[sflag:s2] =	ssyncadd.s32 $0xFFFFF800  }
0x1be: {  	_ =	swait.ge [sflag:s2], $0x800  }
0x1bf: {  	[sflag:s2] =	ssyncset.done $0x0  }
0x1c0: {  	s25 =	simm.s32 $0x18740;
	[sflag:s2] =	ssyncadd.s32 $0xFFFFF800  }
0x1c1: {  	v8 =	vld [tilespmem:s25+$0x30]  }
0x1c2: {  	v9 =	vld [tilespmem:s25+$0xFFFFFFD0]  }
0x1c3: {  	v10 =	vld [tilespmem:s25+$0xFFFFFFE0]  }
0x1c4: {  	v11 =	vld [tilespmem:s25+$0xFFFFFFF0]  }
0x1c5: {  	v13 =	vld [tilespmem:s25+$0x0]  }
0x1c6: {  	v14 =	vld [tilespmem:s25+$0x10]  }
0x1c7: {  	v15 =	vld [tilespmem:s25+$0x20]  }
0x1c8: {  	s6 =	simm.s32 $0x19740;
	v16 =	vld [tilespmem:s25+$0xFFFFFFC0]  }
0x1c9: {  	v18 =	vld [tilespmem:s6+$0x30]  }
0x1ca: {  	v19 =	vld [tilespmem:s6+$0xFFFFFFC0]  }
0x1cb: {  	v21 =	vld [tilespmem:s6+$0xFFFFFFD0]  }
0x1cc: {  	v17 =	vld.idx.msk [tilespmem:v8+s3+$0x0], $0xffff  }
0x1cd: {  	v20 =	vld.idx.msk [tilespmem:v9+s3+$0x0], $0xffff  }
0x1ce: {  	v12 =	vld.idx.msk [tilespmem:v10+s3+$0x0], $0xffff  }
0x1cf: {  	v11 =	vld.idx.msk [tilespmem:v11+s3+$0x0], $0xffff  }
0x1d0: {  	v10 =	vld.idx.msk [tilespmem:v13+s3+$0x0], $0xffff  }
0x1d1: {  	v9 =	vld.idx.msk [tilespmem:v14+s3+$0x0], $0xffff  }
0x1d2: {  	v14 =	vld.idx.msk [tilespmem:v16+s3+$0x0], $0xffff  }
0x1d3: {  	v8 =	vld.idx.msk [tilespmem:v15+s3+$0x0], $0xffff  }
0x1d4: {  	v13 =	vsub.f32 v18, v17;
	v17 =	vld [tilespmem:s6+$0xFFFFFFE0]  }
0x1d5: {  	v16 =	vld [tilespmem:s6+$0xFFFFFFF0]  }
0x1d6: {  	v15 =	vld [tilespmem:s6+$0x0];
	v18 =	vmul.f32 v13, v13  }
0x1d7: {  	s1 =	simm.s32 $0x1B770;
	v19 =	vsub.f32 v19, v14;
	v13 =	vld [tilespmem:s6+$0x10]  }
0x1d8: {  	s12 =	simm.s32 $0x0;
	s24 =	simm.s32 $0x18840;
	v14 =	vld [tilespmem:s6+$0x20];
	[tilespmem:s1+$0x0] =	vst v18;
	v18 =	vsub.f32 v21, v20  }
.LBB2_6:
0x1d9: {  	v20 =	vld [tilespmem:s24+$0x30];
	s12 =	sadd.s32 $0x8, s12;
	v19 =	vmul.f32 v19, v19;
	v12 =	vsub.f32 v17, v12  }
0x1da: {  	v17 =	vld [tilespmem:s24+$0xFFFFFFD0];
	p1 =	slt.u32 s12, $0x78;
	v18 =	vmul.f32 v18, v18;
	v11 =	vsub.f32 v16, v11  }
0x1db: {  	v16 =	vld [tilespmem:s24+$0xFFFFFFE0];
	[tilespmem:s1+$0xFFFFFF90] =	vst v19;
	v12 =	vmul.f32 v12, v12;
	v10 =	vsub.f32 v15, v10  }
0x1dc: {  	v15 =	vld [tilespmem:s24+$0xFFFFFFF0];
	[tilespmem:s1+$0xFFFFFFA0] =	vst v18;
	v11 =	vmul.f32 v11, v11;
	v9 =	vsub.f32 v13, v9  }
0x1dd: {  	v13 =	vld [tilespmem:s24+$0x0];
	[tilespmem:s1+$0xFFFFFFB0] =	vst v12;
	v10 =	vmul.f32 v10, v10;
	v8 =	vsub.f32 v14, v8  }
0x1de: {  	v14 =	vld [tilespmem:s24+$0x10];
	[tilespmem:s1+$0xFFFFFFC0] =	vst v11;
	v9 =	vmul.f32 v9, v9  }
0x1df: {  	v18 =	vld [tilespmem:s24+$0x20];
	[tilespmem:s1+$0xFFFFFFD0] =	vst v10;
	v8 =	vmul.f32 v8, v8  }
0x1e0: {  	v19 =	vld [tilespmem:s24+$0xFFFFFFC0];
	[tilespmem:s1+$0xFFFFFFE0] =	vst v9  }
0x1e1: {  	s6 =	sadd.s32 $0x100, s6;
	v20 =	vld.idx.msk [tilespmem:v20+s3+$0x0], $0xffff;
	[tilespmem:s1+$0xFFFFFFF0] =	vst v8  }
0x1e2: {  	v8 =	vld [tilespmem:s6+$0x30]  }
0x1e3: {  	v21 =	vld.idx.msk [tilespmem:v17+s3+$0x0], $0xffff  }
0x1e4: {  	v12 =	vld.idx.msk [tilespmem:v16+s3+$0x0], $0xffff  }
0x1e5: {  	v11 =	vld.idx.msk [tilespmem:v15+s3+$0x0], $0xffff  }
0x1e6: {  	v10 =	vld.idx.msk [tilespmem:v13+s3+$0x0], $0xffff  }
0x1e7: {  	v9 =	vld.idx.msk [tilespmem:v14+s3+$0x0], $0xffff;
	v13 =	vsub.f32 v8, v20  }
0x1e8: {  	v14 =	vld.idx.msk [tilespmem:v19+s3+$0x0], $0xffff  }
0x1e9: {  	v8 =	vld.idx.msk [tilespmem:v18+s3+$0x0], $0xffff;
	v13 =	vmul.f32 v13, v13  }
0x1ea: {  	s1 =	sadd.s32 $0x80, s1;
	v18 =	vld [tilespmem:s6+$0xFFFFFFC0]  }
0x1eb: {  	v20 =	vld [tilespmem:s6+$0xFFFFFFD0];
	[tilespmem:s1+$0x0] =	vst v13  }
.Ltmp2:
0x1ec: {  	v17 =	vld [tilespmem:s6+$0xFFFFFFE0];
	(pc) =	sbr.rel @p1 .LBB2_6-.Ltmp2, $4  }
0x1ed: {  	v16 =	vld [tilespmem:s6+$0xFFFFFFF0]  }
0x1ee: {  	v15 =	vld [tilespmem:s6+$0x0]  }
0x1ef: {  	v19 =	vsub.f32 v18, v14;
	v13 =	vld [tilespmem:s6+$0x10]  }
0x1f0: {  	s24 =	sadd.s32 $0x100, s24;
	v18 =	vsub.f32 v20, v21;
	v14 =	vld [tilespmem:s6+$0x20]  }
0x1f1: {  	v19 =	vmul.f32 v19, v19;
	v12 =	vsub.f32 v17, v12  }
0x1f2: {  	v17 =	vmul.f32 v18, v18;
	v11 =	vsub.f32 v16, v11  }
0x1f3: {  	[tilespmem:s1+$0xFFFFFF90] =	vst v19;
	v12 =	vmul.f32 v12, v12;
	v10 =	vsub.f32 v15, v10  }
0x1f4: {  	[tilespmem:s1+$0xFFFFFFA0] =	vst v17;
	v11 =	vmul.f32 v11, v11;
	v9 =	vsub.f32 v13, v9  }
0x1f5: {  	[tilespmem:s1+$0xFFFFFFB0] =	vst v12;
	v10 =	vmul.f32 v10, v10;
	v8 =	vsub.f32 v14, v8  }
0x1f6: {  	[tilespmem:s1+$0xFFFFFFC0] =	vst v11;
	v9 =	vmul.f32 v9, v9  }
0x1f7: {  	[tilespmem:s1+$0xFFFFFFD0] =	vst v10;
	v8 =	vmul.f32 v8, v8  }
0x1f8: {  	[tilespmem:s1+$0xFFFFFFE0] =	vst v9  }
0x1f9: {  	s6 =	simm.s32 $0x18700;
	[tilespmem:s1+$0xFFFFFFF0] =	vst v8  }
0x1fa: {  	[tilespmem:s6], [sflag:$0x2] =	stream.linear.gather [hbm4b:s29+s3], $0x80, $0x38;
	[tilespmem:$0x1EB80] =	vst v63  }
0x1fb: {  	s12 =	simm.s32 $0x18800;
	s6 =	sadd.s32 $0x10, s29  }
0x1fc: {  	[tilespmem:s12], [sflag:$0x2] =	stream.linear.gather [hbm4b:s6+s3], $0x80, $0x38;
	[tilespmem:$0x1EB80] =	vst v63  }
0x1fd: {  	s24 =	sadd.s32 $0x20, s29;
	s25 =	simm.s32 $0x18900  }
0x1fe: {  	[tilespmem:s25], [sflag:$0x2] =	stream.linear.gather [hbm4b:s24+s3], $0x80, $0x38;
	[tilespmem:$0x1EB80] =	vst v63  }
0x1ff: {  	s1 =	sadd.s32 $0x30, s29;
	s12 =	simm.s32 $0x18A00  }
0x200: {  	[tilespmem:s12], [sflag:$0x2] =	stream.linear.gather [hbm4b:s1+s3], $0x80, $0x38;
	[tilespmem:$0x1EB80] =	vst v63  }
0x201: {  	[smem:$0x7BA] =	sst s24;
	s24 =	sadd.s32 $0x40, s29;
	s25 =	simm.s32 $0x18B00  }
0x202: {  	[tilespmem:s25], [sflag:$0x2] =	stream.linear.gather [hbm4b:s24+s3], $0x80, $0x38;
	[tilespmem:$0x1EB80] =	vst v63  }
0x203: {  	[smem:$0x7BB] =	sst s1;
	s1 =	sadd.s32 $0x50, s29;
	s12 =	simm.s32 $0x18C00  }
0x204: {  	[tilespmem:s12], [sflag:$0x2] =	stream.linear.gather [hbm4b:s1+s3], $0x80, $0x38;
	[tilespmem:$0x1EB80] =	vst v63  }
0x205: {  	[smem:$0x7BC] =	sst s24;
	s24 =	sadd.s32 $0x60, s29;
	s25 =	simm.s32 $0x18D00  }
0x206: {  	[tilespmem:s25], [sflag:$0x2] =	stream.linear.gather [hbm4b:s24+s3], $0x80, $0x38;
	[tilespmem:$0x1EB80] =	vst v63  }
0x207: {  	[smem:$0x7BD] =	sst s1;
	s1 =	sadd.s32 $0x70, s29;
	s12 =	simm.s32 $0x18E00  }
0x208: {  	[tilespmem:s12], [sflag:$0x2] =	stream.linear.gather [hbm4b:s1+s3], $0x80, $0x38;
	[tilespmem:$0x1EB80] =	vst v63  }
0x209: {  	[smem:$0x7BE] =	sst s24;
	s24 =	sadd.s32 $0x80, s29;
	s25 =	simm.s32 $0x18F00  }
0x20a: {  	[tilespmem:s25], [sflag:$0x2] =	stream.linear.gather [hbm4b:s24+s3], $0x80, $0x38;
	[tilespmem:$0x1EB80] =	vst v63  }
0x20b: {  	[smem:$0x7BF] =	sst s1;
	s1 =	sadd.s32 $0x90, s29;
	s12 =	simm.s32 $0x19000  }
0x20c: {  	[tilespmem:s12], [sflag:$0x2] =	stream.linear.gather [hbm4b:s1+s3], $0x80, $0x38;
	[tilespmem:$0x1EB80] =	vst v63  }
0x20d: {  	[smem:$0x7C0] =	sst s24;
	s24 =	sadd.s32 $0xA0, s29;
	s25 =	simm.s32 $0x19100  }
0x20e: {  	[tilespmem:s25], [sflag:$0x2] =	stream.linear.gather [hbm4b:s24+s3], $0x80, $0x38;
	[tilespmem:$0x1EB80] =	vst v63  }
0x20f: {  	[smem:$0x7C1] =	sst s1;
	s1 =	sadd.s32 $0xB0, s29;
	s12 =	simm.s32 $0x19200  }
0x210: {  	[tilespmem:s12], [sflag:$0x2] =	stream.linear.gather [hbm4b:s1+s3], $0x80, $0x38;
	[tilespmem:$0x1EB80] =	vst v63  }
0x211: {  	[smem:$0x7C2] =	sst s24;
	s24 =	sadd.s32 $0xC0, s29;
	s25 =	simm.s32 $0x19300  }
0x212: {  	[tilespmem:s25], [sflag:$0x2] =	stream.linear.gather [hbm4b:s24+s3], $0x80, $0x38;
	[tilespmem:$0x1EB80] =	vst v63  }
0x213: {  	[smem:$0x7C3] =	sst s1;
	s1 =	sadd.s32 $0xD0, s29;
	s12 =	simm.s32 $0x19400  }
0x214: {  	[tilespmem:s12], [sflag:$0x2] =	stream.linear.gather [hbm4b:s1+s3], $0x80, $0x38;
	[tilespmem:$0x1EB80] =	vst v63  }
0x215: {  	[smem:$0x7C4] =	sst s24;
	s24 =	sadd.s32 $0xE0, s29;
	s25 =	simm.s32 $0x19500  }
0x216: {  	[tilespmem:s25], [sflag:$0x2] =	stream.linear.gather [hbm4b:s24+s3], $0x80, $0x38;
	[tilespmem:$0x1EB80] =	vst v63  }
0x217: {  	[smem:$0x7C6] =	sst s24;
	s12 =	sadd.s32 $0xF0, s29;
	s24 =	simm.s32 $0x19600  }
0x218: {  	[tilespmem:s24], [sflag:$0x2] =	stream.linear.gather [hbm4b:s12+s3], $0x80, $0x38;
	[tilespmem:$0x1EB80] =	vst v63  }
0x219: {  	[smem:$0x7B9] =	sst s6;
	s25 =	simm.s32 $0x19700  }
0x21a: {  	[tilespmem:s25], [sflag:$0x2] =	stream.linear.gather [hbm4b:s10+s3], $0x80, $0x38;
	[tilespmem:$0x1EB80] =	vst v63  }
0x21b: {  	s6 =	sadd.s32 $0x80, s10;
	[smem:$0x7C7] =	sst s12;
	s12 =	simm.s32 $0x19800  }
0x21c: {  	[tilespmem:s12], [sflag:$0x2] =	stream.linear.gather [hbm4b:s6+s3], $0x80, $0x38;
	[tilespmem:$0x1EB80] =	vst v63  }
0x21d: {  	s24 =	sadd.s32 $0x100, s10;
	s25 =	simm.s32 $0x19900  }
0x21e: {  	[tilespmem:s25], [sflag:$0x2] =	stream.linear.gather [hbm4b:s24+s3], $0x80, $0x38;
	[tilespmem:$0x1EB80] =	vst v63  }
0x21f: {  	s6 =	sadd.s32 $0x180, s10;
	s12 =	simm.s32 $0x19A00  }
0x220: {  	[tilespmem:s12], [sflag:$0x2] =	stream.linear.gather [hbm4b:s6+s3], $0x80, $0x38;
	[tilespmem:$0x1EB80] =	vst v63  }
0x221: {  	s24 =	sadd.s32 $0x200, s10;
	s25 =	simm.s32 $0x19B00  }
0x222: {  	[tilespmem:s25], [sflag:$0x2] =	stream.linear.gather [hbm4b:s24+s3], $0x80, $0x38;
	[tilespmem:$0x1EB80] =	vst v63  }
0x223: {  	s6 =	sadd.s32 $0x280, s10;
	s12 =	simm.s32 $0x19C00  }
0x224: {  	[tilespmem:s12], [sflag:$0x2] =	stream.linear.gather [hbm4b:s6+s3], $0x80, $0x38;
	[tilespmem:$0x1EB80] =	vst v63  }
0x225: {  	s24 =	sadd.s32 $0x300, s10;
	s25 =	simm.s32 $0x19D00  }
0x226: {  	[tilespmem:s25], [sflag:$0x2] =	stream.linear.gather [hbm4b:s24+s3], $0x80, $0x38;
	[tilespmem:$0x1EB80] =	vst v63  }
0x227: {  	s6 =	sadd.s32 $0x380, s10;
	s12 =	simm.s32 $0x19E00  }
0x228: {  	[tilespmem:s12], [sflag:$0x2] =	stream.linear.gather [hbm4b:s6+s3], $0x80, $0x38;
	[tilespmem:$0x1EB80] =	vst v63  }
0x229: {  	s24 =	sadd.s32 $0x400, s10;
	s25 =	simm.s32 $0x19F00  }
0x22a: {  	[tilespmem:s25], [sflag:$0x2] =	stream.linear.gather [hbm4b:s24+s3], $0x80, $0x38;
	[tilespmem:$0x1EB80] =	vst v63  }
0x22b: {  	s6 =	sadd.s32 $0x480, s10;
	s12 =	simm.s32 $0x1A000  }
0x22c: {  	[tilespmem:s12], [sflag:$0x2] =	stream.linear.gather [hbm4b:s6+s3], $0x80, $0x38;
	[tilespmem:$0x1EB80] =	vst v63  }
0x22d: {  	s24 =	sadd.s32 $0x500, s10;
	s25 =	simm.s32 $0x1A100  }
0x22e: {  	[tilespmem:s25], [sflag:$0x2] =	stream.linear.gather [hbm4b:s24+s3], $0x80, $0x38;
	[tilespmem:$0x1EB80] =	vst v63  }
0x22f: {  	s6 =	sadd.s32 $0x580, s10;
	s12 =	simm.s32 $0x1A200  }
0x230: {  	[tilespmem:s12], [sflag:$0x2] =	stream.linear.gather [hbm4b:s6+s3], $0x80, $0x38;
	[tilespmem:$0x1EB80] =	vst v63  }
0x231: {  	s24 =	sadd.s32 $0x600, s10;
	s25 =	simm.s32 $0x1A300  }
0x232: {  	[tilespmem:s25], [sflag:$0x2] =	stream.linear.gather [hbm4b:s24+s3], $0x80, $0x38;
	[tilespmem:$0x1EB80] =	vst v63  }
0x233: {  	s6 =	sadd.s32 $0x680, s10;
	s12 =	simm.s32 $0x1A400  }
0x234: {  	[tilespmem:s12], [sflag:$0x2] =	stream.linear.gather [hbm4b:s6+s3], $0x80, $0x38;
	[tilespmem:$0x1EB80] =	vst v63  }
0x235: {  	s24 =	sadd.s32 $0x700, s10;
	s25 =	simm.s32 $0x1A500  }
0x236: {  	[tilespmem:s25], [sflag:$0x2] =	stream.linear.gather [hbm4b:s24+s3], $0x80, $0x38;
	[tilespmem:$0x1EB80] =	vst v63  }
0x237: {  	[smem:$0x7C5] =	sst s1;
	s12 =	sadd.s32 $0x780, s10;
	s24 =	simm.s32 $0x1A600  }
0x238: {  	[tilespmem:s24], [sflag:$0x2] =	stream.linear.gather [hbm4b:s12+s3], $0x80, $0x38;
	[tilespmem:$0x1EB80] =	vst v63  }
0x239: {  	_ =	swait.ge [sflag:s4], $0x800  }
0x23a: {  	[sflag:s4] =	ssyncset.done $0x0  }
0x23b: {  	[sflag:s4] =	ssyncadd.s32 $0xFFFFF800  }
0x23c: {  	_ =	swait.ge [sflag:s4], $0x800  }
0x23d: {  	[sflag:s4] =	ssyncset.done $0x0  }
0x23e: {  	s25 =	simm.s32 $0x187F0;
	[sflag:s4] =	ssyncadd.s32 $0xFFFFF800  }
0x23f: {  	v8 =	vld [tilespmem:s25+$0x0]  }
0x240: {  	v9 =	vld [tilespmem:s25+$0xFFFFFFA0]  }
0x241: {  	v10 =	vld [tilespmem:s25+$0xFFFFFFB0]  }
0x242: {  	v11 =	vld [tilespmem:s25+$0xFFFFFFC0]  }
0x243: {  	v13 =	vld [tilespmem:s25+$0xFFFFFFD0]  }
0x244: {  	v14 =	vld [tilespmem:s25+$0xFFFFFFE0]  }
0x245: {  	v15 =	vld [tilespmem:s25+$0xFFFFFFF0]  }
0x246: {  	s6 =	simm.s32 $0x197F0;
	v16 =	vld [tilespmem:s25+$0xFFFFFF90]  }
0x247: {  	v18 =	vld [tilespmem:s6+$0x0]  }
0x248: {  	v19 =	vld [tilespmem:s6+$0xFFFFFF90]  }
0x249: {  	v21 =	vld [tilespmem:s6+$0xFFFFFFA0]  }
0x24a: {  	v17 =	vld.idx.msk [tilespmem:v8+s3+$0x0], $0xffff  }
0x24b: {  	v20 =	vld.idx.msk [tilespmem:v9+s3+$0x0], $0xffff  }
0x24c: {  	v12 =	vld.idx.msk [tilespmem:v10+s3+$0x0], $0xffff  }
0x24d: {  	v11 =	vld.idx.msk [tilespmem:v11+s3+$0x0], $0xffff  }
0x24e: {  	v10 =	vld.idx.msk [tilespmem:v13+s3+$0x0], $0xffff  }
0x24f: {  	v9 =	vld.idx.msk [tilespmem:v14+s3+$0x0], $0xffff  }
0x250: {  	v14 =	vld.idx.msk [tilespmem:v16+s3+$0x0], $0xffff  }
0x251: {  	v8 =	vld.idx.msk [tilespmem:v15+s3+$0x0], $0xffff  }
0x252: {  	v13 =	vsub.f32 v18, v17;
	v17 =	vld [tilespmem:s6+$0xFFFFFFB0]  }
0x253: {  	v16 =	vld [tilespmem:s6+$0xFFFFFFC0]  }
0x254: {  	v15 =	vld [tilespmem:s6+$0xFFFFFFD0];
	v18 =	vmul.f32 v13, v13  }
0x255: {  	s1 =	simm.s32 $0x1BF70;
	v19 =	vsub.f32 v19, v14;
	v13 =	vld [tilespmem:s6+$0xFFFFFFE0]  }
0x256: {  	s12 =	simm.s32 $0x0;
	s24 =	simm.s32 $0x188F0;
	v14 =	vld [tilespmem:s6+$0xFFFFFFF0];
	[tilespmem:s1+$0x0] =	vst v18;
	v18 =	vsub.f32 v21, v20  }
.LBB2_8:
0x257: {  	v20 =	vld [tilespmem:s24+$0x0];
	s12 =	sadd.s32 $0x8, s12;
	v19 =	vmul.f32 v19, v19;
	v12 =	vsub.f32 v17, v12  }
0x258: {  	v17 =	vld [tilespmem:s24+$0xFFFFFFA0];
	p1 =	slt.u32 s12, $0x78;
	v18 =	vmul.f32 v18, v18;
	v11 =	vsub.f32 v16, v11  }
0x259: {  	v16 =	vld [tilespmem:s24+$0xFFFFFFB0];
	[tilespmem:s1+$0xFFFFFF90] =	vst v19;
	v12 =	vmul.f32 v12, v12;
	v10 =	vsub.f32 v15, v10  }
0x25a: {  	v15 =	vld [tilespmem:s24+$0xFFFFFFC0];
	[tilespmem:s1+$0xFFFFFFA0] =	vst v18;
	v11 =	vmul.f32 v11, v11;
	v9 =	vsub.f32 v13, v9  }
0x25b: {  	v13 =	vld [tilespmem:s24+$0xFFFFFFD0];
	[tilespmem:s1+$0xFFFFFFB0] =	vst v12;
	v10 =	vmul.f32 v10, v10;
	v8 =	vsub.f32 v14, v8  }
0x25c: {  	v14 =	vld [tilespmem:s24+$0xFFFFFFE0];
	[tilespmem:s1+$0xFFFFFFC0] =	vst v11;
	v9 =	vmul.f32 v9, v9  }
0x25d: {  	v18 =	vld [tilespmem:s24+$0xFFFFFFF0];
	[tilespmem:s1+$0xFFFFFFD0] =	vst v10;
	v8 =	vmul.f32 v8, v8  }
0x25e: {  	v19 =	vld [tilespmem:s24+$0xFFFFFF90];
	[tilespmem:s1+$0xFFFFFFE0] =	vst v9  }
0x25f: {  	s6 =	sadd.s32 $0x100, s6;
	v20 =	vld.idx.msk [tilespmem:v20+s3+$0x0], $0xffff;
	[tilespmem:s1+$0xFFFFFFF0] =	vst v8  }
0x260: {  	v8 =	vld [tilespmem:s6+$0x0]  }
0x261: {  	v21 =	vld.idx.msk [tilespmem:v17+s3+$0x0], $0xffff  }
0x262: {  	v12 =	vld.idx.msk [tilespmem:v16+s3+$0x0], $0xffff  }
0x263: {  	v11 =	vld.idx.msk [tilespmem:v15+s3+$0x0], $0xffff  }
0x264: {  	v10 =	vld.idx.msk [tilespmem:v13+s3+$0x0], $0xffff  }
0x265: {  	v9 =	vld.idx.msk [tilespmem:v14+s3+$0x0], $0xffff;
	v13 =	vsub.f32 v8, v20  }
0x266: {  	v14 =	vld.idx.msk [tilespmem:v19+s3+$0x0], $0xffff  }
0x267: {  	v8 =	vld.idx.msk [tilespmem:v18+s3+$0x0], $0xffff;
	v13 =	vmul.f32 v13, v13  }
0x268: {  	s1 =	sadd.s32 $0x80, s1;
	v18 =	vld [tilespmem:s6+$0xFFFFFF90]  }
0x269: {  	v20 =	vld [tilespmem:s6+$0xFFFFFFA0];
	[tilespmem:s1+$0x0] =	vst v13  }
.Ltmp3:
0x26a: {  	v17 =	vld [tilespmem:s6+$0xFFFFFFB0];
	(pc) =	sbr.rel @p1 .LBB2_8-.Ltmp3, $4  }
0x26b: {  	v16 =	vld [tilespmem:s6+$0xFFFFFFC0]  }
0x26c: {  	v15 =	vld [tilespmem:s6+$0xFFFFFFD0]  }
0x26d: {  	v19 =	vsub.f32 v18, v14;
	v13 =	vld [tilespmem:s6+$0xFFFFFFE0]  }
0x26e: {  	s24 =	sadd.s32 $0x100, s24;
	v18 =	vsub.f32 v20, v21;
	v14 =	vld [tilespmem:s6+$0xFFFFFFF0]  }
0x26f: {  	v19 =	vmul.f32 v19, v19;
	v12 =	vsub.f32 v17, v12  }
0x270: {  	v17 =	vmul.f32 v18, v18;
	v11 =	vsub.f32 v16, v11  }
0x271: {  	[tilespmem:s1+$0xFFFFFF90] =	vst v19;
	v12 =	vmul.f32 v12, v12;
	v10 =	vsub.f32 v15, v10  }
0x272: {  	[tilespmem:s1+$0xFFFFFFA0] =	vst v17;
	v11 =	vmul.f32 v11, v11;
	v9 =	vsub.f32 v13, v9  }
0x273: {  	[tilespmem:s1+$0xFFFFFFB0] =	vst v12;
	v10 =	vmul.f32 v10, v10;
	v8 =	vsub.f32 v14, v8  }
0x274: {  	[tilespmem:s1+$0xFFFFFFC0] =	vst v11;
	v9 =	vmul.f32 v9, v9  }
0x275: {  	[tilespmem:s1+$0xFFFFFFD0] =	vst v10;
	v8 =	vmul.f32 v8, v8  }
0x276: {  	[tilespmem:s1+$0xFFFFFFE0] =	vst v9  }
0x277: {  	s6 =	simm.s32 $0x18780;
	[tilespmem:s1+$0xFFFFFFF0] =	vst v8  }
0x278: {  	[tilespmem:s6], [sflag:$0x3] =	stream.linear.gather [hbm4b:s30+s3], $0x80, $0x38;
	[tilespmem:$0x1EB80] =	vst v63  }
0x279: {  	s12 =	simm.s32 $0x18880;
	s6 =	sadd.s32 $0x10, s30  }
0x27a: {  	[tilespmem:s12], [sflag:$0x3] =	stream.linear.gather [hbm4b:s6+s3], $0x80, $0x38;
	[tilespmem:$0x1EB80] =	vst v63  }
0x27b: {  	s24 =	sadd.s32 $0x20, s30;
	s25 =	simm.s32 $0x18980  }
0x27c: {  	[tilespmem:s25], [sflag:$0x3] =	stream.linear.gather [hbm4b:s24+s3], $0x80, $0x38;
	[tilespmem:$0x1EB80] =	vst v63  }
0x27d: {  	s1 =	sadd.s32 $0x30, s30;
	s12 =	simm.s32 $0x18A80  }
0x27e: {  	[tilespmem:s12], [sflag:$0x3] =	stream.linear.gather [hbm4b:s1+s3], $0x80, $0x38;
	[tilespmem:$0x1EB80] =	vst v63  }
0x27f: {  	[smem:$0x7AB] =	sst s24;
	s24 =	sadd.s32 $0x40, s30;
	s25 =	simm.s32 $0x18B80  }
0x280: {  	[tilespmem:s25], [sflag:$0x3] =	stream.linear.gather [hbm4b:s24+s3], $0x80, $0x38;
	[tilespmem:$0x1EB80] =	vst v63  }
0x281: {  	[smem:$0x7AC] =	sst s1;
	s1 =	sadd.s32 $0x50, s30;
	s12 =	simm.s32 $0x18C80  }
0x282: {  	[tilespmem:s12], [sflag:$0x3] =	stream.linear.gather [hbm4b:s1+s3], $0x80, $0x38;
	[tilespmem:$0x1EB80] =	vst v63  }
0x283: {  	[smem:$0x7AD] =	sst s24;
	s24 =	sadd.s32 $0x60, s30;
	s25 =	simm.s32 $0x18D80  }
0x284: {  	[tilespmem:s25], [sflag:$0x3] =	stream.linear.gather [hbm4b:s24+s3], $0x80, $0x38;
	[tilespmem:$0x1EB80] =	vst v63  }
0x285: {  	[smem:$0x7AE] =	sst s1;
	s1 =	sadd.s32 $0x70, s30;
	s12 =	simm.s32 $0x18E80  }
0x286: {  	[tilespmem:s12], [sflag:$0x3] =	stream.linear.gather [hbm4b:s1+s3], $0x80, $0x38;
	[tilespmem:$0x1EB80] =	vst v63  }
0x287: {  	[smem:$0x7AF] =	sst s24;
	s24 =	sadd.s32 $0x80, s30;
	s25 =	simm.s32 $0x18F80  }
0x288: {  	[tilespmem:s25], [sflag:$0x3] =	stream.linear.gather [hbm4b:s24+s3], $0x80, $0x38;
	[tilespmem:$0x1EB80] =	vst v63  }
0x289: {  	[smem:$0x7B0] =	sst s1;
	s1 =	sadd.s32 $0x90, s30;
	s12 =	simm.s32 $0x19080  }
0x28a: {  	[tilespmem:s12], [sflag:$0x3] =	stream.linear.gather [hbm4b:s1+s3], $0x80, $0x38;
	[tilespmem:$0x1EB80] =	vst v63  }
0x28b: {  	[smem:$0x7B1] =	sst s24;
	s24 =	sadd.s32 $0xA0, s30;
	s25 =	simm.s32 $0x19180  }
0x28c: {  	[tilespmem:s25], [sflag:$0x3] =	stream.linear.gather [hbm4b:s24+s3], $0x80, $0x38;
	[tilespmem:$0x1EB80] =	vst v63  }
0x28d: {  	[smem:$0x7B2] =	sst s1;
	s1 =	sadd.s32 $0xB0, s30;
	s12 =	simm.s32 $0x19280  }
0x28e: {  	[tilespmem:s12], [sflag:$0x3] =	stream.linear.gather [hbm4b:s1+s3], $0x80, $0x38;
	[tilespmem:$0x1EB80] =	vst v63  }
0x28f: {  	[smem:$0x7B3] =	sst s24;
	s24 =	sadd.s32 $0xC0, s30;
	s25 =	simm.s32 $0x19380  }
0x290: {  	[tilespmem:s25], [sflag:$0x3] =	stream.linear.gather [hbm4b:s24+s3], $0x80, $0x38;
	[tilespmem:$0x1EB80] =	vst v63  }
0x291: {  	[smem:$0x7B4] =	sst s1;
	s1 =	sadd.s32 $0xD0, s30;
	s12 =	simm.s32 $0x19480  }
0x292: {  	[tilespmem:s12], [sflag:$0x3] =	stream.linear.gather [hbm4b:s1+s3], $0x80, $0x38;
	[tilespmem:$0x1EB80] =	vst v63  }
0x293: {  	[smem:$0x7B5] =	sst s24;
	s24 =	sadd.s32 $0xE0, s30;
	s25 =	simm.s32 $0x19580  }
0x294: {  	[tilespmem:s25], [sflag:$0x3] =	stream.linear.gather [hbm4b:s24+s3], $0x80, $0x38;
	[tilespmem:$0x1EB80] =	vst v63  }
0x295: {  	[smem:$0x7B7] =	sst s24;
	s12 =	sadd.s32 $0xF0, s30;
	s24 =	simm.s32 $0x19680  }
0x296: {  	[tilespmem:s24], [sflag:$0x3] =	stream.linear.gather [hbm4b:s12+s3], $0x80, $0x38;
	[tilespmem:$0x1EB80] =	vst v63  }
0x297: {  	[smem:$0x7AA] =	sst s6;
	s25 =	simm.s32 $0x19780  }
0x298: {  	[tilespmem:s25], [sflag:$0x3] =	stream.linear.gather [hbm4b:s11+s3], $0x80, $0x38;
	[tilespmem:$0x1EB80] =	vst v63  }
0x299: {  	s6 =	sadd.s32 $0x80, s11;
	[smem:$0x7B8] =	sst s12;
	s12 =	simm.s32 $0x19880  }
0x29a: {  	[tilespmem:s12], [sflag:$0x3] =	stream.linear.gather [hbm4b:s6+s3], $0x80, $0x38;
	[tilespmem:$0x1EB80] =	vst v63  }
0x29b: {  	s24 =	sadd.s32 $0x100, s11;
	s25 =	simm.s32 $0x19980  }
0x29c: {  	[tilespmem:s25], [sflag:$0x3] =	stream.linear.gather [hbm4b:s24+s3], $0x80, $0x38;
	[tilespmem:$0x1EB80] =	vst v63  }
0x29d: {  	s6 =	sadd.s32 $0x180, s11;
	s12 =	simm.s32 $0x19A80  }
0x29e: {  	[tilespmem:s12], [sflag:$0x3] =	stream.linear.gather [hbm4b:s6+s3], $0x80, $0x38;
	[tilespmem:$0x1EB80] =	vst v63  }
0x29f: {  	s24 =	sadd.s32 $0x200, s11;
	s25 =	simm.s32 $0x19B80  }
0x2a0: {  	[tilespmem:s25], [sflag:$0x3] =	stream.linear.gather [hbm4b:s24+s3], $0x80, $0x38;
	[tilespmem:$0x1EB80] =	vst v63  }
0x2a1: {  	s6 =	sadd.s32 $0x280, s11;
	s12 =	simm.s32 $0x19C80  }
0x2a2: {  	[tilespmem:s12], [sflag:$0x3] =	stream.linear.gather [hbm4b:s6+s3], $0x80, $0x38;
	[tilespmem:$0x1EB80] =	vst v63  }
0x2a3: {  	s24 =	sadd.s32 $0x300, s11;
	s25 =	simm.s32 $0x19D80  }
0x2a4: {  	[tilespmem:s25], [sflag:$0x3] =	stream.linear.gather [hbm4b:s24+s3], $0x80, $0x38;
	[tilespmem:$0x1EB80] =	vst v63  }
0x2a5: {  	s6 =	sadd.s32 $0x380, s11;
	s12 =	simm.s32 $0x19E80  }
0x2a6: {  	[tilespmem:s12], [sflag:$0x3] =	stream.linear.gather [hbm4b:s6+s3], $0x80, $0x38;
	[tilespmem:$0x1EB80] =	vst v63  }
0x2a7: {  	s24 =	sadd.s32 $0x400, s11;
	s25 =	simm.s32 $0x19F80  }
0x2a8: {  	[tilespmem:s25], [sflag:$0x3] =	stream.linear.gather [hbm4b:s24+s3], $0x80, $0x38;
	[tilespmem:$0x1EB80] =	vst v63  }
0x2a9: {  	s6 =	sadd.s32 $0x480, s11;
	s12 =	simm.s32 $0x1A080  }
0x2aa: {  	[tilespmem:s12], [sflag:$0x3] =	stream.linear.gather [hbm4b:s6+s3], $0x80, $0x38;
	[tilespmem:$0x1EB80] =	vst v63  }
0x2ab: {  	s24 =	sadd.s32 $0x500, s11;
	s25 =	simm.s32 $0x1A180  }
0x2ac: {  	[tilespmem:s25], [sflag:$0x3] =	stream.linear.gather [hbm4b:s24+s3], $0x80, $0x38;
	[tilespmem:$0x1EB80] =	vst v63  }
0x2ad: {  	s6 =	sadd.s32 $0x580, s11;
	s12 =	simm.s32 $0x1A280  }
0x2ae: {  	[tilespmem:s12], [sflag:$0x3] =	stream.linear.gather [hbm4b:s6+s3], $0x80, $0x38;
	[tilespmem:$0x1EB80] =	vst v63  }
0x2af: {  	s24 =	sadd.s32 $0x600, s11;
	s25 =	simm.s32 $0x1A380  }
0x2b0: {  	[tilespmem:s25], [sflag:$0x3] =	stream.linear.gather [hbm4b:s24+s3], $0x80, $0x38;
	[tilespmem:$0x1EB80] =	vst v63  }
0x2b1: {  	s6 =	sadd.s32 $0x680, s11;
	s12 =	simm.s32 $0x1A480  }
0x2b2: {  	[tilespmem:s12], [sflag:$0x3] =	stream.linear.gather [hbm4b:s6+s3], $0x80, $0x38;
	[tilespmem:$0x1EB80] =	vst v63  }
0x2b3: {  	s24 =	sadd.s32 $0x700, s11;
	s25 =	simm.s32 $0x1A580  }
0x2b4: {  	[tilespmem:s25], [sflag:$0x3] =	stream.linear.gather [hbm4b:s24+s3], $0x80, $0x38;
	[tilespmem:$0x1EB80] =	vst v63  }
0x2b5: {  	[smem:$0x7B6] =	sst s1;
	s12 =	sadd.s32 $0x780, s11;
	s24 =	simm.s32 $0x1A680  }
0x2b6: {  	[tilespmem:s24], [sflag:$0x3] =	stream.linear.gather [hbm4b:s12+s3], $0x80, $0x38;
	[tilespmem:$0x1EB80] =	vst v63  }
0x2b7: {  	_ =	swait.ge [sflag:s2], $0x800  }
0x2b8: {  	[sflag:s2] =	ssyncset.done $0x0  }
0x2b9: {  	[sflag:s2] =	ssyncadd.s32 $0xFFFFF800  }
0x2ba: {  	_ =	swait.ge [sflag:s2], $0x800  }
0x2bb: {  	[sflag:s2] =	ssyncset.done $0x0  }
0x2bc: {  	s25 =	simm.s32 $0x18740;
	[sflag:s2] =	ssyncadd.s32 $0xFFFFF800  }
0x2bd: {  	v8 =	vld [tilespmem:s25+$0x30]  }
0x2be: {  	v9 =	vld [tilespmem:s25+$0xFFFFFFD0]  }
0x2bf: {  	v10 =	vld [tilespmem:s25+$0xFFFFFFE0]  }
0x2c0: {  	v11 =	vld [tilespmem:s25+$0xFFFFFFF0]  }
0x2c1: {  	v13 =	vld [tilespmem:s25+$0x0]  }
0x2c2: {  	v14 =	vld [tilespmem:s25+$0x10]  }
0x2c3: {  	v15 =	vld [tilespmem:s25+$0x20]  }
0x2c4: {  	s6 =	simm.s32 $0x19740;
	v16 =	vld [tilespmem:s25+$0xFFFFFFC0]  }
0x2c5: {  	v18 =	vld [tilespmem:s6+$0x30]  }
0x2c6: {  	v19 =	vld [tilespmem:s6+$0xFFFFFFC0]  }
0x2c7: {  	v21 =	vld [tilespmem:s6+$0xFFFFFFD0]  }
0x2c8: {  	v17 =	vld.idx.msk [tilespmem:v8+s3+$0x0], $0xffff  }
0x2c9: {  	v20 =	vld.idx.msk [tilespmem:v9+s3+$0x0], $0xffff  }
0x2ca: {  	v12 =	vld.idx.msk [tilespmem:v10+s3+$0x0], $0xffff  }
0x2cb: {  	v11 =	vld.idx.msk [tilespmem:v11+s3+$0x0], $0xffff  }
0x2cc: {  	v10 =	vld.idx.msk [tilespmem:v13+s3+$0x0], $0xffff  }
0x2cd: {  	v9 =	vld.idx.msk [tilespmem:v14+s3+$0x0], $0xffff  }
0x2ce: {  	v14 =	vld.idx.msk [tilespmem:v16+s3+$0x0], $0xffff  }
0x2cf: {  	v8 =	vld.idx.msk [tilespmem:v15+s3+$0x0], $0xffff  }
0x2d0: {  	v13 =	vsub.f32 v18, v17;
	v17 =	vld [tilespmem:s6+$0xFFFFFFE0]  }
0x2d1: {  	v16 =	vld [tilespmem:s6+$0xFFFFFFF0]  }
0x2d2: {  	v15 =	vld [tilespmem:s6+$0x0];
	v18 =	vmul.f32 v13, v13  }
0x2d3: {  	s1 =	simm.s32 $0x1C770;
	v19 =	vsub.f32 v19, v14;
	v13 =	vld [tilespmem:s6+$0x10]  }
0x2d4: {  	s12 =	simm.s32 $0x0;
	s24 =	simm.s32 $0x18840;
	v14 =	vld [tilespmem:s6+$0x20];
	[tilespmem:s1+$0x0] =	vst v18;
	v18 =	vsub.f32 v21, v20  }
.LBB2_10:
0x2d5: {  	v20 =	vld [tilespmem:s24+$0x30];
	s12 =	sadd.s32 $0x8, s12;
	v19 =	vmul.f32 v19, v19;
	v12 =	vsub.f32 v17, v12  }
0x2d6: {  	v17 =	vld [tilespmem:s24+$0xFFFFFFD0];
	p1 =	slt.u32 s12, $0x78;
	v18 =	vmul.f32 v18, v18;
	v11 =	vsub.f32 v16, v11  }
0x2d7: {  	v16 =	vld [tilespmem:s24+$0xFFFFFFE0];
	[tilespmem:s1+$0xFFFFFF90] =	vst v19;
	v12 =	vmul.f32 v12, v12;
	v10 =	vsub.f32 v15, v10  }
0x2d8: {  	v15 =	vld [tilespmem:s24+$0xFFFFFFF0];
	[tilespmem:s1+$0xFFFFFFA0] =	vst v18;
	v11 =	vmul.f32 v11, v11;
	v9 =	vsub.f32 v13, v9  }
0x2d9: {  	v13 =	vld [tilespmem:s24+$0x0];
	[tilespmem:s1+$0xFFFFFFB0] =	vst v12;
	v10 =	vmul.f32 v10, v10;
	v8 =	vsub.f32 v14, v8  }
0x2da: {  	v14 =	vld [tilespmem:s24+$0x10];
	[tilespmem:s1+$0xFFFFFFC0] =	vst v11;
	v9 =	vmul.f32 v9, v9  }
0x2db: {  	v18 =	vld [tilespmem:s24+$0x20];
	[tilespmem:s1+$0xFFFFFFD0] =	vst v10;
	v8 =	vmul.f32 v8, v8  }
0x2dc: {  	v19 =	vld [tilespmem:s24+$0xFFFFFFC0];
	[tilespmem:s1+$0xFFFFFFE0] =	vst v9  }
0x2dd: {  	s6 =	sadd.s32 $0x100, s6;
	v20 =	vld.idx.msk [tilespmem:v20+s3+$0x0], $0xffff;
	[tilespmem:s1+$0xFFFFFFF0] =	vst v8  }
0x2de: {  	v8 =	vld [tilespmem:s6+$0x30]  }
0x2df: {  	v21 =	vld.idx.msk [tilespmem:v17+s3+$0x0], $0xffff  }
0x2e0: {  	v12 =	vld.idx.msk [tilespmem:v16+s3+$0x0], $0xffff  }
0x2e1: {  	v11 =	vld.idx.msk [tilespmem:v15+s3+$0x0], $0xffff  }
0x2e2: {  	v10 =	vld.idx.msk [tilespmem:v13+s3+$0x0], $0xffff  }
0x2e3: {  	v9 =	vld.idx.msk [tilespmem:v14+s3+$0x0], $0xffff;
	v13 =	vsub.f32 v8, v20  }
0x2e4: {  	v14 =	vld.idx.msk [tilespmem:v19+s3+$0x0], $0xffff  }
0x2e5: {  	v8 =	vld.idx.msk [tilespmem:v18+s3+$0x0], $0xffff;
	v13 =	vmul.f32 v13, v13  }
0x2e6: {  	s1 =	sadd.s32 $0x80, s1;
	v18 =	vld [tilespmem:s6+$0xFFFFFFC0]  }
0x2e7: {  	v20 =	vld [tilespmem:s6+$0xFFFFFFD0];
	[tilespmem:s1+$0x0] =	vst v13  }
.Ltmp4:
0x2e8: {  	v17 =	vld [tilespmem:s6+$0xFFFFFFE0];
	(pc) =	sbr.rel @p1 .LBB2_10-.Ltmp4, $4  }
0x2e9: {  	v16 =	vld [tilespmem:s6+$0xFFFFFFF0]  }
0x2ea: {  	v15 =	vld [tilespmem:s6+$0x0]  }
0x2eb: {  	v19 =	vsub.f32 v18, v14;
	v13 =	vld [tilespmem:s6+$0x10]  }
0x2ec: {  	s24 =	sadd.s32 $0x100, s24;
	v18 =	vsub.f32 v20, v21;
	v14 =	vld [tilespmem:s6+$0x20]  }
0x2ed: {  	v19 =	vmul.f32 v19, v19;
	v12 =	vsub.f32 v17, v12  }
0x2ee: {  	v17 =	vmul.f32 v18, v18;
	v11 =	vsub.f32 v16, v11  }
0x2ef: {  	[tilespmem:s1+$0xFFFFFF90] =	vst v19;
	v12 =	vmul.f32 v12, v12;
	v10 =	vsub.f32 v15, v10  }
0x2f0: {  	[tilespmem:s1+$0xFFFFFFA0] =	vst v17;
	v11 =	vmul.f32 v11, v11;
	v9 =	vsub.f32 v13, v9  }
0x2f1: {  	[tilespmem:s1+$0xFFFFFFB0] =	vst v12;
	v10 =	vmul.f32 v10, v10;
	v8 =	vsub.f32 v14, v8  }
0x2f2: {  	[tilespmem:s1+$0xFFFFFFC0] =	vst v11;
	v9 =	vmul.f32 v9, v9  }
0x2f3: {  	[tilespmem:s1+$0xFFFFFFD0] =	vst v10;
	v8 =	vmul.f32 v8, v8  }
0x2f4: {  	[tilespmem:s1+$0xFFFFFFE0] =	vst v9  }
0x2f5: {  	s6 =	simm.s32 $0x18700;
	[tilespmem:s1+$0xFFFFFFF0] =	vst v8  }
0x2f6: {  	[tilespmem:s6], [sflag:$0x2] =	stream.linear.gather [hbm4b:s31+s3], $0x80, $0x38;
	[tilespmem:$0x1EB80] =	vst v63  }
0x2f7: {  	s12 =	simm.s32 $0x18800;
	s6 =	sadd.s32 $0x10, s31  }
0x2f8: {  	[tilespmem:s12], [sflag:$0x2] =	stream.linear.gather [hbm4b:s6+s3], $0x80, $0x38;
	[tilespmem:$0x1EB80] =	vst v63  }
0x2f9: {  	s24 =	sadd.s32 $0x20, s31;
	s25 =	simm.s32 $0x18900  }
0x2fa: {  	[tilespmem:s25], [sflag:$0x2] =	stream.linear.gather [hbm4b:s24+s3], $0x80, $0x38;
	[tilespmem:$0x1EB80] =	vst v63  }
0x2fb: {  	s1 =	sadd.s32 $0x30, s31;
	s12 =	simm.s32 $0x18A00  }
0x2fc: {  	[tilespmem:s12], [sflag:$0x2] =	stream.linear.gather [hbm4b:s1+s3], $0x80, $0x38;
	[tilespmem:$0x1EB80] =	vst v63  }
0x2fd: {  	[smem:$0x79C] =	sst s24;
	s24 =	sadd.s32 $0x40, s31;
	s25 =	simm.s32 $0x18B00  }
0x2fe: {  	[tilespmem:s25], [sflag:$0x2] =	stream.linear.gather [hbm4b:s24+s3], $0x80, $0x38;
	[tilespmem:$0x1EB80] =	vst v63  }
0x2ff: {  	[smem:$0x79D] =	sst s1;
	s1 =	sadd.s32 $0x50, s31;
	s12 =	simm.s32 $0x18C00  }
0x300: {  	[tilespmem:s12], [sflag:$0x2] =	stream.linear.gather [hbm4b:s1+s3], $0x80, $0x38;
	[tilespmem:$0x1EB80] =	vst v63  }
0x301: {  	[smem:$0x79E] =	sst s24;
	s24 =	sadd.s32 $0x60, s31;
	s25 =	simm.s32 $0x18D00  }
0x302: {  	[tilespmem:s25], [sflag:$0x2] =	stream.linear.gather [hbm4b:s24+s3], $0x80, $0x38;
	[tilespmem:$0x1EB80] =	vst v63  }
0x303: {  	[smem:$0x79F] =	sst s1;
	s1 =	sadd.s32 $0x70, s31;
	s12 =	simm.s32 $0x18E00  }
0x304: {  	[tilespmem:s12], [sflag:$0x2] =	stream.linear.gather [hbm4b:s1+s3], $0x80, $0x38;
	[tilespmem:$0x1EB80] =	vst v63  }
0x305: {  	[smem:$0x7A0] =	sst s24;
	s24 =	sadd.s32 $0x80, s31;
	s25 =	simm.s32 $0x18F00  }
0x306: {  	[tilespmem:s25], [sflag:$0x2] =	stream.linear.gather [hbm4b:s24+s3], $0x80, $0x38;
	[tilespmem:$0x1EB80] =	vst v63  }
0x307: {  	[smem:$0x7A1] =	sst s1;
	s1 =	sadd.s32 $0x90, s31;
	s12 =	simm.s32 $0x19000  }
0x308: {  	[tilespmem:s12], [sflag:$0x2] =	stream.linear.gather [hbm4b:s1+s3], $0x80, $0x38;
	[tilespmem:$0x1EB80] =	vst v63  }
0x309: {  	[smem:$0x7A2] =	sst s24;
	s24 =	sadd.s32 $0xA0, s31;
	s25 =	simm.s32 $0x19100  }
0x30a: {  	[tilespmem:s25], [sflag:$0x2] =	stream.linear.gather [hbm4b:s24+s3], $0x80, $0x38;
	[tilespmem:$0x1EB80] =	vst v63  }
0x30b: {  	[smem:$0x7A3] =	sst s1;
	s1 =	sadd.s32 $0xB0, s31;
	s12 =	simm.s32 $0x19200  }
0x30c: {  	[tilespmem:s12], [sflag:$0x2] =	stream.linear.gather [hbm4b:s1+s3], $0x80, $0x38;
	[tilespmem:$0x1EB80] =	vst v63  }
0x30d: {  	[smem:$0x7A4] =	sst s24;
	s24 =	sadd.s32 $0xC0, s31;
	s25 =	simm.s32 $0x19300  }
0x30e: {  	[tilespmem:s25], [sflag:$0x2] =	stream.linear.gather [hbm4b:s24+s3], $0x80, $0x38;
	[tilespmem:$0x1EB80] =	vst v63  }
0x30f: {  	[smem:$0x7A5] =	sst s1;
	s1 =	sadd.s32 $0xD0, s31;
	s12 =	simm.s32 $0x19400  }
0x310: {  	[tilespmem:s12], [sflag:$0x2] =	stream.linear.gather [hbm4b:s1+s3], $0x80, $0x38;
	[tilespmem:$0x1EB80] =	vst v63  }
0x311: {  	[smem:$0x7A6] =	sst s24;
	s24 =	sadd.s32 $0xE0, s31;
	s25 =	simm.s32 $0x19500  }
0x312: {  	[tilespmem:s25], [sflag:$0x2] =	stream.linear.gather [hbm4b:s24+s3], $0x80, $0x38;
	[tilespmem:$0x1EB80] =	vst v63  }
0x313: {  	[smem:$0x7A8] =	sst s24;
	s12 =	sadd.s32 $0xF0, s31;
	s24 =	simm.s32 $0x19600  }
0x314: {  	[tilespmem:s24], [sflag:$0x2] =	stream.linear.gather [hbm4b:s12+s3], $0x80, $0x38;
	[tilespmem:$0x1EB80] =	vst v63  }
0x315: {  	[smem:$0x79B] =	sst s6;
	s25 =	simm.s32 $0x19700  }
0x316: {  	[tilespmem:s25], [sflag:$0x2] =	stream.linear.gather [hbm4b:s13+s3], $0x80, $0x38;
	[tilespmem:$0x1EB80] =	vst v63  }
0x317: {  	s6 =	sadd.s32 $0x80, s13;
	[smem:$0x7A9] =	sst s12;
	s12 =	simm.s32 $0x19800  }
0x318: {  	[tilespmem:s12], [sflag:$0x2] =	stream.linear.gather [hbm4b:s6+s3], $0x80, $0x38;
	[tilespmem:$0x1EB80] =	vst v63  }
0x319: {  	s24 =	sadd.s32 $0x100, s13;
	s25 =	simm.s32 $0x19900  }
0x31a: {  	[tilespmem:s25], [sflag:$0x2] =	stream.linear.gather [hbm4b:s24+s3], $0x80, $0x38;
	[tilespmem:$0x1EB80] =	vst v63  }
0x31b: {  	s6 =	sadd.s32 $0x180, s13;
	s12 =	simm.s32 $0x19A00  }
0x31c: {  	[tilespmem:s12], [sflag:$0x2] =	stream.linear.gather [hbm4b:s6+s3], $0x80, $0x38;
	[tilespmem:$0x1EB80] =	vst v63  }
0x31d: {  	s24 =	sadd.s32 $0x200, s13;
	s25 =	simm.s32 $0x19B00  }
0x31e: {  	[tilespmem:s25], [sflag:$0x2] =	stream.linear.gather [hbm4b:s24+s3], $0x80, $0x38;
	[tilespmem:$0x1EB80] =	vst v63  }
0x31f: {  	s6 =	sadd.s32 $0x280, s13;
	s12 =	simm.s32 $0x19C00  }
0x320: {  	[tilespmem:s12], [sflag:$0x2] =	stream.linear.gather [hbm4b:s6+s3], $0x80, $0x38;
	[tilespmem:$0x1EB80] =	vst v63  }
0x321: {  	s24 =	sadd.s32 $0x300, s13;
	s25 =	simm.s32 $0x19D00  }
0x322: {  	[tilespmem:s25], [sflag:$0x2] =	stream.linear.gather [hbm4b:s24+s3], $0x80, $0x38;
	[tilespmem:$0x1EB80] =	vst v63  }
0x323: {  	s6 =	sadd.s32 $0x380, s13;
	s12 =	simm.s32 $0x19E00  }
0x324: {  	[tilespmem:s12], [sflag:$0x2] =	stream.linear.gather [hbm4b:s6+s3], $0x80, $0x38;
	[tilespmem:$0x1EB80] =	vst v63  }
0x325: {  	s24 =	sadd.s32 $0x400, s13;
	s25 =	simm.s32 $0x19F00  }
0x326: {  	[tilespmem:s25], [sflag:$0x2] =	stream.linear.gather [hbm4b:s24+s3], $0x80, $0x38;
	[tilespmem:$0x1EB80] =	vst v63  }
0x327: {  	s6 =	sadd.s32 $0x480, s13;
	s12 =	simm.s32 $0x1A000  }
0x328: {  	[tilespmem:s12], [sflag:$0x2] =	stream.linear.gather [hbm4b:s6+s3], $0x80, $0x38;
	[tilespmem:$0x1EB80] =	vst v63  }
0x329: {  	s24 =	sadd.s32 $0x500, s13;
	s25 =	simm.s32 $0x1A100  }
0x32a: {  	[tilespmem:s25], [sflag:$0x2] =	stream.linear.gather [hbm4b:s24+s3], $0x80, $0x38;
	[tilespmem:$0x1EB80] =	vst v63  }
0x32b: {  	s6 =	sadd.s32 $0x580, s13;
	s12 =	simm.s32 $0x1A200  }
0x32c: {  	[tilespmem:s12], [sflag:$0x2] =	stream.linear.gather [hbm4b:s6+s3], $0x80, $0x38;
	[tilespmem:$0x1EB80] =	vst v63  }
0x32d: {  	s24 =	sadd.s32 $0x600, s13;
	s25 =	simm.s32 $0x1A300  }
0x32e: {  	[tilespmem:s25], [sflag:$0x2] =	stream.linear.gather [hbm4b:s24+s3], $0x80, $0x38;
	[tilespmem:$0x1EB80] =	vst v63  }
0x32f: {  	s6 =	sadd.s32 $0x680, s13;
	s12 =	simm.s32 $0x1A400  }
0x330: {  	[tilespmem:s12], [sflag:$0x2] =	stream.linear.gather [hbm4b:s6+s3], $0x80, $0x38;
	[tilespmem:$0x1EB80] =	vst v63  }
0x331: {  	s24 =	sadd.s32 $0x700, s13;
	s25 =	simm.s32 $0x1A500  }
0x332: {  	[tilespmem:s25], [sflag:$0x2] =	stream.linear.gather [hbm4b:s24+s3], $0x80, $0x38;
	[tilespmem:$0x1EB80] =	vst v63  }
0x333: {  	[smem:$0x7A7] =	sst s1;
	s12 =	sadd.s32 $0x780, s13;
	s24 =	simm.s32 $0x1A600  }
0x334: {  	[tilespmem:s24], [sflag:$0x2] =	stream.linear.gather [hbm4b:s12+s3], $0x80, $0x38;
	[tilespmem:$0x1EB80] =	vst v63  }
0x335: {  	_ =	swait.ge [sflag:s4], $0x800  }
0x336: {  	[sflag:s4] =	ssyncset.done $0x0  }
0x337: {  	[sflag:s4] =	ssyncadd.s32 $0xFFFFF800  }
0x338: {  	_ =	swait.ge [sflag:s4], $0x800  }
0x339: {  	[sflag:s4] =	ssyncset.done $0x0  }
0x33a: {  	s25 =	simm.s32 $0x187F0;
	[sflag:s4] =	ssyncadd.s32 $0xFFFFF800  }
0x33b: {  	v8 =	vld [tilespmem:s25+$0x0]  }
0x33c: {  	v9 =	vld [tilespmem:s25+$0xFFFFFFA0]  }
0x33d: {  	v10 =	vld [tilespmem:s25+$0xFFFFFFB0]  }
0x33e: {  	v11 =	vld [tilespmem:s25+$0xFFFFFFC0]  }
0x33f: {  	v13 =	vld [tilespmem:s25+$0xFFFFFFD0]  }
0x340: {  	v14 =	vld [tilespmem:s25+$0xFFFFFFE0]  }
0x341: {  	v15 =	vld [tilespmem:s25+$0xFFFFFFF0]  }
0x342: {  	s6 =	simm.s32 $0x197F0;
	v16 =	vld [tilespmem:s25+$0xFFFFFF90]  }
0x343: {  	v18 =	vld [tilespmem:s6+$0x0]  }
0x344: {  	v19 =	vld [tilespmem:s6+$0xFFFFFF90]  }
0x345: {  	v21 =	vld [tilespmem:s6+$0xFFFFFFA0]  }
0x346: {  	v17 =	vld.idx.msk [tilespmem:v8+s3+$0x0], $0xffff  }
0x347: {  	v20 =	vld.idx.msk [tilespmem:v9+s3+$0x0], $0xffff  }
0x348: {  	v12 =	vld.idx.msk [tilespmem:v10+s3+$0x0], $0xffff  }
0x349: {  	v11 =	vld.idx.msk [tilespmem:v11+s3+$0x0], $0xffff  }
0x34a: {  	v10 =	vld.idx.msk [tilespmem:v13+s3+$0x0], $0xffff  }
0x34b: {  	v9 =	vld.idx.msk [tilespmem:v14+s3+$0x0], $0xffff  }
0x34c: {  	v14 =	vld.idx.msk [tilespmem:v16+s3+$0x0], $0xffff  }
0x34d: {  	v8 =	vld.idx.msk [tilespmem:v15+s3+$0x0], $0xffff  }
0x34e: {  	v13 =	vsub.f32 v18, v17;
	v17 =	vld [tilespmem:s6+$0xFFFFFFB0]  }
0x34f: {  	v16 =	vld [tilespmem:s6+$0xFFFFFFC0]  }
0x350: {  	v15 =	vld [tilespmem:s6+$0xFFFFFFD0];
	v18 =	vmul.f32 v13, v13  }
0x351: {  	s1 =	simm.s32 $0x1CF70;
	v19 =	vsub.f32 v19, v14;
	v13 =	vld [tilespmem:s6+$0xFFFFFFE0]  }
0x352: {  	s12 =	simm.s32 $0x0;
	s24 =	simm.s32 $0x188F0;
	v14 =	vld [tilespmem:s6+$0xFFFFFFF0];
	[tilespmem:s1+$0x0] =	vst v18;
	v18 =	vsub.f32 v21, v20  }
.LBB2_12:
0x353: {  	v20 =	vld [tilespmem:s24+$0x0];
	s12 =	sadd.s32 $0x8, s12;
	v19 =	vmul.f32 v19, v19;
	v12 =	vsub.f32 v17, v12  }
0x354: {  	v17 =	vld [tilespmem:s24+$0xFFFFFFA0];
	p1 =	slt.u32 s12, $0x78;
	v18 =	vmul.f32 v18, v18;
	v11 =	vsub.f32 v16, v11  }
0x355: {  	v16 =	vld [tilespmem:s24+$0xFFFFFFB0];
	[tilespmem:s1+$0xFFFFFF90] =	vst v19;
	v12 =	vmul.f32 v12, v12;
	v10 =	vsub.f32 v15, v10  }
0x356: {  	v15 =	vld [tilespmem:s24+$0xFFFFFFC0];
	[tilespmem:s1+$0xFFFFFFA0] =	vst v18;
	v11 =	vmul.f32 v11, v11;
	v9 =	vsub.f32 v13, v9  }
0x357: {  	v13 =	vld [tilespmem:s24+$0xFFFFFFD0];
	[tilespmem:s1+$0xFFFFFFB0] =	vst v12;
	v10 =	vmul.f32 v10, v10;
	v8 =	vsub.f32 v14, v8  }
0x358: {  	v14 =	vld [tilespmem:s24+$0xFFFFFFE0];
	[tilespmem:s1+$0xFFFFFFC0] =	vst v11;
	v9 =	vmul.f32 v9, v9  }
0x359: {  	v18 =	vld [tilespmem:s24+$0xFFFFFFF0];
	[tilespmem:s1+$0xFFFFFFD0] =	vst v10;
	v8 =	vmul.f32 v8, v8  }
0x35a: {  	v19 =	vld [tilespmem:s24+$0xFFFFFF90];
	[tilespmem:s1+$0xFFFFFFE0] =	vst v9  }
0x35b: {  	s6 =	sadd.s32 $0x100, s6;
	v20 =	vld.idx.msk [tilespmem:v20+s3+$0x0], $0xffff;
	[tilespmem:s1+$0xFFFFFFF0] =	vst v8  }
0x35c: {  	v8 =	vld [tilespmem:s6+$0x0]  }
0x35d: {  	v21 =	vld.idx.msk [tilespmem:v17+s3+$0x0], $0xffff  }
0x35e: {  	v12 =	vld.idx.msk [tilespmem:v16+s3+$0x0], $0xffff  }
0x35f: {  	v11 =	vld.idx.msk [tilespmem:v15+s3+$0x0], $0xffff  }
0x360: {  	v10 =	vld.idx.msk [tilespmem:v13+s3+$0x0], $0xffff  }
0x361: {  	v9 =	vld.idx.msk [tilespmem:v14+s3+$0x0], $0xffff;
	v13 =	vsub.f32 v8, v20  }
0x362: {  	v14 =	vld.idx.msk [tilespmem:v19+s3+$0x0], $0xffff  }
0x363: {  	v8 =	vld.idx.msk [tilespmem:v18+s3+$0x0], $0xffff;
	v13 =	vmul.f32 v13, v13  }
0x364: {  	s1 =	sadd.s32 $0x80, s1;
	v18 =	vld [tilespmem:s6+$0xFFFFFF90]  }
0x365: {  	v20 =	vld [tilespmem:s6+$0xFFFFFFA0];
	[tilespmem:s1+$0x0] =	vst v13  }
.Ltmp5:
0x366: {  	v17 =	vld [tilespmem:s6+$0xFFFFFFB0];
	(pc) =	sbr.rel @p1 .LBB2_12-.Ltmp5, $4  }
0x367: {  	v16 =	vld [tilespmem:s6+$0xFFFFFFC0]  }
0x368: {  	v15 =	vld [tilespmem:s6+$0xFFFFFFD0]  }
0x369: {  	v19 =	vsub.f32 v18, v14;
	v13 =	vld [tilespmem:s6+$0xFFFFFFE0]  }
0x36a: {  	s24 =	sadd.s32 $0x100, s24;
	v18 =	vsub.f32 v20, v21;
	v14 =	vld [tilespmem:s6+$0xFFFFFFF0]  }
0x36b: {  	v19 =	vmul.f32 v19, v19;
	v12 =	vsub.f32 v17, v12  }
0x36c: {  	v17 =	vmul.f32 v18, v18;
	v11 =	vsub.f32 v16, v11  }
0x36d: {  	[tilespmem:s1+$0xFFFFFF90] =	vst v19;
	v12 =	vmul.f32 v12, v12;
	v10 =	vsub.f32 v15, v10  }
0x36e: {  	[tilespmem:s1+$0xFFFFFFA0] =	vst v17;
	v11 =	vmul.f32 v11, v11;
	v9 =	vsub.f32 v13, v9  }
0x36f: {  	[tilespmem:s1+$0xFFFFFFB0] =	vst v12;
	v10 =	vmul.f32 v10, v10;
	v8 =	vsub.f32 v14, v8  }
0x370: {  	[tilespmem:s1+$0xFFFFFFC0] =	vst v11;
	v9 =	vmul.f32 v9, v9  }
0x371: {  	[tilespmem:s1+$0xFFFFFFD0] =	vst v10;
	v8 =	vmul.f32 v8, v8  }
0x372: {  	[tilespmem:s1+$0xFFFFFFE0] =	vst v9  }
0x373: {  	s6 =	simm.s32 $0x18780;
	[tilespmem:s1+$0xFFFFFFF0] =	vst v8  }
0x374: {  	[tilespmem:s6], [sflag:$0x3] =	stream.linear.gather [hbm4b:s0+s3], $0x80, $0x38;
	[tilespmem:$0x1EB80] =	vst v63  }
0x375: {  	s12 =	simm.s32 $0x18880;
	s6 =	sadd.s32 $0x10, s0  }
0x376: {  	[tilespmem:s12], [sflag:$0x3] =	stream.linear.gather [hbm4b:s6+s3], $0x80, $0x38;
	[tilespmem:$0x1EB80] =	vst v63  }
0x377: {  	s24 =	sadd.s32 $0x20, s0;
	s25 =	simm.s32 $0x18980  }
0x378: {  	[tilespmem:s25], [sflag:$0x3] =	stream.linear.gather [hbm4b:s24+s3], $0x80, $0x38;
	[tilespmem:$0x1EB80] =	vst v63  }
0x379: {  	s1 =	sadd.s32 $0x30, s0;
	s12 =	simm.s32 $0x18A80  }
0x37a: {  	[tilespmem:s12], [sflag:$0x3] =	stream.linear.gather [hbm4b:s1+s3], $0x80, $0x38;
	[tilespmem:$0x1EB80] =	vst v63  }
0x37b: {  	[smem:$0x78D] =	sst s24;
	s24 =	sadd.s32 $0x40, s0;
	s25 =	simm.s32 $0x18B80  }
0x37c: {  	[tilespmem:s25], [sflag:$0x3] =	stream.linear.gather [hbm4b:s24+s3], $0x80, $0x38;
	[tilespmem:$0x1EB80] =	vst v63  }
0x37d: {  	[smem:$0x78E] =	sst s1;
	s1 =	sadd.s32 $0x50, s0;
	s12 =	simm.s32 $0x18C80  }
0x37e: {  	[tilespmem:s12], [sflag:$0x3] =	stream.linear.gather [hbm4b:s1+s3], $0x80, $0x38;
	[tilespmem:$0x1EB80] =	vst v63  }
0x37f: {  	[smem:$0x78F] =	sst s24;
	s24 =	sadd.s32 $0x60, s0;
	s25 =	simm.s32 $0x18D80  }
0x380: {  	[tilespmem:s25], [sflag:$0x3] =	stream.linear.gather [hbm4b:s24+s3], $0x80, $0x38;
	[tilespmem:$0x1EB80] =	vst v63  }
0x381: {  	[smem:$0x790] =	sst s1;
	s1 =	sadd.s32 $0x70, s0;
	s12 =	simm.s32 $0x18E80  }
0x382: {  	[tilespmem:s12], [sflag:$0x3] =	stream.linear.gather [hbm4b:s1+s3], $0x80, $0x38;
	[tilespmem:$0x1EB80] =	vst v63  }
0x383: {  	[smem:$0x791] =	sst s24;
	s24 =	sadd.s32 $0x80, s0;
	s25 =	simm.s32 $0x18F80  }
0x384: {  	[tilespmem:s25], [sflag:$0x3] =	stream.linear.gather [hbm4b:s24+s3], $0x80, $0x38;
	[tilespmem:$0x1EB80] =	vst v63  }
0x385: {  	[smem:$0x792] =	sst s1;
	s1 =	sadd.s32 $0x90, s0;
	s12 =	simm.s32 $0x19080  }
0x386: {  	[tilespmem:s12], [sflag:$0x3] =	stream.linear.gather [hbm4b:s1+s3], $0x80, $0x38;
	[tilespmem:$0x1EB80] =	vst v63  }
0x387: {  	[smem:$0x793] =	sst s24;
	s24 =	sadd.s32 $0xA0, s0;
	s25 =	simm.s32 $0x19180  }
0x388: {  	[tilespmem:s25], [sflag:$0x3] =	stream.linear.gather [hbm4b:s24+s3], $0x80, $0x38;
	[tilespmem:$0x1EB80] =	vst v63  }
0x389: {  	[smem:$0x794] =	sst s1;
	s1 =	sadd.s32 $0xB0, s0;
	s12 =	simm.s32 $0x19280  }
0x38a: {  	[tilespmem:s12], [sflag:$0x3] =	stream.linear.gather [hbm4b:s1+s3], $0x80, $0x38;
	[tilespmem:$0x1EB80] =	vst v63  }
0x38b: {  	[smem:$0x795] =	sst s24;
	s24 =	sadd.s32 $0xC0, s0;
	s25 =	simm.s32 $0x19380  }
0x38c: {  	[tilespmem:s25], [sflag:$0x3] =	stream.linear.gather [hbm4b:s24+s3], $0x80, $0x38;
	[tilespmem:$0x1EB80] =	vst v63  }
0x38d: {  	[smem:$0x796] =	sst s1;
	s1 =	sadd.s32 $0xD0, s0;
	s12 =	simm.s32 $0x19480  }
0x38e: {  	[tilespmem:s12], [sflag:$0x3] =	stream.linear.gather [hbm4b:s1+s3], $0x80, $0x38;
	[tilespmem:$0x1EB80] =	vst v63  }
0x38f: {  	[smem:$0x797] =	sst s24;
	s24 =	sadd.s32 $0xE0, s0;
	s25 =	simm.s32 $0x19580  }
0x390: {  	[tilespmem:s25], [sflag:$0x3] =	stream.linear.gather [hbm4b:s24+s3], $0x80, $0x38;
	[tilespmem:$0x1EB80] =	vst v63  }
0x391: {  	[smem:$0x799] =	sst s24;
	s12 =	sadd.s32 $0xF0, s0;
	s24 =	simm.s32 $0x19680  }
0x392: {  	[tilespmem:s24], [sflag:$0x3] =	stream.linear.gather [hbm4b:s12+s3], $0x80, $0x38;
	[tilespmem:$0x1EB80] =	vst v63  }
0x393: {  	[smem:$0x78C] =	sst s6;
	s25 =	simm.s32 $0x19780  }
0x394: {  	[tilespmem:s25], [sflag:$0x3] =	stream.linear.gather [hbm4b:s14+s3], $0x80, $0x38;
	[tilespmem:$0x1EB80] =	vst v63  }
0x395: {  	s6 =	sadd.s32 $0x80, s14;
	[smem:$0x79A] =	sst s12;
	s12 =	simm.s32 $0x19880  }
0x396: {  	[tilespmem:s12], [sflag:$0x3] =	stream.linear.gather [hbm4b:s6+s3], $0x80, $0x38;
	[tilespmem:$0x1EB80] =	vst v63  }
0x397: {  	s24 =	sadd.s32 $0x100, s14;
	s25 =	simm.s32 $0x19980  }
0x398: {  	[tilespmem:s25], [sflag:$0x3] =	stream.linear.gather [hbm4b:s24+s3], $0x80, $0x38;
	[tilespmem:$0x1EB80] =	vst v63  }
0x399: {  	s6 =	sadd.s32 $0x180, s14;
	s12 =	simm.s32 $0x19A80  }
0x39a: {  	[tilespmem:s12], [sflag:$0x3] =	stream.linear.gather [hbm4b:s6+s3], $0x80, $0x38;
	[tilespmem:$0x1EB80] =	vst v63  }
0x39b: {  	s24 =	sadd.s32 $0x200, s14;
	s25 =	simm.s32 $0x19B80  }
0x39c: {  	[tilespmem:s25], [sflag:$0x3] =	stream.linear.gather [hbm4b:s24+s3], $0x80, $0x38;
	[tilespmem:$0x1EB80] =	vst v63  }
0x39d: {  	s6 =	sadd.s32 $0x280, s14;
	s12 =	simm.s32 $0x19C80  }
0x39e: {  	[tilespmem:s12], [sflag:$0x3] =	stream.linear.gather [hbm4b:s6+s3], $0x80, $0x38;
	[tilespmem:$0x1EB80] =	vst v63  }
0x39f: {  	s24 =	sadd.s32 $0x300, s14;
	s25 =	simm.s32 $0x19D80  }
0x3a0: {  	[tilespmem:s25], [sflag:$0x3] =	stream.linear.gather [hbm4b:s24+s3], $0x80, $0x38;
	[tilespmem:$0x1EB80] =	vst v63  }
0x3a1: {  	s6 =	sadd.s32 $0x380, s14;
	s12 =	simm.s32 $0x19E80  }
0x3a2: {  	[tilespmem:s12], [sflag:$0x3] =	stream.linear.gather [hbm4b:s6+s3], $0x80, $0x38;
	[tilespmem:$0x1EB80] =	vst v63  }
0x3a3: {  	s24 =	sadd.s32 $0x400, s14;
	s25 =	simm.s32 $0x19F80  }
0x3a4: {  	[tilespmem:s25], [sflag:$0x3] =	stream.linear.gather [hbm4b:s24+s3], $0x80, $0x38;
	[tilespmem:$0x1EB80] =	vst v63  }
0x3a5: {  	s6 =	sadd.s32 $0x480, s14;
	s12 =	simm.s32 $0x1A080  }
0x3a6: {  	[tilespmem:s12], [sflag:$0x3] =	stream.linear.gather [hbm4b:s6+s3], $0x80, $0x38;
	[tilespmem:$0x1EB80] =	vst v63  }
0x3a7: {  	s24 =	sadd.s32 $0x500, s14;
	s25 =	simm.s32 $0x1A180  }
0x3a8: {  	[tilespmem:s25], [sflag:$0x3] =	stream.linear.gather [hbm4b:s24+s3], $0x80, $0x38;
	[tilespmem:$0x1EB80] =	vst v63  }
0x3a9: {  	s6 =	sadd.s32 $0x580, s14;
	s12 =	simm.s32 $0x1A280  }
0x3aa: {  	[tilespmem:s12], [sflag:$0x3] =	stream.linear.gather [hbm4b:s6+s3], $0x80, $0x38;
	[tilespmem:$0x1EB80] =	vst v63  }
0x3ab: {  	s24 =	sadd.s32 $0x600, s14;
	s25 =	simm.s32 $0x1A380  }
0x3ac: {  	[tilespmem:s25], [sflag:$0x3] =	stream.linear.gather [hbm4b:s24+s3], $0x80, $0x38;
	[tilespmem:$0x1EB80] =	vst v63  }
0x3ad: {  	s6 =	sadd.s32 $0x680, s14;
	s12 =	simm.s32 $0x1A480  }
0x3ae: {  	[tilespmem:s12], [sflag:$0x3] =	stream.linear.gather [hbm4b:s6+s3], $0x80, $0x38;
	[tilespmem:$0x1EB80] =	vst v63  }
0x3af: {  	s24 =	sadd.s32 $0x700, s14;
	s25 =	simm.s32 $0x1A580  }
0x3b0: {  	[tilespmem:s25], [sflag:$0x3] =	stream.linear.gather [hbm4b:s24+s3], $0x80, $0x38;
	[tilespmem:$0x1EB80] =	vst v63  }
0x3b1: {  	[smem:$0x798] =	sst s1;
	s12 =	sadd.s32 $0x780, s14;
	s24 =	simm.s32 $0x1A680  }
0x3b2: {  	[tilespmem:s24], [sflag:$0x3] =	stream.linear.gather [hbm4b:s12+s3], $0x80, $0x38;
	[tilespmem:$0x1EB80] =	vst v63  }
0x3b3: {  	_ =	swait.ge [sflag:s2], $0x800  }
0x3b4: {  	[sflag:s2] =	ssyncset.done $0x0  }
0x3b5: {  	[sflag:s2] =	ssyncadd.s32 $0xFFFFF800  }
0x3b6: {  	_ =	swait.ge [sflag:s2], $0x800  }
0x3b7: {  	[sflag:s2] =	ssyncset.done $0x0  }
0x3b8: {  	s25 =	simm.s32 $0x18740;
	[sflag:s2] =	ssyncadd.s32 $0xFFFFF800  }
0x3b9: {  	v8 =	vld [tilespmem:s25+$0x30]  }
0x3ba: {  	v9 =	vld [tilespmem:s25+$0xFFFFFFD0]  }
0x3bb: {  	v10 =	vld [tilespmem:s25+$0xFFFFFFE0]  }
0x3bc: {  	v11 =	vld [tilespmem:s25+$0xFFFFFFF0]  }
0x3bd: {  	v13 =	vld [tilespmem:s25+$0x0]  }
0x3be: {  	v14 =	vld [tilespmem:s25+$0x10]  }
0x3bf: {  	v15 =	vld [tilespmem:s25+$0x20]  }
0x3c0: {  	v16 =	vld [tilespmem:s25+$0xFFFFFFC0];
	s25 =	simm.s32 $0x19740  }
0x3c1: {  	v18 =	vld [tilespmem:s25+$0x30]  }
0x3c2: {  	v19 =	vld [tilespmem:s25+$0xFFFFFFC0]  }
0x3c3: {  	v21 =	vld [tilespmem:s25+$0xFFFFFFD0]  }
0x3c4: {  	v17 =	vld.idx.msk [tilespmem:v8+s3+$0x0], $0xffff  }
0x3c5: {  	v20 =	vld.idx.msk [tilespmem:v9+s3+$0x0], $0xffff  }
0x3c6: {  	v12 =	vld.idx.msk [tilespmem:v10+s3+$0x0], $0xffff  }
0x3c7: {  	v11 =	vld.idx.msk [tilespmem:v11+s3+$0x0], $0xffff  }
0x3c8: {  	v10 =	vld.idx.msk [tilespmem:v13+s3+$0x0], $0xffff  }
0x3c9: {  	v9 =	vld.idx.msk [tilespmem:v14+s3+$0x0], $0xffff  }
0x3ca: {  	v14 =	vld.idx.msk [tilespmem:v16+s3+$0x0], $0xffff  }
0x3cb: {  	v8 =	vld.idx.msk [tilespmem:v15+s3+$0x0], $0xffff  }
0x3cc: {  	v13 =	vsub.f32 v18, v17;
	v17 =	vld [tilespmem:s25+$0xFFFFFFE0]  }
0x3cd: {  	v16 =	vld [tilespmem:s25+$0xFFFFFFF0]  }
0x3ce: {  	v15 =	vld [tilespmem:s25+$0x0];
	v18 =	vmul.f32 v13, v13  }
0x3cf: {  	s6 =	simm.s32 $0x1D770;
	v19 =	vsub.f32 v19, v14;
	v13 =	vld [tilespmem:s25+$0x10]  }
0x3d0: {  	s1 =	simm.s32 $0x0;
	s12 =	simm.s32 $0x18840;
	v14 =	vld [tilespmem:s25+$0x20];
	[tilespmem:s6+$0x0] =	vst v18;
	v18 =	vsub.f32 v21, v20  }
.LBB2_14:
0x3d1: {  	v20 =	vld [tilespmem:s12+$0x30];
	s1 =	sadd.s32 $0x8, s1;
	v19 =	vmul.f32 v19, v19;
	v12 =	vsub.f32 v17, v12  }
0x3d2: {  	v17 =	vld [tilespmem:s12+$0xFFFFFFD0];
	p1 =	slt.u32 s1, $0x78;
	v18 =	vmul.f32 v18, v18;
	v11 =	vsub.f32 v16, v11  }
0x3d3: {  	v16 =	vld [tilespmem:s12+$0xFFFFFFE0];
	[tilespmem:s6+$0xFFFFFF90] =	vst v19;
	v12 =	vmul.f32 v12, v12;
	v10 =	vsub.f32 v15, v10  }
0x3d4: {  	v15 =	vld [tilespmem:s12+$0xFFFFFFF0];
	[tilespmem:s6+$0xFFFFFFA0] =	vst v18;
	v11 =	vmul.f32 v11, v11;
	v9 =	vsub.f32 v13, v9  }
0x3d5: {  	v13 =	vld [tilespmem:s12+$0x0];
	[tilespmem:s6+$0xFFFFFFB0] =	vst v12;
	v10 =	vmul.f32 v10, v10;
	v8 =	vsub.f32 v14, v8  }
0x3d6: {  	v14 =	vld [tilespmem:s12+$0x10];
	[tilespmem:s6+$0xFFFFFFC0] =	vst v11;
	v9 =	vmul.f32 v9, v9  }
0x3d7: {  	v18 =	vld [tilespmem:s12+$0x20];
	[tilespmem:s6+$0xFFFFFFD0] =	vst v10;
	v8 =	vmul.f32 v8, v8  }
0x3d8: {  	v19 =	vld [tilespmem:s12+$0xFFFFFFC0];
	[tilespmem:s6+$0xFFFFFFE0] =	vst v9  }
0x3d9: {  	s25 =	sadd.s32 $0x100, s25;
	v20 =	vld.idx.msk [tilespmem:v20+s3+$0x0], $0xffff;
	[tilespmem:s6+$0xFFFFFFF0] =	vst v8  }
0x3da: {  	v8 =	vld [tilespmem:s25+$0x30]  }
0x3db: {  	v21 =	vld.idx.msk [tilespmem:v17+s3+$0x0], $0xffff  }
0x3dc: {  	v12 =	vld.idx.msk [tilespmem:v16+s3+$0x0], $0xffff  }
0x3dd: {  	v11 =	vld.idx.msk [tilespmem:v15+s3+$0x0], $0xffff  }
0x3de: {  	v10 =	vld.idx.msk [tilespmem:v13+s3+$0x0], $0xffff  }
0x3df: {  	v9 =	vld.idx.msk [tilespmem:v14+s3+$0x0], $0xffff;
	v13 =	vsub.f32 v8, v20  }
0x3e0: {  	v14 =	vld.idx.msk [tilespmem:v19+s3+$0x0], $0xffff  }
0x3e1: {  	v8 =	vld.idx.msk [tilespmem:v18+s3+$0x0], $0xffff;
	v13 =	vmul.f32 v13, v13  }
0x3e2: {  	s6 =	sadd.s32 $0x80, s6;
	v18 =	vld [tilespmem:s25+$0xFFFFFFC0]  }
0x3e3: {  	v20 =	vld [tilespmem:s25+$0xFFFFFFD0];
	[tilespmem:s6+$0x0] =	vst v13  }
.Ltmp6:
0x3e4: {  	v17 =	vld [tilespmem:s25+$0xFFFFFFE0];
	(pc) =	sbr.rel @p1 .LBB2_14-.Ltmp6, $4  }
0x3e5: {  	v16 =	vld [tilespmem:s25+$0xFFFFFFF0]  }
0x3e6: {  	v15 =	vld [tilespmem:s25+$0x0]  }
0x3e7: {  	v19 =	vsub.f32 v18, v14;
	v13 =	vld [tilespmem:s25+$0x10]  }
0x3e8: {  	s12 =	sadd.s32 $0x100, s12;
	v18 =	vsub.f32 v20, v21;
	v14 =	vld [tilespmem:s25+$0x20]  }
0x3e9: {  	v19 =	vmul.f32 v19, v19;
	v12 =	vsub.f32 v17, v12  }
0x3ea: {  	v17 =	vmul.f32 v18, v18;
	v11 =	vsub.f32 v16, v11  }
0x3eb: {  	[tilespmem:s6+$0xFFFFFF90] =	vst v19;
	v12 =	vmul.f32 v12, v12;
	v10 =	vsub.f32 v15, v10  }
0x3ec: {  	[tilespmem:s6+$0xFFFFFFA0] =	vst v17;
	v11 =	vmul.f32 v11, v11;
	v9 =	vsub.f32 v13, v9  }
0x3ed: {  	[tilespmem:s6+$0xFFFFFFB0] =	vst v12;
	v10 =	vmul.f32 v10, v10;
	v8 =	vsub.f32 v14, v8  }
0x3ee: {  	[tilespmem:s6+$0xFFFFFFC0] =	vst v11;
	v9 =	vmul.f32 v9, v9  }
0x3ef: {  	[tilespmem:s6+$0xFFFFFFD0] =	vst v10;
	v8 =	vmul.f32 v8, v8  }
0x3f0: {  	[tilespmem:s6+$0xFFFFFFE0] =	vst v9  }
0x3f1: {  	[tilespmem:s6+$0xFFFFFFF0] =	vst v8  }
0x3f2: {  	_ =	swait.ge [sflag:s4], $0x800  }
0x3f3: {  	[sflag:s4] =	ssyncset.done $0x0  }
0x3f4: {  	[sflag:s4] =	ssyncadd.s32 $0xFFFFF800  }
0x3f5: {  	_ =	swait.ge [sflag:s4], $0x800  }
0x3f6: {  	[sflag:s4] =	ssyncset.done $0x0  }
0x3f7: {  	s1 =	simm.s32 $0x187F0;
	[sflag:s4] =	ssyncadd.s32 $0xFFFFF800  }
0x3f8: {  	v8 =	vld [tilespmem:s1+$0x0]  }
0x3f9: {  	v9 =	vld [tilespmem:s1+$0xFFFFFFA0]  }
0x3fa: {  	v10 =	vld [tilespmem:s1+$0xFFFFFFB0]  }
0x3fb: {  	v11 =	vld [tilespmem:s1+$0xFFFFFFC0]  }
0x3fc: {  	v13 =	vld [tilespmem:s1+$0xFFFFFFD0]  }
0x3fd: {  	v14 =	vld [tilespmem:s1+$0xFFFFFFE0]  }
0x3fe: {  	v15 =	vld [tilespmem:s1+$0xFFFFFFF0]  }
0x3ff: {  	s25 =	simm.s32 $0x197F0;
	v16 =	vld [tilespmem:s1+$0xFFFFFF90]  }
0x400: {  	v18 =	vld [tilespmem:s25+$0x0]  }
0x401: {  	v19 =	vld [tilespmem:s25+$0xFFFFFF90]  }
0x402: {  	v21 =	vld [tilespmem:s25+$0xFFFFFFA0]  }
0x403: {  	v17 =	vld.idx.msk [tilespmem:v8+s3+$0x0], $0xffff  }
0x404: {  	v20 =	vld.idx.msk [tilespmem:v9+s3+$0x0], $0xffff  }
0x405: {  	v12 =	vld.idx.msk [tilespmem:v10+s3+$0x0], $0xffff  }
0x406: {  	v11 =	vld.idx.msk [tilespmem:v11+s3+$0x0], $0xffff  }
0x407: {  	v10 =	vld.idx.msk [tilespmem:v13+s3+$0x0], $0xffff  }
0x408: {  	v9 =	vld.idx.msk [tilespmem:v14+s3+$0x0], $0xffff  }
0x409: {  	v14 =	vld.idx.msk [tilespmem:v16+s3+$0x0], $0xffff  }
0x40a: {  	v8 =	vld.idx.msk [tilespmem:v15+s3+$0x0], $0xffff  }
0x40b: {  	v13 =	vsub.f32 v18, v17;
	v17 =	vld [tilespmem:s25+$0xFFFFFFB0]  }
0x40c: {  	v16 =	vld [tilespmem:s25+$0xFFFFFFC0]  }
0x40d: {  	v15 =	vld [tilespmem:s25+$0xFFFFFFD0];
	v18 =	vmul.f32 v13, v13  }
0x40e: {  	s6 =	simm.s32 $0x1DF70;
	v19 =	vsub.f32 v19, v14;
	v13 =	vld [tilespmem:s25+$0xFFFFFFE0]  }
0x40f: {  	s12 =	simm.s32 $0x188F0;
	s1 =	simm.s32 $0x0;
	v14 =	vld [tilespmem:s25+$0xFFFFFFF0];
	[tilespmem:s6+$0x0] =	vst v18;
	v18 =	vsub.f32 v21, v20  }
.LBB2_16:
0x410: {  	v20 =	vld [tilespmem:s12+$0x0];
	s1 =	sadd.s32 $0x8, s1;
	v19 =	vmul.f32 v19, v19;
	v12 =	vsub.f32 v17, v12  }
0x411: {  	v17 =	vld [tilespmem:s12+$0xFFFFFFA0];
	p1 =	slt.u32 s1, $0x78;
	v18 =	vmul.f32 v18, v18;
	v11 =	vsub.f32 v16, v11  }
0x412: {  	v16 =	vld [tilespmem:s12+$0xFFFFFFB0];
	[tilespmem:s6+$0xFFFFFF90] =	vst v19;
	v12 =	vmul.f32 v12, v12;
	v10 =	vsub.f32 v15, v10  }
0x413: {  	v15 =	vld [tilespmem:s12+$0xFFFFFFC0];
	[tilespmem:s6+$0xFFFFFFA0] =	vst v18;
	v11 =	vmul.f32 v11, v11;
	v9 =	vsub.f32 v13, v9  }
0x414: {  	v13 =	vld [tilespmem:s12+$0xFFFFFFD0];
	[tilespmem:s6+$0xFFFFFFB0] =	vst v12;
	v10 =	vmul.f32 v10, v10;
	v8 =	vsub.f32 v14, v8  }
0x415: {  	v14 =	vld [tilespmem:s12+$0xFFFFFFE0];
	[tilespmem:s6+$0xFFFFFFC0] =	vst v11;
	v9 =	vmul.f32 v9, v9  }
0x416: {  	v18 =	vld [tilespmem:s12+$0xFFFFFFF0];
	[tilespmem:s6+$0xFFFFFFD0] =	vst v10;
	v8 =	vmul.f32 v8, v8  }
0x417: {  	v19 =	vld [tilespmem:s12+$0xFFFFFF90];
	[tilespmem:s6+$0xFFFFFFE0] =	vst v9  }
0x418: {  	s25 =	sadd.s32 $0x100, s25;
	v20 =	vld.idx.msk [tilespmem:v20+s3+$0x0], $0xffff;
	[tilespmem:s6+$0xFFFFFFF0] =	vst v8  }
0x419: {  	v8 =	vld [tilespmem:s25+$0x0]  }
0x41a: {  	v21 =	vld.idx.msk [tilespmem:v17+s3+$0x0], $0xffff  }
0x41b: {  	v12 =	vld.idx.msk [tilespmem:v16+s3+$0x0], $0xffff  }
0x41c: {  	v11 =	vld.idx.msk [tilespmem:v15+s3+$0x0], $0xffff  }
0x41d: {  	v10 =	vld.idx.msk [tilespmem:v13+s3+$0x0], $0xffff  }
0x41e: {  	v9 =	vld.idx.msk [tilespmem:v14+s3+$0x0], $0xffff;
	v13 =	vsub.f32 v8, v20  }
0x41f: {  	v14 =	vld.idx.msk [tilespmem:v19+s3+$0x0], $0xffff  }
0x420: {  	v8 =	vld.idx.msk [tilespmem:v18+s3+$0x0], $0xffff;
	v13 =	vmul.f32 v13, v13  }
0x421: {  	s6 =	sadd.s32 $0x80, s6;
	v18 =	vld [tilespmem:s25+$0xFFFFFF90]  }
0x422: {  	v20 =	vld [tilespmem:s25+$0xFFFFFFA0];
	[tilespmem:s6+$0x0] =	vst v13  }
.Ltmp7:
0x423: {  	v17 =	vld [tilespmem:s25+$0xFFFFFFB0];
	(pc) =	sbr.rel @p1 .LBB2_16-.Ltmp7, $4  }
0x424: {  	v16 =	vld [tilespmem:s25+$0xFFFFFFC0]  }
0x425: {  	v15 =	vld [tilespmem:s25+$0xFFFFFFD0]  }
0x426: {  	v19 =	vsub.f32 v18, v14;
	v13 =	vld [tilespmem:s25+$0xFFFFFFE0]  }
0x427: {  	s12 =	sadd.s32 $0x100, s12;
	v18 =	vsub.f32 v20, v21;
	v14 =	vld [tilespmem:s25+$0xFFFFFFF0]  }
0x428: {  	v19 =	vmul.f32 v19, v19;
	v12 =	vsub.f32 v17, v12  }
0x429: {  	v52 =	vmul.f32 v18, v18;
	v11 =	vsub.f32 v16, v11  }
0x42a: {  	[tilespmem:s6+$0xFFFFFF90] =	vst v19;
	v12 =	vmul.f32 v12, v12;
	v10 =	vsub.f32 v15, v10  }
0x42b: {  	[tilespmem:s6+$0xFFFFFFA0] =	vst v52;
	v11 =	vmul.f32 v11, v11;
	v9 =	vsub.f32 v13, v9  }
0x42c: {  	[tilespmem:s6+$0xFFFFFFB0] =	vst v12;
	v10 =	vmul.f32 v10, v10;
	v8 =	vsub.f32 v14, v8  }
0x42d: {  	[tilespmem:s6+$0xFFFFFFC0] =	vst v11;
	v9 =	vmul.f32 v9, v9  }
0x42e: {  	[tilespmem:s6+$0xFFFFFFD0] =	vst v10;
	v8 =	vmul.f32 v8, v8  }
0x42f: {  	[tilespmem:s6+$0xFFFFFFE0] =	vst v9  }
0x430: {  	[tilespmem:s6+$0xFFFFFFF0] =	vst v8  }
0x431: {  	s25 =	simm.s32 $0x80;
	s12 =	simm.s32 $0x400;
	s1 =	rddreg [dreg:$0x8]  }
0x432: {  	[tilespmem:s3], [sflag:$0x1] =	stream.strided.gather [hbm4b:s1+s25], $0x18700, s12, s25, $0x38;
	[tilespmem:$0x1EB80] =	vst v63  }
0x433: {  	s24 =	rddreg [dreg:$0x1];
	s25 =	simm.s32 $0x18700  }
0x434: {  	[tilespmem:s25], [sflag:$0x2] =	stream.linear.gather [hbm4b:s24+s3], $0x80, $0x38;
	[tilespmem:$0x1EB80] =	vst v63  }
0x435: {  	s6 =	rddreg [dreg:$0xb];
	s12 =	simm.s32 $0x18800  }
0x436: {  	[tilespmem:s12], [sflag:$0x2] =	stream.linear.gather [hbm4b:s6+s3], $0x80, $0x38;
	[tilespmem:$0x1EB80] =	vst v63  }
0x437: {  	s24 =	rddreg [dreg:$0xc];
	s25 =	simm.s32 $0x18900  }
0x438: {  	[tilespmem:s25], [sflag:$0x2] =	stream.linear.gather [hbm4b:s24+s3], $0x80, $0x38;
	[tilespmem:$0x1EB80] =	vst v63  }
0x439: {  	s6 =	rddreg [dreg:$0xd];
	s12 =	simm.s32 $0x18A00  }
0x43a: {  	[tilespmem:s12], [sflag:$0x2] =	stream.linear.gather [hbm4b:s6+s3], $0x80, $0x38;
	[tilespmem:$0x1EB80] =	vst v63  }
0x43b: {  	s24 =	rddreg [dreg:$0xe];
	s25 =	simm.s32 $0x18B00  }
0x43c: {  	[tilespmem:s25], [sflag:$0x2] =	stream.linear.gather [hbm4b:s24+s3], $0x80, $0x38;
	[tilespmem:$0x1EB80] =	vst v63  }
0x43d: {  	s6 =	rddreg [dreg:$0xf];
	s12 =	simm.s32 $0x18C00  }
0x43e: {  	[tilespmem:s12], [sflag:$0x2] =	stream.linear.gather [hbm4b:s6+s3], $0x80, $0x38;
	[tilespmem:$0x1EB80] =	vst v63  }
0x43f: {  	s24 =	rddreg [dreg:$0x10];
	s25 =	simm.s32 $0x18D00  }
0x440: {  	[tilespmem:s25], [sflag:$0x2] =	stream.linear.gather [hbm4b:s24+s3], $0x80, $0x38;
	[tilespmem:$0x1EB80] =	vst v63  }
0x441: {  	s6 =	rddreg [dreg:$0x11];
	s12 =	simm.s32 $0x18E00  }
0x442: {  	[tilespmem:s12], [sflag:$0x2] =	stream.linear.gather [hbm4b:s6+s3], $0x80, $0x38;
	[tilespmem:$0x1EB80] =	vst v63  }
0x443: {  	s24 =	rddreg [dreg:$0x12];
	s25 =	simm.s32 $0x18F00  }
0x444: {  	[tilespmem:s25], [sflag:$0x2] =	stream.linear.gather [hbm4b:s24+s3], $0x80, $0x38;
	[tilespmem:$0x1EB80] =	vst v63  }
0x445: {  	s6 =	rddreg [dreg:$0x13];
	s12 =	simm.s32 $0x19000  }
0x446: {  	[tilespmem:s12], [sflag:$0x2] =	stream.linear.gather [hbm4b:s6+s3], $0x80, $0x38;
	[tilespmem:$0x1EB80] =	vst v63  }
0x447: {  	s24 =	rddreg [dreg:$0x14];
	s25 =	simm.s32 $0x19100  }
0x448: {  	[tilespmem:s25], [sflag:$0x2] =	stream.linear.gather [hbm4b:s24+s3], $0x80, $0x38;
	[tilespmem:$0x1EB80] =	vst v63  }
0x449: {  	s6 =	rddreg [dreg:$0x15];
	s12 =	simm.s32 $0x19200  }
0x44a: {  	[tilespmem:s12], [sflag:$0x2] =	stream.linear.gather [hbm4b:s6+s3], $0x80, $0x38;
	[tilespmem:$0x1EB80] =	vst v63  }
0x44b: {  	s24 =	rddreg [dreg:$0x16];
	s25 =	simm.s32 $0x19300  }
0x44c: {  	[tilespmem:s25], [sflag:$0x2] =	stream.linear.gather [hbm4b:s24+s3], $0x80, $0x38;
	[tilespmem:$0x1EB80] =	vst v63  }
0x44d: {  	s6 =	rddreg [dreg:$0x17];
	s12 =	simm.s32 $0x19400  }
0x44e: {  	[tilespmem:s12], [sflag:$0x2] =	stream.linear.gather [hbm4b:s6+s3], $0x80, $0x38;
	[tilespmem:$0x1EB80] =	vst v63  }
0x44f: {  	s24 =	rddreg [dreg:$0x18];
	s25 =	simm.s32 $0x19500  }
0x450: {  	[tilespmem:s25], [sflag:$0x2] =	stream.linear.gather [hbm4b:s24+s3], $0x80, $0x38;
	[tilespmem:$0x1EB80] =	vst v63  }
0x451: {  	s12 =	rddreg [dreg:$0x19];
	s24 =	simm.s32 $0x19600  }
0x452: {  	[tilespmem:s24], [sflag:$0x2] =	stream.linear.gather [hbm4b:s12+s3], $0x80, $0x38;
	[tilespmem:$0x1EB80] =	vst v63  }
0x453: {  	s25 =	simm.s32 $0x19700  }
0x454: {  	[tilespmem:s25], [sflag:$0x2] =	stream.linear.gather [hbm4b:s15+s3], $0x80, $0x38;
	[tilespmem:$0x1EB80] =	vst v63  }
0x455: {  	s6 =	sadd.s32 $0x80, s15;
	s12 =	simm.s32 $0x19800  }
0x456: {  	[tilespmem:s12], [sflag:$0x2] =	stream.linear.gather [hbm4b:s6+s3], $0x80, $0x38;
	[tilespmem:$0x1EB80] =	vst v63  }
0x457: {  	s24 =	sadd.s32 $0x100, s15;
	s25 =	simm.s32 $0x19900  }
0x458: {  	[tilespmem:s25], [sflag:$0x2] =	stream.linear.gather [hbm4b:s24+s3], $0x80, $0x38;
	[tilespmem:$0x1EB80] =	vst v63  }
0x459: {  	s6 =	sadd.s32 $0x180, s15;
	s12 =	simm.s32 $0x19A00  }
0x45a: {  	[tilespmem:s12], [sflag:$0x2] =	stream.linear.gather [hbm4b:s6+s3], $0x80, $0x38;
	[tilespmem:$0x1EB80] =	vst v63  }
0x45b: {  	s24 =	sadd.s32 $0x200, s15;
	s25 =	simm.s32 $0x19B00  }
0x45c: {  	[tilespmem:s25], [sflag:$0x2] =	stream.linear.gather [hbm4b:s24+s3], $0x80, $0x38;
	[tilespmem:$0x1EB80] =	vst v63  }
0x45d: {  	s6 =	sadd.s32 $0x280, s15;
	s12 =	simm.s32 $0x19C00  }
0x45e: {  	[tilespmem:s12], [sflag:$0x2] =	stream.linear.gather [hbm4b:s6+s3], $0x80, $0x38;
	[tilespmem:$0x1EB80] =	vst v63  }
0x45f: {  	s24 =	sadd.s32 $0x300, s15;
	s25 =	simm.s32 $0x19D00  }
0x460: {  	[tilespmem:s25], [sflag:$0x2] =	stream.linear.gather [hbm4b:s24+s3], $0x80, $0x38;
	[tilespmem:$0x1EB80] =	vst v63  }
0x461: {  	s6 =	sadd.s32 $0x380, s15;
	s12 =	simm.s32 $0x19E00  }
0x462: {  	[tilespmem:s12], [sflag:$0x2] =	stream.linear.gather [hbm4b:s6+s3], $0x80, $0x38;
	[tilespmem:$0x1EB80] =	vst v63  }
0x463: {  	s24 =	sadd.s32 $0x400, s15;
	s25 =	simm.s32 $0x19F00  }
0x464: {  	[tilespmem:s25], [sflag:$0x2] =	stream.linear.gather [hbm4b:s24+s3], $0x80, $0x38;
	[tilespmem:$0x1EB80] =	vst v63  }
0x465: {  	s6 =	sadd.s32 $0x480, s15;
	s12 =	simm.s32 $0x1A000  }
0x466: {  	[tilespmem:s12], [sflag:$0x2] =	stream.linear.gather [hbm4b:s6+s3], $0x80, $0x38;
	[tilespmem:$0x1EB80] =	vst v63  }
0x467: {  	s24 =	sadd.s32 $0x500, s15;
	s25 =	simm.s32 $0x1A100  }
0x468: {  	[tilespmem:s25], [sflag:$0x2] =	stream.linear.gather [hbm4b:s24+s3], $0x80, $0x38;
	[tilespmem:$0x1EB80] =	vst v63  }
0x469: {  	s6 =	sadd.s32 $0x580, s15;
	s12 =	simm.s32 $0x1A200  }
0x46a: {  	[tilespmem:s12], [sflag:$0x2] =	stream.linear.gather [hbm4b:s6+s3], $0x80, $0x38;
	[tilespmem:$0x1EB80] =	vst v63  }
0x46b: {  	s24 =	sadd.s32 $0x600, s15;
	s25 =	simm.s32 $0x1A300  }
0x46c: {  	[tilespmem:s25], [sflag:$0x2] =	stream.linear.gather [hbm4b:s24+s3], $0x80, $0x38;
	[tilespmem:$0x1EB80] =	vst v63  }
0x46d: {  	s6 =	sadd.s32 $0x680, s15;
	s12 =	simm.s32 $0x1A400  }
0x46e: {  	[tilespmem:s12], [sflag:$0x2] =	stream.linear.gather [hbm4b:s6+s3], $0x80, $0x38;
	[tilespmem:$0x1EB80] =	vst v63  }
0x46f: {  	s24 =	sadd.s32 $0x700, s15;
	s25 =	simm.s32 $0x1A500  }
0x470: {  	[tilespmem:s25], [sflag:$0x2] =	stream.linear.gather [hbm4b:s24+s3], $0x80, $0x38;
	[tilespmem:$0x1EB80] =	vst v63  }
0x471: {  	s6 =	sadd.s32 $0x780, s15;
	s12 =	simm.s32 $0x1A600;
	s24 =	simm.s32 $0x1  }
0x472: {  	[tilespmem:s12], [sflag:$0x2] =	stream.linear.gather [hbm4b:s6+s3], $0x80, $0x38;
	[tilespmem:$0x1EB80] =	vst v63  }
0x473: {  	_ =	swait.ge [sflag:s24], $0x18700  }
0x474: {  	[sflag:s24] =	ssyncset.done $0x0  }
0x475: {  	s25 =	simm.s32 $0x18780;
	s12 =	sld [smem:$0x7E6];
	[sflag:s24] =	ssyncadd.s32 $0xFFFE7900  }
0x476: {  	[tilespmem:s25], [sflag:$0x3] =	stream.linear.gather [hbm4b:s23+s3], $0x80, $0x38;
	[tilespmem:$0x1EB80] =	vst v63  }
0x477: {  	s6 =	simm.s32 $0x18880;
	s25 =	sld [smem:$0x7E7]  }
0x478: {  	[tilespmem:s6], [sflag:$0x3] =	stream.linear.gather [hbm4b:s12+s3], $0x80, $0x38;
	[tilespmem:$0x1EB80] =	vst v63  }
0x479: {  	s24 =	simm.s32 $0x18980;
	s12 =	sld [smem:$0x7E8]  }
0x47a: {  	[tilespmem:s24], [sflag:$0x3] =	stream.linear.gather [hbm4b:s25+s3], $0x80, $0x38;
	[tilespmem:$0x1EB80] =	vst v63  }
0x47b: {  	s6 =	simm.s32 $0x18A80;
	s25 =	sld [smem:$0x7E9]  }
0x47c: {  	[tilespmem:s6], [sflag:$0x3] =	stream.linear.gather [hbm4b:s12+s3], $0x80, $0x38;
	[tilespmem:$0x1EB80] =	vst v63  }
0x47d: {  	s24 =	simm.s32 $0x18B80;
	s12 =	sld [smem:$0x7EA]  }
0x47e: {  	[tilespmem:s24], [sflag:$0x3] =	stream.linear.gather [hbm4b:s25+s3], $0x80, $0x38;
	[tilespmem:$0x1EB80] =	vst v63  }
0x47f: {  	s6 =	simm.s32 $0x18C80;
	s25 =	sld [smem:$0x7EB]  }
0x480: {  	[tilespmem:s6], [sflag:$0x3] =	stream.linear.gather [hbm4b:s12+s3], $0x80, $0x38;
	[tilespmem:$0x1EB80] =	vst v63  }
0x481: {  	s24 =	simm.s32 $0x18D80;
	s12 =	sld [smem:$0x7EC]  }
0x482: {  	[tilespmem:s24], [sflag:$0x3] =	stream.linear.gather [hbm4b:s25+s3], $0x80, $0x38;
	[tilespmem:$0x1EB80] =	vst v63  }
0x483: {  	s6 =	simm.s32 $0x18E80;
	s25 =	sld [smem:$0x7ED]  }
0x484: {  	[tilespmem:s6], [sflag:$0x3] =	stream.linear.gather [hbm4b:s12+s3], $0x80, $0x38;
	[tilespmem:$0x1EB80] =	vst v63  }
0x485: {  	s24 =	simm.s32 $0x18F80;
	s12 =	sld [smem:$0x7EE]  }
0x486: {  	[tilespmem:s24], [sflag:$0x3] =	stream.linear.gather [hbm4b:s25+s3], $0x80, $0x38;
	[tilespmem:$0x1EB80] =	vst v63  }
0x487: {  	s6 =	simm.s32 $0x19080;
	s25 =	sld [smem:$0x7EF]  }
0x488: {  	[tilespmem:s6], [sflag:$0x3] =	stream.linear.gather [hbm4b:s12+s3], $0x80, $0x38;
	[tilespmem:$0x1EB80] =	vst v63  }
0x489: {  	s24 =	simm.s32 $0x19180;
	s12 =	sld [smem:$0x7F0]  }
0x48a: {  	[tilespmem:s24], [sflag:$0x3] =	stream.linear.gather [hbm4b:s25+s3], $0x80, $0x38;
	[tilespmem:$0x1EB80] =	vst v63  }
0x48b: {  	s6 =	simm.s32 $0x19280;
	s25 =	sld [smem:$0x7F1]  }
0x48c: {  	[tilespmem:s6], [sflag:$0x3] =	stream.linear.gather [hbm4b:s12+s3], $0x80, $0x38;
	[tilespmem:$0x1EB80] =	vst v63  }
0x48d: {  	s24 =	simm.s32 $0x19380;
	s12 =	sld [smem:$0x7F2]  }
0x48e: {  	[tilespmem:s24], [sflag:$0x3] =	stream.linear.gather [hbm4b:s25+s3], $0x80, $0x38;
	[tilespmem:$0x1EB80] =	vst v63  }
0x48f: {  	s6 =	simm.s32 $0x19480;
	s25 =	sld [smem:$0x7F3]  }
0x490: {  	[tilespmem:s6], [sflag:$0x3] =	stream.linear.gather [hbm4b:s12+s3], $0x80, $0x38;
	[tilespmem:$0x1EB80] =	vst v63  }
0x491: {  	s24 =	simm.s32 $0x19580  }
0x492: {  	[tilespmem:s24], [sflag:$0x3] =	stream.linear.gather [hbm4b:s25+s3], $0x80, $0x38;
	[tilespmem:$0x1EB80] =	vst v63  }
0x493: {  	s24 =	sld [smem:$0x7F4];
	_ =	sdelay $0x1  }
0x494: {  	s12 =	simm.s32 $0x19680  }
0x495: {  	[tilespmem:s12], [sflag:$0x3] =	stream.linear.gather [hbm4b:s24+s3], $0x80, $0x38;
	[tilespmem:$0x1EB80] =	vst v63  }
0x496: {  	s25 =	simm.s32 $0x19780  }
0x497: {  	[tilespmem:s25], [sflag:$0x3] =	stream.linear.gather [hbm4b:s16+s3], $0x80, $0x38;
	[tilespmem:$0x1EB80] =	vst v63  }
0x498: {  	s6 =	sadd.s32 $0x80, s16;
	s12 =	simm.s32 $0x19880  }
0x499: {  	[tilespmem:s12], [sflag:$0x3] =	stream.linear.gather [hbm4b:s6+s3], $0x80, $0x38;
	[tilespmem:$0x1EB80] =	vst v63  }
0x49a: {  	s24 =	sadd.s32 $0x100, s16;
	s25 =	simm.s32 $0x19980  }
0x49b: {  	[tilespmem:s25], [sflag:$0x3] =	stream.linear.gather [hbm4b:s24+s3], $0x80, $0x38;
	[tilespmem:$0x1EB80] =	vst v63  }
0x49c: {  	s6 =	sadd.s32 $0x180, s16;
	s12 =	simm.s32 $0x19A80  }
0x49d: {  	[tilespmem:s12], [sflag:$0x3] =	stream.linear.gather [hbm4b:s6+s3], $0x80, $0x38;
	[tilespmem:$0x1EB80] =	vst v63  }
0x49e: {  	s24 =	sadd.s32 $0x200, s16;
	s25 =	simm.s32 $0x19B80  }
0x49f: {  	[tilespmem:s25], [sflag:$0x3] =	stream.linear.gather [hbm4b:s24+s3], $0x80, $0x38;
	[tilespmem:$0x1EB80] =	vst v63  }
0x4a0: {  	s6 =	sadd.s32 $0x280, s16;
	s12 =	simm.s32 $0x19C80  }
0x4a1: {  	[tilespmem:s12], [sflag:$0x3] =	stream.linear.gather [hbm4b:s6+s3], $0x80, $0x38;
	[tilespmem:$0x1EB80] =	vst v63  }
0x4a2: {  	s24 =	sadd.s32 $0x300, s16;
	s25 =	simm.s32 $0x19D80  }
0x4a3: {  	[tilespmem:s25], [sflag:$0x3] =	stream.linear.gather [hbm4b:s24+s3], $0x80, $0x38;
	[tilespmem:$0x1EB80] =	vst v63  }
0x4a4: {  	s6 =	sadd.s32 $0x380, s16;
	s12 =	simm.s32 $0x19E80  }
0x4a5: {  	[tilespmem:s12], [sflag:$0x3] =	stream.linear.gather [hbm4b:s6+s3], $0x80, $0x38;
	[tilespmem:$0x1EB80] =	vst v63  }
0x4a6: {  	s24 =	sadd.s32 $0x400, s16;
	s25 =	simm.s32 $0x19F80  }
0x4a7: {  	[tilespmem:s25], [sflag:$0x3] =	stream.linear.gather [hbm4b:s24+s3], $0x80, $0x38;
	[tilespmem:$0x1EB80] =	vst v63  }
0x4a8: {  	s6 =	sadd.s32 $0x480, s16;
	s12 =	simm.s32 $0x1A080  }
0x4a9: {  	[tilespmem:s12], [sflag:$0x3] =	stream.linear.gather [hbm4b:s6+s3], $0x80, $0x38;
	[tilespmem:$0x1EB80] =	vst v63  }
0x4aa: {  	s24 =	sadd.s32 $0x500, s16;
	s25 =	simm.s32 $0x1A180  }
0x4ab: {  	[tilespmem:s25], [sflag:$0x3] =	stream.linear.gather [hbm4b:s24+s3], $0x80, $0x38;
	[tilespmem:$0x1EB80] =	vst v63  }
0x4ac: {  	s6 =	sadd.s32 $0x580, s16;
	s12 =	simm.s32 $0x1A280  }
0x4ad: {  	[tilespmem:s12], [sflag:$0x3] =	stream.linear.gather [hbm4b:s6+s3], $0x80, $0x38;
	[tilespmem:$0x1EB80] =	vst v63  }
0x4ae: {  	s24 =	sadd.s32 $0x600, s16;
	s25 =	simm.s32 $0x1A380  }
0x4af: {  	[tilespmem:s25], [sflag:$0x3] =	stream.linear.gather [hbm4b:s24+s3], $0x80, $0x38;
	[tilespmem:$0x1EB80] =	vst v63  }
0x4b0: {  	s6 =	sadd.s32 $0x680, s16;
	s12 =	simm.s32 $0x1A480  }
0x4b1: {  	[tilespmem:s12], [sflag:$0x3] =	stream.linear.gather [hbm4b:s6+s3], $0x80, $0x38;
	[tilespmem:$0x1EB80] =	vst v63  }
0x4b2: {  	s24 =	sadd.s32 $0x700, s16;
	s25 =	simm.s32 $0x1A580  }
0x4b3: {  	[tilespmem:s25], [sflag:$0x3] =	stream.linear.gather [hbm4b:s24+s3], $0x80, $0x38;
	[tilespmem:$0x1EB80] =	vst v63  }
0x4b4: {  	s6 =	sadd.s32 $0x780, s16;
	s12 =	simm.s32 $0x1A680  }
0x4b5: {  	[tilespmem:s12], [sflag:$0x3] =	stream.linear.gather [hbm4b:s6+s3], $0x80, $0x38;
	[tilespmem:$0x1EB80] =	vst v63  }
0x4b6: {  	_ =	swait.ge [sflag:s2], $0x800  }
0x4b7: {  	[sflag:s2] =	ssyncset.done $0x0  }
0x4b8: {  	[sflag:s2] =	ssyncadd.s32 $0xFFFFF800  }
0x4b9: {  	_ =	swait.ge [sflag:s2], $0x800  }
0x4ba: {  	[sflag:s2] =	ssyncset.done $0x0  }
0x4bb: {  	s24 =	simm.s32 $0x18740;
	[sflag:s2] =	ssyncadd.s32 $0xFFFFF800  }
0x4bc: {  	v8 =	vld [tilespmem:s24+$0x30]  }
0x4bd: {  	v9 =	vld [tilespmem:s24+$0xFFFFFFD0]  }
0x4be: {  	v10 =	vld [tilespmem:s24+$0xFFFFFFE0]  }
0x4bf: {  	v11 =	vld [tilespmem:s24+$0xFFFFFFF0]  }
0x4c0: {  	v53 =	vld [tilespmem:s24+$0x0]  }
0x4c1: {  	v54 =	vld [tilespmem:s24+$0x10]  }
0x4c2: {  	v55 =	vld [tilespmem:s24+$0x20]  }
0x4c3: {  	s25 =	simm.s32 $0x19740;
	v56 =	vld [tilespmem:s24+$0xFFFFFFC0]  }
0x4c4: {  	v57 =	vld [tilespmem:s25+$0x30]  }
0x4c5: {  	v58 =	vld [tilespmem:s25+$0xFFFFFFC0]  }
0x4c6: {  	v59 =	vld [tilespmem:s25+$0xFFFFFFD0]  }
0x4c7: {  	v60 =	vld [tilespmem:s25+$0xFFFFFFE0]  }
0x4c8: {  	v20 =	vld [tilespmem:s25+$0xFFFFFFF0]  }
0x4c9: {  	v61 =	vld [tilespmem:s25+$0x0]  }
0x4ca: {  	v62 =	vld [tilespmem:s25+$0x10]  }
0x4cb: {  	v63 =	vld [tilespmem:s25+$0x20]  }
0x4cc: {  	v8 =	vld.idx.msk [tilespmem:v8+s3+$0x0], $0xffff  }
0x4cd: {  	v15 =	vld.idx.msk [tilespmem:v56+s3+$0x0], $0xffff  }
0x4ce: {  	v9 =	vld.idx.msk [tilespmem:v9+s3+$0x0], $0xffff  }
0x4cf: {  	v10 =	vld.idx.msk [tilespmem:v10+s3+$0x0], $0xffff  }
0x4d0: {  	v11 =	vld.idx.msk [tilespmem:v11+s3+$0x0], $0xffff  }
0x4d1: {  	v12 =	vld.idx.msk [tilespmem:v53+s3+$0x0], $0xffff;
	v8 =	vsub.f32 v57, v8  }
0x4d2: {  	v13 =	vld.idx.msk [tilespmem:v54+s3+$0x0], $0xffff;
	v15 =	vsub.f32 v58, v15  }
0x4d3: {  	v14 =	vld.idx.msk [tilespmem:v55+s3+$0x0], $0xffff;
	v9 =	vsub.f32 v59, v9;
	v8 =	vmul.f32 v8, v8  }
0x4d4: {  	s6 =	simm.s32 $0x1A770;
	v10 =	vsub.f32 v60, v10;
	v15 =	vmul.f32 v15, v15  }
0x4d5: {  	[tilespmem:s6+$0x0] =	vst.add.f32.msk $0xffff, v8;
	v8 =	vmul.f32 v9, v9;
	v9 =	vsub.f32 v20, v11  }
0x4d6: {  	v10 =	vmul.f32 v10, v10;
	[tilespmem:s6+$0xFFFFFF90] =	vst.add.f32.msk $0xffff, v15;
	v11 =	vsub.f32 v61, v12  }
0x4d7: {  	[tilespmem:s6+$0xFFFFFFA0] =	vst.add.f32.msk $0xffff, v8;
	v8 =	vmul.f32 v9, v9  }
0x4d8: {  	[tilespmem:s6+$0xFFFFFFB0] =	vst.add.f32.msk $0xffff, v10;
	v9 =	vsub.f32 v62, v13;
	v10 =	vmul.f32 v11, v11;
	v11 =	vsub.f32 v63, v14  }
0x4d9: {  	[tilespmem:s6+$0xFFFFFFC0] =	vst.add.f32.msk $0xffff, v8  }
0x4da: {  	s1 =	simm.s32 $0x18840;
	s12 =	simm.s32 $0x0;
	s24 =	simm.s32 $0x1A770;
	v9 =	vmul.f32 v9, v9;
	[tilespmem:s6+$0xFFFFFFD0] =	vst.add.f32.msk $0xffff, v10;
	v8 =	vmul.f32 v11, v11  }
.LBB2_18:
0x4db: {  	v10 =	vld [tilespmem:s1+$0x30];
	s12 =	sadd.s32 $0x8, s12  }
0x4dc: {  	v11 =	vld [tilespmem:s1+$0xFFFFFFD0];
	p1 =	slt.u32 s12, $0x78  }
0x4dd: {  	v12 =	vld [tilespmem:s1+$0xFFFFFFE0]  }
0x4de: {  	v13 =	vld [tilespmem:s1+$0xFFFFFFF0]  }
0x4df: {  	v14 =	vld [tilespmem:s1+$0x0]  }
0x4e0: {  	v15 =	vld [tilespmem:s1+$0x10]  }
0x4e1: {  	v16 =	vld [tilespmem:s1+$0x20]  }
0x4e2: {  	v17 =	vld [tilespmem:s1+$0xFFFFFFC0]  }
0x4e3: {  	s25 =	sadd.s32 $0x100, s25;
	v10 =	vld.idx.msk [tilespmem:v10+s3+$0x0], $0xffff  }
0x4e4: {  	v18 =	vld [tilespmem:s25+$0x30]  }
0x4e5: {  	v11 =	vld.idx.msk [tilespmem:v11+s3+$0x0], $0xffff  }
0x4e6: {  	v12 =	vld.idx.msk [tilespmem:v12+s3+$0x0], $0xffff  }
0x4e7: {  	v13 =	vld.idx.msk [tilespmem:v13+s3+$0x0], $0xffff  }
0x4e8: {  	v14 =	vld.idx.msk [tilespmem:v14+s3+$0x0], $0xffff  }
0x4e9: {  	v15 =	vld.idx.msk [tilespmem:v15+s3+$0x0], $0xffff;
	v10 =	vsub.f32 v18, v10  }
0x4ea: {  	v17 =	vld.idx.msk [tilespmem:v17+s3+$0x0], $0xffff  }
0x4eb: {  	v16 =	vld.idx.msk [tilespmem:v16+s3+$0x0], $0xffff;
	v10 =	vmul.f32 v10, v10  }
0x4ec: {  	s6 =	sadd.s32 $0x80, s6;
	v18 =	vld [tilespmem:s25+$0xFFFFFFC0]  }
0x4ed: {  	[tilespmem:s6+$0x0] =	vst.add.f32.msk $0xffff, v10  }
0x4ee: {  	v10 =	vld [tilespmem:s25+$0xFFFFFFD0]  }
0x4ef: {  	v19 =	vld [tilespmem:s25+$0xFFFFFFE0]  }
0x4f0: {  	v20 =	vld [tilespmem:s25+$0xFFFFFFF0]  }
0x4f1: {  	v17 =	vsub.f32 v18, v17;
	v18 =	vld [tilespmem:s25+$0x0]  }
0x4f2: {  	v21 =	vld [tilespmem:s25+$0x10]  }
0x4f3: {  	v17 =	vmul.f32 v17, v17;
	v10 =	vsub.f32 v10, v11;
	v11 =	vld [tilespmem:s25+$0x20]  }
0x4f4: {  	v12 =	vsub.f32 v19, v12;
	[tilespmem:s24+$0xFFFFFFE0] =	vst.add.f32.msk $0xffff, v9  }
0x4f5: {  	[tilespmem:s6+$0xFFFFFF90] =	vst.add.f32.msk $0xffff, v17;
	v9 =	vmul.f32 v10, v10;
	v10 =	vsub.f32 v20, v13  }
.Ltmp8:
0x4f6: {  	v12 =	vmul.f32 v12, v12;
	v13 =	vsub.f32 v18, v14;
	[tilespmem:s24+$0xFFFFFFF0] =	vst.add.f32.msk $0xffff, v8;
	s24 =	smov.u32 s6;
	(pc) =	sbr.rel @p1 .LBB2_18-.Ltmp8, $4  }
0x4f7: {  	[tilespmem:s6+$0xFFFFFFA0] =	vst.add.f32.msk $0xffff, v9;
	v8 =	vmul.f32 v10, v10;
	v9 =	vsub.f32 v21, v15  }
0x4f8: {  	[tilespmem:s6+$0xFFFFFFB0] =	vst.add.f32.msk $0xffff, v12;
	v10 =	vmul.f32 v13, v13;
	v11 =	vsub.f32 v11, v16  }
0x4f9: {  	[tilespmem:s6+$0xFFFFFFC0] =	vst.add.f32.msk $0xffff, v8;
	v9 =	vmul.f32 v9, v9  }
0x4fa: {  	s1 =	sadd.s32 $0x100, s1;
	[tilespmem:s6+$0xFFFFFFD0] =	vst.add.f32.msk $0xffff, v10;
	v8 =	vmul.f32 v11, v11  }
0x4fb: {  	[tilespmem:s24+$0xFFFFFFE0] =	vst.add.f32.msk $0xffff, v9  }
0x4fc: {  	[tilespmem:s24+$0xFFFFFFF0] =	vst.add.f32.msk $0xffff, v8  }
0x4fd: {  	s1 =	simm.s32 $0x18700;
	s6 =	sld [smem:$0x7D7]  }
0x4fe: {  	[tilespmem:s1], [sflag:$0x2] =	stream.linear.gather [hbm4b:s26+s3], $0x80, $0x38;
	[tilespmem:$0x1EB80] =	vst v63  }
0x4ff: {  	s12 =	simm.s32 $0x18800;
	s25 =	sld [smem:$0x7D8]  }
0x500: {  	[tilespmem:s12], [sflag:$0x2] =	stream.linear.gather [hbm4b:s6+s3], $0x80, $0x38;
	[tilespmem:$0x1EB80] =	vst v63  }
0x501: {  	s24 =	simm.s32 $0x18900;
	s12 =	sld [smem:$0x7D9]  }
0x502: {  	[tilespmem:s24], [sflag:$0x2] =	stream.linear.gather [hbm4b:s25+s3], $0x80, $0x38;
	[tilespmem:$0x1EB80] =	vst v63  }
0x503: {  	s6 =	simm.s32 $0x18A00;
	s25 =	sld [smem:$0x7DA]  }
0x504: {  	[tilespmem:s6], [sflag:$0x2] =	stream.linear.gather [hbm4b:s12+s3], $0x80, $0x38;
	[tilespmem:$0x1EB80] =	vst v63  }
0x505: {  	s24 =	simm.s32 $0x18B00;
	s12 =	sld [smem:$0x7DB]  }
0x506: {  	[tilespmem:s24], [sflag:$0x2] =	stream.linear.gather [hbm4b:s25+s3], $0x80, $0x38;
	[tilespmem:$0x1EB80] =	vst v63  }
0x507: {  	s6 =	simm.s32 $0x18C00;
	s25 =	sld [smem:$0x7DC]  }
0x508: {  	[tilespmem:s6], [sflag:$0x2] =	stream.linear.gather [hbm4b:s12+s3], $0x80, $0x38;
	[tilespmem:$0x1EB80] =	vst v63  }
0x509: {  	s24 =	simm.s32 $0x18D00;
	s12 =	sld [smem:$0x7DD]  }
0x50a: {  	[tilespmem:s24], [sflag:$0x2] =	stream.linear.gather [hbm4b:s25+s3], $0x80, $0x38;
	[tilespmem:$0x1EB80] =	vst v63  }
0x50b: {  	s6 =	simm.s32 $0x18E00;
	s25 =	sld [smem:$0x7DE]  }
0x50c: {  	[tilespmem:s6], [sflag:$0x2] =	stream.linear.gather [hbm4b:s12+s3], $0x80, $0x38;
	[tilespmem:$0x1EB80] =	vst v63  }
0x50d: {  	s24 =	simm.s32 $0x18F00;
	s12 =	sld [smem:$0x7DF]  }
0x50e: {  	[tilespmem:s24], [sflag:$0x2] =	stream.linear.gather [hbm4b:s25+s3], $0x80, $0x38;
	[tilespmem:$0x1EB80] =	vst v63  }
0x50f: {  	s6 =	simm.s32 $0x19000;
	s25 =	sld [smem:$0x7E0]  }
0x510: {  	[tilespmem:s6], [sflag:$0x2] =	stream.linear.gather [hbm4b:s12+s3], $0x80, $0x38;
	[tilespmem:$0x1EB80] =	vst v63  }
0x511: {  	s24 =	simm.s32 $0x19100;
	s12 =	sld [smem:$0x7E1]  }
0x512: {  	[tilespmem:s24], [sflag:$0x2] =	stream.linear.gather [hbm4b:s25+s3], $0x80, $0x38;
	[tilespmem:$0x1EB80] =	vst v63  }
0x513: {  	s6 =	simm.s32 $0x19200;
	s25 =	sld [smem:$0x7E2]  }
0x514: {  	[tilespmem:s6], [sflag:$0x2] =	stream.linear.gather [hbm4b:s12+s3], $0x80, $0x38;
	[tilespmem:$0x1EB80] =	vst v63  }
0x515: {  	s24 =	simm.s32 $0x19300;
	s12 =	sld [smem:$0x7E3]  }
0x516: {  	[tilespmem:s24], [sflag:$0x2] =	stream.linear.gather [hbm4b:s25+s3], $0x80, $0x38;
	[tilespmem:$0x1EB80] =	vst v63  }
0x517: {  	s6 =	simm.s32 $0x19400;
	s25 =	sld [smem:$0x7E4]  }
0x518: {  	[tilespmem:s6], [sflag:$0x2] =	stream.linear.gather [hbm4b:s12+s3], $0x80, $0x38;
	[tilespmem:$0x1EB80] =	vst v63  }
0x519: {  	s24 =	simm.s32 $0x19500  }
0x51a: {  	[tilespmem:s24], [sflag:$0x2] =	stream.linear.gather [hbm4b:s25+s3], $0x80, $0x38;
	[tilespmem:$0x1EB80] =	vst v63  }
0x51b: {  	s24 =	sld [smem:$0x7E5];
	_ =	sdelay $0x1  }
0x51c: {  	s12 =	simm.s32 $0x19600  }
0x51d: {  	[tilespmem:s12], [sflag:$0x2] =	stream.linear.gather [hbm4b:s24+s3], $0x80, $0x38;
	[tilespmem:$0x1EB80] =	vst v63  }
0x51e: {  	s25 =	simm.s32 $0x19700  }
0x51f: {  	[tilespmem:s25], [sflag:$0x2] =	stream.linear.gather [hbm4b:s17+s3], $0x80, $0x38;
	[tilespmem:$0x1EB80] =	vst v63  }
0x520: {  	s6 =	sadd.s32 $0x80, s17;
	s12 =	simm.s32 $0x19800  }
0x521: {  	[tilespmem:s12], [sflag:$0x2] =	stream.linear.gather [hbm4b:s6+s3], $0x80, $0x38;
	[tilespmem:$0x1EB80] =	vst v63  }
0x522: {  	s24 =	sadd.s32 $0x100, s17;
	s25 =	simm.s32 $0x19900  }
0x523: {  	[tilespmem:s25], [sflag:$0x2] =	stream.linear.gather [hbm4b:s24+s3], $0x80, $0x38;
	[tilespmem:$0x1EB80] =	vst v63  }
0x524: {  	s6 =	sadd.s32 $0x180, s17;
	s12 =	simm.s32 $0x19A00  }
0x525: {  	[tilespmem:s12], [sflag:$0x2] =	stream.linear.gather [hbm4b:s6+s3], $0x80, $0x38;
	[tilespmem:$0x1EB80] =	vst v63  }
0x526: {  	s24 =	sadd.s32 $0x200, s17;
	s25 =	simm.s32 $0x19B00  }
0x527: {  	[tilespmem:s25], [sflag:$0x2] =	stream.linear.gather [hbm4b:s24+s3], $0x80, $0x38;
	[tilespmem:$0x1EB80] =	vst v63  }
0x528: {  	s6 =	sadd.s32 $0x280, s17;
	s12 =	simm.s32 $0x19C00  }
0x529: {  	[tilespmem:s12], [sflag:$0x2] =	stream.linear.gather [hbm4b:s6+s3], $0x80, $0x38;
	[tilespmem:$0x1EB80] =	vst v63  }
0x52a: {  	s24 =	sadd.s32 $0x300, s17;
	s25 =	simm.s32 $0x19D00  }
0x52b: {  	[tilespmem:s25], [sflag:$0x2] =	stream.linear.gather [hbm4b:s24+s3], $0x80, $0x38;
	[tilespmem:$0x1EB80] =	vst v63  }
0x52c: {  	s6 =	sadd.s32 $0x380, s17;
	s12 =	simm.s32 $0x19E00  }
0x52d: {  	[tilespmem:s12], [sflag:$0x2] =	stream.linear.gather [hbm4b:s6+s3], $0x80, $0x38;
	[tilespmem:$0x1EB80] =	vst v63  }
0x52e: {  	s24 =	sadd.s32 $0x400, s17;
	s25 =	simm.s32 $0x19F00  }
0x52f: {  	[tilespmem:s25], [sflag:$0x2] =	stream.linear.gather [hbm4b:s24+s3], $0x80, $0x38;
	[tilespmem:$0x1EB80] =	vst v63  }
0x530: {  	s6 =	sadd.s32 $0x480, s17;
	s12 =	simm.s32 $0x1A000  }
0x531: {  	[tilespmem:s12], [sflag:$0x2] =	stream.linear.gather [hbm4b:s6+s3], $0x80, $0x38;
	[tilespmem:$0x1EB80] =	vst v63  }
0x532: {  	s24 =	sadd.s32 $0x500, s17;
	s25 =	simm.s32 $0x1A100  }
0x533: {  	[tilespmem:s25], [sflag:$0x2] =	stream.linear.gather [hbm4b:s24+s3], $0x80, $0x38;
	[tilespmem:$0x1EB80] =	vst v63  }
0x534: {  	s6 =	sadd.s32 $0x580, s17;
	s12 =	simm.s32 $0x1A200  }
0x535: {  	[tilespmem:s12], [sflag:$0x2] =	stream.linear.gather [hbm4b:s6+s3], $0x80, $0x38;
	[tilespmem:$0x1EB80] =	vst v63  }
0x536: {  	s24 =	sadd.s32 $0x600, s17;
	s25 =	simm.s32 $0x1A300  }
0x537: {  	[tilespmem:s25], [sflag:$0x2] =	stream.linear.gather [hbm4b:s24+s3], $0x80, $0x38;
	[tilespmem:$0x1EB80] =	vst v63  }
0x538: {  	s6 =	sadd.s32 $0x680, s17;
	s12 =	simm.s32 $0x1A400  }
0x539: {  	[tilespmem:s12], [sflag:$0x2] =	stream.linear.gather [hbm4b:s6+s3], $0x80, $0x38;
	[tilespmem:$0x1EB80] =	vst v63  }
0x53a: {  	s24 =	sadd.s32 $0x700, s17;
	s25 =	simm.s32 $0x1A500  }
0x53b: {  	[tilespmem:s25], [sflag:$0x2] =	stream.linear.gather [hbm4b:s24+s3], $0x80, $0x38;
	[tilespmem:$0x1EB80] =	vst v63  }
0x53c: {  	s6 =	sadd.s32 $0x780, s17;
	s12 =	simm.s32 $0x1A600  }
0x53d: {  	[tilespmem:s12], [sflag:$0x2] =	stream.linear.gather [hbm4b:s6+s3], $0x80, $0x38;
	[tilespmem:$0x1EB80] =	vst v63  }
0x53e: {  	_ =	swait.ge [sflag:s4], $0x800  }
0x53f: {  	[sflag:s4] =	ssyncset.done $0x0  }
0x540: {  	[sflag:s4] =	ssyncadd.s32 $0xFFFFF800  }
0x541: {  	_ =	swait.ge [sflag:s4], $0x800  }
0x542: {  	[sflag:s4] =	ssyncset.done $0x0  }
0x543: {  	s24 =	simm.s32 $0x187F0;
	[sflag:s4] =	ssyncadd.s32 $0xFFFFF800  }
0x544: {  	v8 =	vld [tilespmem:s24+$0x0]  }
0x545: {  	v9 =	vld [tilespmem:s24+$0xFFFFFFA0]  }
0x546: {  	v10 =	vld [tilespmem:s24+$0xFFFFFFB0]  }
0x547: {  	v11 =	vld [tilespmem:s24+$0xFFFFFFC0]  }
0x548: {  	v12 =	vld [tilespmem:s24+$0xFFFFFFD0]  }
0x549: {  	v13 =	vld [tilespmem:s24+$0xFFFFFFE0]  }
0x54a: {  	v14 =	vld [tilespmem:s24+$0xFFFFFFF0]  }
0x54b: {  	s25 =	simm.s32 $0x197F0;
	v15 =	vld [tilespmem:s24+$0xFFFFFF90]  }
0x54c: {  	v16 =	vld [tilespmem:s25+$0x0]  }
0x54d: {  	v17 =	vld [tilespmem:s25+$0xFFFFFF90]  }
0x54e: {  	v18 =	vld [tilespmem:s25+$0xFFFFFFA0]  }
0x54f: {  	v19 =	vld [tilespmem:s25+$0xFFFFFFB0]  }
0x550: {  	v20 =	vld [tilespmem:s25+$0xFFFFFFC0]  }
0x551: {  	v61 =	vld [tilespmem:s25+$0xFFFFFFD0]  }
0x552: {  	v62 =	vld [tilespmem:s25+$0xFFFFFFE0]  }
0x553: {  	v63 =	vld [tilespmem:s25+$0xFFFFFFF0]  }
0x554: {  	v8 =	vld.idx.msk [tilespmem:v8+s3+$0x0], $0xffff  }
0x555: {  	v15 =	vld.idx.msk [tilespmem:v15+s3+$0x0], $0xffff  }
0x556: {  	v9 =	vld.idx.msk [tilespmem:v9+s3+$0x0], $0xffff  }
0x557: {  	v10 =	vld.idx.msk [tilespmem:v10+s3+$0x0], $0xffff  }
0x558: {  	v11 =	vld.idx.msk [tilespmem:v11+s3+$0x0], $0xffff  }
0x559: {  	v12 =	vld.idx.msk [tilespmem:v12+s3+$0x0], $0xffff;
	v8 =	vsub.f32 v16, v8  }
0x55a: {  	v13 =	vld.idx.msk [tilespmem:v13+s3+$0x0], $0xffff;
	v15 =	vsub.f32 v17, v15  }
0x55b: {  	v14 =	vld.idx.msk [tilespmem:v14+s3+$0x0], $0xffff;
	v9 =	vsub.f32 v18, v9;
	v8 =	vmul.f32 v8, v8  }
0x55c: {  	s6 =	simm.s32 $0x1AF70;
	v10 =	vsub.f32 v19, v10;
	v15 =	vmul.f32 v15, v15  }
0x55d: {  	[tilespmem:s6+$0x0] =	vst.add.f32.msk $0xffff, v8;
	v8 =	vmul.f32 v9, v9;
	v9 =	vsub.f32 v20, v11  }
0x55e: {  	v10 =	vmul.f32 v10, v10;
	[tilespmem:s6+$0xFFFFFF90] =	vst.add.f32.msk $0xffff, v15;
	v11 =	vsub.f32 v61, v12  }
0x55f: {  	[tilespmem:s6+$0xFFFFFFA0] =	vst.add.f32.msk $0xffff, v8;
	v8 =	vmul.f32 v9, v9  }
0x560: {  	[tilespmem:s6+$0xFFFFFFB0] =	vst.add.f32.msk $0xffff, v10;
	v9 =	vsub.f32 v62, v13;
	v10 =	vmul.f32 v11, v11;
	v11 =	vsub.f32 v63, v14  }
0x561: {  	[tilespmem:s6+$0xFFFFFFC0] =	vst.add.f32.msk $0xffff, v8  }
0x562: {  	s1 =	simm.s32 $0x188F0;
	s12 =	simm.s32 $0x0;
	s24 =	simm.s32 $0x1AF70;
	v9 =	vmul.f32 v9, v9;
	[tilespmem:s6+$0xFFFFFFD0] =	vst.add.f32.msk $0xffff, v10;
	v8 =	vmul.f32 v11, v11  }
.LBB2_20:
0x563: {  	v10 =	vld [tilespmem:s1+$0x0];
	s12 =	sadd.s32 $0x8, s12  }
0x564: {  	v11 =	vld [tilespmem:s1+$0xFFFFFFA0];
	p1 =	slt.u32 s12, $0x78  }
0x565: {  	v12 =	vld [tilespmem:s1+$0xFFFFFFB0]  }
0x566: {  	v13 =	vld [tilespmem:s1+$0xFFFFFFC0]  }
0x567: {  	v14 =	vld [tilespmem:s1+$0xFFFFFFD0]  }
0x568: {  	v15 =	vld [tilespmem:s1+$0xFFFFFFE0]  }
0x569: {  	v16 =	vld [tilespmem:s1+$0xFFFFFFF0]  }
0x56a: {  	v17 =	vld [tilespmem:s1+$0xFFFFFF90]  }
0x56b: {  	s25 =	sadd.s32 $0x100, s25;
	v10 =	vld.idx.msk [tilespmem:v10+s3+$0x0], $0xffff  }
0x56c: {  	v18 =	vld [tilespmem:s25+$0x0]  }
0x56d: {  	v11 =	vld.idx.msk [tilespmem:v11+s3+$0x0], $0xffff  }
0x56e: {  	v12 =	vld.idx.msk [tilespmem:v12+s3+$0x0], $0xffff  }
0x56f: {  	v13 =	vld.idx.msk [tilespmem:v13+s3+$0x0], $0xffff  }
0x570: {  	v14 =	vld.idx.msk [tilespmem:v14+s3+$0x0], $0xffff  }
0x571: {  	v15 =	vld.idx.msk [tilespmem:v15+s3+$0x0], $0xffff;
	v10 =	vsub.f32 v18, v10  }
0x572: {  	v17 =	vld.idx.msk [tilespmem:v17+s3+$0x0], $0xffff  }
0x573: {  	v16 =	vld.idx.msk [tilespmem:v16+s3+$0x0], $0xffff;
	v10 =	vmul.f32 v10, v10  }
0x574: {  	s6 =	sadd.s32 $0x80, s6;
	v18 =	vld [tilespmem:s25+$0xFFFFFF90]  }
0x575: {  	[tilespmem:s6+$0x0] =	vst.add.f32.msk $0xffff, v10  }
0x576: {  	v10 =	vld [tilespmem:s25+$0xFFFFFFA0]  }
0x577: {  	v19 =	vld [tilespmem:s25+$0xFFFFFFB0]  }
0x578: {  	v20 =	vld [tilespmem:s25+$0xFFFFFFC0]  }
0x579: {  	v17 =	vsub.f32 v18, v17;
	v18 =	vld [tilespmem:s25+$0xFFFFFFD0]  }
0x57a: {  	v21 =	vld [tilespmem:s25+$0xFFFFFFE0]  }
0x57b: {  	v17 =	vmul.f32 v17, v17;
	v10 =	vsub.f32 v10, v11;
	v11 =	vld [tilespmem:s25+$0xFFFFFFF0]  }
0x57c: {  	v12 =	vsub.f32 v19, v12;
	[tilespmem:s24+$0xFFFFFFE0] =	vst.add.f32.msk $0xffff, v9  }
0x57d: {  	[tilespmem:s6+$0xFFFFFF90] =	vst.add.f32.msk $0xffff, v17;
	v9 =	vmul.f32 v10, v10;
	v10 =	vsub.f32 v20, v13  }
.Ltmp9:
0x57e: {  	v12 =	vmul.f32 v12, v12;
	v13 =	vsub.f32 v18, v14;
	[tilespmem:s24+$0xFFFFFFF0] =	vst.add.f32.msk $0xffff, v8;
	s24 =	smov.u32 s6;
	(pc) =	sbr.rel @p1 .LBB2_20-.Ltmp9, $4  }
0x57f: {  	[tilespmem:s6+$0xFFFFFFA0] =	vst.add.f32.msk $0xffff, v9;
	v8 =	vmul.f32 v10, v10;
	v9 =	vsub.f32 v21, v15  }
0x580: {  	[tilespmem:s6+$0xFFFFFFB0] =	vst.add.f32.msk $0xffff, v12;
	v10 =	vmul.f32 v13, v13;
	v11 =	vsub.f32 v11, v16  }
0x581: {  	[tilespmem:s6+$0xFFFFFFC0] =	vst.add.f32.msk $0xffff, v8;
	v9 =	vmul.f32 v9, v9  }
0x582: {  	s1 =	sadd.s32 $0x100, s1;
	[tilespmem:s6+$0xFFFFFFD0] =	vst.add.f32.msk $0xffff, v10;
	v8 =	vmul.f32 v11, v11  }
0x583: {  	[tilespmem:s24+$0xFFFFFFE0] =	vst.add.f32.msk $0xffff, v9  }
0x584: {  	[tilespmem:s24+$0xFFFFFFF0] =	vst.add.f32.msk $0xffff, v8  }
0x585: {  	s1 =	simm.s32 $0x18780;
	s6 =	sld [smem:$0x7C8]  }
0x586: {  	[tilespmem:s1], [sflag:$0x3] =	stream.linear.gather [hbm4b:s28+s3], $0x80, $0x38;
	[tilespmem:$0x1EB80] =	vst v63  }
0x587: {  	s12 =	simm.s32 $0x18880;
	s25 =	sld [smem:$0x7C9]  }
0x588: {  	[tilespmem:s12], [sflag:$0x3] =	stream.linear.gather [hbm4b:s6+s3], $0x80, $0x38;
	[tilespmem:$0x1EB80] =	vst v63  }
0x589: {  	s24 =	simm.s32 $0x18980;
	s12 =	sld [smem:$0x7CA]  }
0x58a: {  	[tilespmem:s24], [sflag:$0x3] =	stream.linear.gather [hbm4b:s25+s3], $0x80, $0x38;
	[tilespmem:$0x1EB80] =	vst v63  }
0x58b: {  	s6 =	simm.s32 $0x18A80;
	s25 =	sld [smem:$0x7CB]  }
0x58c: {  	[tilespmem:s6], [sflag:$0x3] =	stream.linear.gather [hbm4b:s12+s3], $0x80, $0x38;
	[tilespmem:$0x1EB80] =	vst v63  }
0x58d: {  	s24 =	simm.s32 $0x18B80;
	s12 =	sld [smem:$0x7CC]  }
0x58e: {  	[tilespmem:s24], [sflag:$0x3] =	stream.linear.gather [hbm4b:s25+s3], $0x80, $0x38;
	[tilespmem:$0x1EB80] =	vst v63  }
0x58f: {  	s6 =	simm.s32 $0x18C80;
	s25 =	sld [smem:$0x7CD]  }
0x590: {  	[tilespmem:s6], [sflag:$0x3] =	stream.linear.gather [hbm4b:s12+s3], $0x80, $0x38;
	[tilespmem:$0x1EB80] =	vst v63  }
0x591: {  	s24 =	simm.s32 $0x18D80;
	s12 =	sld [smem:$0x7CE]  }
0x592: {  	[tilespmem:s24], [sflag:$0x3] =	stream.linear.gather [hbm4b:s25+s3], $0x80, $0x38;
	[tilespmem:$0x1EB80] =	vst v63  }
0x593: {  	s6 =	simm.s32 $0x18E80;
	s25 =	sld [smem:$0x7CF]  }
0x594: {  	[tilespmem:s6], [sflag:$0x3] =	stream.linear.gather [hbm4b:s12+s3], $0x80, $0x38;
	[tilespmem:$0x1EB80] =	vst v63  }
0x595: {  	s24 =	simm.s32 $0x18F80;
	s12 =	sld [smem:$0x7D0]  }
0x596: {  	[tilespmem:s24], [sflag:$0x3] =	stream.linear.gather [hbm4b:s25+s3], $0x80, $0x38;
	[tilespmem:$0x1EB80] =	vst v63  }
0x597: {  	s6 =	simm.s32 $0x19080;
	s25 =	sld [smem:$0x7D1]  }
0x598: {  	[tilespmem:s6], [sflag:$0x3] =	stream.linear.gather [hbm4b:s12+s3], $0x80, $0x38;
	[tilespmem:$0x1EB80] =	vst v63  }
0x599: {  	s24 =	simm.s32 $0x19180;
	s12 =	sld [smem:$0x7D2]  }
0x59a: {  	[tilespmem:s24], [sflag:$0x3] =	stream.linear.gather [hbm4b:s25+s3], $0x80, $0x38;
	[tilespmem:$0x1EB80] =	vst v63  }
0x59b: {  	s6 =	simm.s32 $0x19280;
	s25 =	sld [smem:$0x7D3]  }
0x59c: {  	[tilespmem:s6], [sflag:$0x3] =	stream.linear.gather [hbm4b:s12+s3], $0x80, $0x38;
	[tilespmem:$0x1EB80] =	vst v63  }
0x59d: {  	s24 =	simm.s32 $0x19380;
	s12 =	sld [smem:$0x7D4]  }
0x59e: {  	[tilespmem:s24], [sflag:$0x3] =	stream.linear.gather [hbm4b:s25+s3], $0x80, $0x38;
	[tilespmem:$0x1EB80] =	vst v63  }
0x59f: {  	s6 =	simm.s32 $0x19480;
	s25 =	sld [smem:$0x7D5]  }
0x5a0: {  	[tilespmem:s6], [sflag:$0x3] =	stream.linear.gather [hbm4b:s12+s3], $0x80, $0x38;
	[tilespmem:$0x1EB80] =	vst v63  }
0x5a1: {  	s24 =	simm.s32 $0x19580  }
0x5a2: {  	[tilespmem:s24], [sflag:$0x3] =	stream.linear.gather [hbm4b:s25+s3], $0x80, $0x38;
	[tilespmem:$0x1EB80] =	vst v63  }
0x5a3: {  	s24 =	sld [smem:$0x7D6];
	_ =	sdelay $0x1  }
0x5a4: {  	s12 =	simm.s32 $0x19680  }
0x5a5: {  	[tilespmem:s12], [sflag:$0x3] =	stream.linear.gather [hbm4b:s24+s3], $0x80, $0x38;
	[tilespmem:$0x1EB80] =	vst v63  }
0x5a6: {  	s25 =	simm.s32 $0x19780  }
0x5a7: {  	[tilespmem:s25], [sflag:$0x3] =	stream.linear.gather [hbm4b:s18+s3], $0x80, $0x38;
	[tilespmem:$0x1EB80] =	vst v63  }
0x5a8: {  	s6 =	sadd.s32 $0x80, s18;
	s12 =	simm.s32 $0x19880  }
0x5a9: {  	[tilespmem:s12], [sflag:$0x3] =	stream.linear.gather [hbm4b:s6+s3], $0x80, $0x38;
	[tilespmem:$0x1EB80] =	vst v63  }
0x5aa: {  	s24 =	sadd.s32 $0x100, s18;
	s25 =	simm.s32 $0x19980  }
0x5ab: {  	[tilespmem:s25], [sflag:$0x3] =	stream.linear.gather [hbm4b:s24+s3], $0x80, $0x38;
	[tilespmem:$0x1EB80] =	vst v63  }
0x5ac: {  	s6 =	sadd.s32 $0x180, s18;
	s12 =	simm.s32 $0x19A80  }
0x5ad: {  	[tilespmem:s12], [sflag:$0x3] =	stream.linear.gather [hbm4b:s6+s3], $0x80, $0x38;
	[tilespmem:$0x1EB80] =	vst v63  }
0x5ae: {  	s24 =	sadd.s32 $0x200, s18;
	s25 =	simm.s32 $0x19B80  }
0x5af: {  	[tilespmem:s25], [sflag:$0x3] =	stream.linear.gather [hbm4b:s24+s3], $0x80, $0x38;
	[tilespmem:$0x1EB80] =	vst v63  }
0x5b0: {  	s6 =	sadd.s32 $0x280, s18;
	s12 =	simm.s32 $0x19C80  }
0x5b1: {  	[tilespmem:s12], [sflag:$0x3] =	stream.linear.gather [hbm4b:s6+s3], $0x80, $0x38;
	[tilespmem:$0x1EB80] =	vst v63  }
0x5b2: {  	s24 =	sadd.s32 $0x300, s18;
	s25 =	simm.s32 $0x19D80  }
0x5b3: {  	[tilespmem:s25], [sflag:$0x3] =	stream.linear.gather [hbm4b:s24+s3], $0x80, $0x38;
	[tilespmem:$0x1EB80] =	vst v63  }
0x5b4: {  	s6 =	sadd.s32 $0x380, s18;
	s12 =	simm.s32 $0x19E80  }
0x5b5: {  	[tilespmem:s12], [sflag:$0x3] =	stream.linear.gather [hbm4b:s6+s3], $0x80, $0x38;
	[tilespmem:$0x1EB80] =	vst v63  }
0x5b6: {  	s24 =	sadd.s32 $0x400, s18;
	s25 =	simm.s32 $0x19F80  }
0x5b7: {  	[tilespmem:s25], [sflag:$0x3] =	stream.linear.gather [hbm4b:s24+s3], $0x80, $0x38;
	[tilespmem:$0x1EB80] =	vst v63  }
0x5b8: {  	s6 =	sadd.s32 $0x480, s18;
	s12 =	simm.s32 $0x1A080  }
0x5b9: {  	[tilespmem:s12], [sflag:$0x3] =	stream.linear.gather [hbm4b:s6+s3], $0x80, $0x38;
	[tilespmem:$0x1EB80] =	vst v63  }
0x5ba: {  	s24 =	sadd.s32 $0x500, s18;
	s25 =	simm.s32 $0x1A180  }
0x5bb: {  	[tilespmem:s25], [sflag:$0x3] =	stream.linear.gather [hbm4b:s24+s3], $0x80, $0x38;
	[tilespmem:$0x1EB80] =	vst v63  }
0x5bc: {  	s6 =	sadd.s32 $0x580, s18;
	s12 =	simm.s32 $0x1A280  }
0x5bd: {  	[tilespmem:s12], [sflag:$0x3] =	stream.linear.gather [hbm4b:s6+s3], $0x80, $0x38;
	[tilespmem:$0x1EB80] =	vst v63  }
0x5be: {  	s24 =	sadd.s32 $0x600, s18;
	s25 =	simm.s32 $0x1A380  }
0x5bf: {  	[tilespmem:s25], [sflag:$0x3] =	stream.linear.gather [hbm4b:s24+s3], $0x80, $0x38;
	[tilespmem:$0x1EB80] =	vst v63  }
0x5c0: {  	s6 =	sadd.s32 $0x680, s18;
	s12 =	simm.s32 $0x1A480  }
0x5c1: {  	[tilespmem:s12], [sflag:$0x3] =	stream.linear.gather [hbm4b:s6+s3], $0x80, $0x38;
	[tilespmem:$0x1EB80] =	vst v63  }
0x5c2: {  	s24 =	sadd.s32 $0x700, s18;
	s25 =	simm.s32 $0x1A580  }
0x5c3: {  	[tilespmem:s25], [sflag:$0x3] =	stream.linear.gather [hbm4b:s24+s3], $0x80, $0x38;
	[tilespmem:$0x1EB80] =	vst v63  }
0x5c4: {  	s6 =	sadd.s32 $0x780, s18;
	s12 =	simm.s32 $0x1A680  }
0x5c5: {  	[tilespmem:s12], [sflag:$0x3] =	stream.linear.gather [hbm4b:s6+s3], $0x80, $0x38;
	[tilespmem:$0x1EB80] =	vst v63  }
0x5c6: {  	_ =	swait.ge [sflag:s2], $0x800  }
0x5c7: {  	[sflag:s2] =	ssyncset.done $0x0  }
0x5c8: {  	[sflag:s2] =	ssyncadd.s32 $0xFFFFF800  }
0x5c9: {  	_ =	swait.ge [sflag:s2], $0x800  }
0x5ca: {  	[sflag:s2] =	ssyncset.done $0x0  }
0x5cb: {  	s24 =	simm.s32 $0x18740;
	[sflag:s2] =	ssyncadd.s32 $0xFFFFF800  }
0x5cc: {  	v8 =	vld [tilespmem:s24+$0x30]  }
0x5cd: {  	v9 =	vld [tilespmem:s24+$0xFFFFFFD0]  }
0x5ce: {  	v10 =	vld [tilespmem:s24+$0xFFFFFFE0]  }
0x5cf: {  	v11 =	vld [tilespmem:s24+$0xFFFFFFF0]  }
0x5d0: {  	v12 =	vld [tilespmem:s24+$0x0]  }
0x5d1: {  	v13 =	vld [tilespmem:s24+$0x10]  }
0x5d2: {  	v14 =	vld [tilespmem:s24+$0x20]  }
0x5d3: {  	s25 =	simm.s32 $0x19740;
	v15 =	vld [tilespmem:s24+$0xFFFFFFC0]  }
0x5d4: {  	v16 =	vld [tilespmem:s25+$0x30]  }
0x5d5: {  	v17 =	vld [tilespmem:s25+$0xFFFFFFC0]  }
0x5d6: {  	v18 =	vld [tilespmem:s25+$0xFFFFFFD0]  }
0x5d7: {  	v19 =	vld [tilespmem:s25+$0xFFFFFFE0]  }
0x5d8: {  	v20 =	vld [tilespmem:s25+$0xFFFFFFF0]  }
0x5d9: {  	v61 =	vld [tilespmem:s25+$0x0]  }
0x5da: {  	v62 =	vld [tilespmem:s25+$0x10]  }
0x5db: {  	v63 =	vld [tilespmem:s25+$0x20]  }
0x5dc: {  	v8 =	vld.idx.msk [tilespmem:v8+s3+$0x0], $0xffff  }
0x5dd: {  	v15 =	vld.idx.msk [tilespmem:v15+s3+$0x0], $0xffff  }
0x5de: {  	v9 =	vld.idx.msk [tilespmem:v9+s3+$0x0], $0xffff  }
0x5df: {  	v10 =	vld.idx.msk [tilespmem:v10+s3+$0x0], $0xffff  }
0x5e0: {  	v11 =	vld.idx.msk [tilespmem:v11+s3+$0x0], $0xffff  }
0x5e1: {  	v12 =	vld.idx.msk [tilespmem:v12+s3+$0x0], $0xffff;
	v8 =	vsub.f32 v16, v8  }
0x5e2: {  	v13 =	vld.idx.msk [tilespmem:v13+s3+$0x0], $0xffff;
	v15 =	vsub.f32 v17, v15  }
0x5e3: {  	v14 =	vld.idx.msk [tilespmem:v14+s3+$0x0], $0xffff;
	v9 =	vsub.f32 v18, v9;
	v8 =	vmul.f32 v8, v8  }
0x5e4: {  	s6 =	simm.s32 $0x1B770;
	v10 =	vsub.f32 v19, v10;
	v15 =	vmul.f32 v15, v15  }
0x5e5: {  	[tilespmem:s6+$0x0] =	vst.add.f32.msk $0xffff, v8;
	v8 =	vmul.f32 v9, v9;
	v9 =	vsub.f32 v20, v11  }
0x5e6: {  	v10 =	vmul.f32 v10, v10;
	[tilespmem:s6+$0xFFFFFF90] =	vst.add.f32.msk $0xffff, v15;
	v11 =	vsub.f32 v61, v12  }
0x5e7: {  	[tilespmem:s6+$0xFFFFFFA0] =	vst.add.f32.msk $0xffff, v8;
	v8 =	vmul.f32 v9, v9  }
0x5e8: {  	[tilespmem:s6+$0xFFFFFFB0] =	vst.add.f32.msk $0xffff, v10;
	v9 =	vsub.f32 v62, v13;
	v10 =	vmul.f32 v11, v11;
	v11 =	vsub.f32 v63, v14  }
0x5e9: {  	[tilespmem:s6+$0xFFFFFFC0] =	vst.add.f32.msk $0xffff, v8  }
0x5ea: {  	s1 =	simm.s32 $0x18840;
	s12 =	simm.s32 $0x0;
	s24 =	simm.s32 $0x1B770;
	v9 =	vmul.f32 v9, v9;
	[tilespmem:s6+$0xFFFFFFD0] =	vst.add.f32.msk $0xffff, v10;
	v8 =	vmul.f32 v11, v11  }
.LBB2_22:
0x5eb: {  	v10 =	vld [tilespmem:s1+$0x30];
	s12 =	sadd.s32 $0x8, s12  }
0x5ec: {  	v11 =	vld [tilespmem:s1+$0xFFFFFFD0];
	p1 =	slt.u32 s12, $0x78  }
0x5ed: {  	v12 =	vld [tilespmem:s1+$0xFFFFFFE0]  }
0x5ee: {  	v13 =	vld [tilespmem:s1+$0xFFFFFFF0]  }
0x5ef: {  	v14 =	vld [tilespmem:s1+$0x0]  }
0x5f0: {  	v15 =	vld [tilespmem:s1+$0x10]  }
0x5f1: {  	v16 =	vld [tilespmem:s1+$0x20]  }
0x5f2: {  	v17 =	vld [tilespmem:s1+$0xFFFFFFC0]  }
0x5f3: {  	s25 =	sadd.s32 $0x100, s25;
	v10 =	vld.idx.msk [tilespmem:v10+s3+$0x0], $0xffff  }
0x5f4: {  	v18 =	vld [tilespmem:s25+$0x30]  }
0x5f5: {  	v11 =	vld.idx.msk [tilespmem:v11+s3+$0x0], $0xffff  }
0x5f6: {  	v12 =	vld.idx.msk [tilespmem:v12+s3+$0x0], $0xffff  }
0x5f7: {  	v13 =	vld.idx.msk [tilespmem:v13+s3+$0x0], $0xffff  }
0x5f8: {  	v14 =	vld.idx.msk [tilespmem:v14+s3+$0x0], $0xffff  }
0x5f9: {  	v15 =	vld.idx.msk [tilespmem:v15+s3+$0x0], $0xffff;
	v10 =	vsub.f32 v18, v10  }
0x5fa: {  	v17 =	vld.idx.msk [tilespmem:v17+s3+$0x0], $0xffff  }
0x5fb: {  	v16 =	vld.idx.msk [tilespmem:v16+s3+$0x0], $0xffff;
	v10 =	vmul.f32 v10, v10  }
0x5fc: {  	s6 =	sadd.s32 $0x80, s6;
	v18 =	vld [tilespmem:s25+$0xFFFFFFC0]  }
0x5fd: {  	[tilespmem:s6+$0x0] =	vst.add.f32.msk $0xffff, v10  }
0x5fe: {  	v10 =	vld [tilespmem:s25+$0xFFFFFFD0]  }
0x5ff: {  	v19 =	vld [tilespmem:s25+$0xFFFFFFE0]  }
0x600: {  	v20 =	vld [tilespmem:s25+$0xFFFFFFF0]  }
0x601: {  	v17 =	vsub.f32 v18, v17;
	v18 =	vld [tilespmem:s25+$0x0]  }
0x602: {  	v21 =	vld [tilespmem:s25+$0x10]  }
0x603: {  	v17 =	vmul.f32 v17, v17;
	v10 =	vsub.f32 v10, v11;
	v11 =	vld [tilespmem:s25+$0x20]  }
0x604: {  	v12 =	vsub.f32 v19, v12;
	[tilespmem:s24+$0xFFFFFFE0] =	vst.add.f32.msk $0xffff, v9  }
0x605: {  	[tilespmem:s6+$0xFFFFFF90] =	vst.add.f32.msk $0xffff, v17;
	v9 =	vmul.f32 v10, v10;
	v10 =	vsub.f32 v20, v13  }
.Ltmp10:
0x606: {  	v12 =	vmul.f32 v12, v12;
	v13 =	vsub.f32 v18, v14;
	[tilespmem:s24+$0xFFFFFFF0] =	vst.add.f32.msk $0xffff, v8;
	s24 =	smov.u32 s6;
	(pc) =	sbr.rel @p1 .LBB2_22-.Ltmp10, $4  }
0x607: {  	[tilespmem:s6+$0xFFFFFFA0] =	vst.add.f32.msk $0xffff, v9;
	v8 =	vmul.f32 v10, v10;
	v9 =	vsub.f32 v21, v15  }
0x608: {  	[tilespmem:s6+$0xFFFFFFB0] =	vst.add.f32.msk $0xffff, v12;
	v10 =	vmul.f32 v13, v13;
	v11 =	vsub.f32 v11, v16  }
0x609: {  	[tilespmem:s6+$0xFFFFFFC0] =	vst.add.f32.msk $0xffff, v8;
	v9 =	vmul.f32 v9, v9  }
0x60a: {  	s1 =	sadd.s32 $0x100, s1;
	[tilespmem:s6+$0xFFFFFFD0] =	vst.add.f32.msk $0xffff, v10;
	v8 =	vmul.f32 v11, v11  }
0x60b: {  	[tilespmem:s24+$0xFFFFFFE0] =	vst.add.f32.msk $0xffff, v9  }
0x60c: {  	[tilespmem:s24+$0xFFFFFFF0] =	vst.add.f32.msk $0xffff, v8  }
0x60d: {  	s1 =	simm.s32 $0x18700;
	s6 =	sld [smem:$0x7B9]  }
0x60e: {  	[tilespmem:s1], [sflag:$0x2] =	stream.linear.gather [hbm4b:s29+s3], $0x80, $0x38;
	[tilespmem:$0x1EB80] =	vst v63  }
0x60f: {  	s12 =	simm.s32 $0x18800;
	s25 =	sld [smem:$0x7BA]  }
0x610: {  	[tilespmem:s12], [sflag:$0x2] =	stream.linear.gather [hbm4b:s6+s3], $0x80, $0x38;
	[tilespmem:$0x1EB80] =	vst v63  }
0x611: {  	s24 =	simm.s32 $0x18900;
	s12 =	sld [smem:$0x7BB]  }
0x612: {  	[tilespmem:s24], [sflag:$0x2] =	stream.linear.gather [hbm4b:s25+s3], $0x80, $0x38;
	[tilespmem:$0x1EB80] =	vst v63  }
0x613: {  	s6 =	simm.s32 $0x18A00;
	s25 =	sld [smem:$0x7BC]  }
0x614: {  	[tilespmem:s6], [sflag:$0x2] =	stream.linear.gather [hbm4b:s12+s3], $0x80, $0x38;
	[tilespmem:$0x1EB80] =	vst v63  }
0x615: {  	s24 =	simm.s32 $0x18B00;
	s12 =	sld [smem:$0x7BD]  }
0x616: {  	[tilespmem:s24], [sflag:$0x2] =	stream.linear.gather [hbm4b:s25+s3], $0x80, $0x38;
	[tilespmem:$0x1EB80] =	vst v63  }
0x617: {  	s6 =	simm.s32 $0x18C00;
	s25 =	sld [smem:$0x7BE]  }
0x618: {  	[tilespmem:s6], [sflag:$0x2] =	stream.linear.gather [hbm4b:s12+s3], $0x80, $0x38;
	[tilespmem:$0x1EB80] =	vst v63  }
0x619: {  	s24 =	simm.s32 $0x18D00;
	s12 =	sld [smem:$0x7BF]  }
0x61a: {  	[tilespmem:s24], [sflag:$0x2] =	stream.linear.gather [hbm4b:s25+s3], $0x80, $0x38;
	[tilespmem:$0x1EB80] =	vst v63  }
0x61b: {  	s6 =	simm.s32 $0x18E00;
	s25 =	sld [smem:$0x7C0]  }
0x61c: {  	[tilespmem:s6], [sflag:$0x2] =	stream.linear.gather [hbm4b:s12+s3], $0x80, $0x38;
	[tilespmem:$0x1EB80] =	vst v63  }
0x61d: {  	s24 =	simm.s32 $0x18F00;
	s12 =	sld [smem:$0x7C1]  }
0x61e: {  	[tilespmem:s24], [sflag:$0x2] =	stream.linear.gather [hbm4b:s25+s3], $0x80, $0x38;
	[tilespmem:$0x1EB80] =	vst v63  }
0x61f: {  	s6 =	simm.s32 $0x19000;
	s25 =	sld [smem:$0x7C2]  }
0x620: {  	[tilespmem:s6], [sflag:$0x2] =	stream.linear.gather [hbm4b:s12+s3], $0x80, $0x38;
	[tilespmem:$0x1EB80] =	vst v63  }
0x621: {  	s24 =	simm.s32 $0x19100;
	s12 =	sld [smem:$0x7C3]  }
0x622: {  	[tilespmem:s24], [sflag:$0x2] =	stream.linear.gather [hbm4b:s25+s3], $0x80, $0x38;
	[tilespmem:$0x1EB80] =	vst v63  }
0x623: {  	s6 =	simm.s32 $0x19200;
	s25 =	sld [smem:$0x7C4]  }
0x624: {  	[tilespmem:s6], [sflag:$0x2] =	stream.linear.gather [hbm4b:s12+s3], $0x80, $0x38;
	[tilespmem:$0x1EB80] =	vst v63  }
0x625: {  	s24 =	simm.s32 $0x19300;
	s12 =	sld [smem:$0x7C5]  }
0x626: {  	[tilespmem:s24], [sflag:$0x2] =	stream.linear.gather [hbm4b:s25+s3], $0x80, $0x38;
	[tilespmem:$0x1EB80] =	vst v63  }
0x627: {  	s6 =	simm.s32 $0x19400;
	s25 =	sld [smem:$0x7C6]  }
0x628: {  	[tilespmem:s6], [sflag:$0x2] =	stream.linear.gather [hbm4b:s12+s3], $0x80, $0x38;
	[tilespmem:$0x1EB80] =	vst v63  }
0x629: {  	s24 =	simm.s32 $0x19500  }
0x62a: {  	[tilespmem:s24], [sflag:$0x2] =	stream.linear.gather [hbm4b:s25+s3], $0x80, $0x38;
	[tilespmem:$0x1EB80] =	vst v63  }
0x62b: {  	s24 =	sld [smem:$0x7C7];
	_ =	sdelay $0x1  }
0x62c: {  	s12 =	simm.s32 $0x19600  }
0x62d: {  	[tilespmem:s12], [sflag:$0x2] =	stream.linear.gather [hbm4b:s24+s3], $0x80, $0x38;
	[tilespmem:$0x1EB80] =	vst v63  }
0x62e: {  	s25 =	simm.s32 $0x19700  }
0x62f: {  	[tilespmem:s25], [sflag:$0x2] =	stream.linear.gather [hbm4b:s19+s3], $0x80, $0x38;
	[tilespmem:$0x1EB80] =	vst v63  }
0x630: {  	s6 =	sadd.s32 $0x80, s19;
	s12 =	simm.s32 $0x19800  }
0x631: {  	[tilespmem:s12], [sflag:$0x2] =	stream.linear.gather [hbm4b:s6+s3], $0x80, $0x38;
	[tilespmem:$0x1EB80] =	vst v63  }
0x632: {  	s24 =	sadd.s32 $0x100, s19;
	s25 =	simm.s32 $0x19900  }
0x633: {  	[tilespmem:s25], [sflag:$0x2] =	stream.linear.gather [hbm4b:s24+s3], $0x80, $0x38;
	[tilespmem:$0x1EB80] =	vst v63  }
0x634: {  	s6 =	sadd.s32 $0x180, s19;
	s12 =	simm.s32 $0x19A00  }
0x635: {  	[tilespmem:s12], [sflag:$0x2] =	stream.linear.gather [hbm4b:s6+s3], $0x80, $0x38;
	[tilespmem:$0x1EB80] =	vst v63  }
0x636: {  	s24 =	sadd.s32 $0x200, s19;
	s25 =	simm.s32 $0x19B00  }
0x637: {  	[tilespmem:s25], [sflag:$0x2] =	stream.linear.gather [hbm4b:s24+s3], $0x80, $0x38;
	[tilespmem:$0x1EB80] =	vst v63  }
0x638: {  	s6 =	sadd.s32 $0x280, s19;
	s12 =	simm.s32 $0x19C00  }
0x639: {  	[tilespmem:s12], [sflag:$0x2] =	stream.linear.gather [hbm4b:s6+s3], $0x80, $0x38;
	[tilespmem:$0x1EB80] =	vst v63  }
0x63a: {  	s24 =	sadd.s32 $0x300, s19;
	s25 =	simm.s32 $0x19D00  }
0x63b: {  	[tilespmem:s25], [sflag:$0x2] =	stream.linear.gather [hbm4b:s24+s3], $0x80, $0x38;
	[tilespmem:$0x1EB80] =	vst v63  }
0x63c: {  	s6 =	sadd.s32 $0x380, s19;
	s12 =	simm.s32 $0x19E00  }
0x63d: {  	[tilespmem:s12], [sflag:$0x2] =	stream.linear.gather [hbm4b:s6+s3], $0x80, $0x38;
	[tilespmem:$0x1EB80] =	vst v63  }
0x63e: {  	s24 =	sadd.s32 $0x400, s19;
	s25 =	simm.s32 $0x19F00  }
0x63f: {  	[tilespmem:s25], [sflag:$0x2] =	stream.linear.gather [hbm4b:s24+s3], $0x80, $0x38;
	[tilespmem:$0x1EB80] =	vst v63  }
0x640: {  	s6 =	sadd.s32 $0x480, s19;
	s12 =	simm.s32 $0x1A000  }
0x641: {  	[tilespmem:s12], [sflag:$0x2] =	stream.linear.gather [hbm4b:s6+s3], $0x80, $0x38;
	[tilespmem:$0x1EB80] =	vst v63  }
0x642: {  	s24 =	sadd.s32 $0x500, s19;
	s25 =	simm.s32 $0x1A100  }
0x643: {  	[tilespmem:s25], [sflag:$0x2] =	stream.linear.gather [hbm4b:s24+s3], $0x80, $0x38;
	[tilespmem:$0x1EB80] =	vst v63  }
0x644: {  	s6 =	sadd.s32 $0x580, s19;
	s12 =	simm.s32 $0x1A200  }
0x645: {  	[tilespmem:s12], [sflag:$0x2] =	stream.linear.gather [hbm4b:s6+s3], $0x80, $0x38;
	[tilespmem:$0x1EB80] =	vst v63  }
0x646: {  	s24 =	sadd.s32 $0x600, s19;
	s25 =	simm.s32 $0x1A300  }
0x647: {  	[tilespmem:s25], [sflag:$0x2] =	stream.linear.gather [hbm4b:s24+s3], $0x80, $0x38;
	[tilespmem:$0x1EB80] =	vst v63  }
0x648: {  	s6 =	sadd.s32 $0x680, s19;
	s12 =	simm.s32 $0x1A400  }
0x649: {  	[tilespmem:s12], [sflag:$0x2] =	stream.linear.gather [hbm4b:s6+s3], $0x80, $0x38;
	[tilespmem:$0x1EB80] =	vst v63  }
0x64a: {  	s24 =	sadd.s32 $0x700, s19;
	s25 =	simm.s32 $0x1A500  }
0x64b: {  	[tilespmem:s25], [sflag:$0x2] =	stream.linear.gather [hbm4b:s24+s3], $0x80, $0x38;
	[tilespmem:$0x1EB80] =	vst v63  }
0x64c: {  	s6 =	sadd.s32 $0x780, s19;
	s12 =	simm.s32 $0x1A600  }
0x64d: {  	[tilespmem:s12], [sflag:$0x2] =	stream.linear.gather [hbm4b:s6+s3], $0x80, $0x38;
	[tilespmem:$0x1EB80] =	vst v63  }
0x64e: {  	_ =	swait.ge [sflag:s4], $0x800  }
0x64f: {  	[sflag:s4] =	ssyncset.done $0x0  }
0x650: {  	[sflag:s4] =	ssyncadd.s32 $0xFFFFF800  }
0x651: {  	_ =	swait.ge [sflag:s4], $0x800  }
0x652: {  	[sflag:s4] =	ssyncset.done $0x0  }
0x653: {  	s24 =	simm.s32 $0x187F0;
	[sflag:s4] =	ssyncadd.s32 $0xFFFFF800  }
0x654: {  	v8 =	vld [tilespmem:s24+$0x0]  }
0x655: {  	v9 =	vld [tilespmem:s24+$0xFFFFFFA0]  }
0x656: {  	v10 =	vld [tilespmem:s24+$0xFFFFFFB0]  }
0x657: {  	v11 =	vld [tilespmem:s24+$0xFFFFFFC0]  }
0x658: {  	v12 =	vld [tilespmem:s24+$0xFFFFFFD0]  }
0x659: {  	v13 =	vld [tilespmem:s24+$0xFFFFFFE0]  }
0x65a: {  	v14 =	vld [tilespmem:s24+$0xFFFFFFF0]  }
0x65b: {  	s25 =	simm.s32 $0x197F0;
	v15 =	vld [tilespmem:s24+$0xFFFFFF90]  }
0x65c: {  	v16 =	vld [tilespmem:s25+$0x0]  }
0x65d: {  	v17 =	vld [tilespmem:s25+$0xFFFFFF90]  }
0x65e: {  	v18 =	vld [tilespmem:s25+$0xFFFFFFA0]  }
0x65f: {  	v19 =	vld [tilespmem:s25+$0xFFFFFFB0]  }
0x660: {  	v20 =	vld [tilespmem:s25+$0xFFFFFFC0]  }
0x661: {  	v61 =	vld [tilespmem:s25+$0xFFFFFFD0]  }
0x662: {  	v62 =	vld [tilespmem:s25+$0xFFFFFFE0]  }
0x663: {  	v63 =	vld [tilespmem:s25+$0xFFFFFFF0]  }
0x664: {  	v8 =	vld.idx.msk [tilespmem:v8+s3+$0x0], $0xffff  }
0x665: {  	v15 =	vld.idx.msk [tilespmem:v15+s3+$0x0], $0xffff  }
0x666: {  	v9 =	vld.idx.msk [tilespmem:v9+s3+$0x0], $0xffff  }
0x667: {  	v10 =	vld.idx.msk [tilespmem:v10+s3+$0x0], $0xffff  }
0x668: {  	v11 =	vld.idx.msk [tilespmem:v11+s3+$0x0], $0xffff  }
0x669: {  	v12 =	vld.idx.msk [tilespmem:v12+s3+$0x0], $0xffff;
	v8 =	vsub.f32 v16, v8  }
0x66a: {  	v13 =	vld.idx.msk [tilespmem:v13+s3+$0x0], $0xffff;
	v15 =	vsub.f32 v17, v15  }
0x66b: {  	v14 =	vld.idx.msk [tilespmem:v14+s3+$0x0], $0xffff;
	v9 =	vsub.f32 v18, v9;
	v8 =	vmul.f32 v8, v8  }
0x66c: {  	s6 =	simm.s32 $0x1BF70;
	v10 =	vsub.f32 v19, v10;
	v15 =	vmul.f32 v15, v15  }
0x66d: {  	[tilespmem:s6+$0x0] =	vst.add.f32.msk $0xffff, v8;
	v8 =	vmul.f32 v9, v9;
	v9 =	vsub.f32 v20, v11  }
0x66e: {  	v10 =	vmul.f32 v10, v10;
	[tilespmem:s6+$0xFFFFFF90] =	vst.add.f32.msk $0xffff, v15;
	v11 =	vsub.f32 v61, v12  }
0x66f: {  	[tilespmem:s6+$0xFFFFFFA0] =	vst.add.f32.msk $0xffff, v8;
	v8 =	vmul.f32 v9, v9  }
0x670: {  	[tilespmem:s6+$0xFFFFFFB0] =	vst.add.f32.msk $0xffff, v10;
	v9 =	vsub.f32 v62, v13;
	v10 =	vmul.f32 v11, v11;
	v11 =	vsub.f32 v63, v14  }
0x671: {  	[tilespmem:s6+$0xFFFFFFC0] =	vst.add.f32.msk $0xffff, v8  }
0x672: {  	s1 =	simm.s32 $0x188F0;
	s12 =	simm.s32 $0x0;
	s24 =	simm.s32 $0x1BF70;
	v9 =	vmul.f32 v9, v9;
	[tilespmem:s6+$0xFFFFFFD0] =	vst.add.f32.msk $0xffff, v10;
	v8 =	vmul.f32 v11, v11  }
.LBB2_24:
0x673: {  	v10 =	vld [tilespmem:s1+$0x0];
	s12 =	sadd.s32 $0x8, s12  }
0x674: {  	v11 =	vld [tilespmem:s1+$0xFFFFFFA0];
	p1 =	slt.u32 s12, $0x78  }
0x675: {  	v12 =	vld [tilespmem:s1+$0xFFFFFFB0]  }
0x676: {  	v13 =	vld [tilespmem:s1+$0xFFFFFFC0]  }
0x677: {  	v14 =	vld [tilespmem:s1+$0xFFFFFFD0]  }
0x678: {  	v15 =	vld [tilespmem:s1+$0xFFFFFFE0]  }
0x679: {  	v16 =	vld [tilespmem:s1+$0xFFFFFFF0]  }
0x67a: {  	v17 =	vld [tilespmem:s1+$0xFFFFFF90]  }
0x67b: {  	s25 =	sadd.s32 $0x100, s25;
	v10 =	vld.idx.msk [tilespmem:v10+s3+$0x0], $0xffff  }
0x67c: {  	v18 =	vld [tilespmem:s25+$0x0]  }
0x67d: {  	v11 =	vld.idx.msk [tilespmem:v11+s3+$0x0], $0xffff  }
0x67e: {  	v12 =	vld.idx.msk [tilespmem:v12+s3+$0x0], $0xffff  }
0x67f: {  	v13 =	vld.idx.msk [tilespmem:v13+s3+$0x0], $0xffff  }
0x680: {  	v14 =	vld.idx.msk [tilespmem:v14+s3+$0x0], $0xffff  }
0x681: {  	v15 =	vld.idx.msk [tilespmem:v15+s3+$0x0], $0xffff;
	v10 =	vsub.f32 v18, v10  }
0x682: {  	v17 =	vld.idx.msk [tilespmem:v17+s3+$0x0], $0xffff  }
0x683: {  	v16 =	vld.idx.msk [tilespmem:v16+s3+$0x0], $0xffff;
	v10 =	vmul.f32 v10, v10  }
0x684: {  	s6 =	sadd.s32 $0x80, s6;
	v18 =	vld [tilespmem:s25+$0xFFFFFF90]  }
0x685: {  	[tilespmem:s6+$0x0] =	vst.add.f32.msk $0xffff, v10  }
0x686: {  	v10 =	vld [tilespmem:s25+$0xFFFFFFA0]  }
0x687: {  	v19 =	vld [tilespmem:s25+$0xFFFFFFB0]  }
0x688: {  	v20 =	vld [tilespmem:s25+$0xFFFFFFC0]  }
0x689: {  	v17 =	vsub.f32 v18, v17;
	v18 =	vld [tilespmem:s25+$0xFFFFFFD0]  }
0x68a: {  	v21 =	vld [tilespmem:s25+$0xFFFFFFE0]  }
0x68b: {  	v17 =	vmul.f32 v17, v17;
	v10 =	vsub.f32 v10, v11;
	v11 =	vld [tilespmem:s25+$0xFFFFFFF0]  }
0x68c: {  	v12 =	vsub.f32 v19, v12;
	[tilespmem:s24+$0xFFFFFFE0] =	vst.add.f32.msk $0xffff, v9  }
0x68d: {  	[tilespmem:s6+$0xFFFFFF90] =	vst.add.f32.msk $0xffff, v17;
	v9 =	vmul.f32 v10, v10;
	v10 =	vsub.f32 v20, v13  }
.Ltmp11:
0x68e: {  	v12 =	vmul.f32 v12, v12;
	v13 =	vsub.f32 v18, v14;
	[tilespmem:s24+$0xFFFFFFF0] =	vst.add.f32.msk $0xffff, v8;
	s24 =	smov.u32 s6;
	(pc) =	sbr.rel @p1 .LBB2_24-.Ltmp11, $4  }
0x68f: {  	[tilespmem:s6+$0xFFFFFFA0] =	vst.add.f32.msk $0xffff, v9;
	v8 =	vmul.f32 v10, v10;
	v9 =	vsub.f32 v21, v15  }
0x690: {  	[tilespmem:s6+$0xFFFFFFB0] =	vst.add.f32.msk $0xffff, v12;
	v10 =	vmul.f32 v13, v13;
	v11 =	vsub.f32 v11, v16  }
0x691: {  	[tilespmem:s6+$0xFFFFFFC0] =	vst.add.f32.msk $0xffff, v8;
	v9 =	vmul.f32 v9, v9  }
0x692: {  	s1 =	sadd.s32 $0x100, s1;
	[tilespmem:s6+$0xFFFFFFD0] =	vst.add.f32.msk $0xffff, v10;
	v8 =	vmul.f32 v11, v11  }
0x693: {  	[tilespmem:s24+$0xFFFFFFE0] =	vst.add.f32.msk $0xffff, v9  }
0x694: {  	[tilespmem:s24+$0xFFFFFFF0] =	vst.add.f32.msk $0xffff, v8  }
0x695: {  	s1 =	simm.s32 $0x18780;
	s6 =	sld [smem:$0x7AA]  }
0x696: {  	[tilespmem:s1], [sflag:$0x3] =	stream.linear.gather [hbm4b:s30+s3], $0x80, $0x38;
	[tilespmem:$0x1EB80] =	vst v63  }
0x697: {  	s12 =	simm.s32 $0x18880;
	s25 =	sld [smem:$0x7AB]  }
0x698: {  	[tilespmem:s12], [sflag:$0x3] =	stream.linear.gather [hbm4b:s6+s3], $0x80, $0x38;
	[tilespmem:$0x1EB80] =	vst v63  }
0x699: {  	s24 =	simm.s32 $0x18980;
	s12 =	sld [smem:$0x7AC]  }
0x69a: {  	[tilespmem:s24], [sflag:$0x3] =	stream.linear.gather [hbm4b:s25+s3], $0x80, $0x38;
	[tilespmem:$0x1EB80] =	vst v63  }
0x69b: {  	s6 =	simm.s32 $0x18A80;
	s25 =	sld [smem:$0x7AD]  }
0x69c: {  	[tilespmem:s6], [sflag:$0x3] =	stream.linear.gather [hbm4b:s12+s3], $0x80, $0x38;
	[tilespmem:$0x1EB80] =	vst v63  }
0x69d: {  	s24 =	simm.s32 $0x18B80;
	s12 =	sld [smem:$0x7AE]  }
0x69e: {  	[tilespmem:s24], [sflag:$0x3] =	stream.linear.gather [hbm4b:s25+s3], $0x80, $0x38;
	[tilespmem:$0x1EB80] =	vst v63  }
0x69f: {  	s6 =	simm.s32 $0x18C80;
	s25 =	sld [smem:$0x7AF]  }
0x6a0: {  	[tilespmem:s6], [sflag:$0x3] =	stream.linear.gather [hbm4b:s12+s3], $0x80, $0x38;
	[tilespmem:$0x1EB80] =	vst v63  }
0x6a1: {  	s24 =	simm.s32 $0x18D80;
	s12 =	sld [smem:$0x7B0]  }
0x6a2: {  	[tilespmem:s24], [sflag:$0x3] =	stream.linear.gather [hbm4b:s25+s3], $0x80, $0x38;
	[tilespmem:$0x1EB80] =	vst v63  }
0x6a3: {  	s6 =	simm.s32 $0x18E80;
	s25 =	sld [smem:$0x7B1]  }
0x6a4: {  	[tilespmem:s6], [sflag:$0x3] =	stream.linear.gather [hbm4b:s12+s3], $0x80, $0x38;
	[tilespmem:$0x1EB80] =	vst v63  }
0x6a5: {  	s24 =	simm.s32 $0x18F80;
	s12 =	sld [smem:$0x7B2]  }
0x6a6: {  	[tilespmem:s24], [sflag:$0x3] =	stream.linear.gather [hbm4b:s25+s3], $0x80, $0x38;
	[tilespmem:$0x1EB80] =	vst v63  }
0x6a7: {  	s6 =	simm.s32 $0x19080;
	s25 =	sld [smem:$0x7B3]  }
0x6a8: {  	[tilespmem:s6], [sflag:$0x3] =	stream.linear.gather [hbm4b:s12+s3], $0x80, $0x38;
	[tilespmem:$0x1EB80] =	vst v63  }
0x6a9: {  	s24 =	simm.s32 $0x19180;
	s12 =	sld [smem:$0x7B4]  }
0x6aa: {  	[tilespmem:s24], [sflag:$0x3] =	stream.linear.gather [hbm4b:s25+s3], $0x80, $0x38;
	[tilespmem:$0x1EB80] =	vst v63  }
0x6ab: {  	s6 =	simm.s32 $0x19280;
	s25 =	sld [smem:$0x7B5]  }
0x6ac: {  	[tilespmem:s6], [sflag:$0x3] =	stream.linear.gather [hbm4b:s12+s3], $0x80, $0x38;
	[tilespmem:$0x1EB80] =	vst v63  }
0x6ad: {  	s24 =	simm.s32 $0x19380;
	s12 =	sld [smem:$0x7B6]  }
0x6ae: {  	[tilespmem:s24], [sflag:$0x3] =	stream.linear.gather [hbm4b:s25+s3], $0x80, $0x38;
	[tilespmem:$0x1EB80] =	vst v63  }
0x6af: {  	s6 =	simm.s32 $0x19480;
	s25 =	sld [smem:$0x7B7]  }
0x6b0: {  	[tilespmem:s6], [sflag:$0x3] =	stream.linear.gather [hbm4b:s12+s3], $0x80, $0x38;
	[tilespmem:$0x1EB80] =	vst v63  }
0x6b1: {  	s24 =	simm.s32 $0x19580  }
0x6b2: {  	[tilespmem:s24], [sflag:$0x3] =	stream.linear.gather [hbm4b:s25+s3], $0x80, $0x38;
	[tilespmem:$0x1EB80] =	vst v63  }
0x6b3: {  	s24 =	sld [smem:$0x7B8];
	_ =	sdelay $0x1  }
0x6b4: {  	s12 =	simm.s32 $0x19680  }
0x6b5: {  	[tilespmem:s12], [sflag:$0x3] =	stream.linear.gather [hbm4b:s24+s3], $0x80, $0x38;
	[tilespmem:$0x1EB80] =	vst v63  }
0x6b6: {  	s25 =	simm.s32 $0x19780  }
0x6b7: {  	[tilespmem:s25], [sflag:$0x3] =	stream.linear.gather [hbm4b:s20+s3], $0x80, $0x38;
	[tilespmem:$0x1EB80] =	vst v63  }
0x6b8: {  	s6 =	sadd.s32 $0x80, s20;
	s12 =	simm.s32 $0x19880  }
0x6b9: {  	[tilespmem:s12], [sflag:$0x3] =	stream.linear.gather [hbm4b:s6+s3], $0x80, $0x38;
	[tilespmem:$0x1EB80] =	vst v63  }
0x6ba: {  	s24 =	sadd.s32 $0x100, s20;
	s25 =	simm.s32 $0x19980  }
0x6bb: {  	[tilespmem:s25], [sflag:$0x3] =	stream.linear.gather [hbm4b:s24+s3], $0x80, $0x38;
	[tilespmem:$0x1EB80] =	vst v63  }
0x6bc: {  	s6 =	sadd.s32 $0x180, s20;
	s12 =	simm.s32 $0x19A80  }
0x6bd: {  	[tilespmem:s12], [sflag:$0x3] =	stream.linear.gather [hbm4b:s6+s3], $0x80, $0x38;
	[tilespmem:$0x1EB80] =	vst v63  }
0x6be: {  	s24 =	sadd.s32 $0x200, s20;
	s25 =	simm.s32 $0x19B80  }
0x6bf: {  	[tilespmem:s25], [sflag:$0x3] =	stream.linear.gather [hbm4b:s24+s3], $0x80, $0x38;
	[tilespmem:$0x1EB80] =	vst v63  }
0x6c0: {  	s6 =	sadd.s32 $0x280, s20;
	s12 =	simm.s32 $0x19C80  }
0x6c1: {  	[tilespmem:s12], [sflag:$0x3] =	stream.linear.gather [hbm4b:s6+s3], $0x80, $0x38;
	[tilespmem:$0x1EB80] =	vst v63  }
0x6c2: {  	s24 =	sadd.s32 $0x300, s20;
	s25 =	simm.s32 $0x19D80  }
0x6c3: {  	[tilespmem:s25], [sflag:$0x3] =	stream.linear.gather [hbm4b:s24+s3], $0x80, $0x38;
	[tilespmem:$0x1EB80] =	vst v63  }
0x6c4: {  	s6 =	sadd.s32 $0x380, s20;
	s12 =	simm.s32 $0x19E80  }
0x6c5: {  	[tilespmem:s12], [sflag:$0x3] =	stream.linear.gather [hbm4b:s6+s3], $0x80, $0x38;
	[tilespmem:$0x1EB80] =	vst v63  }
0x6c6: {  	s24 =	sadd.s32 $0x400, s20;
	s25 =	simm.s32 $0x19F80  }
0x6c7: {  	[tilespmem:s25], [sflag:$0x3] =	stream.linear.gather [hbm4b:s24+s3], $0x80, $0x38;
	[tilespmem:$0x1EB80] =	vst v63  }
0x6c8: {  	s6 =	sadd.s32 $0x480, s20;
	s12 =	simm.s32 $0x1A080  }
0x6c9: {  	[tilespmem:s12], [sflag:$0x3] =	stream.linear.gather [hbm4b:s6+s3], $0x80, $0x38;
	[tilespmem:$0x1EB80] =	vst v63  }
0x6ca: {  	s24 =	sadd.s32 $0x500, s20;
	s25 =	simm.s32 $0x1A180  }
0x6cb: {  	[tilespmem:s25], [sflag:$0x3] =	stream.linear.gather [hbm4b:s24+s3], $0x80, $0x38;
	[tilespmem:$0x1EB80] =	vst v63  }
0x6cc: {  	s6 =	sadd.s32 $0x580, s20;
	s12 =	simm.s32 $0x1A280  }
0x6cd: {  	[tilespmem:s12], [sflag:$0x3] =	stream.linear.gather [hbm4b:s6+s3], $0x80, $0x38;
	[tilespmem:$0x1EB80] =	vst v63  }
0x6ce: {  	s24 =	sadd.s32 $0x600, s20;
	s25 =	simm.s32 $0x1A380  }
0x6cf: {  	[tilespmem:s25], [sflag:$0x3] =	stream.linear.gather [hbm4b:s24+s3], $0x80, $0x38;
	[tilespmem:$0x1EB80] =	vst v63  }
0x6d0: {  	s6 =	sadd.s32 $0x680, s20;
	s12 =	simm.s32 $0x1A480  }
0x6d1: {  	[tilespmem:s12], [sflag:$0x3] =	stream.linear.gather [hbm4b:s6+s3], $0x80, $0x38;
	[tilespmem:$0x1EB80] =	vst v63  }
0x6d2: {  	s24 =	sadd.s32 $0x700, s20;
	s25 =	simm.s32 $0x1A580  }
0x6d3: {  	[tilespmem:s25], [sflag:$0x3] =	stream.linear.gather [hbm4b:s24+s3], $0x80, $0x38;
	[tilespmem:$0x1EB80] =	vst v63  }
0x6d4: {  	s6 =	sadd.s32 $0x780, s20;
	s12 =	simm.s32 $0x1A680  }
0x6d5: {  	[tilespmem:s12], [sflag:$0x3] =	stream.linear.gather [hbm4b:s6+s3], $0x80, $0x38;
	[tilespmem:$0x1EB80] =	vst v63  }
0x6d6: {  	_ =	swait.ge [sflag:s2], $0x800  }
0x6d7: {  	[sflag:s2] =	ssyncset.done $0x0  }
0x6d8: {  	[sflag:s2] =	ssyncadd.s32 $0xFFFFF800  }
0x6d9: {  	_ =	swait.ge [sflag:s2], $0x800  }
0x6da: {  	[sflag:s2] =	ssyncset.done $0x0  }
0x6db: {  	s24 =	simm.s32 $0x18740;
	[sflag:s2] =	ssyncadd.s32 $0xFFFFF800  }
0x6dc: {  	v8 =	vld [tilespmem:s24+$0x30]  }
0x6dd: {  	v9 =	vld [tilespmem:s24+$0xFFFFFFD0]  }
0x6de: {  	v10 =	vld [tilespmem:s24+$0xFFFFFFE0]  }
0x6df: {  	v11 =	vld [tilespmem:s24+$0xFFFFFFF0]  }
0x6e0: {  	v12 =	vld [tilespmem:s24+$0x0]  }
0x6e1: {  	v13 =	vld [tilespmem:s24+$0x10]  }
0x6e2: {  	v14 =	vld [tilespmem:s24+$0x20]  }
0x6e3: {  	s25 =	simm.s32 $0x19740;
	v15 =	vld [tilespmem:s24+$0xFFFFFFC0]  }
0x6e4: {  	v16 =	vld [tilespmem:s25+$0x30]  }
0x6e5: {  	v17 =	vld [tilespmem:s25+$0xFFFFFFC0]  }
0x6e6: {  	v18 =	vld [tilespmem:s25+$0xFFFFFFD0]  }
0x6e7: {  	v19 =	vld [tilespmem:s25+$0xFFFFFFE0]  }
0x6e8: {  	v20 =	vld [tilespmem:s25+$0xFFFFFFF0]  }
0x6e9: {  	v61 =	vld [tilespmem:s25+$0x0]  }
0x6ea: {  	v62 =	vld [tilespmem:s25+$0x10]  }
0x6eb: {  	v63 =	vld [tilespmem:s25+$0x20]  }
0x6ec: {  	v8 =	vld.idx.msk [tilespmem:v8+s3+$0x0], $0xffff  }
0x6ed: {  	v15 =	vld.idx.msk [tilespmem:v15+s3+$0x0], $0xffff  }
0x6ee: {  	v9 =	vld.idx.msk [tilespmem:v9+s3+$0x0], $0xffff  }
0x6ef: {  	v10 =	vld.idx.msk [tilespmem:v10+s3+$0x0], $0xffff  }
0x6f0: {  	v11 =	vld.idx.msk [tilespmem:v11+s3+$0x0], $0xffff  }
0x6f1: {  	v12 =	vld.idx.msk [tilespmem:v12+s3+$0x0], $0xffff;
	v8 =	vsub.f32 v16, v8  }
0x6f2: {  	v13 =	vld.idx.msk [tilespmem:v13+s3+$0x0], $0xffff;
	v15 =	vsub.f32 v17, v15  }
0x6f3: {  	v14 =	vld.idx.msk [tilespmem:v14+s3+$0x0], $0xffff;
	v9 =	vsub.f32 v18, v9;
	v8 =	vmul.f32 v8, v8  }
0x6f4: {  	s6 =	simm.s32 $0x1C770;
	v10 =	vsub.f32 v19, v10;
	v15 =	vmul.f32 v15, v15  }
0x6f5: {  	[tilespmem:s6+$0x0] =	vst.add.f32.msk $0xffff, v8;
	v8 =	vmul.f32 v9, v9;
	v9 =	vsub.f32 v20, v11  }
0x6f6: {  	v10 =	vmul.f32 v10, v10;
	[tilespmem:s6+$0xFFFFFF90] =	vst.add.f32.msk $0xffff, v15;
	v11 =	vsub.f32 v61, v12  }
0x6f7: {  	[tilespmem:s6+$0xFFFFFFA0] =	vst.add.f32.msk $0xffff, v8;
	v8 =	vmul.f32 v9, v9  }
0x6f8: {  	[tilespmem:s6+$0xFFFFFFB0] =	vst.add.f32.msk $0xffff, v10;
	v9 =	vsub.f32 v62, v13;
	v10 =	vmul.f32 v11, v11;
	v11 =	vsub.f32 v63, v14  }
0x6f9: {  	[tilespmem:s6+$0xFFFFFFC0] =	vst.add.f32.msk $0xffff, v8  }
0x6fa: {  	s1 =	simm.s32 $0x18840;
	s12 =	simm.s32 $0x0;
	s24 =	simm.s32 $0x1C770;
	v9 =	vmul.f32 v9, v9;
	[tilespmem:s6+$0xFFFFFFD0] =	vst.add.f32.msk $0xffff, v10;
	v8 =	vmul.f32 v11, v11  }
.LBB2_26:
0x6fb: {  	v10 =	vld [tilespmem:s1+$0x30];
	s12 =	sadd.s32 $0x8, s12  }
0x6fc: {  	v11 =	vld [tilespmem:s1+$0xFFFFFFD0];
	p1 =	slt.u32 s12, $0x78  }
0x6fd: {  	v12 =	vld [tilespmem:s1+$0xFFFFFFE0]  }
0x6fe: {  	v13 =	vld [tilespmem:s1+$0xFFFFFFF0]  }
0x6ff: {  	v14 =	vld [tilespmem:s1+$0x0]  }
0x700: {  	v15 =	vld [tilespmem:s1+$0x10]  }
0x701: {  	v16 =	vld [tilespmem:s1+$0x20]  }
0x702: {  	v17 =	vld [tilespmem:s1+$0xFFFFFFC0]  }
0x703: {  	s25 =	sadd.s32 $0x100, s25;
	v10 =	vld.idx.msk [tilespmem:v10+s3+$0x0], $0xffff  }
0x704: {  	v18 =	vld [tilespmem:s25+$0x30]  }
0x705: {  	v11 =	vld.idx.msk [tilespmem:v11+s3+$0x0], $0xffff  }
0x706: {  	v12 =	vld.idx.msk [tilespmem:v12+s3+$0x0], $0xffff  }
0x707: {  	v13 =	vld.idx.msk [tilespmem:v13+s3+$0x0], $0xffff  }
0x708: {  	v14 =	vld.idx.msk [tilespmem:v14+s3+$0x0], $0xffff  }
0x709: {  	v15 =	vld.idx.msk [tilespmem:v15+s3+$0x0], $0xffff;
	v10 =	vsub.f32 v18, v10  }
0x70a: {  	v17 =	vld.idx.msk [tilespmem:v17+s3+$0x0], $0xffff  }
0x70b: {  	v16 =	vld.idx.msk [tilespmem:v16+s3+$0x0], $0xffff;
	v10 =	vmul.f32 v10, v10  }
0x70c: {  	s6 =	sadd.s32 $0x80, s6;
	v18 =	vld [tilespmem:s25+$0xFFFFFFC0]  }
0x70d: {  	[tilespmem:s6+$0x0] =	vst.add.f32.msk $0xffff, v10  }
0x70e: {  	v10 =	vld [tilespmem:s25+$0xFFFFFFD0]  }
0x70f: {  	v19 =	vld [tilespmem:s25+$0xFFFFFFE0]  }
0x710: {  	v20 =	vld [tilespmem:s25+$0xFFFFFFF0]  }
0x711: {  	v17 =	vsub.f32 v18, v17;
	v18 =	vld [tilespmem:s25+$0x0]  }
0x712: {  	v21 =	vld [tilespmem:s25+$0x10]  }
0x713: {  	v17 =	vmul.f32 v17, v17;
	v10 =	vsub.f32 v10, v11;
	v11 =	vld [tilespmem:s25+$0x20]  }
0x714: {  	v12 =	vsub.f32 v19, v12;
	[tilespmem:s24+$0xFFFFFFE0] =	vst.add.f32.msk $0xffff, v9  }
0x715: {  	[tilespmem:s6+$0xFFFFFF90] =	vst.add.f32.msk $0xffff, v17;
	v9 =	vmul.f32 v10, v10;
	v10 =	vsub.f32 v20, v13  }
.Ltmp12:
0x716: {  	v12 =	vmul.f32 v12, v12;
	v13 =	vsub.f32 v18, v14;
	[tilespmem:s24+$0xFFFFFFF0] =	vst.add.f32.msk $0xffff, v8;
	s24 =	smov.u32 s6;
	(pc) =	sbr.rel @p1 .LBB2_26-.Ltmp12, $4  }
0x717: {  	[tilespmem:s6+$0xFFFFFFA0] =	vst.add.f32.msk $0xffff, v9;
	v8 =	vmul.f32 v10, v10;
	v9 =	vsub.f32 v21, v15  }
0x718: {  	[tilespmem:s6+$0xFFFFFFB0] =	vst.add.f32.msk $0xffff, v12;
	v10 =	vmul.f32 v13, v13;
	v11 =	vsub.f32 v11, v16  }
0x719: {  	[tilespmem:s6+$0xFFFFFFC0] =	vst.add.f32.msk $0xffff, v8;
	v9 =	vmul.f32 v9, v9  }
0x71a: {  	s1 =	sadd.s32 $0x100, s1;
	[tilespmem:s6+$0xFFFFFFD0] =	vst.add.f32.msk $0xffff, v10;
	v8 =	vmul.f32 v11, v11  }
0x71b: {  	[tilespmem:s24+$0xFFFFFFE0] =	vst.add.f32.msk $0xffff, v9  }
0x71c: {  	[tilespmem:s24+$0xFFFFFFF0] =	vst.add.f32.msk $0xffff, v8  }
0x71d: {  	s1 =	simm.s32 $0x18700;
	s6 =	sld [smem:$0x79B]  }
0x71e: {  	[tilespmem:s1], [sflag:$0x2] =	stream.linear.gather [hbm4b:s31+s3], $0x80, $0x38;
	[tilespmem:$0x1EB80] =	vst v63  }
0x71f: {  	s12 =	simm.s32 $0x18800;
	s25 =	sld [smem:$0x79C]  }
0x720: {  	[tilespmem:s12], [sflag:$0x2] =	stream.linear.gather [hbm4b:s6+s3], $0x80, $0x38;
	[tilespmem:$0x1EB80] =	vst v63  }
0x721: {  	s24 =	simm.s32 $0x18900;
	s12 =	sld [smem:$0x79D]  }
0x722: {  	[tilespmem:s24], [sflag:$0x2] =	stream.linear.gather [hbm4b:s25+s3], $0x80, $0x38;
	[tilespmem:$0x1EB80] =	vst v63  }
0x723: {  	s6 =	simm.s32 $0x18A00;
	s25 =	sld [smem:$0x79E]  }
0x724: {  	[tilespmem:s6], [sflag:$0x2] =	stream.linear.gather [hbm4b:s12+s3], $0x80, $0x38;
	[tilespmem:$0x1EB80] =	vst v63  }
0x725: {  	s24 =	simm.s32 $0x18B00;
	s12 =	sld [smem:$0x79F]  }
0x726: {  	[tilespmem:s24], [sflag:$0x2] =	stream.linear.gather [hbm4b:s25+s3], $0x80, $0x38;
	[tilespmem:$0x1EB80] =	vst v63  }
0x727: {  	s6 =	simm.s32 $0x18C00;
	s25 =	sld [smem:$0x7A0]  }
0x728: {  	[tilespmem:s6], [sflag:$0x2] =	stream.linear.gather [hbm4b:s12+s3], $0x80, $0x38;
	[tilespmem:$0x1EB80] =	vst v63  }
0x729: {  	s24 =	simm.s32 $0x18D00;
	s12 =	sld [smem:$0x7A1]  }
0x72a: {  	[tilespmem:s24], [sflag:$0x2] =	stream.linear.gather [hbm4b:s25+s3], $0x80, $0x38;
	[tilespmem:$0x1EB80] =	vst v63  }
0x72b: {  	s6 =	simm.s32 $0x18E00;
	s25 =	sld [smem:$0x7A2]  }
0x72c: {  	[tilespmem:s6], [sflag:$0x2] =	stream.linear.gather [hbm4b:s12+s3], $0x80, $0x38;
	[tilespmem:$0x1EB80] =	vst v63  }
0x72d: {  	s24 =	simm.s32 $0x18F00;
	s12 =	sld [smem:$0x7A3]  }
0x72e: {  	[tilespmem:s24], [sflag:$0x2] =	stream.linear.gather [hbm4b:s25+s3], $0x80, $0x38;
	[tilespmem:$0x1EB80] =	vst v63  }
0x72f: {  	s6 =	simm.s32 $0x19000;
	s25 =	sld [smem:$0x7A4]  }
0x730: {  	[tilespmem:s6], [sflag:$0x2] =	stream.linear.gather [hbm4b:s12+s3], $0x80, $0x38;
	[tilespmem:$0x1EB80] =	vst v63  }
0x731: {  	s24 =	simm.s32 $0x19100;
	s12 =	sld [smem:$0x7A5]  }
0x732: {  	[tilespmem:s24], [sflag:$0x2] =	stream.linear.gather [hbm4b:s25+s3], $0x80, $0x38;
	[tilespmem:$0x1EB80] =	vst v63  }
0x733: {  	s6 =	simm.s32 $0x19200;
	s25 =	sld [smem:$0x7A6]  }
0x734: {  	[tilespmem:s6], [sflag:$0x2] =	stream.linear.gather [hbm4b:s12+s3], $0x80, $0x38;
	[tilespmem:$0x1EB80] =	vst v63  }
0x735: {  	s24 =	simm.s32 $0x19300;
	s12 =	sld [smem:$0x7A7]  }
0x736: {  	[tilespmem:s24], [sflag:$0x2] =	stream.linear.gather [hbm4b:s25+s3], $0x80, $0x38;
	[tilespmem:$0x1EB80] =	vst v63  }
0x737: {  	s6 =	simm.s32 $0x19400;
	s25 =	sld [smem:$0x7A8]  }
0x738: {  	[tilespmem:s6], [sflag:$0x2] =	stream.linear.gather [hbm4b:s12+s3], $0x80, $0x38;
	[tilespmem:$0x1EB80] =	vst v63  }
0x739: {  	s24 =	simm.s32 $0x19500  }
0x73a: {  	[tilespmem:s24], [sflag:$0x2] =	stream.linear.gather [hbm4b:s25+s3], $0x80, $0x38;
	[tilespmem:$0x1EB80] =	vst v63  }
0x73b: {  	s24 =	sld [smem:$0x7A9];
	_ =	sdelay $0x1  }
0x73c: {  	s12 =	simm.s32 $0x19600  }
0x73d: {  	[tilespmem:s12], [sflag:$0x2] =	stream.linear.gather [hbm4b:s24+s3], $0x80, $0x38;
	[tilespmem:$0x1EB80] =	vst v63  }
0x73e: {  	s25 =	simm.s32 $0x19700  }
0x73f: {  	[tilespmem:s25], [sflag:$0x2] =	stream.linear.gather [hbm4b:s21+s3], $0x80, $0x38;
	[tilespmem:$0x1EB80] =	vst v63  }
0x740: {  	s6 =	sadd.s32 $0x80, s21;
	s12 =	simm.s32 $0x19800  }
0x741: {  	[tilespmem:s12], [sflag:$0x2] =	stream.linear.gather [hbm4b:s6+s3], $0x80, $0x38;
	[tilespmem:$0x1EB80] =	vst v63  }
0x742: {  	s24 =	sadd.s32 $0x100, s21;
	s25 =	simm.s32 $0x19900  }
0x743: {  	[tilespmem:s25], [sflag:$0x2] =	stream.linear.gather [hbm4b:s24+s3], $0x80, $0x38;
	[tilespmem:$0x1EB80] =	vst v63  }
0x744: {  	s6 =	sadd.s32 $0x180, s21;
	s12 =	simm.s32 $0x19A00  }
0x745: {  	[tilespmem:s12], [sflag:$0x2] =	stream.linear.gather [hbm4b:s6+s3], $0x80, $0x38;
	[tilespmem:$0x1EB80] =	vst v63  }
0x746: {  	s24 =	sadd.s32 $0x200, s21;
	s25 =	simm.s32 $0x19B00  }
0x747: {  	[tilespmem:s25], [sflag:$0x2] =	stream.linear.gather [hbm4b:s24+s3], $0x80, $0x38;
	[tilespmem:$0x1EB80] =	vst v63  }
0x748: {  	s6 =	sadd.s32 $0x280, s21;
	s12 =	simm.s32 $0x19C00  }
0x749: {  	[tilespmem:s12], [sflag:$0x2] =	stream.linear.gather [hbm4b:s6+s3], $0x80, $0x38;
	[tilespmem:$0x1EB80] =	vst v63  }
0x74a: {  	s24 =	sadd.s32 $0x300, s21;
	s25 =	simm.s32 $0x19D00  }
0x74b: {  	[tilespmem:s25], [sflag:$0x2] =	stream.linear.gather [hbm4b:s24+s3], $0x80, $0x38;
	[tilespmem:$0x1EB80] =	vst v63  }
0x74c: {  	s6 =	sadd.s32 $0x380, s21;
	s12 =	simm.s32 $0x19E00  }
0x74d: {  	[tilespmem:s12], [sflag:$0x2] =	stream.linear.gather [hbm4b:s6+s3], $0x80, $0x38;
	[tilespmem:$0x1EB80] =	vst v63  }
0x74e: {  	s24 =	sadd.s32 $0x400, s21;
	s25 =	simm.s32 $0x19F00  }
0x74f: {  	[tilespmem:s25], [sflag:$0x2] =	stream.linear.gather [hbm4b:s24+s3], $0x80, $0x38;
	[tilespmem:$0x1EB80] =	vst v63  }
0x750: {  	s6 =	sadd.s32 $0x480, s21;
	s12 =	simm.s32 $0x1A000  }
0x751: {  	[tilespmem:s12], [sflag:$0x2] =	stream.linear.gather [hbm4b:s6+s3], $0x80, $0x38;
	[tilespmem:$0x1EB80] =	vst v63  }
0x752: {  	s24 =	sadd.s32 $0x500, s21;
	s25 =	simm.s32 $0x1A100  }
0x753: {  	[tilespmem:s25], [sflag:$0x2] =	stream.linear.gather [hbm4b:s24+s3], $0x80, $0x38;
	[tilespmem:$0x1EB80] =	vst v63  }
0x754: {  	s6 =	sadd.s32 $0x580, s21;
	s12 =	simm.s32 $0x1A200  }
0x755: {  	[tilespmem:s12], [sflag:$0x2] =	stream.linear.gather [hbm4b:s6+s3], $0x80, $0x38;
	[tilespmem:$0x1EB80] =	vst v63  }
0x756: {  	s24 =	sadd.s32 $0x600, s21;
	s25 =	simm.s32 $0x1A300  }
0x757: {  	[tilespmem:s25], [sflag:$0x2] =	stream.linear.gather [hbm4b:s24+s3], $0x80, $0x38;
	[tilespmem:$0x1EB80] =	vst v63  }
0x758: {  	s6 =	sadd.s32 $0x680, s21;
	s12 =	simm.s32 $0x1A400  }
0x759: {  	[tilespmem:s12], [sflag:$0x2] =	stream.linear.gather [hbm4b:s6+s3], $0x80, $0x38;
	[tilespmem:$0x1EB80] =	vst v63  }
0x75a: {  	s24 =	sadd.s32 $0x700, s21;
	s25 =	simm.s32 $0x1A500  }
0x75b: {  	[tilespmem:s25], [sflag:$0x2] =	stream.linear.gather [hbm4b:s24+s3], $0x80, $0x38;
	[tilespmem:$0x1EB80] =	vst v63  }
0x75c: {  	s12 =	sadd.s32 $0x780, s21;
	s24 =	simm.s32 $0x1A600  }
0x75d: {  	[tilespmem:s24], [sflag:$0x2] =	stream.linear.gather [hbm4b:s12+s3], $0x80, $0x38;
	[tilespmem:$0x1EB80] =	vst v63  }
0x75e: {  	_ =	swait.ge [sflag:s4], $0x800  }
0x75f: {  	[sflag:s4] =	ssyncset.done $0x0  }
0x760: {  	[sflag:s4] =	ssyncadd.s32 $0xFFFFF800  }
0x761: {  	_ =	swait.ge [sflag:s4], $0x800  }
0x762: {  	[sflag:s4] =	ssyncset.done $0x0  }
0x763: {  	s25 =	simm.s32 $0x187F0;
	[sflag:s4] =	ssyncadd.s32 $0xFFFFF800  }
0x764: {  	v8 =	vld [tilespmem:s25+$0x0]  }
0x765: {  	v9 =	vld [tilespmem:s25+$0xFFFFFFA0]  }
0x766: {  	v10 =	vld [tilespmem:s25+$0xFFFFFFB0]  }
0x767: {  	v11 =	vld [tilespmem:s25+$0xFFFFFFC0]  }
0x768: {  	v12 =	vld [tilespmem:s25+$0xFFFFFFD0]  }
0x769: {  	v13 =	vld [tilespmem:s25+$0xFFFFFFE0]  }
0x76a: {  	v14 =	vld [tilespmem:s25+$0xFFFFFFF0]  }
0x76b: {  	s12 =	simm.s32 $0x197F0;
	v15 =	vld [tilespmem:s25+$0xFFFFFF90]  }
0x76c: {  	v16 =	vld [tilespmem:s12+$0x0]  }
0x76d: {  	v17 =	vld [tilespmem:s12+$0xFFFFFF90]  }
0x76e: {  	v18 =	vld [tilespmem:s12+$0xFFFFFFA0]  }
0x76f: {  	v19 =	vld [tilespmem:s12+$0xFFFFFFB0]  }
0x770: {  	v20 =	vld [tilespmem:s12+$0xFFFFFFC0]  }
0x771: {  	v61 =	vld [tilespmem:s12+$0xFFFFFFD0]  }
0x772: {  	v62 =	vld [tilespmem:s12+$0xFFFFFFE0]  }
0x773: {  	v63 =	vld [tilespmem:s12+$0xFFFFFFF0]  }
0x774: {  	v8 =	vld.idx.msk [tilespmem:v8+s3+$0x0], $0xffff  }
0x775: {  	v15 =	vld.idx.msk [tilespmem:v15+s3+$0x0], $0xffff  }
0x776: {  	v9 =	vld.idx.msk [tilespmem:v9+s3+$0x0], $0xffff  }
0x777: {  	v10 =	vld.idx.msk [tilespmem:v10+s3+$0x0], $0xffff  }
0x778: {  	v11 =	vld.idx.msk [tilespmem:v11+s3+$0x0], $0xffff  }
0x779: {  	v12 =	vld.idx.msk [tilespmem:v12+s3+$0x0], $0xffff;
	v8 =	vsub.f32 v16, v8  }
0x77a: {  	v13 =	vld.idx.msk [tilespmem:v13+s3+$0x0], $0xffff;
	v15 =	vsub.f32 v17, v15  }
0x77b: {  	v14 =	vld.idx.msk [tilespmem:v14+s3+$0x0], $0xffff;
	v9 =	vsub.f32 v18, v9;
	v8 =	vmul.f32 v8, v8  }
0x77c: {  	s6 =	simm.s32 $0x1CF70;
	v10 =	vsub.f32 v19, v10;
	v15 =	vmul.f32 v15, v15  }
0x77d: {  	[tilespmem:s6+$0x0] =	vst.add.f32.msk $0xffff, v8;
	v8 =	vmul.f32 v9, v9;
	v9 =	vsub.f32 v20, v11  }
0x77e: {  	v10 =	vmul.f32 v10, v10;
	[tilespmem:s6+$0xFFFFFF90] =	vst.add.f32.msk $0xffff, v15;
	v11 =	vsub.f32 v61, v12  }
0x77f: {  	[tilespmem:s6+$0xFFFFFFA0] =	vst.add.f32.msk $0xffff, v8;
	v8 =	vmul.f32 v9, v9  }
0x780: {  	[tilespmem:s6+$0xFFFFFFB0] =	vst.add.f32.msk $0xffff, v10;
	v9 =	vsub.f32 v62, v13;
	v10 =	vmul.f32 v11, v11;
	v11 =	vsub.f32 v63, v14  }
0x781: {  	[tilespmem:s6+$0xFFFFFFC0] =	vst.add.f32.msk $0xffff, v8  }
0x782: {  	s1 =	simm.s32 $0x188F0;
	s24 =	simm.s32 $0x1CF70;
	s25 =	simm.s32 $0x0;
	v9 =	vmul.f32 v9, v9;
	[tilespmem:s6+$0xFFFFFFD0] =	vst.add.f32.msk $0xffff, v10;
	v8 =	vmul.f32 v11, v11  }
.LBB2_28:
0x783: {  	v10 =	vld [tilespmem:s1+$0x0];
	s25 =	sadd.s32 $0x8, s25  }
0x784: {  	v11 =	vld [tilespmem:s1+$0xFFFFFFA0];
	p1 =	slt.u32 s25, $0x78  }
0x785: {  	v12 =	vld [tilespmem:s1+$0xFFFFFFB0]  }
0x786: {  	v13 =	vld [tilespmem:s1+$0xFFFFFFC0]  }
0x787: {  	v14 =	vld [tilespmem:s1+$0xFFFFFFD0]  }
0x788: {  	v15 =	vld [tilespmem:s1+$0xFFFFFFE0]  }
0x789: {  	v16 =	vld [tilespmem:s1+$0xFFFFFFF0]  }
0x78a: {  	v17 =	vld [tilespmem:s1+$0xFFFFFF90]  }
0x78b: {  	s12 =	sadd.s32 $0x100, s12;
	v10 =	vld.idx.msk [tilespmem:v10+s3+$0x0], $0xffff  }
0x78c: {  	v18 =	vld [tilespmem:s12+$0x0]  }
0x78d: {  	v11 =	vld.idx.msk [tilespmem:v11+s3+$0x0], $0xffff  }
0x78e: {  	v12 =	vld.idx.msk [tilespmem:v12+s3+$0x0], $0xffff  }
0x78f: {  	v13 =	vld.idx.msk [tilespmem:v13+s3+$0x0], $0xffff  }
0x790: {  	v14 =	vld.idx.msk [tilespmem:v14+s3+$0x0], $0xffff  }
0x791: {  	v15 =	vld.idx.msk [tilespmem:v15+s3+$0x0], $0xffff;
	v10 =	vsub.f32 v18, v10  }
0x792: {  	v17 =	vld.idx.msk [tilespmem:v17+s3+$0x0], $0xffff  }
0x793: {  	v16 =	vld.idx.msk [tilespmem:v16+s3+$0x0], $0xffff;
	v10 =	vmul.f32 v10, v10  }
0x794: {  	s6 =	sadd.s32 $0x80, s6;
	v18 =	vld [tilespmem:s12+$0xFFFFFF90]  }
0x795: {  	[tilespmem:s6+$0x0] =	vst.add.f32.msk $0xffff, v10  }
0x796: {  	v10 =	vld [tilespmem:s12+$0xFFFFFFA0]  }
0x797: {  	v19 =	vld [tilespmem:s12+$0xFFFFFFB0]  }
0x798: {  	v20 =	vld [tilespmem:s12+$0xFFFFFFC0]  }
0x799: {  	v17 =	vsub.f32 v18, v17;
	v18 =	vld [tilespmem:s12+$0xFFFFFFD0]  }
0x79a: {  	v21 =	vld [tilespmem:s12+$0xFFFFFFE0]  }
0x79b: {  	v17 =	vmul.f32 v17, v17;
	v10 =	vsub.f32 v10, v11;
	v11 =	vld [tilespmem:s12+$0xFFFFFFF0]  }
0x79c: {  	v12 =	vsub.f32 v19, v12;
	[tilespmem:s24+$0xFFFFFFE0] =	vst.add.f32.msk $0xffff, v9  }
0x79d: {  	[tilespmem:s6+$0xFFFFFF90] =	vst.add.f32.msk $0xffff, v17;
	v9 =	vmul.f32 v10, v10;
	v10 =	vsub.f32 v20, v13  }
.Ltmp13:
0x79e: {  	v12 =	vmul.f32 v12, v12;
	v13 =	vsub.f32 v18, v14;
	[tilespmem:s24+$0xFFFFFFF0] =	vst.add.f32.msk $0xffff, v8;
	s24 =	smov.u32 s6;
	(pc) =	sbr.rel @p1 .LBB2_28-.Ltmp13, $4  }
0x79f: {  	[tilespmem:s6+$0xFFFFFFA0] =	vst.add.f32.msk $0xffff, v9;
	v8 =	vmul.f32 v10, v10;
	v9 =	vsub.f32 v21, v15  }
0x7a0: {  	[tilespmem:s6+$0xFFFFFFB0] =	vst.add.f32.msk $0xffff, v12;
	v10 =	vmul.f32 v13, v13;
	v11 =	vsub.f32 v11, v16  }
0x7a1: {  	[tilespmem:s6+$0xFFFFFFC0] =	vst.add.f32.msk $0xffff, v8;
	v9 =	vmul.f32 v9, v9  }
0x7a2: {  	s1 =	sadd.s32 $0x100, s1;
	[tilespmem:s6+$0xFFFFFFD0] =	vst.add.f32.msk $0xffff, v10;
	v8 =	vmul.f32 v11, v11  }
0x7a3: {  	[tilespmem:s24+$0xFFFFFFE0] =	vst.add.f32.msk $0xffff, v9  }
0x7a4: {  	[tilespmem:s24+$0xFFFFFFF0] =	vst.add.f32.msk $0xffff, v8  }
0x7a5: {  	s1 =	simm.s32 $0x18780;
	s6 =	sld [smem:$0x78C]  }
0x7a6: {  	[tilespmem:s1], [sflag:$0x3] =	stream.linear.gather [hbm4b:s0+s3], $0x80, $0x38;
	[tilespmem:$0x1EB80] =	vst v63  }
0x7a7: {  	s25 =	simm.s32 $0x18880;
	s12 =	sld [smem:$0x78D]  }
0x7a8: {  	[tilespmem:s25], [sflag:$0x3] =	stream.linear.gather [hbm4b:s6+s3], $0x80, $0x38;
	[tilespmem:$0x1EB80] =	vst v63  }
0x7a9: {  	s6 =	simm.s32 $0x18980;
	s25 =	sld [smem:$0x78E]  }
0x7aa: {  	[tilespmem:s6], [sflag:$0x3] =	stream.linear.gather [hbm4b:s12+s3], $0x80, $0x38;
	[tilespmem:$0x1EB80] =	vst v63  }
0x7ab: {  	s24 =	simm.s32 $0x18A80;
	s12 =	sld [smem:$0x78F]  }
0x7ac: {  	[tilespmem:s24], [sflag:$0x3] =	stream.linear.gather [hbm4b:s25+s3], $0x80, $0x38;
	[tilespmem:$0x1EB80] =	vst v63  }
0x7ad: {  	s6 =	simm.s32 $0x18B80;
	s25 =	sld [smem:$0x790]  }
0x7ae: {  	[tilespmem:s6], [sflag:$0x3] =	stream.linear.gather [hbm4b:s12+s3], $0x80, $0x38;
	[tilespmem:$0x1EB80] =	vst v63  }
0x7af: {  	s24 =	simm.s32 $0x18C80;
	s12 =	sld [smem:$0x791]  }
0x7b0: {  	[tilespmem:s24], [sflag:$0x3] =	stream.linear.gather [hbm4b:s25+s3], $0x80, $0x38;
	[tilespmem:$0x1EB80] =	vst v63  }
0x7b1: {  	s6 =	simm.s32 $0x18D80;
	s25 =	sld [smem:$0x792]  }
0x7b2: {  	[tilespmem:s6], [sflag:$0x3] =	stream.linear.gather [hbm4b:s12+s3], $0x80, $0x38;
	[tilespmem:$0x1EB80] =	vst v63  }
0x7b3: {  	s24 =	simm.s32 $0x18E80;
	s12 =	sld [smem:$0x793]  }
0x7b4: {  	[tilespmem:s24], [sflag:$0x3] =	stream.linear.gather [hbm4b:s25+s3], $0x80, $0x38;
	[tilespmem:$0x1EB80] =	vst v63  }
0x7b5: {  	s6 =	simm.s32 $0x18F80;
	s25 =	sld [smem:$0x794]  }
0x7b6: {  	[tilespmem:s6], [sflag:$0x3] =	stream.linear.gather [hbm4b:s12+s3], $0x80, $0x38;
	[tilespmem:$0x1EB80] =	vst v63  }
0x7b7: {  	s24 =	simm.s32 $0x19080;
	s12 =	sld [smem:$0x795]  }
0x7b8: {  	[tilespmem:s24], [sflag:$0x3] =	stream.linear.gather [hbm4b:s25+s3], $0x80, $0x38;
	[tilespmem:$0x1EB80] =	vst v63  }
0x7b9: {  	s6 =	simm.s32 $0x19180;
	s25 =	sld [smem:$0x796]  }
0x7ba: {  	[tilespmem:s6], [sflag:$0x3] =	stream.linear.gather [hbm4b:s12+s3], $0x80, $0x38;
	[tilespmem:$0x1EB80] =	vst v63  }
0x7bb: {  	s24 =	simm.s32 $0x19280;
	s12 =	sld [smem:$0x797]  }
0x7bc: {  	[tilespmem:s24], [sflag:$0x3] =	stream.linear.gather [hbm4b:s25+s3], $0x80, $0x38;
	[tilespmem:$0x1EB80] =	vst v63  }
0x7bd: {  	s6 =	simm.s32 $0x19380;
	s25 =	sld [smem:$0x798]  }
0x7be: {  	[tilespmem:s6], [sflag:$0x3] =	stream.linear.gather [hbm4b:s12+s3], $0x80, $0x38;
	[tilespmem:$0x1EB80] =	vst v63  }
0x7bf: {  	s24 =	simm.s32 $0x19480;
	s12 =	sld [smem:$0x799]  }
0x7c0: {  	[tilespmem:s24], [sflag:$0x3] =	stream.linear.gather [hbm4b:s25+s3], $0x80, $0x38;
	[tilespmem:$0x1EB80] =	vst v63  }
0x7c1: {  	s6 =	simm.s32 $0x19580;
	s25 =	sld [smem:$0x79A]  }
0x7c2: {  	[tilespmem:s6], [sflag:$0x3] =	stream.linear.gather [hbm4b:s12+s3], $0x80, $0x38;
	[tilespmem:$0x1EB80] =	vst v63  }
0x7c3: {  	s24 =	simm.s32 $0x19680  }
0x7c4: {  	[tilespmem:s24], [sflag:$0x3] =	stream.linear.gather [hbm4b:s25+s3], $0x80, $0x38;
	[tilespmem:$0x1EB80] =	vst v63  }
0x7c5: {  	s12 =	simm.s32 $0x19780  }
0x7c6: {  	[tilespmem:s12], [sflag:$0x3] =	stream.linear.gather [hbm4b:s22+s3], $0x80, $0x38;
	[tilespmem:$0x1EB80] =	vst v63  }
0x7c7: {  	s24 =	sadd.s32 $0x80, s22;
	s25 =	simm.s32 $0x19880  }
0x7c8: {  	[tilespmem:s25], [sflag:$0x3] =	stream.linear.gather [hbm4b:s24+s3], $0x80, $0x38;
	[tilespmem:$0x1EB80] =	vst v63  }
0x7c9: {  	s6 =	sadd.s32 $0x100, s22;
	s12 =	simm.s32 $0x19980  }
0x7ca: {  	[tilespmem:s12], [sflag:$0x3] =	stream.linear.gather [hbm4b:s6+s3], $0x80, $0x38;
	[tilespmem:$0x1EB80] =	vst v63  }
0x7cb: {  	s24 =	sadd.s32 $0x180, s22;
	s25 =	simm.s32 $0x19A80  }
0x7cc: {  	[tilespmem:s25], [sflag:$0x3] =	stream.linear.gather [hbm4b:s24+s3], $0x80, $0x38;
	[tilespmem:$0x1EB80] =	vst v63  }
0x7cd: {  	s6 =	sadd.s32 $0x200, s22;
	s12 =	simm.s32 $0x19B80  }
0x7ce: {  	[tilespmem:s12], [sflag:$0x3] =	stream.linear.gather [hbm4b:s6+s3], $0x80, $0x38;
	[tilespmem:$0x1EB80] =	vst v63  }
0x7cf: {  	s24 =	sadd.s32 $0x280, s22;
	s25 =	simm.s32 $0x19C80  }
0x7d0: {  	[tilespmem:s25], [sflag:$0x3] =	stream.linear.gather [hbm4b:s24+s3], $0x80, $0x38;
	[tilespmem:$0x1EB80] =	vst v63  }
0x7d1: {  	s6 =	sadd.s32 $0x300, s22;
	s12 =	simm.s32 $0x19D80  }
0x7d2: {  	[tilespmem:s12], [sflag:$0x3] =	stream.linear.gather [hbm4b:s6+s3], $0x80, $0x38;
	[tilespmem:$0x1EB80] =	vst v63  }
0x7d3: {  	s24 =	sadd.s32 $0x380, s22;
	s25 =	simm.s32 $0x19E80  }
0x7d4: {  	[tilespmem:s25], [sflag:$0x3] =	stream.linear.gather [hbm4b:s24+s3], $0x80, $0x38;
	[tilespmem:$0x1EB80] =	vst v63  }
0x7d5: {  	s6 =	sadd.s32 $0x400, s22;
	s12 =	simm.s32 $0x19F80  }
0x7d6: {  	[tilespmem:s12], [sflag:$0x3] =	stream.linear.gather [hbm4b:s6+s3], $0x80, $0x38;
	[tilespmem:$0x1EB80] =	vst v63  }
0x7d7: {  	s24 =	sadd.s32 $0x480, s22;
	s25 =	simm.s32 $0x1A080  }
0x7d8: {  	[tilespmem:s25], [sflag:$0x3] =	stream.linear.gather [hbm4b:s24+s3], $0x80, $0x38;
	[tilespmem:$0x1EB80] =	vst v63  }
0x7d9: {  	s6 =	sadd.s32 $0x500, s22;
	s12 =	simm.s32 $0x1A180  }
0x7da: {  	[tilespmem:s12], [sflag:$0x3] =	stream.linear.gather [hbm4b:s6+s3], $0x80, $0x38;
	[tilespmem:$0x1EB80] =	vst v63  }
0x7db: {  	s24 =	sadd.s32 $0x580, s22;
	s25 =	simm.s32 $0x1A280  }
0x7dc: {  	[tilespmem:s25], [sflag:$0x3] =	stream.linear.gather [hbm4b:s24+s3], $0x80, $0x38;
	[tilespmem:$0x1EB80] =	vst v63  }
0x7dd: {  	s6 =	sadd.s32 $0x600, s22;
	s12 =	simm.s32 $0x1A380  }
0x7de: {  	[tilespmem:s12], [sflag:$0x3] =	stream.linear.gather [hbm4b:s6+s3], $0x80, $0x38;
	[tilespmem:$0x1EB80] =	vst v63  }
0x7df: {  	s24 =	sadd.s32 $0x680, s22;
	s25 =	simm.s32 $0x1A480  }
0x7e0: {  	[tilespmem:s25], [sflag:$0x3] =	stream.linear.gather [hbm4b:s24+s3], $0x80, $0x38;
	[tilespmem:$0x1EB80] =	vst v63  }
0x7e1: {  	s6 =	sadd.s32 $0x700, s22;
	s12 =	simm.s32 $0x1A580  }
0x7e2: {  	[tilespmem:s12], [sflag:$0x3] =	stream.linear.gather [hbm4b:s6+s3], $0x80, $0x38;
	[tilespmem:$0x1EB80] =	vst v63  }
0x7e3: {  	s24 =	sadd.s32 $0x780, s22;
	s25 =	simm.s32 $0x1A680  }
0x7e4: {  	[tilespmem:s25], [sflag:$0x3] =	stream.linear.gather [hbm4b:s24+s3], $0x80, $0x38;
	[tilespmem:$0x1EB80] =	vst v63  }
0x7e5: {  	_ =	swait.ge [sflag:s2], $0x800  }
0x7e6: {  	[sflag:s2] =	ssyncset.done $0x0  }
0x7e7: {  	[sflag:s2] =	ssyncadd.s32 $0xFFFFF800  }
0x7e8: {  	_ =	swait.ge [sflag:s2], $0x800  }
0x7e9: {  	[sflag:s2] =	ssyncset.done $0x0  }
0x7ea: {  	s12 =	simm.s32 $0x18740;
	[sflag:s2] =	ssyncadd.s32 $0xFFFFF800  }
0x7eb: {  	v8 =	vld [tilespmem:s12+$0x30]  }
0x7ec: {  	v9 =	vld [tilespmem:s12+$0xFFFFFFD0]  }
0x7ed: {  	v10 =	vld [tilespmem:s12+$0xFFFFFFE0]  }
0x7ee: {  	v11 =	vld [tilespmem:s12+$0xFFFFFFF0]  }
0x7ef: {  	v12 =	vld [tilespmem:s12+$0x0]  }
0x7f0: {  	v13 =	vld [tilespmem:s12+$0x10]  }
0x7f1: {  	v14 =	vld [tilespmem:s12+$0x20]  }
0x7f2: {  	s6 =	simm.s32 $0x19740;
	v15 =	vld [tilespmem:s12+$0xFFFFFFC0]  }
0x7f3: {  	v16 =	vld [tilespmem:s6+$0x30]  }
0x7f4: {  	v17 =	vld [tilespmem:s6+$0xFFFFFFC0]  }
0x7f5: {  	v18 =	vld [tilespmem:s6+$0xFFFFFFD0]  }
0x7f6: {  	v19 =	vld [tilespmem:s6+$0xFFFFFFE0]  }
0x7f7: {  	v20 =	vld [tilespmem:s6+$0xFFFFFFF0]  }
0x7f8: {  	v61 =	vld [tilespmem:s6+$0x0]  }
0x7f9: {  	v62 =	vld [tilespmem:s6+$0x10]  }
0x7fa: {  	v63 =	vld [tilespmem:s6+$0x20]  }
0x7fb: {  	v8 =	vld.idx.msk [tilespmem:v8+s3+$0x0], $0xffff  }
0x7fc: {  	v15 =	vld.idx.msk [tilespmem:v15+s3+$0x0], $0xffff  }
0x7fd: {  	v9 =	vld.idx.msk [tilespmem:v9+s3+$0x0], $0xffff  }
0x7fe: {  	v10 =	vld.idx.msk [tilespmem:v10+s3+$0x0], $0xffff  }
0x7ff: {  	v11 =	vld.idx.msk [tilespmem:v11+s3+$0x0], $0xffff  }
0x800: {  	v12 =	vld.idx.msk [tilespmem:v12+s3+$0x0], $0xffff;
	v8 =	vsub.f32 v16, v8  }
0x801: {  	v13 =	vld.idx.msk [tilespmem:v13+s3+$0x0], $0xffff;
	v15 =	vsub.f32 v17, v15  }
0x802: {  	v14 =	vld.idx.msk [tilespmem:v14+s3+$0x0], $0xffff;
	v9 =	vsub.f32 v18, v9;
	v8 =	vmul.f32 v8, v8  }
0x803: {  	s1 =	simm.s32 $0x1D770;
	v10 =	vsub.f32 v19, v10;
	v15 =	vmul.f32 v15, v15  }
0x804: {  	[tilespmem:s1+$0x0] =	vst.add.f32.msk $0xffff, v8;
	v8 =	vmul.f32 v9, v9;
	v9 =	vsub.f32 v20, v11  }
0x805: {  	v10 =	vmul.f32 v10, v10;
	[tilespmem:s1+$0xFFFFFF90] =	vst.add.f32.msk $0xffff, v15;
	v11 =	vsub.f32 v61, v12  }
0x806: {  	[tilespmem:s1+$0xFFFFFFA0] =	vst.add.f32.msk $0xffff, v8;
	v8 =	vmul.f32 v9, v9  }
0x807: {  	[tilespmem:s1+$0xFFFFFFB0] =	vst.add.f32.msk $0xffff, v10;
	v9 =	vsub.f32 v62, v13;
	v10 =	vmul.f32 v11, v11;
	v11 =	vsub.f32 v63, v14  }
0x808: {  	[tilespmem:s1+$0xFFFFFFC0] =	vst.add.f32.msk $0xffff, v8  }
0x809: {  	s25 =	simm.s32 $0x18840;
	s24 =	simm.s32 $0x1D770;
	s12 =	simm.s32 $0x0;
	v9 =	vmul.f32 v9, v9;
	[tilespmem:s1+$0xFFFFFFD0] =	vst.add.f32.msk $0xffff, v10;
	v8 =	vmul.f32 v11, v11  }
.LBB2_30:
0x80a: {  	v10 =	vld [tilespmem:s25+$0x30];
	s12 =	sadd.s32 $0x8, s12  }
0x80b: {  	v11 =	vld [tilespmem:s25+$0xFFFFFFD0];
	p1 =	slt.u32 s12, $0x78  }
0x80c: {  	v12 =	vld [tilespmem:s25+$0xFFFFFFE0]  }
0x80d: {  	v13 =	vld [tilespmem:s25+$0xFFFFFFF0]  }
0x80e: {  	v14 =	vld [tilespmem:s25+$0x0]  }
0x80f: {  	v15 =	vld [tilespmem:s25+$0x10]  }
0x810: {  	v16 =	vld [tilespmem:s25+$0x20]  }
0x811: {  	v17 =	vld [tilespmem:s25+$0xFFFFFFC0]  }
0x812: {  	s6 =	sadd.s32 $0x100, s6;
	v10 =	vld.idx.msk [tilespmem:v10+s3+$0x0], $0xffff  }
0x813: {  	v18 =	vld [tilespmem:s6+$0x30]  }
0x814: {  	v11 =	vld.idx.msk [tilespmem:v11+s3+$0x0], $0xffff  }
0x815: {  	v12 =	vld.idx.msk [tilespmem:v12+s3+$0x0], $0xffff  }
0x816: {  	v13 =	vld.idx.msk [tilespmem:v13+s3+$0x0], $0xffff  }
0x817: {  	v14 =	vld.idx.msk [tilespmem:v14+s3+$0x0], $0xffff  }
0x818: {  	v15 =	vld.idx.msk [tilespmem:v15+s3+$0x0], $0xffff;
	v10 =	vsub.f32 v18, v10  }
0x819: {  	v17 =	vld.idx.msk [tilespmem:v17+s3+$0x0], $0xffff  }
0x81a: {  	v16 =	vld.idx.msk [tilespmem:v16+s3+$0x0], $0xffff;
	v10 =	vmul.f32 v10, v10  }
0x81b: {  	s1 =	sadd.s32 $0x80, s1;
	v18 =	vld [tilespmem:s6+$0xFFFFFFC0]  }
0x81c: {  	[tilespmem:s1+$0x0] =	vst.add.f32.msk $0xffff, v10  }
0x81d: {  	v10 =	vld [tilespmem:s6+$0xFFFFFFD0]  }
0x81e: {  	v19 =	vld [tilespmem:s6+$0xFFFFFFE0]  }
0x81f: {  	v20 =	vld [tilespmem:s6+$0xFFFFFFF0]  }
0x820: {  	v17 =	vsub.f32 v18, v17;
	v18 =	vld [tilespmem:s6+$0x0]  }
0x821: {  	v21 =	vld [tilespmem:s6+$0x10]  }
0x822: {  	v17 =	vmul.f32 v17, v17;
	v10 =	vsub.f32 v10, v11;
	v11 =	vld [tilespmem:s6+$0x20]  }
0x823: {  	v12 =	vsub.f32 v19, v12;
	[tilespmem:s24+$0xFFFFFFE0] =	vst.add.f32.msk $0xffff, v9  }
0x824: {  	[tilespmem:s1+$0xFFFFFF90] =	vst.add.f32.msk $0xffff, v17;
	v9 =	vmul.f32 v10, v10;
	v10 =	vsub.f32 v20, v13  }
.Ltmp14:
0x825: {  	v12 =	vmul.f32 v12, v12;
	v13 =	vsub.f32 v18, v14;
	[tilespmem:s24+$0xFFFFFFF0] =	vst.add.f32.msk $0xffff, v8;
	s24 =	smov.u32 s1;
	(pc) =	sbr.rel @p1 .LBB2_30-.Ltmp14, $4  }
0x826: {  	[tilespmem:s1+$0xFFFFFFA0] =	vst.add.f32.msk $0xffff, v9;
	v8 =	vmul.f32 v10, v10;
	v9 =	vsub.f32 v21, v15  }
0x827: {  	[tilespmem:s1+$0xFFFFFFB0] =	vst.add.f32.msk $0xffff, v12;
	v10 =	vmul.f32 v13, v13;
	v11 =	vsub.f32 v11, v16  }
0x828: {  	[tilespmem:s1+$0xFFFFFFC0] =	vst.add.f32.msk $0xffff, v8;
	v9 =	vmul.f32 v9, v9  }
0x829: {  	s25 =	sadd.s32 $0x100, s25;
	[tilespmem:s1+$0xFFFFFFD0] =	vst.add.f32.msk $0xffff, v10;
	v8 =	vmul.f32 v11, v11  }
0x82a: {  	[tilespmem:s24+$0xFFFFFFE0] =	vst.add.f32.msk $0xffff, v9  }
0x82b: {  	[tilespmem:s24+$0xFFFFFFF0] =	vst.add.f32.msk $0xffff, v8  }
0x82c: {  	_ =	swait.ge [sflag:s4], $0x800  }
0x82d: {  	[sflag:s4] =	ssyncset.done $0x0  }
0x82e: {  	[sflag:s4] =	ssyncadd.s32 $0xFFFFF800  }
0x82f: {  	_ =	swait.ge [sflag:s4], $0x800  }
0x830: {  	[sflag:s4] =	ssyncset.done $0x0  }
0x831: {  	s1 =	simm.s32 $0x187F0;
	[sflag:s4] =	ssyncadd.s32 $0xFFFFF800  }
0x832: {  	v8 =	vld [tilespmem:s1+$0x0]  }
0x833: {  	v9 =	vld [tilespmem:s1+$0xFFFFFFA0]  }
0x834: {  	v10 =	vld [tilespmem:s1+$0xFFFFFFB0]  }
0x835: {  	v11 =	vld [tilespmem:s1+$0xFFFFFFC0]  }
0x836: {  	v12 =	vld [tilespmem:s1+$0xFFFFFFD0]  }
0x837: {  	v13 =	vld [tilespmem:s1+$0xFFFFFFE0]  }
0x838: {  	v14 =	vld [tilespmem:s1+$0xFFFFFFF0]  }
0x839: {  	v15 =	vld [tilespmem:s1+$0xFFFFFF90];
	s1 =	simm.s32 $0x197F0  }
0x83a: {  	v16 =	vld [tilespmem:s1+$0x0]  }
0x83b: {  	v17 =	vld [tilespmem:s1+$0xFFFFFF90]  }
0x83c: {  	v18 =	vld [tilespmem:s1+$0xFFFFFFA0]  }
0x83d: {  	v19 =	vld [tilespmem:s1+$0xFFFFFFB0]  }
0x83e: {  	v20 =	vld [tilespmem:s1+$0xFFFFFFC0]  }
0x83f: {  	v61 =	vld [tilespmem:s1+$0xFFFFFFD0]  }
0x840: {  	v62 =	vld [tilespmem:s1+$0xFFFFFFE0]  }
0x841: {  	v63 =	vld [tilespmem:s1+$0xFFFFFFF0]  }
0x842: {  	v8 =	vld.idx.msk [tilespmem:v8+s3+$0x0], $0xffff  }
0x843: {  	v15 =	vld.idx.msk [tilespmem:v15+s3+$0x0], $0xffff  }
0x844: {  	v9 =	vld.idx.msk [tilespmem:v9+s3+$0x0], $0xffff  }
0x845: {  	v10 =	vld.idx.msk [tilespmem:v10+s3+$0x0], $0xffff  }
0x846: {  	v11 =	vld.idx.msk [tilespmem:v11+s3+$0x0], $0xffff  }
0x847: {  	v12 =	vld.idx.msk [tilespmem:v12+s3+$0x0], $0xffff;
	v8 =	vsub.f32 v16, v8  }
0x848: {  	v13 =	vld.idx.msk [tilespmem:v13+s3+$0x0], $0xffff;
	v15 =	vsub.f32 v17, v15  }
0x849: {  	v14 =	vld.idx.msk [tilespmem:v14+s3+$0x0], $0xffff;
	v9 =	vsub.f32 v18, v9;
	v8 =	vmul.f32 v8, v8  }
0x84a: {  	s6 =	simm.s32 $0x1DF70;
	v10 =	vsub.f32 v19, v10;
	v15 =	vmul.f32 v15, v15  }
0x84b: {  	[tilespmem:s6+$0x0] =	vst.add.f32.msk $0xffff, v8;
	v8 =	vmul.f32 v9, v9;
	v9 =	vsub.f32 v20, v11  }
0x84c: {  	v10 =	vmul.f32 v10, v10;
	[tilespmem:s6+$0xFFFFFF90] =	vst.add.f32.msk $0xffff, v15;
	v11 =	vsub.f32 v61, v12  }
0x84d: {  	[tilespmem:s6+$0xFFFFFFA0] =	vst.add.f32.msk $0xffff, v8;
	v8 =	vmul.f32 v9, v9  }
0x84e: {  	[tilespmem:s6+$0xFFFFFFB0] =	vst.add.f32.msk $0xffff, v10;
	v9 =	vsub.f32 v62, v13;
	v10 =	vmul.f32 v11, v11;
	v11 =	vsub.f32 v63, v14  }
0x84f: {  	[tilespmem:s6+$0xFFFFFFC0] =	vst.add.f32.msk $0xffff, v8  }
0x850: {  	s12 =	simm.s32 $0x0;
	s25 =	simm.s32 $0x188F0;
	s24 =	simm.s32 $0x1DF70;
	v9 =	vmul.f32 v9, v9;
	[tilespmem:s6+$0xFFFFFFD0] =	vst.add.f32.msk $0xffff, v10;
	v8 =	vmul.f32 v11, v11  }
.LBB2_32:
0x851: {  	v10 =	vld [tilespmem:s25+$0x0];
	s12 =	sadd.s32 $0x8, s12  }
0x852: {  	v11 =	vld [tilespmem:s25+$0xFFFFFFA0];
	p1 =	slt.u32 s12, $0x78  }
0x853: {  	v12 =	vld [tilespmem:s25+$0xFFFFFFB0]  }
0x854: {  	v13 =	vld [tilespmem:s25+$0xFFFFFFC0]  }
0x855: {  	v14 =	vld [tilespmem:s25+$0xFFFFFFD0]  }
0x856: {  	v15 =	vld [tilespmem:s25+$0xFFFFFFE0]  }
0x857: {  	v16 =	vld [tilespmem:s25+$0xFFFFFFF0]  }
0x858: {  	v17 =	vld [tilespmem:s25+$0xFFFFFF90]  }
0x859: {  	s1 =	sadd.s32 $0x100, s1;
	v10 =	vld.idx.msk [tilespmem:v10+s3+$0x0], $0xffff  }
0x85a: {  	v18 =	vld [tilespmem:s1+$0x0]  }
0x85b: {  	v11 =	vld.idx.msk [tilespmem:v11+s3+$0x0], $0xffff  }
0x85c: {  	v12 =	vld.idx.msk [tilespmem:v12+s3+$0x0], $0xffff  }
0x85d: {  	v13 =	vld.idx.msk [tilespmem:v13+s3+$0x0], $0xffff  }
0x85e: {  	v14 =	vld.idx.msk [tilespmem:v14+s3+$0x0], $0xffff  }
0x85f: {  	v15 =	vld.idx.msk [tilespmem:v15+s3+$0x0], $0xffff;
	v10 =	vsub.f32 v18, v10  }
0x860: {  	v17 =	vld.idx.msk [tilespmem:v17+s3+$0x0], $0xffff  }
0x861: {  	v16 =	vld.idx.msk [tilespmem:v16+s3+$0x0], $0xffff;
	v10 =	vmul.f32 v10, v10  }
0x862: {  	s6 =	sadd.s32 $0x80, s6;
	v18 =	vld [tilespmem:s1+$0xFFFFFF90]  }
0x863: {  	[tilespmem:s6+$0x0] =	vst.add.f32.msk $0xffff, v10  }
0x864: {  	v10 =	vld [tilespmem:s1+$0xFFFFFFA0]  }
0x865: {  	v19 =	vld [tilespmem:s1+$0xFFFFFFB0]  }
0x866: {  	v20 =	vld [tilespmem:s1+$0xFFFFFFC0]  }
0x867: {  	v17 =	vsub.f32 v18, v17;
	v18 =	vld [tilespmem:s1+$0xFFFFFFD0]  }
0x868: {  	v21 =	vld [tilespmem:s1+$0xFFFFFFE0]  }
0x869: {  	v17 =	vmul.f32 v17, v17;
	v10 =	vsub.f32 v10, v11;
	v11 =	vld [tilespmem:s1+$0xFFFFFFF0]  }
0x86a: {  	v12 =	vsub.f32 v19, v12;
	[tilespmem:s24+$0xFFFFFFE0] =	vst.add.f32.msk $0xffff, v9  }
0x86b: {  	[tilespmem:s6+$0xFFFFFF90] =	vst.add.f32.msk $0xffff, v17;
	v9 =	vmul.f32 v10, v10;
	v10 =	vsub.f32 v20, v13  }
.Ltmp15:
0x86c: {  	v12 =	vmul.f32 v12, v12;
	v13 =	vsub.f32 v18, v14;
	[tilespmem:s24+$0xFFFFFFF0] =	vst.add.f32.msk $0xffff, v8;
	s24 =	smov.u32 s6;
	(pc) =	sbr.rel @p1 .LBB2_32-.Ltmp15, $4  }
0x86d: {  	[tilespmem:s6+$0xFFFFFFA0] =	vst.add.f32.msk $0xffff, v9;
	v8 =	vmul.f32 v10, v10;
	v9 =	vsub.f32 v21, v15  }
0x86e: {  	[tilespmem:s6+$0xFFFFFFB0] =	vst.add.f32.msk $0xffff, v12;
	v10 =	vmul.f32 v13, v13;
	v11 =	vsub.f32 v11, v16  }
0x86f: {  	[tilespmem:s6+$0xFFFFFFC0] =	vst.add.f32.msk $0xffff, v8;
	v9 =	vmul.f32 v9, v9  }
0x870: {  	s25 =	sadd.s32 $0x100, s25;
	[tilespmem:s6+$0xFFFFFFD0] =	vst.add.f32.msk $0xffff, v10;
	v8 =	vmul.f32 v11, v11  }
0x871: {  	[tilespmem:s24+$0xFFFFFFE0] =	vst.add.f32.msk $0xffff, v9  }
0x872: {  	s1 =	simm.s32 @p0 $0x1A700;
	[tilespmem:s24+$0xFFFFFFF0] =	vst.add.f32.msk $0xffff, v8;
	s24 =	rddreg [dreg:$0x4]  }
0x873: {  	[spmem:s24] =	stream.linear.scatter @p0 [tilespmem:s1], [sflag:$0x4], $0x4000, $0x38;
	[tilespmem:$0x1EB80] =	vst v63  }
0x874: {  	s1 =	simm.s32 @p0 $0x4  }
0x875: {  	_ =	swait.ge @p0 [sflag:s1], $0x4000  }
0x876: {  	[sflag:s1] =	ssyncset.done @p0 $0x0  }
0x877: {  	[sflag:s1] =	ssyncadd.s32 @p0 $0xFFFFC000  }
0x878: {  	[bflag:$0x0] =	sbarrier.arrive @p0 $0xFFFF  }
0x879: {  	[bflag:$0x0] =	sbarrier.arrive @p0 $0xFFFF  }
0x87a: {  	s12 =	simm.s32 @p0 $0x1C04;
	s6 =	sshrl.u32 @p0 s24, $0x3;
	s25 =	rddreg [dreg:$0x9]  }
0x87b: {  	[hbm:s25], [sflag:s12] =	dma.local @p0 [spmem:s6], $0x800  }
0x87c: {  	_ =	swait.ge @p0 [sflag:s1], $0x800  }
0x87d: {  	[sflag:s1] =	ssyncset.done @p0 $0x0  }
0x87e: {  	s6 =	simm.s32 @!p0 $0x1EB00;
	[sflag:s1] =	ssyncadd.s32 @p0 $0xFFFFF800  }
0x87f: {  	s12 =	simm.s32 @!p0 $0x1A700;
	s1 =	simm.s32 @!p0 $0x80;
	[bflag:$0x0] =	sbarrier.arrive @!p0 $0xFFFF  }
0x880: {  	[spmem:s24] =	stream.indirect.scatter.add.f32 @!p0 [tilespmem:s12], [sflag:$0x4], $0x80, s6, s1, $0xb8;
	[tilespmem:$0x1EB80] =	vst v63  }
0x881: {  	s1 =	simm.s32 @!p0 $0x4  }
0x882: {  	_ =	swait.ge @!p0 [sflag:s1], $0x4000  }
0x883: {  	s5 =	sadd.s32 $0x1, s5;
	s25 =	rddreg [dreg:$0xa]  }
0x884: {  	p1 =	sne.s32 s5, s25  }
.Ltmp16:
0x885: {  	_ = 	snop;
	(pc) =	sbr.rel @p1 .LBB2_1-.Ltmp16, $3  }
0x886: {  	[sflag:s1] =	ssyncset.done @!p0 $0x0  }
0x887: {  	[sflag:s1] =	ssyncadd.s32 @!p0 $0xFFFFC000  }
0x888: {  	[bflag:$0x0] =	sbarrier.arrive @!p0 $0xFFFF;
	_ =	sdelay $0x1  }
0x889: {  	_ =	sfence.sel $0x180000  }
0x88a: {  	[bflag:$0x0] =	sbarrier.arrive $0xFFFF  }
0x88b: {  	_ =	strace $0x90000047  }
0x88c: {  	s0 =	stileid.u32;
	[bflag:$0x2] =	sbarrier.arrive $0xFFFF  }
0x88d: {  	p0 =	sne.s32 s0, $0x0;
	s0 =	rddreg [dreg:$0x5]  }
0x88e: {  	s0 =	sadd.s32 @!p0 $0x100000, s0  }
0x88f: {  	[sflag:s0] =	ssyncadd.tile.s32 @!p0 $0x1;
	_ =	shalt  }
.Lfunc_end2:
_tile_overlayer_lowered:
.L_overlay_start_2:
0x890: {  	(tag) =	ssettag $0x2  }
0x891: {  	s0 =	rddreg [dreg:$0x0];
	s2 =	stileid.u32  }
0x892: {  	s1 =	rddreg [dreg:$0x1];
	p0 =	sne.s32 s2, $0x0  }
0x893: {  	s3 =	rddreg [dreg:$0x2];
	[bflag:$0x3] =	sbarrier.arrive $0xFFFF;
	s2 =	simm.s32 @!p0 $0x1C04  }
0x894: {  	[timem:s3], [sflag:s2] =	dma.local @!p0 [hbm:s0], s1  }
0x895: {  	s0 =	simm.s32 @!p0 $0x4  }
0x896: {  	_ =	swait.ge @!p0 [sflag:s0], s1  }
0x897: {  	s1 =	ssub.s32 @!p0 $0x0, s1;
	[sflag:s0] =	ssyncset.done @!p0 $0x0  }
0x898: {  	[sflag:s0] =	ssyncadd.s32 @!p0 s1  }
0x899: {  	[bflag:$0x3] =	sbarrier.arrive $0xFFFF  }
0x89a: {  	_ =	shalt  }

</sc_bundles>
